<compile_context>
chip_gen: v7x
topology: tpu7x:2x2x1
jax: 0.10.2.dev20260603
libtpu: 0.0.44.dev20260713+nightly
codegen_flags: <defaults>
</compile_context>

<pallas_src>
import jax
import jax.numpy as jnp
from jax import lax
from jax.experimental import pallas as pl
from jax.experimental.pallas import tpu as pltpu
from jax.experimental.pallas import tpu_sc as plsc

N = 320000
D = 128
G = 1024
NC = 2
NS = 16
NW = NC * NS
ROWS_PER_TILE = N // NW
BLK = 80
NBLK = ROWS_PER_TILE // BLK
NBUF = 5
LA = 3
SLAB = G // NS
CW = 128
TRASH = G
FP = 16


def _sc_body(xp, xa, bp, ba, sums, cnts,
             xbs, ibs, ibfs, onesbuf, blkbuf,
             acc_p, acc_a, cnt_p, cnt_a, semg, sems):
    c = lax.axis_index("c")
    s = lax.axis_index("s")
    wid = c * NS + s
    row0 = wid * ROWS_PER_TILE

    zero16 = jnp.zeros((16,), jnp.float32)
    one16 = jnp.ones((16,), jnp.float32)

    def fill_z(r, _):
        for j in range(D // 16):
            xbs[0][r, pl.ds(j * 16, 16)] = zero16
        return 0

    def fill_one(r, _):
        for j in range(CW // 16):
            onesbuf[r, pl.ds(j * 16, 16)] = one16
        return 0

    lax.fori_loop(0, SLAB, fill_z, 0)
    lax.fori_loop(0, BLK, fill_one, 0)

    blk16 = jnp.full((16,), float(BLK), jnp.float32)
    for j in range(CW // 16):
        blkbuf[0, pl.ds(j * 16, 16)] = blk16

    def fill_blkz(r, _):
        for j in range(CW // 16):
            blkbuf[r, pl.ds(j * 16, 16)] = zero16
        return 0

    lax.fori_loop(1, FP, fill_blkz, 0)

    slab = pl.ds(s * SLAB, SLAB)
    zsrc = xbs[0].at[pl.ds(0, SLAB)]
    pltpu.sync_copy(zsrc, acc_p.at[slab])
    pltpu.sync_copy(zsrc, acc_a.at[slab])
    pltpu.sync_copy(zsrc, cnt_p.at[slab])
    pltpu.sync_copy(zsrc, cnt_a.at[slab])
    plsc.subcore_barrier()

    lane = lax.broadcasted_iota(jnp.int32, (16,), 0)

    def fire_gather(x_hbm, b_hbm, blk, b):
        base = row0 + blk * BLK
        pltpu.async_copy(b_hbm.at[pl.ds(base, BLK)], ibs[b], semg[b])
        pltpu.async_copy(x_hbm.at[pl.ds(base, BLK)], xbs[b], semg[b])

    def drain_gather(x_hbm, b_hbm, blk, b):
        base = row0 + blk * BLK
        pltpu.make_async_copy(b_hbm.at[pl.ds(base, BLK)], ibs[b], semg[b]).wait()
        pltpu.make_async_copy(x_hbm.at[pl.ds(base, BLK)], xbs[b], semg[b]).wait()

    def single_run(b):
        head = ibs[b][pl.ds(0, 16)]
        tail = ibs[b][pl.ds(BLK - 16, 16)]
        return head[0] == tail[15]

    def fire_scatter(acc, cnt, b):
        head = ibs[b][pl.ds(0, 16)]
        ibfs[b][...] = jnp.where(lane == 0, head, TRASH)

        @pl.when(single_run(b))
        def _():
            def srow(r, carry):
                return tuple(carry[j] + xbs[b][r, pl.ds(j * 16, 16)]
                             for j in range(D // 16))

            tot = lax.fori_loop(0, BLK, srow,
                                tuple(jnp.zeros((16,), jnp.float32)
                                      for _ in range(D // 16)))
            for j in range(D // 16):
                xbs[b][0, pl.ds(j * 16, 16)] = tot[j]
            pltpu.async_copy(xbs[b].at[pl.ds(0, 16)], acc.at[ibfs[b]],
                             sems[b], add=True)
            pltpu.async_copy(blkbuf, cnt.at[ibfs[b]], sems[b], add=True)

        @pl.when(jnp.logical_not(single_run(b)))
        def _():
            pltpu.async_copy(xbs[b], acc.at[ibs[b]], sems[b], add=True)
            pltpu.async_copy(onesbuf, cnt.at[ibs[b]], sems[b], add=True)

    def drain_scatter(acc, cnt, b):
        @pl.when(single_run(b))
        def _():
            pltpu.make_async_copy(xbs[b].at[pl.ds(0, 16)], acc.at[ibfs[b]],
                                  sems[b]).wait()
            pltpu.make_async_copy(blkbuf, cnt.at[ibfs[b]], sems[b]).wait()

        @pl.when(jnp.logical_not(single_run(b)))
        def _():
            pltpu.make_async_copy(xbs[b], acc.at[ibs[b]], sems[b]).wait()
            pltpu.make_async_copy(onesbuf, cnt.at[ibs[b]], sems[b]).wait()

    def scatter_type(x_hbm, b_hbm, acc, cnt):
        for i in range(LA):
            fire_gather(x_hbm, b_hbm, i, i)

        def step(p, _):
            for q in range(NBUF):
                i = NBUF * p + q
                drain_gather(x_hbm, b_hbm, i, q)
                fire_scatter(acc, cnt, q)
                nxt = i + LA
                bn = (q + LA) % NBUF

                @pl.when(nxt < NBLK)
                def _():
                    @pl.when(nxt >= NBUF)
                    def _():
                        drain_scatter(acc, cnt, bn)

                    fire_gather(x_hbm, b_hbm, nxt, bn)
            return 0

        lax.fori_loop(0, NBLK // NBUF, step, 0)
        for q in range(NBUF):
            drain_scatter(acc, cnt, q)

    scatter_type(xp, bp, acc_p, cnt_p)
    scatter_type(xa, ba, acc_a, cnt_a)
    plsc.subcore_barrier()

    out0 = c * (2 * G) + s * SLAB
    pltpu.sync_copy(acc_p.at[slab], sums.at[pl.ds(out0, SLAB)])
    pltpu.sync_copy(acc_a.at[slab], sums.at[pl.ds(out0 + G, SLAB)])
    pltpu.sync_copy(cnt_p.at[slab], cnts.at[pl.ds(out0, SLAB)])
    pltpu.sync_copy(cnt_a.at[slab], cnts.at[pl.ds(out0 + G, SLAB)])


_sc_segsum = pl.kernel(
    _sc_body,
    out_type=(
        jax.ShapeDtypeStruct((2 * NC * G, D), jnp.float32),
        jax.ShapeDtypeStruct((2 * NC * G, CW), jnp.float32),
    ),
    mesh=plsc.VectorSubcoreMesh(core_axis_name="c", subcore_axis_name="s"),
    scratch_types=[
        [pltpu.VMEM((BLK, D), jnp.float32) for _ in range(NBUF)],
        [pltpu.VMEM((BLK,), jnp.int32) for _ in range(NBUF)],
        [pltpu.VMEM((16,), jnp.int32) for _ in range(NBUF)],
        pltpu.VMEM((BLK, CW), jnp.float32),
        pltpu.VMEM((16, CW), jnp.float32),
        pltpu.VMEM_SHARED((G + 16, D), jnp.float32),
        pltpu.VMEM_SHARED((G + 16, D), jnp.float32),
        pltpu.VMEM_SHARED((G + 16, CW), jnp.float32),
        pltpu.VMEM_SHARED((G + 16, CW), jnp.float32),
        [pltpu.SemaphoreType.DMA for _ in range(NBUF)],
        [pltpu.SemaphoreType.DMA for _ in range(NBUF)],
    ],
)


def _finalize_body(sums_ref, cnts_ref, o_ref):
    sp = sums_ref[0:G, :] + sums_ref[2 * G:3 * G, :]
    sa = sums_ref[G:2 * G, :] + sums_ref[3 * G:4 * G, :]
    cp = cnts_ref[0:G, 0:1] + cnts_ref[2 * G:3 * G, 0:1]
    ca = cnts_ref[G:2 * G, 0:1] + cnts_ref[3 * G:4 * G, 0:1]
    o_ref[...] = sp / jnp.maximum(cp, 1.0) + sa / jnp.maximum(ca, 1.0)


_tc_finalize = pl.pallas_call(
    _finalize_body,
    out_shape=jax.ShapeDtypeStruct((G, D), jnp.float32),
)


@jax.jit
def kernel(x_paper, x_author, batch_paper, batch_author):
    sums, cnts = _sc_segsum(x_paper, x_author, batch_paper, batch_author)
    return _tc_finalize(sums, cnts)

# --- scband reference (transcript-rebuilt; emitter-appended) ---
"""Pipeline reference for scband-hetero-readout-11914239279718 (READ-ONLY COPY).

The authoritative reference and input builder live on the scoring server;
editing this copy changes nothing except your own understanding.
"""

import jax, jax.numpy as jnp
import numpy as np

N = 320000
D = 128
G = 1024  # num_graphs (seed subgraphs)


def setup_inputs(seed: int = 0) -> dict:
    key = jax.random.key(seed)
    k1, k2, k3, k4 = jax.random.split(key, 4)
    x_paper = jax.random.normal(k1, (N, D), dtype=jnp.float32)
    x_author = jax.random.normal(k2, (N, D), dtype=jnp.float32)
    batch_paper = jnp.sort(jax.random.randint(k3, (N,), 0, G, dtype=jnp.int32))
    batch_author = jnp.sort(jax.random.randint(k4, (N,), 0, G, dtype=jnp.int32))
    return {
        "x_paper": x_paper,
        "x_author": x_author,
        "batch_paper": batch_paper,
        "batch_author": batch_author,
    }


def reference(x_paper, x_author, batch_paper, batch_author):
    # HeteroReadout multi-graph pooling branch:
    # for each node type: scatter-add node features into per-graph buckets
    # (torch index_add_), divide by clamped bincount (mean pool), then sum
    # pooled results across node types.
    def mean_pool(x, b):
        summed = jax.ops.segment_sum(x, b, num_segments=G)
        cnt = jnp.bincount(b, length=G)
        cnt = jnp.clip(cnt, 1, None).astype(x.dtype)[:, None]
        return summed / cnt

    pooled_paper = mean_pool(x_paper, batch_paper)
    pooled_author = mean_pool(x_author, batch_author)
    return pooled_paper + pooled_author

if __name__ == "__main__":
    import jax
    _d = setup_inputs()
    print(jax.jit(kernel)(*tuple(_d.values())))

</pallas_src>

<mosaic_0001>
#map = affine_map<(d0, d1) -> (0, 0)>
#map1 = affine_map<(d0, d1) -> (0)>
module attributes {stable_mosaic.version = 14 : i64} {
  func.func @_sc_body(%arg0: i32, %arg1: i32, %arg2: memref<320000x128xf32, #tpu.memory_space<hbm>>, %arg3: memref<320000x128xf32, #tpu.memory_space<hbm>>, %arg4: memref<320000xi32, #tpu.memory_space<hbm>>, %arg5: memref<320000xi32, #tpu.memory_space<hbm>>, %arg6: memref<4096x128xf32, #tpu.memory_space<hbm>>, %arg7: memref<4096x128xf32, #tpu.memory_space<hbm>>, %arg8: memref<80x128xf32, #tpu.memory_space<vmem>>, %arg9: memref<80x128xf32, #tpu.memory_space<vmem>>, %arg10: memref<80x128xf32, #tpu.memory_space<vmem>>, %arg11: memref<80x128xf32, #tpu.memory_space<vmem>>, %arg12: memref<80x128xf32, #tpu.memory_space<vmem>>, %arg13: memref<80xi32, #tpu.memory_space<vmem>>, %arg14: memref<80xi32, #tpu.memory_space<vmem>>, %arg15: memref<80xi32, #tpu.memory_space<vmem>>, %arg16: memref<80xi32, #tpu.memory_space<vmem>>, %arg17: memref<80xi32, #tpu.memory_space<vmem>>, %arg18: memref<16xi32, #tpu.memory_space<vmem>>, %arg19: memref<16xi32, #tpu.memory_space<vmem>>, %arg20: memref<16xi32, #tpu.memory_space<vmem>>, %arg21: memref<16xi32, #tpu.memory_space<vmem>>, %arg22: memref<16xi32, #tpu.memory_space<vmem>>, %arg23: memref<80x128xf32, #tpu.memory_space<vmem>>, %arg24: memref<16x128xf32, #tpu.memory_space<vmem>>, %arg25: memref<1040x128xf32, #tpu.memory_space<vmem_shared>>, %arg26: memref<1040x128xf32, #tpu.memory_space<vmem_shared>>, %arg27: memref<1040x128xf32, #tpu.memory_space<vmem_shared>>, %arg28: memref<1040x128xf32, #tpu.memory_space<vmem_shared>>, %arg29: memref<!tpu.dma_semaphore, #tpu.memory_space<semaphore_mem>>, %arg30: memref<!tpu.dma_semaphore, #tpu.memory_space<semaphore_mem>>, %arg31: memref<!tpu.dma_semaphore, #tpu.memory_space<semaphore_mem>>, %arg32: memref<!tpu.dma_semaphore, #tpu.memory_space<semaphore_mem>>, %arg33: memref<!tpu.dma_semaphore, #tpu.memory_space<semaphore_mem>>, %arg34: memref<!tpu.dma_semaphore, #tpu.memory_space<semaphore_mem>>, %arg35: memref<!tpu.dma_semaphore, #tpu.memory_space<semaphore_mem>>, %arg36: memref<!tpu.dma_semaphore, #tpu.memory_space<semaphore_mem>>, %arg37: memref<!tpu.dma_semaphore, #tpu.memory_space<semaphore_mem>>, %arg38: memref<!tpu.dma_semaphore, #tpu.memory_space<semaphore_mem>>) attributes {dimension_semantics = [#tpu.dimension_semantics<core_parallel>, #tpu.dimension_semantics<subcore_parallel>], iteration_bounds = array<i64: 2, 16>, scalar_prefetch = 0 : i64, scratch_operands = 31 : i64, tpu.core_type = #tpu.core_type<sc_vector_subcore>, window_params = [{transform_indices = #map}, {transform_indices = #map}, {transform_indices = #map1}, {transform_indices = #map1}, {transform_indices = #map}, {transform_indices = #map}]} {
    %mul3A = arith.constant 16 : i32
    %mul3A_0 = arith.muli %arg0, %mul3A : i32
    %add3A = arith.addi %mul3A_0, %arg1 : i32
    %mul3A_1 = arith.constant 10000 : i32
    %mul3A_2 = arith.muli %add3A, %mul3A_1 : i32
    %broadcast_in_dim3A = arith.constant 0.000000e+00 : f32
    %broadcast_in_dim3A_3 = vector.broadcast %broadcast_in_dim3A : f32 to vector<16xf32>
    %broadcast_in_dim3A_4 = arith.constant 1.000000e+00 : f32
    %broadcast_in_dim3A_5 = vector.broadcast %broadcast_in_dim3A_4 : f32 to vector<16xf32>
    %scan3A = arith.constant 0 : i32
    %scan3A_6 = arith.constant 0 : i32
    %scan3A_7 = arith.constant 64 : i32
    %scan3A_8 = arith.addi %scan3A_6, %scan3A_7 : i32
    %scan3A_9 = arith.constant 1 : i32
    %scan3A_10 = scf.for %scan3A_441 = %scan3A_6 to %scan3A_8 step %scan3A_9 iter_args(%scan3A_442 = %scan3A) -> (i32)  : i32 {
      %swap3A_443 = arith.index_cast %scan3A_441 : i32 to index
      %swap3A_444 = arith.constant 0 : index
      %swap3A_445 = tpu.vector_load %arg8[%swap3A_443, %swap3A_444] {strides = array<i32>} : memref<80x128xf32, #tpu.memory_space<vmem>>, vector<1x16xf32>,
      %swap3A_446 = vector.shape_cast %swap3A_445 : vector<1x16xf32> to vector<16xf32>
      %swap3A_447 = vector.shape_cast %broadcast_in_dim3A_3 : vector<16xf32> to vector<1x16xf32>
      tpu.vector_store %arg8[%swap3A_443, %swap3A_444], %swap3A_447 {strides = array<i32>} : memref<80x128xf32, #tpu.memory_space<vmem>>, vector<1x16xf32>,
      %swap3A_448 = arith.index_cast %scan3A_441 : i32 to index
      %swap3A_449 = arith.constant 16 : index
      %swap3A_450 = tpu.vector_load %arg8[%swap3A_448, %swap3A_449] {strides = array<i32>} : memref<80x128xf32, #tpu.memory_space<vmem>>, vector<1x16xf32>,
      %swap3A_451 = vector.shape_cast %swap3A_450 : vector<1x16xf32> to vector<16xf32>
      %swap3A_452 = vector.shape_cast %broadcast_in_dim3A_3 : vector<16xf32> to vector<1x16xf32>
      tpu.vector_store %arg8[%swap3A_448, %swap3A_449], %swap3A_452 {strides = array<i32>} : memref<80x128xf32, #tpu.memory_space<vmem>>, vector<1x16xf32>,
      %swap3A_453 = arith.index_cast %scan3A_441 : i32 to index
      %swap3A_454 = arith.constant 32 : index
      %swap3A_455 = tpu.vector_load %arg8[%swap3A_453, %swap3A_454] {strides = array<i32>} : memref<80x128xf32, #tpu.memory_space<vmem>>, vector<1x16xf32>,
      %swap3A_456 = vector.shape_cast %swap3A_455 : vector<1x16xf32> to vector<16xf32>
      %swap3A_457 = vector.shape_cast %broadcast_in_dim3A_3 : vector<16xf32> to vector<1x16xf32>
      tpu.vector_store %arg8[%swap3A_453, %swap3A_454], %swap3A_457 {strides = array<i32>} : memref<80x128xf32, #tpu.memory_space<vmem>>, vector<1x16xf32>,
      %swap3A_458 = arith.index_cast %scan3A_441 : i32 to index
      %swap3A_459 = arith.constant 48 : index
      %swap3A_460 = tpu.vector_load %arg8[%swap3A_458, %swap3A_459] {strides = array<i32>} : memref<80x128xf32, #tpu.memory_space<vmem>>, vector<1x16xf32>,
      %swap3A_461 = vector.shape_cast %swap3A_460 : vector<1x16xf32> to vector<16xf32>
      %swap3A_462 = vector.shape_cast %broadcast_in_dim3A_3 : vector<16xf32> to vector<1x16xf32>
      tpu.vector_store %arg8[%swap3A_458, %swap3A_459], %swap3A_462 {strides = array<i32>} : memref<80x128xf32, #tpu.memory_space<vmem>>, vector<1x16xf32>,
      %swap3A_463 = arith.index_cast %scan3A_441 : i32 to index
      %swap3A_464 = arith.constant 64 : index
      %swap3A_465 = tpu.vector_load %arg8[%swap3A_463, %swap3A_464] {strides = array<i32>} : memref<80x128xf32, #tpu.memory_space<vmem>>, vector<1x16xf32>,
      %swap3A_466 = vector.shape_cast %swap3A_465 : vector<1x16xf32> to vector<16xf32>
      %swap3A_467 = vector.shape_cast %broadcast_in_dim3A_3 : vector<16xf32> to vector<1x16xf32>
      tpu.vector_store %arg8[%swap3A_463, %swap3A_464], %swap3A_467 {strides = array<i32>} : memref<80x128xf32, #tpu.memory_space<vmem>>, vector<1x16xf32>,
      %swap3A_468 = arith.index_cast %scan3A_441 : i32 to index
      %swap3A_469 = arith.constant 80 : index
      %swap3A_470 = tpu.vector_load %arg8[%swap3A_468, %swap3A_469] {strides = array<i32>} : memref<80x128xf32, #tpu.memory_space<vmem>>, vector<1x16xf32>,
      %swap3A_471 = vector.shape_cast %swap3A_470 : vector<1x16xf32> to vector<16xf32>
      %swap3A_472 = vector.shape_cast %broadcast_in_dim3A_3 : vector<16xf32> to vector<1x16xf32>
      tpu.vector_store %arg8[%swap3A_468, %swap3A_469], %swap3A_472 {strides = array<i32>} : memref<80x128xf32, #tpu.memory_space<vmem>>, vector<1x16xf32>,
      %swap3A_473 = arith.index_cast %scan3A_441 : i32 to index
      %swap3A_474 = arith.constant 96 : index
      %swap3A_475 = tpu.vector_load %arg8[%swap3A_473, %swap3A_474] {strides = array<i32>} : memref<80x128xf32, #tpu.memory_space<vmem>>, vector<1x16xf32>,
      %swap3A_476 = vector.shape_cast %swap3A_475 : vector<1x16xf32> to vector<16xf32>
      %swap3A_477 = vector.shape_cast %broadcast_in_dim3A_3 : vector<16xf32> to vector<1x16xf32>
      tpu.vector_store %arg8[%swap3A_473, %swap3A_474], %swap3A_477 {strides = array<i32>} : memref<80x128xf32, #tpu.memory_space<vmem>>, vector<1x16xf32>,
      %swap3A_478 = arith.index_cast %scan3A_441 : i32 to index
      %swap3A_479 = arith.constant 112 : index
      %swap3A_480 = tpu.vector_load %arg8[%swap3A_478, %swap3A_479] {strides = array<i32>} : memref<80x128xf32, #tpu.memory_space<vmem>>, vector<1x16xf32>,
      %swap3A_481 = vector.shape_cast %swap3A_480 : vector<1x16xf32> to vector<16xf32>
      %swap3A_482 = vector.shape_cast %broadcast_in_dim3A_3 : vector<16xf32> to vector<1x16xf32>
      tpu.vector_store %arg8[%swap3A_478, %swap3A_479], %swap3A_482 {strides = array<i32>} : memref<80x128xf32, #tpu.memory_space<vmem>>, vector<1x16xf32>,
      %scan3A_483 = arith.constant 0 : i32
      scf.yield %scan3A_483 : i32
    }
    %scan3A_11 = arith.constant 64 : i32
    %scan3A_12 = arith.constant 0 : i32
    %scan3A_13 = arith.constant 0 : i32
    %scan3A_14 = arith.constant 80 : i32
    %scan3A_15 = arith.addi %scan3A_13, %scan3A_14 : i32
    %scan3A_16 = arith.constant 1 : i32
    %scan3A_17 = scf.for %scan3A_441 = %scan3A_13 to %scan3A_15 step %scan3A_16 iter_args(%scan3A_442 = %scan3A_12) -> (i32)  : i32 {
      %swap3A_443 = arith.index_cast %scan3A_441 : i32 to index
      %swap3A_444 = arith.constant 0 : index
      %swap3A_445 = tpu.vector_load %arg23[%swap3A_443, %swap3A_444] {strides = array<i32>} : memref<80x128xf32, #tpu.memory_space<vmem>>, vector<1x16xf32>,
      %swap3A_446 = vector.shape_cast %swap3A_445 : vector<1x16xf32> to vector<16xf32>
      %swap3A_447 = vector.shape_cast %broadcast_in_dim3A_5 : vector<16xf32> to vector<1x16xf32>
      tpu.vector_store %arg23[%swap3A_443, %swap3A_444], %swap3A_447 {strides = array<i32>} : memref<80x128xf32, #tpu.memory_space<vmem>>, vector<1x16xf32>,
      %swap3A_448 = arith.index_cast %scan3A_441 : i32 to index
      %swap3A_449 = arith.constant 16 : index
      %swap3A_450 = tpu.vector_load %arg23[%swap3A_448, %swap3A_449] {strides = array<i32>} : memref<80x128xf32, #tpu.memory_space<vmem>>, vector<1x16xf32>,
      %swap3A_451 = vector.shape_cast %swap3A_450 : vector<1x16xf32> to vector<16xf32>
      %swap3A_452 = vector.shape_cast %broadcast_in_dim3A_5 : vector<16xf32> to vector<1x16xf32>
      tpu.vector_store %arg23[%swap3A_448, %swap3A_449], %swap3A_452 {strides = array<i32>} : memref<80x128xf32, #tpu.memory_space<vmem>>, vector<1x16xf32>,
      %swap3A_453 = arith.index_cast %scan3A_441 : i32 to index
      %swap3A_454 = arith.constant 32 : index
      %swap3A_455 = tpu.vector_load %arg23[%swap3A_453, %swap3A_454] {strides = array<i32>} : memref<80x128xf32, #tpu.memory_space<vmem>>, vector<1x16xf32>,
      %swap3A_456 = vector.shape_cast %swap3A_455 : vector<1x16xf32> to vector<16xf32>
      %swap3A_457 = vector.shape_cast %broadcast_in_dim3A_5 : vector<16xf32> to vector<1x16xf32>
      tpu.vector_store %arg23[%swap3A_453, %swap3A_454], %swap3A_457 {strides = array<i32>} : memref<80x128xf32, #tpu.memory_space<vmem>>, vector<1x16xf32>,
      %swap3A_458 = arith.index_cast %scan3A_441 : i32 to index
      %swap3A_459 = arith.constant 48 : index
      %swap3A_460 = tpu.vector_load %arg23[%swap3A_458, %swap3A_459] {strides = array<i32>} : memref<80x128xf32, #tpu.memory_space<vmem>>, vector<1x16xf32>,
      %swap3A_461 = vector.shape_cast %swap3A_460 : vector<1x16xf32> to vector<16xf32>
      %swap3A_462 = vector.shape_cast %broadcast_in_dim3A_5 : vector<16xf32> to vector<1x16xf32>
      tpu.vector_store %arg23[%swap3A_458, %swap3A_459], %swap3A_462 {strides = array<i32>} : memref<80x128xf32, #tpu.memory_space<vmem>>, vector<1x16xf32>,
      %swap3A_463 = arith.index_cast %scan3A_441 : i32 to index
      %swap3A_464 = arith.constant 64 : index
      %swap3A_465 = tpu.vector_load %arg23[%swap3A_463, %swap3A_464] {strides = array<i32>} : memref<80x128xf32, #tpu.memory_space<vmem>>, vector<1x16xf32>,
      %swap3A_466 = vector.shape_cast %swap3A_465 : vector<1x16xf32> to vector<16xf32>
      %swap3A_467 = vector.shape_cast %broadcast_in_dim3A_5 : vector<16xf32> to vector<1x16xf32>
      tpu.vector_store %arg23[%swap3A_463, %swap3A_464], %swap3A_467 {strides = array<i32>} : memref<80x128xf32, #tpu.memory_space<vmem>>, vector<1x16xf32>,
      %swap3A_468 = arith.index_cast %scan3A_441 : i32 to index
      %swap3A_469 = arith.constant 80 : index
      %swap3A_470 = tpu.vector_load %arg23[%swap3A_468, %swap3A_469] {strides = array<i32>} : memref<80x128xf32, #tpu.memory_space<vmem>>, vector<1x16xf32>,
      %swap3A_471 = vector.shape_cast %swap3A_470 : vector<1x16xf32> to vector<16xf32>
      %swap3A_472 = vector.shape_cast %broadcast_in_dim3A_5 : vector<16xf32> to vector<1x16xf32>
      tpu.vector_store %arg23[%swap3A_468, %swap3A_469], %swap3A_472 {strides = array<i32>} : memref<80x128xf32, #tpu.memory_space<vmem>>, vector<1x16xf32>,
      %swap3A_473 = arith.index_cast %scan3A_441 : i32 to index
      %swap3A_474 = arith.constant 96 : index
      %swap3A_475 = tpu.vector_load %arg23[%swap3A_473, %swap3A_474] {strides = array<i32>} : memref<80x128xf32, #tpu.memory_space<vmem>>, vector<1x16xf32>,
      %swap3A_476 = vector.shape_cast %swap3A_475 : vector<1x16xf32> to vector<16xf32>
      %swap3A_477 = vector.shape_cast %broadcast_in_dim3A_5 : vector<16xf32> to vector<1x16xf32>
      tpu.vector_store %arg23[%swap3A_473, %swap3A_474], %swap3A_477 {strides = array<i32>} : memref<80x128xf32, #tpu.memory_space<vmem>>, vector<1x16xf32>,
      %swap3A_478 = arith.index_cast %scan3A_441 : i32 to index
      %swap3A_479 = arith.constant 112 : index
      %swap3A_480 = tpu.vector_load %arg23[%swap3A_478, %swap3A_479] {strides = array<i32>} : memref<80x128xf32, #tpu.memory_space<vmem>>, vector<1x16xf32>,
      %swap3A_481 = vector.shape_cast %swap3A_480 : vector<1x16xf32> to vector<16xf32>
      %swap3A_482 = vector.shape_cast %broadcast_in_dim3A_5 : vector<16xf32> to vector<1x16xf32>
      tpu.vector_store %arg23[%swap3A_478, %swap3A_479], %swap3A_482 {strides = array<i32>} : memref<80x128xf32, #tpu.memory_space<vmem>>, vector<1x16xf32>,
      %scan3A_483 = arith.constant 0 : i32
      scf.yield %scan3A_483 : i32
    }
    %scan3A_18 = arith.constant 80 : i32
    %broadcast_in_dim3A_19 = arith.constant 8.000000e+01 : f32
    %broadcast_in_dim3A_20 = vector.broadcast %broadcast_in_dim3A_19 : f32 to vector<16xf32>
    %swap3A = arith.constant 0 : i32
    %swap3A_21 = arith.index_cast %swap3A : i32 to index
    %swap3A_22 = arith.constant 0 : index
    %swap3A_23 = tpu.vector_load %arg24[%swap3A_21, %swap3A_22] {strides = array<i32>} : memref<16x128xf32, #tpu.memory_space<vmem>>, vector<1x16xf32>,
    %swap3A_24 = vector.shape_cast %swap3A_23 : vector<1x16xf32> to vector<16xf32>
    %swap3A_25 = vector.shape_cast %broadcast_in_dim3A_20 : vector<16xf32> to vector<1x16xf32>
    tpu.vector_store %arg24[%swap3A_21, %swap3A_22], %swap3A_25 {strides = array<i32>} : memref<16x128xf32, #tpu.memory_space<vmem>>, vector<1x16xf32>,
    %swap3A_26 = arith.constant 0 : i32
    %swap3A_27 = arith.index_cast %swap3A_26 : i32 to index
    %swap3A_28 = arith.constant 16 : index
    %swap3A_29 = tpu.vector_load %arg24[%swap3A_27, %swap3A_28] {strides = array<i32>} : memref<16x128xf32, #tpu.memory_space<vmem>>, vector<1x16xf32>,
    %swap3A_30 = vector.shape_cast %swap3A_29 : vector<1x16xf32> to vector<16xf32>
    %swap3A_31 = vector.shape_cast %broadcast_in_dim3A_20 : vector<16xf32> to vector<1x16xf32>
    tpu.vector_store %arg24[%swap3A_27, %swap3A_28], %swap3A_31 {strides = array<i32>} : memref<16x128xf32, #tpu.memory_space<vmem>>, vector<1x16xf32>,
    %swap3A_32 = arith.constant 0 : i32
    %swap3A_33 = arith.index_cast %swap3A_32 : i32 to index
    %swap3A_34 = arith.constant 32 : index
    %swap3A_35 = tpu.vector_load %arg24[%swap3A_33, %swap3A_34] {strides = array<i32>} : memref<16x128xf32, #tpu.memory_space<vmem>>, vector<1x16xf32>,
    %swap3A_36 = vector.shape_cast %swap3A_35 : vector<1x16xf32> to vector<16xf32>
    %swap3A_37 = vector.shape_cast %broadcast_in_dim3A_20 : vector<16xf32> to vector<1x16xf32>
    tpu.vector_store %arg24[%swap3A_33, %swap3A_34], %swap3A_37 {strides = array<i32>} : memref<16x128xf32, #tpu.memory_space<vmem>>, vector<1x16xf32>,
    %swap3A_38 = arith.constant 0 : i32
    %swap3A_39 = arith.index_cast %swap3A_38 : i32 to index
    %swap3A_40 = arith.constant 48 : index
    %swap3A_41 = tpu.vector_load %arg24[%swap3A_39, %swap3A_40] {strides = array<i32>} : memref<16x128xf32, #tpu.memory_space<vmem>>, vector<1x16xf32>,
    %swap3A_42 = vector.shape_cast %swap3A_41 : vector<1x16xf32> to vector<16xf32>
    %swap3A_43 = vector.shape_cast %broadcast_in_dim3A_20 : vector<16xf32> to vector<1x16xf32>
    tpu.vector_store %arg24[%swap3A_39, %swap3A_40], %swap3A_43 {strides = array<i32>} : memref<16x128xf32, #tpu.memory_space<vmem>>, vector<1x16xf32>,
    %swap3A_44 = arith.constant 0 : i32
    %swap3A_45 = arith.index_cast %swap3A_44 : i32 to index
    %swap3A_46 = arith.constant 64 : index
    %swap3A_47 = tpu.vector_load %arg24[%swap3A_45, %swap3A_46] {strides = array<i32>} : memref<16x128xf32, #tpu.memory_space<vmem>>, vector<1x16xf32>,
    %swap3A_48 = vector.shape_cast %swap3A_47 : vector<1x16xf32> to vector<16xf32>
    %swap3A_49 = vector.shape_cast %broadcast_in_dim3A_20 : vector<16xf32> to vector<1x16xf32>
    tpu.vector_store %arg24[%swap3A_45, %swap3A_46], %swap3A_49 {strides = array<i32>} : memref<16x128xf32, #tpu.memory_space<vmem>>, vector<1x16xf32>,
    %swap3A_50 = arith.constant 0 : i32
    %swap3A_51 = arith.index_cast %swap3A_50 : i32 to index
    %swap3A_52 = arith.constant 80 : index
    %swap3A_53 = tpu.vector_load %arg24[%swap3A_51, %swap3A_52] {strides = array<i32>} : memref<16x128xf32, #tpu.memory_space<vmem>>, vector<1x16xf32>,
    %swap3A_54 = vector.shape_cast %swap3A_53 : vector<1x16xf32> to vector<16xf32>
    %swap3A_55 = vector.shape_cast %broadcast_in_dim3A_20 : vector<16xf32> to vector<1x16xf32>
    tpu.vector_store %arg24[%swap3A_51, %swap3A_52], %swap3A_55 {strides = array<i32>} : memref<16x128xf32, #tpu.memory_space<vmem>>, vector<1x16xf32>,
    %swap3A_56 = arith.constant 0 : i32
    %swap3A_57 = arith.index_cast %swap3A_56 : i32 to index
    %swap3A_58 = arith.constant 96 : index
    %swap3A_59 = tpu.vector_load %arg24[%swap3A_57, %swap3A_58] {strides = array<i32>} : memref<16x128xf32, #tpu.memory_space<vmem>>, vector<1x16xf32>,
    %swap3A_60 = vector.shape_cast %swap3A_59 : vector<1x16xf32> to vector<16xf32>
    %swap3A_61 = vector.shape_cast %broadcast_in_dim3A_20 : vector<16xf32> to vector<1x16xf32>
    tpu.vector_store %arg24[%swap3A_57, %swap3A_58], %swap3A_61 {strides = array<i32>} : memref<16x128xf32, #tpu.memory_space<vmem>>, vector<1x16xf32>,
    %swap3A_62 = arith.constant 0 : i32
    %swap3A_63 = arith.index_cast %swap3A_62 : i32 to index
    %swap3A_64 = arith.constant 112 : index
    %swap3A_65 = tpu.vector_load %arg24[%swap3A_63, %swap3A_64] {strides = array<i32>} : memref<16x128xf32, #tpu.memory_space<vmem>>, vector<1x16xf32>,
    %swap3A_66 = vector.shape_cast %swap3A_65 : vector<1x16xf32> to vector<16xf32>
    %swap3A_67 = vector.shape_cast %broadcast_in_dim3A_20 : vector<16xf32> to vector<1x16xf32>
    tpu.vector_store %arg24[%swap3A_63, %swap3A_64], %swap3A_67 {strides = array<i32>} : memref<16x128xf32, #tpu.memory_space<vmem>>, vector<1x16xf32>,
    %scan3A_68 = arith.constant 0 : i32
    %scan3A_69 = arith.constant 1 : i32
    %scan3A_70 = arith.constant 15 : i32
    %scan3A_71 = arith.addi %scan3A_69, %scan3A_70 : i32
    %scan3A_72 = arith.constant 1 : i32
    %scan3A_73 = scf.for %scan3A_441 = %scan3A_69 to %scan3A_71 step %scan3A_72 iter_args(%scan3A_442 = %scan3A_68) -> (i32)  : i32 {
      %swap3A_443 = arith.index_cast %scan3A_441 : i32 to index
      %swap3A_444 = arith.constant 0 : index
      %swap3A_445 = tpu.vector_load %arg24[%swap3A_443, %swap3A_444] {strides = array<i32>} : memref<16x128xf32, #tpu.memory_space<vmem>>, vector<1x16xf32>,
      %swap3A_446 = vector.shape_cast %swap3A_445 : vector<1x16xf32> to vector<16xf32>
      %swap3A_447 = vector.shape_cast %broadcast_in_dim3A_3 : vector<16xf32> to vector<1x16xf32>
      tpu.vector_store %arg24[%swap3A_443, %swap3A_444], %swap3A_447 {strides = array<i32>} : memref<16x128xf32, #tpu.memory_space<vmem>>, vector<1x16xf32>,
      %swap3A_448 = arith.index_cast %scan3A_441 : i32 to index
      %swap3A_449 = arith.constant 16 : index
      %swap3A_450 = tpu.vector_load %arg24[%swap3A_448, %swap3A_449] {strides = array<i32>} : memref<16x128xf32, #tpu.memory_space<vmem>>, vector<1x16xf32>,
      %swap3A_451 = vector.shape_cast %swap3A_450 : vector<1x16xf32> to vector<16xf32>
      %swap3A_452 = vector.shape_cast %broadcast_in_dim3A_3 : vector<16xf32> to vector<1x16xf32>
      tpu.vector_store %arg24[%swap3A_448, %swap3A_449], %swap3A_452 {strides = array<i32>} : memref<16x128xf32, #tpu.memory_space<vmem>>, vector<1x16xf32>,
      %swap3A_453 = arith.index_cast %scan3A_441 : i32 to index
      %swap3A_454 = arith.constant 32 : index
      %swap3A_455 = tpu.vector_load %arg24[%swap3A_453, %swap3A_454] {strides = array<i32>} : memref<16x128xf32, #tpu.memory_space<vmem>>, vector<1x16xf32>,
      %swap3A_456 = vector.shape_cast %swap3A_455 : vector<1x16xf32> to vector<16xf32>
      %swap3A_457 = vector.shape_cast %broadcast_in_dim3A_3 : vector<16xf32> to vector<1x16xf32>
      tpu.vector_store %arg24[%swap3A_453, %swap3A_454], %swap3A_457 {strides = array<i32>} : memref<16x128xf32, #tpu.memory_space<vmem>>, vector<1x16xf32>,
      %swap3A_458 = arith.index_cast %scan3A_441 : i32 to index
      %swap3A_459 = arith.constant 48 : index
      %swap3A_460 = tpu.vector_load %arg24[%swap3A_458, %swap3A_459] {strides = array<i32>} : memref<16x128xf32, #tpu.memory_space<vmem>>, vector<1x16xf32>,
      %swap3A_461 = vector.shape_cast %swap3A_460 : vector<1x16xf32> to vector<16xf32>
      %swap3A_462 = vector.shape_cast %broadcast_in_dim3A_3 : vector<16xf32> to vector<1x16xf32>
      tpu.vector_store %arg24[%swap3A_458, %swap3A_459], %swap3A_462 {strides = array<i32>} : memref<16x128xf32, #tpu.memory_space<vmem>>, vector<1x16xf32>,
      %swap3A_463 = arith.index_cast %scan3A_441 : i32 to index
      %swap3A_464 = arith.constant 64 : index
      %swap3A_465 = tpu.vector_load %arg24[%swap3A_463, %swap3A_464] {strides = array<i32>} : memref<16x128xf32, #tpu.memory_space<vmem>>, vector<1x16xf32>,
      %swap3A_466 = vector.shape_cast %swap3A_465 : vector<1x16xf32> to vector<16xf32>
      %swap3A_467 = vector.shape_cast %broadcast_in_dim3A_3 : vector<16xf32> to vector<1x16xf32>
      tpu.vector_store %arg24[%swap3A_463, %swap3A_464], %swap3A_467 {strides = array<i32>} : memref<16x128xf32, #tpu.memory_space<vmem>>, vector<1x16xf32>,
      %swap3A_468 = arith.index_cast %scan3A_441 : i32 to index
      %swap3A_469 = arith.constant 80 : index
      %swap3A_470 = tpu.vector_load %arg24[%swap3A_468, %swap3A_469] {strides = array<i32>} : memref<16x128xf32, #tpu.memory_space<vmem>>, vector<1x16xf32>,
      %swap3A_471 = vector.shape_cast %swap3A_470 : vector<1x16xf32> to vector<16xf32>
      %swap3A_472 = vector.shape_cast %broadcast_in_dim3A_3 : vector<16xf32> to vector<1x16xf32>
      tpu.vector_store %arg24[%swap3A_468, %swap3A_469], %swap3A_472 {strides = array<i32>} : memref<16x128xf32, #tpu.memory_space<vmem>>, vector<1x16xf32>,
      %swap3A_473 = arith.index_cast %scan3A_441 : i32 to index
      %swap3A_474 = arith.constant 96 : index
      %swap3A_475 = tpu.vector_load %arg24[%swap3A_473, %swap3A_474] {strides = array<i32>} : memref<16x128xf32, #tpu.memory_space<vmem>>, vector<1x16xf32>,
      %swap3A_476 = vector.shape_cast %swap3A_475 : vector<1x16xf32> to vector<16xf32>
      %swap3A_477 = vector.shape_cast %broadcast_in_dim3A_3 : vector<16xf32> to vector<1x16xf32>
      tpu.vector_store %arg24[%swap3A_473, %swap3A_474], %swap3A_477 {strides = array<i32>} : memref<16x128xf32, #tpu.memory_space<vmem>>, vector<1x16xf32>,
      %swap3A_478 = arith.index_cast %scan3A_441 : i32 to index
      %swap3A_479 = arith.constant 112 : index
      %swap3A_480 = tpu.vector_load %arg24[%swap3A_478, %swap3A_479] {strides = array<i32>} : memref<16x128xf32, #tpu.memory_space<vmem>>, vector<1x16xf32>,
      %swap3A_481 = vector.shape_cast %swap3A_480 : vector<1x16xf32> to vector<16xf32>
      %swap3A_482 = vector.shape_cast %broadcast_in_dim3A_3 : vector<16xf32> to vector<1x16xf32>
      tpu.vector_store %arg24[%swap3A_478, %swap3A_479], %swap3A_482 {strides = array<i32>} : memref<16x128xf32, #tpu.memory_space<vmem>>, vector<1x16xf32>,
      %scan3A_483 = arith.constant 0 : i32
      scf.yield %scan3A_483 : i32
    }
    %scan3A_74 = arith.constant 15 : i32
    %mul3A_75 = arith.constant 64 : i32
    %mul3A_76 = arith.muli %arg1, %mul3A_75 : i32
    "tpu.region"() ({
      %run_scoped3A = tpu.sem_alloc : memref<!tpu.dma_semaphore, #tpu.memory_space<semaphore_mem>>
      %dma_start3A_441 = arith.constant 0 : i32
      %dma_start3A_442 = arith.constant 0 : i32
      %dma_start3A_443 = tpu.memref_slice %arg8[%dma_start3A_441, %dma_start3A_442] : memref<80x128xf32, #tpu.memory_space<vmem>> -> memref<64x128xf32, #tpu.memory_space<vmem>>
      %dma_start3A_444 = arith.constant 0 : i32
      %dma_start3A_445 = tpu.memref_slice %arg25[%mul3A_76, %dma_start3A_444] : memref<1040x128xf32, #tpu.memory_space<vmem_shared>> -> memref<64x128xf32, #tpu.memory_space<vmem_shared>>
      %dma_start3A_446 = arith.constant 0 : i32
      %dma_start3A_447 = tpu.memref_slice %arg25[%mul3A_76, %dma_start3A_446] : memref<1040x128xf32, #tpu.memory_space<vmem_shared>> -> memref<64x128xf32, #tpu.memory_space<vmem_shared>>
      %dma_start3A_448 = arith.constant 0 : i32
      %dma_start3A_449 = arith.constant 0 : i32
      %dma_start3A_450 = tpu.memref_slice %arg8[%dma_start3A_448, %dma_start3A_449] : memref<80x128xf32, #tpu.memory_space<vmem>> -> memref<64x128xf32, #tpu.memory_space<vmem>>
      tpu.enqueue_dma source(%dma_start3A_450 : memref<64x128xf32, #tpu.memory_space<vmem>>) target(%dma_start3A_447 : memref<64x128xf32, #tpu.memory_space<vmem_shared>>) target_semaphore(%run_scoped3A : memref<!tpu.dma_semaphore, #tpu.memory_space<semaphore_mem>>)
      %dma_wait3A = arith.constant 0 : i32
      %dma_wait3A_451 = arith.constant 0 : i32
      %dma_wait3A_452 = tpu.memref_slice %arg8[%dma_wait3A, %dma_wait3A_451] : memref<80x128xf32, #tpu.memory_space<vmem>> -> memref<64x128xf32, #tpu.memory_space<vmem>>
      %dma_wait3A_453 = arith.constant 0 : i32
      %dma_wait3A_454 = tpu.memref_slice %arg25[%mul3A_76, %dma_wait3A_453] : memref<1040x128xf32, #tpu.memory_space<vmem_shared>> -> memref<64x128xf32, #tpu.memory_space<vmem_shared>>
      %dma_wait3A_455 = arith.constant 0 : i32
      %dma_wait3A_456 = tpu.memref_slice %arg25[%mul3A_76, %dma_wait3A_455] : memref<1040x128xf32, #tpu.memory_space<vmem_shared>> -> memref<64x128xf32, #tpu.memory_space<vmem_shared>>
      %dma_wait3A_457 = arith.constant 0 : i32
      %dma_wait3A_458 = arith.constant 0 : i32
      %dma_wait3A_459 = tpu.memref_slice %arg8[%dma_wait3A_457, %dma_wait3A_458] : memref<80x128xf32, #tpu.memory_space<vmem>> -> memref<64x128xf32, #tpu.memory_space<vmem>>
      tpu.wait_dma2 semaphore(%run_scoped3A : memref<!tpu.dma_semaphore, #tpu.memory_space<semaphore_mem>>) src(%dma_wait3A_459 : memref<64x128xf32, #tpu.memory_space<vmem>>) dst(%dma_wait3A_456 : memref<64x128xf32, #tpu.memory_space<vmem_shared>>)
      tpu.yield
    }) : () -> ()
    "tpu.region"() ({
      %run_scoped3A = tpu.sem_alloc : memref<!tpu.dma_semaphore, #tpu.memory_space<semaphore_mem>>
      %dma_start3A_441 = arith.constant 0 : i32
      %dma_start3A_442 = arith.constant 0 : i32
      %dma_start3A_443 = tpu.memref_slice %arg8[%dma_start3A_441, %dma_start3A_442] : memref<80x128xf32, #tpu.memory_space<vmem>> -> memref<64x128xf32, #tpu.memory_space<vmem>>
      %dma_start3A_444 = arith.constant 0 : i32
      %dma_start3A_445 = tpu.memref_slice %arg26[%mul3A_76, %dma_start3A_444] : memref<1040x128xf32, #tpu.memory_space<vmem_shared>> -> memref<64x128xf32, #tpu.memory_space<vmem_shared>>
      %dma_start3A_446 = arith.constant 0 : i32
      %dma_start3A_447 = tpu.memref_slice %arg26[%mul3A_76, %dma_start3A_446] : memref<1040x128xf32, #tpu.memory_space<vmem_shared>> -> memref<64x128xf32, #tpu.memory_space<vmem_shared>>
      %dma_start3A_448 = arith.constant 0 : i32
      %dma_start3A_449 = arith.constant 0 : i32
      %dma_start3A_450 = tpu.memref_slice %arg8[%dma_start3A_448, %dma_start3A_449] : memref<80x128xf32, #tpu.memory_space<vmem>> -> memref<64x128xf32, #tpu.memory_space<vmem>>
      tpu.enqueue_dma source(%dma_start3A_450 : memref<64x128xf32, #tpu.memory_space<vmem>>) target(%dma_start3A_447 : memref<64x128xf32, #tpu.memory_space<vmem_shared>>) target_semaphore(%run_scoped3A : memref<!tpu.dma_semaphore, #tpu.memory_space<semaphore_mem>>)
      %dma_wait3A = arith.constant 0 : i32
      %dma_wait3A_451 = arith.constant 0 : i32
      %dma_wait3A_452 = tpu.memref_slice %arg8[%dma_wait3A, %dma_wait3A_451] : memref<80x128xf32, #tpu.memory_space<vmem>> -> memref<64x128xf32, #tpu.memory_space<vmem>>
      %dma_wait3A_453 = arith.constant 0 : i32
      %dma_wait3A_454 = tpu.memref_slice %arg26[%mul3A_76, %dma_wait3A_453] : memref<1040x128xf32, #tpu.memory_space<vmem_shared>> -> memref<64x128xf32, #tpu.memory_space<vmem_shared>>
      %dma_wait3A_455 = arith.constant 0 : i32
      %dma_wait3A_456 = tpu.memref_slice %arg26[%mul3A_76, %dma_wait3A_455] : memref<1040x128xf32, #tpu.memory_space<vmem_shared>> -> memref<64x128xf32, #tpu.memory_space<vmem_shared>>
      %dma_wait3A_457 = arith.constant 0 : i32
      %dma_wait3A_458 = arith.constant 0 : i32
      %dma_wait3A_459 = tpu.memref_slice %arg8[%dma_wait3A_457, %dma_wait3A_458] : memref<80x128xf32, #tpu.memory_space<vmem>> -> memref<64x128xf32, #tpu.memory_space<vmem>>
      tpu.wait_dma2 semaphore(%run_scoped3A : memref<!tpu.dma_semaphore, #tpu.memory_space<semaphore_mem>>) src(%dma_wait3A_459 : memref<64x128xf32, #tpu.memory_space<vmem>>) dst(%dma_wait3A_456 : memref<64x128xf32, #tpu.memory_space<vmem_shared>>)
      tpu.yield
    }) : () -> ()
    "tpu.region"() ({
      %run_scoped3A = tpu.sem_alloc : memref<!tpu.dma_semaphore, #tpu.memory_space<semaphore_mem>>
      %dma_start3A_441 = arith.constant 0 : i32
      %dma_start3A_442 = arith.constant 0 : i32
      %dma_start3A_443 = tpu.memref_slice %arg8[%dma_start3A_441, %dma_start3A_442] : memref<80x128xf32, #tpu.memory_space<vmem>> -> memref<64x128xf32, #tpu.memory_space<vmem>>
      %dma_start3A_444 = arith.constant 0 : i32
      %dma_start3A_445 = tpu.memref_slice %arg27[%mul3A_76, %dma_start3A_444] : memref<1040x128xf32, #tpu.memory_space<vmem_shared>> -> memref<64x128xf32, #tpu.memory_space<vmem_shared>>
      %dma_start3A_446 = arith.constant 0 : i32
      %dma_start3A_447 = tpu.memref_slice %arg27[%mul3A_76, %dma_start3A_446] : memref<1040x128xf32, #tpu.memory_space<vmem_shared>> -> memref<64x128xf32, #tpu.memory_space<vmem_shared>>
      %dma_start3A_448 = arith.constant 0 : i32
      %dma_start3A_449 = arith.constant 0 : i32
      %dma_start3A_450 = tpu.memref_slice %arg8[%dma_start3A_448, %dma_start3A_449] : memref<80x128xf32, #tpu.memory_space<vmem>> -> memref<64x128xf32, #tpu.memory_space<vmem>>
      tpu.enqueue_dma source(%dma_start3A_450 : memref<64x128xf32, #tpu.memory_space<vmem>>) target(%dma_start3A_447 : memref<64x128xf32, #tpu.memory_space<vmem_shared>>) target_semaphore(%run_scoped3A : memref<!tpu.dma_semaphore, #tpu.memory_space<semaphore_mem>>)
      %dma_wait3A = arith.constant 0 : i32
      %dma_wait3A_451 = arith.constant 0 : i32
      %dma_wait3A_452 = tpu.memref_slice %arg8[%dma_wait3A, %dma_wait3A_451] : memref<80x128xf32, #tpu.memory_space<vmem>> -> memref<64x128xf32, #tpu.memory_space<vmem>>
      %dma_wait3A_453 = arith.constant 0 : i32
      %dma_wait3A_454 = tpu.memref_slice %arg27[%mul3A_76, %dma_wait3A_453] : memref<1040x128xf32, #tpu.memory_space<vmem_shared>> -> memref<64x128xf32, #tpu.memory_space<vmem_shared>>
      %dma_wait3A_455 = arith.constant 0 : i32
      %dma_wait3A_456 = tpu.memref_slice %arg27[%mul3A_76, %dma_wait3A_455] : memref<1040x128xf32, #tpu.memory_space<vmem_shared>> -> memref<64x128xf32, #tpu.memory_space<vmem_shared>>
      %dma_wait3A_457 = arith.constant 0 : i32
      %dma_wait3A_458 = arith.constant 0 : i32
      %dma_wait3A_459 = tpu.memref_slice %arg8[%dma_wait3A_457, %dma_wait3A_458] : memref<80x128xf32, #tpu.memory_space<vmem>> -> memref<64x128xf32, #tpu.memory_space<vmem>>
      tpu.wait_dma2 semaphore(%run_scoped3A : memref<!tpu.dma_semaphore, #tpu.memory_space<semaphore_mem>>) src(%dma_wait3A_459 : memref<64x128xf32, #tpu.memory_space<vmem>>) dst(%dma_wait3A_456 : memref<64x128xf32, #tpu.memory_space<vmem_shared>>)
      tpu.yield
    }) : () -> ()
    "tpu.region"() ({
      %run_scoped3A = tpu.sem_alloc : memref<!tpu.dma_semaphore, #tpu.memory_space<semaphore_mem>>
      %dma_start3A_441 = arith.constant 0 : i32
      %dma_start3A_442 = arith.constant 0 : i32
      %dma_start3A_443 = tpu.memref_slice %arg8[%dma_start3A_441, %dma_start3A_442] : memref<80x128xf32, #tpu.memory_space<vmem>> -> memref<64x128xf32, #tpu.memory_space<vmem>>
      %dma_start3A_444 = arith.constant 0 : i32
      %dma_start3A_445 = tpu.memref_slice %arg28[%mul3A_76, %dma_start3A_444] : memref<1040x128xf32, #tpu.memory_space<vmem_shared>> -> memref<64x128xf32, #tpu.memory_space<vmem_shared>>
      %dma_start3A_446 = arith.constant 0 : i32
      %dma_start3A_447 = tpu.memref_slice %arg28[%mul3A_76, %dma_start3A_446] : memref<1040x128xf32, #tpu.memory_space<vmem_shared>> -> memref<64x128xf32, #tpu.memory_space<vmem_shared>>
      %dma_start3A_448 = arith.constant 0 : i32
      %dma_start3A_449 = arith.constant 0 : i32
      %dma_start3A_450 = tpu.memref_slice %arg8[%dma_start3A_448, %dma_start3A_449] : memref<80x128xf32, #tpu.memory_space<vmem>> -> memref<64x128xf32, #tpu.memory_space<vmem>>
      tpu.enqueue_dma source(%dma_start3A_450 : memref<64x128xf32, #tpu.memory_space<vmem>>) target(%dma_start3A_447 : memref<64x128xf32, #tpu.memory_space<vmem_shared>>) target_semaphore(%run_scoped3A : memref<!tpu.dma_semaphore, #tpu.memory_space<semaphore_mem>>)
      %dma_wait3A = arith.constant 0 : i32
      %dma_wait3A_451 = arith.constant 0 : i32
      %dma_wait3A_452 = tpu.memref_slice %arg8[%dma_wait3A, %dma_wait3A_451] : memref<80x128xf32, #tpu.memory_space<vmem>> -> memref<64x128xf32, #tpu.memory_space<vmem>>
      %dma_wait3A_453 = arith.constant 0 : i32
      %dma_wait3A_454 = tpu.memref_slice %arg28[%mul3A_76, %dma_wait3A_453] : memref<1040x128xf32, #tpu.memory_space<vmem_shared>> -> memref<64x128xf32, #tpu.memory_space<vmem_shared>>
      %dma_wait3A_455 = arith.constant 0 : i32
      %dma_wait3A_456 = tpu.memref_slice %arg28[%mul3A_76, %dma_wait3A_455] : memref<1040x128xf32, #tpu.memory_space<vmem_shared>> -> memref<64x128xf32, #tpu.memory_space<vmem_shared>>
      %dma_wait3A_457 = arith.constant 0 : i32
      %dma_wait3A_458 = arith.constant 0 : i32
      %dma_wait3A_459 = tpu.memref_slice %arg8[%dma_wait3A_457, %dma_wait3A_458] : memref<80x128xf32, #tpu.memory_space<vmem>> -> memref<64x128xf32, #tpu.memory_space<vmem>>
      tpu.wait_dma2 semaphore(%run_scoped3A : memref<!tpu.dma_semaphore, #tpu.memory_space<semaphore_mem>>) src(%dma_wait3A_459 : memref<64x128xf32, #tpu.memory_space<vmem>>) dst(%dma_wait3A_456 : memref<64x128xf32, #tpu.memory_space<vmem_shared>>)
      tpu.yield
    }) : () -> ()
    %barrier3A = arith.constant 0 : index
    tpu.barrier barrier_id(%barrier3A)
    %iota3A = tpu.iota {dimensions = array<i32: 0>} : vector<16xi32>
    %add3A_77 = arith.constant 0 : i32
    %add3A_78 = arith.addi %mul3A_2, %add3A_77 : i32
    %dma_start3A = tpu.memref_slice %arg4[%add3A_78] : memref<320000xi32, #tpu.memory_space<hbm>> -> memref<80xi32, #tpu.memory_space<hbm>>
    %dma_start3A_79 = tpu.memref_slice %arg4[%add3A_78] : memref<320000xi32, #tpu.memory_space<hbm>> -> memref<80xi32, #tpu.memory_space<hbm>>
    tpu.enqueue_dma source(%dma_start3A_79 : memref<80xi32, #tpu.memory_space<hbm>>) target(%arg13 : memref<80xi32, #tpu.memory_space<vmem>>) target_semaphore(%arg29 : memref<!tpu.dma_semaphore, #tpu.memory_space<semaphore_mem>>)
    %dma_start3A_80 = arith.constant 0 : i32
    %dma_start3A_81 = tpu.memref_slice %arg2[%add3A_78, %dma_start3A_80] : memref<320000x128xf32, #tpu.memory_space<hbm>> -> memref<80x128xf32, #tpu.memory_space<hbm>>
    %dma_start3A_82 = arith.constant 0 : i32
    %dma_start3A_83 = tpu.memref_slice %arg2[%add3A_78, %dma_start3A_82] : memref<320000x128xf32, #tpu.memory_space<hbm>> -> memref<80x128xf32, #tpu.memory_space<hbm>>
    tpu.enqueue_dma source(%dma_start3A_83 : memref<80x128xf32, #tpu.memory_space<hbm>>) target(%arg8 : memref<80x128xf32, #tpu.memory_space<vmem>>) target_semaphore(%arg29 : memref<!tpu.dma_semaphore, #tpu.memory_space<semaphore_mem>>)
    %add3A_84 = arith.constant 80 : i32
    %add3A_85 = arith.addi %mul3A_2, %add3A_84 : i32
    %dma_start3A_86 = tpu.memref_slice %arg4[%add3A_85] : memref<320000xi32, #tpu.memory_space<hbm>> -> memref<80xi32, #tpu.memory_space<hbm>>
    %dma_start3A_87 = tpu.memref_slice %arg4[%add3A_85] : memref<320000xi32, #tpu.memory_space<hbm>> -> memref<80xi32, #tpu.memory_space<hbm>>
    tpu.enqueue_dma source(%dma_start3A_87 : memref<80xi32, #tpu.memory_space<hbm>>) target(%arg14 : memref<80xi32, #tpu.memory_space<vmem>>) target_semaphore(%arg30 : memref<!tpu.dma_semaphore, #tpu.memory_space<semaphore_mem>>)
    %dma_start3A_88 = arith.constant 0 : i32
    %dma_start3A_89 = tpu.memref_slice %arg2[%add3A_85, %dma_start3A_88] : memref<320000x128xf32, #tpu.memory_space<hbm>> -> memref<80x128xf32, #tpu.memory_space<hbm>>
    %dma_start3A_90 = arith.constant 0 : i32
    %dma_start3A_91 = tpu.memref_slice %arg2[%add3A_85, %dma_start3A_90] : memref<320000x128xf32, #tpu.memory_space<hbm>> -> memref<80x128xf32, #tpu.memory_space<hbm>>
    tpu.enqueue_dma source(%dma_start3A_91 : memref<80x128xf32, #tpu.memory_space<hbm>>) target(%arg9 : memref<80x128xf32, #tpu.memory_space<vmem>>) target_semaphore(%arg30 : memref<!tpu.dma_semaphore, #tpu.memory_space<semaphore_mem>>)
    %add3A_92 = arith.constant 160 : i32
    %add3A_93 = arith.addi %mul3A_2, %add3A_92 : i32
    %dma_start3A_94 = tpu.memref_slice %arg4[%add3A_93] : memref<320000xi32, #tpu.memory_space<hbm>> -> memref<80xi32, #tpu.memory_space<hbm>>
    %dma_start3A_95 = tpu.memref_slice %arg4[%add3A_93] : memref<320000xi32, #tpu.memory_space<hbm>> -> memref<80xi32, #tpu.memory_space<hbm>>
    tpu.enqueue_dma source(%dma_start3A_95 : memref<80xi32, #tpu.memory_space<hbm>>) target(%arg15 : memref<80xi32, #tpu.memory_space<vmem>>) target_semaphore(%arg31 : memref<!tpu.dma_semaphore, #tpu.memory_space<semaphore_mem>>)
    %dma_start3A_96 = arith.constant 0 : i32
    %dma_start3A_97 = tpu.memref_slice %arg2[%add3A_93, %dma_start3A_96] : memref<320000x128xf32, #tpu.memory_space<hbm>> -> memref<80x128xf32, #tpu.memory_space<hbm>>
    %dma_start3A_98 = arith.constant 0 : i32
    %dma_start3A_99 = tpu.memref_slice %arg2[%add3A_93, %dma_start3A_98] : memref<320000x128xf32, #tpu.memory_space<hbm>> -> memref<80x128xf32, #tpu.memory_space<hbm>>
    tpu.enqueue_dma source(%dma_start3A_99 : memref<80x128xf32, #tpu.memory_space<hbm>>) target(%arg10 : memref<80x128xf32, #tpu.memory_space<vmem>>) target_semaphore(%arg31 : memref<!tpu.dma_semaphore, #tpu.memory_space<semaphore_mem>>)
    %scan3A_100 = arith.constant 0 : i32
    %scan3A_101 = arith.constant 0 : i32
    %scan3A_102 = arith.constant 25 : i32
    %scan3A_103 = arith.addi %scan3A_101, %scan3A_102 : i32
    %scan3A_104 = arith.constant 1 : i32
    %scan3A_105 = scf.for %scan3A_441 = %scan3A_101 to %scan3A_103 step %scan3A_104 iter_args(%scan3A_442 = %scan3A_100) -> (i32)  : i32 {
      %mul3A_443 = arith.constant 5 : i32
      %mul3A_444 = arith.muli %mul3A_443, %scan3A_441 : i32
      %add3A_445 = arith.constant 0 : i32
      %add3A_446 = arith.addi %mul3A_444, %add3A_445 : i32
      %mul3A_447 = arith.constant 80 : i32
      %mul3A_448 = arith.muli %add3A_446, %mul3A_447 : i32
      %add3A_449 = arith.addi %mul3A_2, %mul3A_448 : i32
      %dma_wait3A = tpu.memref_slice %arg4[%add3A_449] : memref<320000xi32, #tpu.memory_space<hbm>> -> memref<80xi32, #tpu.memory_space<hbm>>
      %dma_wait3A_450 = tpu.memref_slice %arg4[%add3A_449] : memref<320000xi32, #tpu.memory_space<hbm>> -> memref<80xi32, #tpu.memory_space<hbm>>
      tpu.wait_dma2 semaphore(%arg29 : memref<!tpu.dma_semaphore, #tpu.memory_space<semaphore_mem>>) src(%dma_wait3A_450 : memref<80xi32, #tpu.memory_space<hbm>>) dst(%arg13 : memref<80xi32, #tpu.memory_space<vmem>>)
      %dma_wait3A_451 = arith.constant 0 : i32
      %dma_wait3A_452 = tpu.memref_slice %arg2[%add3A_449, %dma_wait3A_451] : memref<320000x128xf32, #tpu.memory_space<hbm>> -> memref<80x128xf32, #tpu.memory_space<hbm>>
      %dma_wait3A_453 = arith.constant 0 : i32
      %dma_wait3A_454 = tpu.memref_slice %arg2[%add3A_449, %dma_wait3A_453] : memref<320000x128xf32, #tpu.memory_space<hbm>> -> memref<80x128xf32, #tpu.memory_space<hbm>>
      tpu.wait_dma2 semaphore(%arg29 : memref<!tpu.dma_semaphore, #tpu.memory_space<semaphore_mem>>) src(%dma_wait3A_454 : memref<80x128xf32, #tpu.memory_space<hbm>>) dst(%arg8 : memref<80x128xf32, #tpu.memory_space<vmem>>)
      %get3A_455 = arith.constant 0 : index
      %get3A_456 = tpu.vector_load %arg13[%get3A_455] {strides = array<i32>} : memref<80xi32, #tpu.memory_space<vmem>>, vector<16xi32>,
      %get3A_457 = vector.shape_cast %get3A_456 : vector<16xi32> to vector<16xi32>
      %eq3A_458 = arith.constant 0 : i32
      %eq3A_459 = vector.broadcast %eq3A_458 : i32 to vector<16xi32>
      %eq3A_460 = arith.cmpi eq, %iota3A, %eq3A_459 : vector<16xi32>
      %jit3A = arith.constant 1024 : i32
      %broadcast_in_dim3A_461 = vector.broadcast %jit3A : i32 to vector<16xi32>
      %select_n3A = arith.select %eq3A_460, %get3A_457, %broadcast_in_dim3A_461 : vector<16xi1>, vector<16xi32>
      %swap3A_462 = arith.constant 0 : index
      %swap3A_463 = tpu.vector_load %arg18[%swap3A_462] {strides = array<i32>} : memref<16xi32, #tpu.memory_space<vmem>>, vector<16xi32>,
      %swap3A_464 = vector.shape_cast %swap3A_463 : vector<16xi32> to vector<16xi32>
      %swap3A_465 = vector.shape_cast %select_n3A : vector<16xi32> to vector<16xi32>
      tpu.vector_store %arg18[%swap3A_462], %swap3A_465 {strides = array<i32>} : memref<16xi32, #tpu.memory_space<vmem>>, vector<16xi32>,
      %get3A_466 = arith.constant 0 : index
      %get3A_467 = tpu.vector_load %arg13[%get3A_466] {strides = array<i32>} : memref<80xi32, #tpu.memory_space<vmem>>, vector<16xi32>,
      %get3A_468 = vector.shape_cast %get3A_467 : vector<16xi32> to vector<16xi32>
      %get3A_469 = arith.constant 64 : index
      %get3A_470 = tpu.vector_load %arg13[%get3A_469] {strides = array<i32>} : memref<80xi32, #tpu.memory_space<vmem>>, vector<16xi32>,
      %get3A_471 = vector.shape_cast %get3A_470 : vector<16xi32> to vector<16xi32>
      %slice3A_472 = vector.extract_strided_slice %get3A_468 {offsets = [0], sizes = [1], strides = [1]} : vector<16xi32> to vector<1xi32>
      %squeeze3A_473 = vector.extract %slice3A_472[0] : i32 from vector<1xi32>
      %slice3A_474 = vector.extract_strided_slice %get3A_471 {offsets = [15], sizes = [1], strides = [1]} : vector<16xi32> to vector<1xi32>
      %squeeze3A_475 = vector.extract %slice3A_474[0] : i32 from vector<1xi32>
      %eq3A_476 = arith.cmpi eq, %squeeze3A_473, %squeeze3A_475 : i32
      %convert_element_type3A_477 = arith.extui %eq3A_476 : i1 to i32
      %cond3A_478 = arith.constant 0 : i32
      %cond3A_479 = arith.cmpi ne, %convert_element_type3A_477, %cond3A_478 : i32
      scf.if %cond3A_479 {
        %broadcast_in_dim3A_755 = arith.constant 0.000000e+00 : f32
        %broadcast_in_dim3A_756 = vector.broadcast %broadcast_in_dim3A_755 : f32 to vector<16xf32>
        %broadcast_in_dim3A_757 = arith.constant 0.000000e+00 : f32
        %broadcast_in_dim3A_758 = vector.broadcast %broadcast_in_dim3A_757 : f32 to vector<16xf32>
        %broadcast_in_dim3A_759 = arith.constant 0.000000e+00 : f32
        %broadcast_in_dim3A_760 = vector.broadcast %broadcast_in_dim3A_759 : f32 to vector<16xf32>
        %broadcast_in_dim3A_761 = arith.constant 0.000000e+00 : f32
        %broadcast_in_dim3A_762 = vector.broadcast %broadcast_in_dim3A_761 : f32 to vector<16xf32>
        %broadcast_in_dim3A_763 = arith.constant 0.000000e+00 : f32
        %broadcast_in_dim3A_764 = vector.broadcast %broadcast_in_dim3A_763 : f32 to vector<16xf32>
        %broadcast_in_dim3A_765 = arith.constant 0.000000e+00 : f32
        %broadcast_in_dim3A_766 = vector.broadcast %broadcast_in_dim3A_765 : f32 to vector<16xf32>
        %broadcast_in_dim3A_767 = arith.constant 0.000000e+00 : f32
        %broadcast_in_dim3A_768 = vector.broadcast %broadcast_in_dim3A_767 : f32 to vector<16xf32>
        %broadcast_in_dim3A_769 = arith.constant 0.000000e+00 : f32
        %broadcast_in_dim3A_770 = vector.broadcast %broadcast_in_dim3A_769 : f32 to vector<16xf32>
        %scan3A_771 = arith.constant 0 : i32
        %scan3A_772 = arith.constant 80 : i32
        %scan3A_773 = arith.addi %scan3A_771, %scan3A_772 : i32
        %scan3A_774 = arith.constant 1 : i32
        %scan3A_775:8 = scf.for %scan3A_834 = %scan3A_771 to %scan3A_773 step %scan3A_774 iter_args(%scan3A_835 = %broadcast_in_dim3A_756, %scan3A_836 = %broadcast_in_dim3A_758, %scan3A_837 = %broadcast_in_dim3A_760, %scan3A_838 = %broadcast_in_dim3A_762, %scan3A_839 = %broadcast_in_dim3A_764, %scan3A_840 = %broadcast_in_dim3A_766, %scan3A_841 = %broadcast_in_dim3A_768, %scan3A_842 = %broadcast_in_dim3A_770) -> (vector<16xf32>, vector<16xf32>, vector<16xf32>, vector<16xf32>, vector<16xf32>, vector<16xf32>, vector<16xf32>, vector<16xf32>)  : i32 {
          %get3A_843 = arith.index_cast %scan3A_834 : i32 to index
          %get3A_844 = arith.constant 0 : index
          %get3A_845 = tpu.vector_load %arg8[%get3A_843, %get3A_844] {strides = array<i32>} : memref<80x128xf32, #tpu.memory_space<vmem>>, vector<1x16xf32>,
          %get3A_846 = vector.shape_cast %get3A_845 : vector<1x16xf32> to vector<16xf32>
          %add3A_847 = arith.addf %scan3A_835, %get3A_846 : vector<16xf32>
          %get3A_848 = arith.index_cast %scan3A_834 : i32 to index
          %get3A_849 = arith.constant 16 : index
          %get3A_850 = tpu.vector_load %arg8[%get3A_848, %get3A_849] {strides = array<i32>} : memref<80x128xf32, #tpu.memory_space<vmem>>, vector<1x16xf32>,
          %get3A_851 = vector.shape_cast %get3A_850 : vector<1x16xf32> to vector<16xf32>
          %add3A_852 = arith.addf %scan3A_836, %get3A_851 : vector<16xf32>
          %get3A_853 = arith.index_cast %scan3A_834 : i32 to index
          %get3A_854 = arith.constant 32 : index
          %get3A_855 = tpu.vector_load %arg8[%get3A_853, %get3A_854] {strides = array<i32>} : memref<80x128xf32, #tpu.memory_space<vmem>>, vector<1x16xf32>,
          %get3A_856 = vector.shape_cast %get3A_855 : vector<1x16xf32> to vector<16xf32>
          %add3A_857 = arith.addf %scan3A_837, %get3A_856 : vector<16xf32>
          %get3A_858 = arith.index_cast %scan3A_834 : i32 to index
          %get3A_859 = arith.constant 48 : index
          %get3A_860 = tpu.vector_load %arg8[%get3A_858, %get3A_859] {strides = array<i32>} : memref<80x128xf32, #tpu.memory_space<vmem>>, vector<1x16xf32>,
          %get3A_861 = vector.shape_cast %get3A_860 : vector<1x16xf32> to vector<16xf32>
          %add3A_862 = arith.addf %scan3A_838, %get3A_861 : vector<16xf32>
          %get3A_863 = arith.index_cast %scan3A_834 : i32 to index
          %get3A_864 = arith.constant 64 : index
          %get3A_865 = tpu.vector_load %arg8[%get3A_863, %get3A_864] {strides = array<i32>} : memref<80x128xf32, #tpu.memory_space<vmem>>, vector<1x16xf32>,
          %get3A_866 = vector.shape_cast %get3A_865 : vector<1x16xf32> to vector<16xf32>
          %add3A_867 = arith.addf %scan3A_839, %get3A_866 : vector<16xf32>
          %get3A_868 = arith.index_cast %scan3A_834 : i32 to index
          %get3A_869 = arith.constant 80 : index
          %get3A_870 = tpu.vector_load %arg8[%get3A_868, %get3A_869] {strides = array<i32>} : memref<80x128xf32, #tpu.memory_space<vmem>>, vector<1x16xf32>,
          %get3A_871 = vector.shape_cast %get3A_870 : vector<1x16xf32> to vector<16xf32>
          %add3A_872 = arith.addf %scan3A_840, %get3A_871 : vector<16xf32>
          %get3A_873 = arith.index_cast %scan3A_834 : i32 to index
          %get3A_874 = arith.constant 96 : index
          %get3A_875 = tpu.vector_load %arg8[%get3A_873, %get3A_874] {strides = array<i32>} : memref<80x128xf32, #tpu.memory_space<vmem>>, vector<1x16xf32>,
          %get3A_876 = vector.shape_cast %get3A_875 : vector<1x16xf32> to vector<16xf32>
          %add3A_877 = arith.addf %scan3A_841, %get3A_876 : vector<16xf32>
          %get3A_878 = arith.index_cast %scan3A_834 : i32 to index
          %get3A_879 = arith.constant 112 : index
          %get3A_880 = tpu.vector_load %arg8[%get3A_878, %get3A_879] {strides = array<i32>} : memref<80x128xf32, #tpu.memory_space<vmem>>, vector<1x16xf32>,
          %get3A_881 = vector.shape_cast %get3A_880 : vector<1x16xf32> to vector<16xf32>
          %add3A_882 = arith.addf %scan3A_842, %get3A_881 : vector<16xf32>
          scf.yield %add3A_847, %add3A_852, %add3A_857, %add3A_862, %add3A_867, %add3A_872, %add3A_877, %add3A_882 : vector<16xf32>, vector<16xf32>, vector<16xf32>, vector<16xf32>, vector<16xf32>, vector<16xf32>, vector<16xf32>, vector<16xf32>
        }
        %scan3A_776 = arith.constant 80 : i32
        %swap3A_777 = arith.constant 0 : i32
        %swap3A_778 = arith.index_cast %swap3A_777 : i32 to index
        %swap3A_779 = arith.constant 0 : index
        %swap3A_780 = tpu.vector_load %arg8[%swap3A_778, %swap3A_779] {strides = array<i32>} : memref<80x128xf32, #tpu.memory_space<vmem>>, vector<1x16xf32>,
        %swap3A_781 = vector.shape_cast %swap3A_780 : vector<1x16xf32> to vector<16xf32>
        %swap3A_782 = vector.shape_cast %scan3A_775#0 : vector<16xf32> to vector<1x16xf32>
        tpu.vector_store %arg8[%swap3A_778, %swap3A_779], %swap3A_782 {strides = array<i32>} : memref<80x128xf32, #tpu.memory_space<vmem>>, vector<1x16xf32>,
        %swap3A_783 = arith.constant 0 : i32
        %swap3A_784 = arith.index_cast %swap3A_783 : i32 to index
        %swap3A_785 = arith.constant 16 : index
        %swap3A_786 = tpu.vector_load %arg8[%swap3A_784, %swap3A_785] {strides = array<i32>} : memref<80x128xf32, #tpu.memory_space<vmem>>, vector<1x16xf32>,
        %swap3A_787 = vector.shape_cast %swap3A_786 : vector<1x16xf32> to vector<16xf32>
        %swap3A_788 = vector.shape_cast %scan3A_775#1 : vector<16xf32> to vector<1x16xf32>
        tpu.vector_store %arg8[%swap3A_784, %swap3A_785], %swap3A_788 {strides = array<i32>} : memref<80x128xf32, #tpu.memory_space<vmem>>, vector<1x16xf32>,
        %swap3A_789 = arith.constant 0 : i32
        %swap3A_790 = arith.index_cast %swap3A_789 : i32 to index
        %swap3A_791 = arith.constant 32 : index
        %swap3A_792 = tpu.vector_load %arg8[%swap3A_790, %swap3A_791] {strides = array<i32>} : memref<80x128xf32, #tpu.memory_space<vmem>>, vector<1x16xf32>,
        %swap3A_793 = vector.shape_cast %swap3A_792 : vector<1x16xf32> to vector<16xf32>
        %swap3A_794 = vector.shape_cast %scan3A_775#2 : vector<16xf32> to vector<1x16xf32>
        tpu.vector_store %arg8[%swap3A_790, %swap3A_791], %swap3A_794 {strides = array<i32>} : memref<80x128xf32, #tpu.memory_space<vmem>>, vector<1x16xf32>,
        %swap3A_795 = arith.constant 0 : i32
        %swap3A_796 = arith.index_cast %swap3A_795 : i32 to index
        %swap3A_797 = arith.constant 48 : index
        %swap3A_798 = tpu.vector_load %arg8[%swap3A_796, %swap3A_797] {strides = array<i32>} : memref<80x128xf32, #tpu.memory_space<vmem>>, vector<1x16xf32>,
        %swap3A_799 = vector.shape_cast %swap3A_798 : vector<1x16xf32> to vector<16xf32>
        %swap3A_800 = vector.shape_cast %scan3A_775#3 : vector<16xf32> to vector<1x16xf32>
        tpu.vector_store %arg8[%swap3A_796, %swap3A_797], %swap3A_800 {strides = array<i32>} : memref<80x128xf32, #tpu.memory_space<vmem>>, vector<1x16xf32>,
        %swap3A_801 = arith.constant 0 : i32
        %swap3A_802 = arith.index_cast %swap3A_801 : i32 to index
        %swap3A_803 = arith.constant 64 : index
        %swap3A_804 = tpu.vector_load %arg8[%swap3A_802, %swap3A_803] {strides = array<i32>} : memref<80x128xf32, #tpu.memory_space<vmem>>, vector<1x16xf32>,
        %swap3A_805 = vector.shape_cast %swap3A_804 : vector<1x16xf32> to vector<16xf32>
        %swap3A_806 = vector.shape_cast %scan3A_775#4 : vector<16xf32> to vector<1x16xf32>
        tpu.vector_store %arg8[%swap3A_802, %swap3A_803], %swap3A_806 {strides = array<i32>} : memref<80x128xf32, #tpu.memory_space<vmem>>, vector<1x16xf32>,
        %swap3A_807 = arith.constant 0 : i32
        %swap3A_808 = arith.index_cast %swap3A_807 : i32 to index
        %swap3A_809 = arith.constant 80 : index
        %swap3A_810 = tpu.vector_load %arg8[%swap3A_808, %swap3A_809] {strides = array<i32>} : memref<80x128xf32, #tpu.memory_space<vmem>>, vector<1x16xf32>,
        %swap3A_811 = vector.shape_cast %swap3A_810 : vector<1x16xf32> to vector<16xf32>
        %swap3A_812 = vector.shape_cast %scan3A_775#5 : vector<16xf32> to vector<1x16xf32>
        tpu.vector_store %arg8[%swap3A_808, %swap3A_809], %swap3A_812 {strides = array<i32>} : memref<80x128xf32, #tpu.memory_space<vmem>>, vector<1x16xf32>,
        %swap3A_813 = arith.constant 0 : i32
        %swap3A_814 = arith.index_cast %swap3A_813 : i32 to index
        %swap3A_815 = arith.constant 96 : index
        %swap3A_816 = tpu.vector_load %arg8[%swap3A_814, %swap3A_815] {strides = array<i32>} : memref<80x128xf32, #tpu.memory_space<vmem>>, vector<1x16xf32>,
        %swap3A_817 = vector.shape_cast %swap3A_816 : vector<1x16xf32> to vector<16xf32>
        %swap3A_818 = vector.shape_cast %scan3A_775#6 : vector<16xf32> to vector<1x16xf32>
        tpu.vector_store %arg8[%swap3A_814, %swap3A_815], %swap3A_818 {strides = array<i32>} : memref<80x128xf32, #tpu.memory_space<vmem>>, vector<1x16xf32>,
        %swap3A_819 = arith.constant 0 : i32
        %swap3A_820 = arith.index_cast %swap3A_819 : i32 to index
        %swap3A_821 = arith.constant 112 : index
        %swap3A_822 = tpu.vector_load %arg8[%swap3A_820, %swap3A_821] {strides = array<i32>} : memref<80x128xf32, #tpu.memory_space<vmem>>, vector<1x16xf32>,
        %swap3A_823 = vector.shape_cast %swap3A_822 : vector<1x16xf32> to vector<16xf32>
        %swap3A_824 = vector.shape_cast %scan3A_775#7 : vector<16xf32> to vector<1x16xf32>
        tpu.vector_store %arg8[%swap3A_820, %swap3A_821], %swap3A_824 {strides = array<i32>} : memref<80x128xf32, #tpu.memory_space<vmem>>, vector<1x16xf32>,
        %dma_start3A_825 = arith.constant 0 : i32
        %dma_start3A_826 = arith.constant 0 : i32
        %dma_start3A_827 = tpu.memref_slice %arg8[%dma_start3A_825, %dma_start3A_826] : memref<80x128xf32, #tpu.memory_space<vmem>> -> memref<16x128xf32, #tpu.memory_space<vmem>>
        %dma_start3A_828 = arith.constant 0 : i32
        %dma_start3A_829 = arith.constant 0 : i32
        %dma_start3A_830 = tpu.memref_slice %arg25[%dma_start3A_828, %dma_start3A_829] : memref<1040x128xf32, #tpu.memory_space<vmem_shared>> -> memref<1040x128xf32, #tpu.memory_space<vmem_shared>>
        tpu.enqueue_indirect_dma source(%dma_start3A_827 : memref<16x128xf32, #tpu.memory_space<vmem>>) target(%dma_start3A_830 : memref<1040x128xf32, #tpu.memory_space<vmem_shared>>) offsets(%arg18 : memref<16xi32, #tpu.memory_space<vmem>>) semaphore(%arg34 : memref<!tpu.dma_semaphore, #tpu.memory_space<semaphore_mem>>) {add = true}
        %dma_start3A_831 = arith.constant 0 : i32
        %dma_start3A_832 = arith.constant 0 : i32
        %dma_start3A_833 = tpu.memref_slice %arg27[%dma_start3A_831, %dma_start3A_832] : memref<1040x128xf32, #tpu.memory_space<vmem_shared>> -> memref<1040x128xf32, #tpu.memory_space<vmem_shared>>
        tpu.enqueue_indirect_dma source(%arg24 : memref<16x128xf32, #tpu.memory_space<vmem>>) target(%dma_start3A_833 : memref<1040x128xf32, #tpu.memory_space<vmem_shared>>) offsets(%arg18 : memref<16xi32, #tpu.memory_space<vmem>>) semaphore(%arg34 : memref<!tpu.dma_semaphore, #tpu.memory_space<semaphore_mem>>) {add = true}
      } else {
      }
      %get3A_480 = arith.constant 0 : index
      %get3A_481 = tpu.vector_load %arg13[%get3A_480] {strides = array<i32>} : memref<80xi32, #tpu.memory_space<vmem>>, vector<16xi32>,
      %get3A_482 = vector.shape_cast %get3A_481 : vector<16xi32> to vector<16xi32>
      %get3A_483 = arith.constant 64 : index
      %get3A_484 = tpu.vector_load %arg13[%get3A_483] {strides = array<i32>} : memref<80xi32, #tpu.memory_space<vmem>>, vector<16xi32>,
      %get3A_485 = vector.shape_cast %get3A_484 : vector<16xi32> to vector<16xi32>
      %slice3A_486 = vector.extract_strided_slice %get3A_482 {offsets = [0], sizes = [1], strides = [1]} : vector<16xi32> to vector<1xi32>
      %squeeze3A_487 = vector.extract %slice3A_486[0] : i32 from vector<1xi32>
      %slice3A_488 = vector.extract_strided_slice %get3A_485 {offsets = [15], sizes = [1], strides = [1]} : vector<16xi32> to vector<1xi32>
      %squeeze3A_489 = vector.extract %slice3A_488[0] : i32 from vector<1xi32>
      %eq3A_490 = arith.cmpi eq, %squeeze3A_487, %squeeze3A_489 : i32
      %not3A_491 = arith.constant true
      %not3A_492 = arith.xori %eq3A_490, %not3A_491 : i1
      %convert_element_type3A_493 = arith.extui %not3A_492 : i1 to i32
      %cond3A_494 = arith.constant 0 : i32
      %cond3A_495 = arith.cmpi ne, %convert_element_type3A_493, %cond3A_494 : i32
      scf.if %cond3A_495 {
        %dma_start3A_755 = arith.constant 0 : i32
        %dma_start3A_756 = arith.constant 0 : i32
        %dma_start3A_757 = tpu.memref_slice %arg25[%dma_start3A_755, %dma_start3A_756] : memref<1040x128xf32, #tpu.memory_space<vmem_shared>> -> memref<1040x128xf32, #tpu.memory_space<vmem_shared>>
        tpu.enqueue_indirect_dma source(%arg8 : memref<80x128xf32, #tpu.memory_space<vmem>>) target(%dma_start3A_757 : memref<1040x128xf32, #tpu.memory_space<vmem_shared>>) offsets(%arg13 : memref<80xi32, #tpu.memory_space<vmem>>) semaphore(%arg34 : memref<!tpu.dma_semaphore, #tpu.memory_space<semaphore_mem>>) {add = true}
        %dma_start3A_758 = arith.constant 0 : i32
        %dma_start3A_759 = arith.constant 0 : i32
        %dma_start3A_760 = tpu.memref_slice %arg27[%dma_start3A_758, %dma_start3A_759] : memref<1040x128xf32, #tpu.memory_space<vmem_shared>> -> memref<1040x128xf32, #tpu.memory_space<vmem_shared>>
        tpu.enqueue_indirect_dma source(%arg23 : memref<80x128xf32, #tpu.memory_space<vmem>>) target(%dma_start3A_760 : memref<1040x128xf32, #tpu.memory_space<vmem_shared>>) offsets(%arg13 : memref<80xi32, #tpu.memory_space<vmem>>) semaphore(%arg34 : memref<!tpu.dma_semaphore, #tpu.memory_space<semaphore_mem>>) {add = true}
      } else {
      }
      %add3A_496 = arith.constant 3 : i32
      %add3A_497 = arith.addi %add3A_446, %add3A_496 : i32
      %lt3A = arith.constant 125 : i32
      %lt3A_498 = arith.cmpi slt, %add3A_497, %lt3A : i32
      %convert_element_type3A_499 = arith.extui %lt3A_498 : i1 to i32
      %cond3A_500 = arith.constant 0 : i32
      %cond3A_501 = arith.cmpi ne, %convert_element_type3A_499, %cond3A_500 : i32
      scf.if %cond3A_501 {
        %ge3A = arith.constant 5 : i32
        %ge3A_755 = arith.cmpi sge, %add3A_497, %ge3A : i32
        %convert_element_type3A_756 = arith.extui %ge3A_755 : i1 to i32
        %cond3A_757 = arith.constant 0 : i32
        %cond3A_758 = arith.cmpi ne, %convert_element_type3A_756, %cond3A_757 : i32
        scf.if %cond3A_758 {
          %get3A_768 = arith.constant 0 : index
          %get3A_769 = tpu.vector_load %arg16[%get3A_768] {strides = array<i32>} : memref<80xi32, #tpu.memory_space<vmem>>, vector<16xi32>,
          %get3A_770 = vector.shape_cast %get3A_769 : vector<16xi32> to vector<16xi32>
          %get3A_771 = arith.constant 64 : index
          %get3A_772 = tpu.vector_load %arg16[%get3A_771] {strides = array<i32>} : memref<80xi32, #tpu.memory_space<vmem>>, vector<16xi32>,
          %get3A_773 = vector.shape_cast %get3A_772 : vector<16xi32> to vector<16xi32>
          %slice3A_774 = vector.extract_strided_slice %get3A_770 {offsets = [0], sizes = [1], strides = [1]} : vector<16xi32> to vector<1xi32>
          %squeeze3A_775 = vector.extract %slice3A_774[0] : i32 from vector<1xi32>
          %slice3A_776 = vector.extract_strided_slice %get3A_773 {offsets = [15], sizes = [1], strides = [1]} : vector<16xi32> to vector<1xi32>
          %squeeze3A_777 = vector.extract %slice3A_776[0] : i32 from vector<1xi32>
          %eq3A_778 = arith.cmpi eq, %squeeze3A_775, %squeeze3A_777 : i32
          %convert_element_type3A_779 = arith.extui %eq3A_778 : i1 to i32
          %cond3A_780 = arith.constant 0 : i32
          %cond3A_781 = arith.cmpi ne, %convert_element_type3A_779, %cond3A_780 : i32
          scf.if %cond3A_781 {
            %dma_wait3A_798 = arith.constant 0 : i32
            %dma_wait3A_799 = arith.constant 0 : i32
            %dma_wait3A_800 = tpu.memref_slice %arg11[%dma_wait3A_798, %dma_wait3A_799] : memref<80x128xf32, #tpu.memory_space<vmem>> -> memref<16x128xf32, #tpu.memory_space<vmem>>
            %dma_wait3A_801 = arith.constant 0 : i32
            %dma_wait3A_802 = arith.constant 0 : i32
            %dma_wait3A_803 = tpu.memref_slice %arg25[%dma_wait3A_801, %dma_wait3A_802] : memref<1040x128xf32, #tpu.memory_space<vmem_shared>> -> memref<1040x128xf32, #tpu.memory_space<vmem_shared>>
            tpu.wait_indirect_dma semaphore(%arg37 : memref<!tpu.dma_semaphore, #tpu.memory_space<semaphore_mem>>) src(%dma_wait3A_800 : memref<16x128xf32, #tpu.memory_space<vmem>>) dst(%dma_wait3A_803 : memref<1040x128xf32, #tpu.memory_space<vmem_shared>>)
            %dma_wait3A_804 = arith.constant 0 : i32
            %dma_wait3A_805 = arith.constant 0 : i32
            %dma_wait3A_806 = tpu.memref_slice %arg27[%dma_wait3A_804, %dma_wait3A_805] : memref<1040x128xf32, #tpu.memory_space<vmem_shared>> -> memref<1040x128xf32, #tpu.memory_space<vmem_shared>>
            tpu.wait_indirect_dma semaphore(%arg37 : memref<!tpu.dma_semaphore, #tpu.memory_space<semaphore_mem>>) src(%arg24 : memref<16x128xf32, #tpu.memory_space<vmem>>) dst(%dma_wait3A_806 : memref<1040x128xf32, #tpu.memory_space<vmem_shared>>)
          } else {
          }
          %get3A_782 = arith.constant 0 : index
          %get3A_783 = tpu.vector_load %arg16[%get3A_782] {strides = array<i32>} : memref<80xi32, #tpu.memory_space<vmem>>, vector<16xi32>,
          %get3A_784 = vector.shape_cast %get3A_783 : vector<16xi32> to vector<16xi32>
          %get3A_785 = arith.constant 64 : index
          %get3A_786 = tpu.vector_load %arg16[%get3A_785] {strides = array<i32>} : memref<80xi32, #tpu.memory_space<vmem>>, vector<16xi32>,
          %get3A_787 = vector.shape_cast %get3A_786 : vector<16xi32> to vector<16xi32>
          %slice3A_788 = vector.extract_strided_slice %get3A_784 {offsets = [0], sizes = [1], strides = [1]} : vector<16xi32> to vector<1xi32>
          %squeeze3A_789 = vector.extract %slice3A_788[0] : i32 from vector<1xi32>
          %slice3A_790 = vector.extract_strided_slice %get3A_787 {offsets = [15], sizes = [1], strides = [1]} : vector<16xi32> to vector<1xi32>
          %squeeze3A_791 = vector.extract %slice3A_790[0] : i32 from vector<1xi32>
          %eq3A_792 = arith.cmpi eq, %squeeze3A_789, %squeeze3A_791 : i32
          %not3A_793 = arith.constant true
          %not3A_794 = arith.xori %eq3A_792, %not3A_793 : i1
          %convert_element_type3A_795 = arith.extui %not3A_794 : i1 to i32
          %cond3A_796 = arith.constant 0 : i32
          %cond3A_797 = arith.cmpi ne, %convert_element_type3A_795, %cond3A_796 : i32
          scf.if %cond3A_797 {
            %dma_wait3A_798 = arith.constant 0 : i32
            %dma_wait3A_799 = arith.constant 0 : i32
            %dma_wait3A_800 = tpu.memref_slice %arg25[%dma_wait3A_798, %dma_wait3A_799] : memref<1040x128xf32, #tpu.memory_space<vmem_shared>> -> memref<1040x128xf32, #tpu.memory_space<vmem_shared>>
            tpu.wait_indirect_dma semaphore(%arg37 : memref<!tpu.dma_semaphore, #tpu.memory_space<semaphore_mem>>) src(%arg11 : memref<80x128xf32, #tpu.memory_space<vmem>>) dst(%dma_wait3A_800 : memref<1040x128xf32, #tpu.memory_space<vmem_shared>>)
            %dma_wait3A_801 = arith.constant 0 : i32
            %dma_wait3A_802 = arith.constant 0 : i32
            %dma_wait3A_803 = tpu.memref_slice %arg27[%dma_wait3A_801, %dma_wait3A_802] : memref<1040x128xf32, #tpu.memory_space<vmem_shared>> -> memref<1040x128xf32, #tpu.memory_space<vmem_shared>>
            tpu.wait_indirect_dma semaphore(%arg37 : memref<!tpu.dma_semaphore, #tpu.memory_space<semaphore_mem>>) src(%arg23 : memref<80x128xf32, #tpu.memory_space<vmem>>) dst(%dma_wait3A_803 : memref<1040x128xf32, #tpu.memory_space<vmem_shared>>)
          } else {
          }
        } else {
        }
        %mul3A_759 = arith.constant 80 : i32
        %mul3A_760 = arith.muli %add3A_497, %mul3A_759 : i32
        %add3A_761 = arith.addi %mul3A_2, %mul3A_760 : i32
        %dma_start3A_762 = tpu.memref_slice %arg4[%add3A_761] : memref<320000xi32, #tpu.memory_space<hbm>> -> memref<80xi32, #tpu.memory_space<hbm>>
        %dma_start3A_763 = tpu.memref_slice %arg4[%add3A_761] : memref<320000xi32, #tpu.memory_space<hbm>> -> memref<80xi32, #tpu.memory_space<hbm>>
        tpu.enqueue_dma source(%dma_start3A_763 : memref<80xi32, #tpu.memory_space<hbm>>) target(%arg16 : memref<80xi32, #tpu.memory_space<vmem>>) target_semaphore(%arg32 : memref<!tpu.dma_semaphore, #tpu.memory_space<semaphore_mem>>)
        %dma_start3A_764 = arith.constant 0 : i32
        %dma_start3A_765 = tpu.memref_slice %arg2[%add3A_761, %dma_start3A_764] : memref<320000x128xf32, #tpu.memory_space<hbm>> -> memref<80x128xf32, #tpu.memory_space<hbm>>
        %dma_start3A_766 = arith.constant 0 : i32
        %dma_start3A_767 = tpu.memref_slice %arg2[%add3A_761, %dma_start3A_766] : memref<320000x128xf32, #tpu.memory_space<hbm>> -> memref<80x128xf32, #tpu.memory_space<hbm>>
        tpu.enqueue_dma source(%dma_start3A_767 : memref<80x128xf32, #tpu.memory_space<hbm>>) target(%arg11 : memref<80x128xf32, #tpu.memory_space<vmem>>) target_semaphore(%arg32 : memref<!tpu.dma_semaphore, #tpu.memory_space<semaphore_mem>>)
      } else {
      }
      %mul3A_502 = arith.constant 5 : i32
      %mul3A_503 = arith.muli %mul3A_502, %scan3A_441 : i32
      %add3A_504 = arith.constant 1 : i32
      %add3A_505 = arith.addi %mul3A_503, %add3A_504 : i32
      %mul3A_506 = arith.constant 80 : i32
      %mul3A_507 = arith.muli %add3A_505, %mul3A_506 : i32
      %add3A_508 = arith.addi %mul3A_2, %mul3A_507 : i32
      %dma_wait3A_509 = tpu.memref_slice %arg4[%add3A_508] : memref<320000xi32, #tpu.memory_space<hbm>> -> memref<80xi32, #tpu.memory_space<hbm>>
      %dma_wait3A_510 = tpu.memref_slice %arg4[%add3A_508] : memref<320000xi32, #tpu.memory_space<hbm>> -> memref<80xi32, #tpu.memory_space<hbm>>
      tpu.wait_dma2 semaphore(%arg30 : memref<!tpu.dma_semaphore, #tpu.memory_space<semaphore_mem>>) src(%dma_wait3A_510 : memref<80xi32, #tpu.memory_space<hbm>>) dst(%arg14 : memref<80xi32, #tpu.memory_space<vmem>>)
      %dma_wait3A_511 = arith.constant 0 : i32
      %dma_wait3A_512 = tpu.memref_slice %arg2[%add3A_508, %dma_wait3A_511] : memref<320000x128xf32, #tpu.memory_space<hbm>> -> memref<80x128xf32, #tpu.memory_space<hbm>>
      %dma_wait3A_513 = arith.constant 0 : i32
      %dma_wait3A_514 = tpu.memref_slice %arg2[%add3A_508, %dma_wait3A_513] : memref<320000x128xf32, #tpu.memory_space<hbm>> -> memref<80x128xf32, #tpu.memory_space<hbm>>
      tpu.wait_dma2 semaphore(%arg30 : memref<!tpu.dma_semaphore, #tpu.memory_space<semaphore_mem>>) src(%dma_wait3A_514 : memref<80x128xf32, #tpu.memory_space<hbm>>) dst(%arg9 : memref<80x128xf32, #tpu.memory_space<vmem>>)
      %get3A_515 = arith.constant 0 : index
      %get3A_516 = tpu.vector_load %arg14[%get3A_515] {strides = array<i32>} : memref<80xi32, #tpu.memory_space<vmem>>, vector<16xi32>,
      %get3A_517 = vector.shape_cast %get3A_516 : vector<16xi32> to vector<16xi32>
      %eq3A_518 = arith.constant 0 : i32
      %eq3A_519 = vector.broadcast %eq3A_518 : i32 to vector<16xi32>
      %eq3A_520 = arith.cmpi eq, %iota3A, %eq3A_519 : vector<16xi32>
      %jit3A_521 = arith.constant 1024 : i32
      %broadcast_in_dim3A_522 = vector.broadcast %jit3A_521 : i32 to vector<16xi32>
      %select_n3A_523 = arith.select %eq3A_520, %get3A_517, %broadcast_in_dim3A_522 : vector<16xi1>, vector<16xi32>
      %swap3A_524 = arith.constant 0 : index
      %swap3A_525 = tpu.vector_load %arg19[%swap3A_524] {strides = array<i32>} : memref<16xi32, #tpu.memory_space<vmem>>, vector<16xi32>,
      %swap3A_526 = vector.shape_cast %swap3A_525 : vector<16xi32> to vector<16xi32>
      %swap3A_527 = vector.shape_cast %select_n3A_523 : vector<16xi32> to vector<16xi32>
      tpu.vector_store %arg19[%swap3A_524], %swap3A_527 {strides = array<i32>} : memref<16xi32, #tpu.memory_space<vmem>>, vector<16xi32>,
      %get3A_528 = arith.constant 0 : index
      %get3A_529 = tpu.vector_load %arg14[%get3A_528] {strides = array<i32>} : memref<80xi32, #tpu.memory_space<vmem>>, vector<16xi32>,
      %get3A_530 = vector.shape_cast %get3A_529 : vector<16xi32> to vector<16xi32>
      %get3A_531 = arith.constant 64 : index
      %get3A_532 = tpu.vector_load %arg14[%get3A_531] {strides = array<i32>} : memref<80xi32, #tpu.memory_space<vmem>>, vector<16xi32>,
      %get3A_533 = vector.shape_cast %get3A_532 : vector<16xi32> to vector<16xi32>
      %slice3A_534 = vector.extract_strided_slice %get3A_530 {offsets = [0], sizes = [1], strides = [1]} : vector<16xi32> to vector<1xi32>
      %squeeze3A_535 = vector.extract %slice3A_534[0] : i32 from vector<1xi32>
      %slice3A_536 = vector.extract_strided_slice %get3A_533 {offsets = [15], sizes = [1], strides = [1]} : vector<16xi32> to vector<1xi32>
      %squeeze3A_537 = vector.extract %slice3A_536[0] : i32 from vector<1xi32>
      %eq3A_538 = arith.cmpi eq, %squeeze3A_535, %squeeze3A_537 : i32
      %convert_element_type3A_539 = arith.extui %eq3A_538 : i1 to i32
      %cond3A_540 = arith.constant 0 : i32
      %cond3A_541 = arith.cmpi ne, %convert_element_type3A_539, %cond3A_540 : i32
      scf.if %cond3A_541 {
        %broadcast_in_dim3A_755 = arith.constant 0.000000e+00 : f32
        %broadcast_in_dim3A_756 = vector.broadcast %broadcast_in_dim3A_755 : f32 to vector<16xf32>
        %broadcast_in_dim3A_757 = arith.constant 0.000000e+00 : f32
        %broadcast_in_dim3A_758 = vector.broadcast %broadcast_in_dim3A_757 : f32 to vector<16xf32>
        %broadcast_in_dim3A_759 = arith.constant 0.000000e+00 : f32
        %broadcast_in_dim3A_760 = vector.broadcast %broadcast_in_dim3A_759 : f32 to vector<16xf32>
        %broadcast_in_dim3A_761 = arith.constant 0.000000e+00 : f32
        %broadcast_in_dim3A_762 = vector.broadcast %broadcast_in_dim3A_761 : f32 to vector<16xf32>
        %broadcast_in_dim3A_763 = arith.constant 0.000000e+00 : f32
        %broadcast_in_dim3A_764 = vector.broadcast %broadcast_in_dim3A_763 : f32 to vector<16xf32>
        %broadcast_in_dim3A_765 = arith.constant 0.000000e+00 : f32
        %broadcast_in_dim3A_766 = vector.broadcast %broadcast_in_dim3A_765 : f32 to vector<16xf32>
        %broadcast_in_dim3A_767 = arith.constant 0.000000e+00 : f32
        %broadcast_in_dim3A_768 = vector.broadcast %broadcast_in_dim3A_767 : f32 to vector<16xf32>
        %broadcast_in_dim3A_769 = arith.constant 0.000000e+00 : f32
        %broadcast_in_dim3A_770 = vector.broadcast %broadcast_in_dim3A_769 : f32 to vector<16xf32>
        %scan3A_771 = arith.constant 0 : i32
        %scan3A_772 = arith.constant 80 : i32
        %scan3A_773 = arith.addi %scan3A_771, %scan3A_772 : i32
        %scan3A_774 = arith.constant 1 : i32
        %scan3A_775:8 = scf.for %scan3A_834 = %scan3A_771 to %scan3A_773 step %scan3A_774 iter_args(%scan3A_835 = %broadcast_in_dim3A_756, %scan3A_836 = %broadcast_in_dim3A_758, %scan3A_837 = %broadcast_in_dim3A_760, %scan3A_838 = %broadcast_in_dim3A_762, %scan3A_839 = %broadcast_in_dim3A_764, %scan3A_840 = %broadcast_in_dim3A_766, %scan3A_841 = %broadcast_in_dim3A_768, %scan3A_842 = %broadcast_in_dim3A_770) -> (vector<16xf32>, vector<16xf32>, vector<16xf32>, vector<16xf32>, vector<16xf32>, vector<16xf32>, vector<16xf32>, vector<16xf32>)  : i32 {
          %get3A_843 = arith.index_cast %scan3A_834 : i32 to index
          %get3A_844 = arith.constant 0 : index
          %get3A_845 = tpu.vector_load %arg9[%get3A_843, %get3A_844] {strides = array<i32>} : memref<80x128xf32, #tpu.memory_space<vmem>>, vector<1x16xf32>,
          %get3A_846 = vector.shape_cast %get3A_845 : vector<1x16xf32> to vector<16xf32>
          %add3A_847 = arith.addf %scan3A_835, %get3A_846 : vector<16xf32>
          %get3A_848 = arith.index_cast %scan3A_834 : i32 to index
          %get3A_849 = arith.constant 16 : index
          %get3A_850 = tpu.vector_load %arg9[%get3A_848, %get3A_849] {strides = array<i32>} : memref<80x128xf32, #tpu.memory_space<vmem>>, vector<1x16xf32>,
          %get3A_851 = vector.shape_cast %get3A_850 : vector<1x16xf32> to vector<16xf32>
          %add3A_852 = arith.addf %scan3A_836, %get3A_851 : vector<16xf32>
          %get3A_853 = arith.index_cast %scan3A_834 : i32 to index
          %get3A_854 = arith.constant 32 : index
          %get3A_855 = tpu.vector_load %arg9[%get3A_853, %get3A_854] {strides = array<i32>} : memref<80x128xf32, #tpu.memory_space<vmem>>, vector<1x16xf32>,
          %get3A_856 = vector.shape_cast %get3A_855 : vector<1x16xf32> to vector<16xf32>
          %add3A_857 = arith.addf %scan3A_837, %get3A_856 : vector<16xf32>
          %get3A_858 = arith.index_cast %scan3A_834 : i32 to index
          %get3A_859 = arith.constant 48 : index
          %get3A_860 = tpu.vector_load %arg9[%get3A_858, %get3A_859] {strides = array<i32>} : memref<80x128xf32, #tpu.memory_space<vmem>>, vector<1x16xf32>,
          %get3A_861 = vector.shape_cast %get3A_860 : vector<1x16xf32> to vector<16xf32>
          %add3A_862 = arith.addf %scan3A_838, %get3A_861 : vector<16xf32>
          %get3A_863 = arith.index_cast %scan3A_834 : i32 to index
          %get3A_864 = arith.constant 64 : index
          %get3A_865 = tpu.vector_load %arg9[%get3A_863, %get3A_864] {strides = array<i32>} : memref<80x128xf32, #tpu.memory_space<vmem>>, vector<1x16xf32>,
          %get3A_866 = vector.shape_cast %get3A_865 : vector<1x16xf32> to vector<16xf32>
          %add3A_867 = arith.addf %scan3A_839, %get3A_866 : vector<16xf32>
          %get3A_868 = arith.index_cast %scan3A_834 : i32 to index
          %get3A_869 = arith.constant 80 : index
          %get3A_870 = tpu.vector_load %arg9[%get3A_868, %get3A_869] {strides = array<i32>} : memref<80x128xf32, #tpu.memory_space<vmem>>, vector<1x16xf32>,
          %get3A_871 = vector.shape_cast %get3A_870 : vector<1x16xf32> to vector<16xf32>
          %add3A_872 = arith.addf %scan3A_840, %get3A_871 : vector<16xf32>
          %get3A_873 = arith.index_cast %scan3A_834 : i32 to index
          %get3A_874 = arith.constant 96 : index
          %get3A_875 = tpu.vector_load %arg9[%get3A_873, %get3A_874] {strides = array<i32>} : memref<80x128xf32, #tpu.memory_space<vmem>>, vector<1x16xf32>,
          %get3A_876 = vector.shape_cast %get3A_875 : vector<1x16xf32> to vector<16xf32>
          %add3A_877 = arith.addf %scan3A_841, %get3A_876 : vector<16xf32>
          %get3A_878 = arith.index_cast %scan3A_834 : i32 to index
          %get3A_879 = arith.constant 112 : index
          %get3A_880 = tpu.vector_load %arg9[%get3A_878, %get3A_879] {strides = array<i32>} : memref<80x128xf32, #tpu.memory_space<vmem>>, vector<1x16xf32>,
          %get3A_881 = vector.shape_cast %get3A_880 : vector<1x16xf32> to vector<16xf32>
          %add3A_882 = arith.addf %scan3A_842, %get3A_881 : vector<16xf32>
          scf.yield %add3A_847, %add3A_852, %add3A_857, %add3A_862, %add3A_867, %add3A_872, %add3A_877, %add3A_882 : vector<16xf32>, vector<16xf32>, vector<16xf32>, vector<16xf32>, vector<16xf32>, vector<16xf32>, vector<16xf32>, vector<16xf32>
        }
        %scan3A_776 = arith.constant 80 : i32
        %swap3A_777 = arith.constant 0 : i32
        %swap3A_778 = arith.index_cast %swap3A_777 : i32 to index
        %swap3A_779 = arith.constant 0 : index
        %swap3A_780 = tpu.vector_load %arg9[%swap3A_778, %swap3A_779] {strides = array<i32>} : memref<80x128xf32, #tpu.memory_space<vmem>>, vector<1x16xf32>,
        %swap3A_781 = vector.shape_cast %swap3A_780 : vector<1x16xf32> to vector<16xf32>
        %swap3A_782 = vector.shape_cast %scan3A_775#0 : vector<16xf32> to vector<1x16xf32>
        tpu.vector_store %arg9[%swap3A_778, %swap3A_779], %swap3A_782 {strides = array<i32>} : memref<80x128xf32, #tpu.memory_space<vmem>>, vector<1x16xf32>,
        %swap3A_783 = arith.constant 0 : i32
        %swap3A_784 = arith.index_cast %swap3A_783 : i32 to index
        %swap3A_785 = arith.constant 16 : index
        %swap3A_786 = tpu.vector_load %arg9[%swap3A_784, %swap3A_785] {strides = array<i32>} : memref<80x128xf32, #tpu.memory_space<vmem>>, vector<1x16xf32>,
        %swap3A_787 = vector.shape_cast %swap3A_786 : vector<1x16xf32> to vector<16xf32>
        %swap3A_788 = vector.shape_cast %scan3A_775#1 : vector<16xf32> to vector<1x16xf32>
        tpu.vector_store %arg9[%swap3A_784, %swap3A_785], %swap3A_788 {strides = array<i32>} : memref<80x128xf32, #tpu.memory_space<vmem>>, vector<1x16xf32>,
        %swap3A_789 = arith.constant 0 : i32
        %swap3A_790 = arith.index_cast %swap3A_789 : i32 to index
        %swap3A_791 = arith.constant 32 : index
        %swap3A_792 = tpu.vector_load %arg9[%swap3A_790, %swap3A_791] {strides = array<i32>} : memref<80x128xf32, #tpu.memory_space<vmem>>, vector<1x16xf32>,
        %swap3A_793 = vector.shape_cast %swap3A_792 : vector<1x16xf32> to vector<16xf32>
        %swap3A_794 = vector.shape_cast %scan3A_775#2 : vector<16xf32> to vector<1x16xf32>
        tpu.vector_store %arg9[%swap3A_790, %swap3A_791], %swap3A_794 {strides = array<i32>} : memref<80x128xf32, #tpu.memory_space<vmem>>, vector<1x16xf32>,
        %swap3A_795 = arith.constant 0 : i32
        %swap3A_796 = arith.index_cast %swap3A_795 : i32 to index
        %swap3A_797 = arith.constant 48 : index
        %swap3A_798 = tpu.vector_load %arg9[%swap3A_796, %swap3A_797] {strides = array<i32>} : memref<80x128xf32, #tpu.memory_space<vmem>>, vector<1x16xf32>,
        %swap3A_799 = vector.shape_cast %swap3A_798 : vector<1x16xf32> to vector<16xf32>
        %swap3A_800 = vector.shape_cast %scan3A_775#3 : vector<16xf32> to vector<1x16xf32>
        tpu.vector_store %arg9[%swap3A_796, %swap3A_797], %swap3A_800 {strides = array<i32>} : memref<80x128xf32, #tpu.memory_space<vmem>>, vector<1x16xf32>,
        %swap3A_801 = arith.constant 0 : i32
        %swap3A_802 = arith.index_cast %swap3A_801 : i32 to index
        %swap3A_803 = arith.constant 64 : index
        %swap3A_804 = tpu.vector_load %arg9[%swap3A_802, %swap3A_803] {strides = array<i32>} : memref<80x128xf32, #tpu.memory_space<vmem>>, vector<1x16xf32>,
        %swap3A_805 = vector.shape_cast %swap3A_804 : vector<1x16xf32> to vector<16xf32>
        %swap3A_806 = vector.shape_cast %scan3A_775#4 : vector<16xf32> to vector<1x16xf32>
        tpu.vector_store %arg9[%swap3A_802, %swap3A_803], %swap3A_806 {strides = array<i32>} : memref<80x128xf32, #tpu.memory_space<vmem>>, vector<1x16xf32>,
        %swap3A_807 = arith.constant 0 : i32
        %swap3A_808 = arith.index_cast %swap3A_807 : i32 to index
        %swap3A_809 = arith.constant 80 : index
        %swap3A_810 = tpu.vector_load %arg9[%swap3A_808, %swap3A_809] {strides = array<i32>} : memref<80x128xf32, #tpu.memory_space<vmem>>, vector<1x16xf32>,
        %swap3A_811 = vector.shape_cast %swap3A_810 : vector<1x16xf32> to vector<16xf32>
        %swap3A_812 = vector.shape_cast %scan3A_775#5 : vector<16xf32> to vector<1x16xf32>
        tpu.vector_store %arg9[%swap3A_808, %swap3A_809], %swap3A_812 {strides = array<i32>} : memref<80x128xf32, #tpu.memory_space<vmem>>, vector<1x16xf32>,
        %swap3A_813 = arith.constant 0 : i32
        %swap3A_814 = arith.index_cast %swap3A_813 : i32 to index
        %swap3A_815 = arith.constant 96 : index
        %swap3A_816 = tpu.vector_load %arg9[%swap3A_814, %swap3A_815] {strides = array<i32>} : memref<80x128xf32, #tpu.memory_space<vmem>>, vector<1x16xf32>,
        %swap3A_817 = vector.shape_cast %swap3A_816 : vector<1x16xf32> to vector<16xf32>
        %swap3A_818 = vector.shape_cast %scan3A_775#6 : vector<16xf32> to vector<1x16xf32>
        tpu.vector_store %arg9[%swap3A_814, %swap3A_815], %swap3A_818 {strides = array<i32>} : memref<80x128xf32, #tpu.memory_space<vmem>>, vector<1x16xf32>,
        %swap3A_819 = arith.constant 0 : i32
        %swap3A_820 = arith.index_cast %swap3A_819 : i32 to index
        %swap3A_821 = arith.constant 112 : index
        %swap3A_822 = tpu.vector_load %arg9[%swap3A_820, %swap3A_821] {strides = array<i32>} : memref<80x128xf32, #tpu.memory_space<vmem>>, vector<1x16xf32>,
        %swap3A_823 = vector.shape_cast %swap3A_822 : vector<1x16xf32> to vector<16xf32>
        %swap3A_824 = vector.shape_cast %scan3A_775#7 : vector<16xf32> to vector<1x16xf32>
        tpu.vector_store %arg9[%swap3A_820, %swap3A_821], %swap3A_824 {strides = array<i32>} : memref<80x128xf32, #tpu.memory_space<vmem>>, vector<1x16xf32>,
        %dma_start3A_825 = arith.constant 0 : i32
        %dma_start3A_826 = arith.constant 0 : i32
        %dma_start3A_827 = tpu.memref_slice %arg9[%dma_start3A_825, %dma_start3A_826] : memref<80x128xf32, #tpu.memory_space<vmem>> -> memref<16x128xf32, #tpu.memory_space<vmem>>
        %dma_start3A_828 = arith.constant 0 : i32
        %dma_start3A_829 = arith.constant 0 : i32
        %dma_start3A_830 = tpu.memref_slice %arg25[%dma_start3A_828, %dma_start3A_829] : memref<1040x128xf32, #tpu.memory_space<vmem_shared>> -> memref<1040x128xf32, #tpu.memory_space<vmem_shared>>
        tpu.enqueue_indirect_dma source(%dma_start3A_827 : memref<16x128xf32, #tpu.memory_space<vmem>>) target(%dma_start3A_830 : memref<1040x128xf32, #tpu.memory_space<vmem_shared>>) offsets(%arg19 : memref<16xi32, #tpu.memory_space<vmem>>) semaphore(%arg35 : memref<!tpu.dma_semaphore, #tpu.memory_space<semaphore_mem>>) {add = true}
        %dma_start3A_831 = arith.constant 0 : i32
        %dma_start3A_832 = arith.constant 0 : i32
        %dma_start3A_833 = tpu.memref_slice %arg27[%dma_start3A_831, %dma_start3A_832] : memref<1040x128xf32, #tpu.memory_space<vmem_shared>> -> memref<1040x128xf32, #tpu.memory_space<vmem_shared>>
        tpu.enqueue_indirect_dma source(%arg24 : memref<16x128xf32, #tpu.memory_space<vmem>>) target(%dma_start3A_833 : memref<1040x128xf32, #tpu.memory_space<vmem_shared>>) offsets(%arg19 : memref<16xi32, #tpu.memory_space<vmem>>) semaphore(%arg35 : memref<!tpu.dma_semaphore, #tpu.memory_space<semaphore_mem>>) {add = true}
      } else {
      }
      %get3A_542 = arith.constant 0 : index
      %get3A_543 = tpu.vector_load %arg14[%get3A_542] {strides = array<i32>} : memref<80xi32, #tpu.memory_space<vmem>>, vector<16xi32>,
      %get3A_544 = vector.shape_cast %get3A_543 : vector<16xi32> to vector<16xi32>
      %get3A_545 = arith.constant 64 : index
      %get3A_546 = tpu.vector_load %arg14[%get3A_545] {strides = array<i32>} : memref<80xi32, #tpu.memory_space<vmem>>, vector<16xi32>,
      %get3A_547 = vector.shape_cast %get3A_546 : vector<16xi32> to vector<16xi32>
      %slice3A_548 = vector.extract_strided_slice %get3A_544 {offsets = [0], sizes = [1], strides = [1]} : vector<16xi32> to vector<1xi32>
      %squeeze3A_549 = vector.extract %slice3A_548[0] : i32 from vector<1xi32>
      %slice3A_550 = vector.extract_strided_slice %get3A_547 {offsets = [15], sizes = [1], strides = [1]} : vector<16xi32> to vector<1xi32>
      %squeeze3A_551 = vector.extract %slice3A_550[0] : i32 from vector<1xi32>
      %eq3A_552 = arith.cmpi eq, %squeeze3A_549, %squeeze3A_551 : i32
      %not3A_553 = arith.constant true
      %not3A_554 = arith.xori %eq3A_552, %not3A_553 : i1
      %convert_element_type3A_555 = arith.extui %not3A_554 : i1 to i32
      %cond3A_556 = arith.constant 0 : i32
      %cond3A_557 = arith.cmpi ne, %convert_element_type3A_555, %cond3A_556 : i32
      scf.if %cond3A_557 {
        %dma_start3A_755 = arith.constant 0 : i32
        %dma_start3A_756 = arith.constant 0 : i32
        %dma_start3A_757 = tpu.memref_slice %arg25[%dma_start3A_755, %dma_start3A_756] : memref<1040x128xf32, #tpu.memory_space<vmem_shared>> -> memref<1040x128xf32, #tpu.memory_space<vmem_shared>>
        tpu.enqueue_indirect_dma source(%arg9 : memref<80x128xf32, #tpu.memory_space<vmem>>) target(%dma_start3A_757 : memref<1040x128xf32, #tpu.memory_space<vmem_shared>>) offsets(%arg14 : memref<80xi32, #tpu.memory_space<vmem>>) semaphore(%arg35 : memref<!tpu.dma_semaphore, #tpu.memory_space<semaphore_mem>>) {add = true}
        %dma_start3A_758 = arith.constant 0 : i32
        %dma_start3A_759 = arith.constant 0 : i32
        %dma_start3A_760 = tpu.memref_slice %arg27[%dma_start3A_758, %dma_start3A_759] : memref<1040x128xf32, #tpu.memory_space<vmem_shared>> -> memref<1040x128xf32, #tpu.memory_space<vmem_shared>>
        tpu.enqueue_indirect_dma source(%arg23 : memref<80x128xf32, #tpu.memory_space<vmem>>) target(%dma_start3A_760 : memref<1040x128xf32, #tpu.memory_space<vmem_shared>>) offsets(%arg14 : memref<80xi32, #tpu.memory_space<vmem>>) semaphore(%arg35 : memref<!tpu.dma_semaphore, #tpu.memory_space<semaphore_mem>>) {add = true}
      } else {
      }
      %add3A_558 = arith.constant 3 : i32
      %add3A_559 = arith.addi %add3A_505, %add3A_558 : i32
      %lt3A_560 = arith.constant 125 : i32
      %lt3A_561 = arith.cmpi slt, %add3A_559, %lt3A_560 : i32
      %convert_element_type3A_562 = arith.extui %lt3A_561 : i1 to i32
      %cond3A_563 = arith.constant 0 : i32
      %cond3A_564 = arith.cmpi ne, %convert_element_type3A_562, %cond3A_563 : i32
      scf.if %cond3A_564 {
        %ge3A = arith.constant 5 : i32
        %ge3A_755 = arith.cmpi sge, %add3A_559, %ge3A : i32
        %convert_element_type3A_756 = arith.extui %ge3A_755 : i1 to i32
        %cond3A_757 = arith.constant 0 : i32
        %cond3A_758 = arith.cmpi ne, %convert_element_type3A_756, %cond3A_757 : i32
        scf.if %cond3A_758 {
          %get3A_768 = arith.constant 0 : index
          %get3A_769 = tpu.vector_load %arg17[%get3A_768] {strides = array<i32>} : memref<80xi32, #tpu.memory_space<vmem>>, vector<16xi32>,
          %get3A_770 = vector.shape_cast %get3A_769 : vector<16xi32> to vector<16xi32>
          %get3A_771 = arith.constant 64 : index
          %get3A_772 = tpu.vector_load %arg17[%get3A_771] {strides = array<i32>} : memref<80xi32, #tpu.memory_space<vmem>>, vector<16xi32>,
          %get3A_773 = vector.shape_cast %get3A_772 : vector<16xi32> to vector<16xi32>
          %slice3A_774 = vector.extract_strided_slice %get3A_770 {offsets = [0], sizes = [1], strides = [1]} : vector<16xi32> to vector<1xi32>
          %squeeze3A_775 = vector.extract %slice3A_774[0] : i32 from vector<1xi32>
          %slice3A_776 = vector.extract_strided_slice %get3A_773 {offsets = [15], sizes = [1], strides = [1]} : vector<16xi32> to vector<1xi32>
          %squeeze3A_777 = vector.extract %slice3A_776[0] : i32 from vector<1xi32>
          %eq3A_778 = arith.cmpi eq, %squeeze3A_775, %squeeze3A_777 : i32
          %convert_element_type3A_779 = arith.extui %eq3A_778 : i1 to i32
          %cond3A_780 = arith.constant 0 : i32
          %cond3A_781 = arith.cmpi ne, %convert_element_type3A_779, %cond3A_780 : i32
          scf.if %cond3A_781 {
            %dma_wait3A_798 = arith.constant 0 : i32
            %dma_wait3A_799 = arith.constant 0 : i32
            %dma_wait3A_800 = tpu.memref_slice %arg12[%dma_wait3A_798, %dma_wait3A_799] : memref<80x128xf32, #tpu.memory_space<vmem>> -> memref<16x128xf32, #tpu.memory_space<vmem>>
            %dma_wait3A_801 = arith.constant 0 : i32
            %dma_wait3A_802 = arith.constant 0 : i32
            %dma_wait3A_803 = tpu.memref_slice %arg25[%dma_wait3A_801, %dma_wait3A_802] : memref<1040x128xf32, #tpu.memory_space<vmem_shared>> -> memref<1040x128xf32, #tpu.memory_space<vmem_shared>>
            tpu.wait_indirect_dma semaphore(%arg38 : memref<!tpu.dma_semaphore, #tpu.memory_space<semaphore_mem>>) src(%dma_wait3A_800 : memref<16x128xf32, #tpu.memory_space<vmem>>) dst(%dma_wait3A_803 : memref<1040x128xf32, #tpu.memory_space<vmem_shared>>)
            %dma_wait3A_804 = arith.constant 0 : i32
            %dma_wait3A_805 = arith.constant 0 : i32
            %dma_wait3A_806 = tpu.memref_slice %arg27[%dma_wait3A_804, %dma_wait3A_805] : memref<1040x128xf32, #tpu.memory_space<vmem_shared>> -> memref<1040x128xf32, #tpu.memory_space<vmem_shared>>
            tpu.wait_indirect_dma semaphore(%arg38 : memref<!tpu.dma_semaphore, #tpu.memory_space<semaphore_mem>>) src(%arg24 : memref<16x128xf32, #tpu.memory_space<vmem>>) dst(%dma_wait3A_806 : memref<1040x128xf32, #tpu.memory_space<vmem_shared>>)
          } else {
          }
          %get3A_782 = arith.constant 0 : index
          %get3A_783 = tpu.vector_load %arg17[%get3A_782] {strides = array<i32>} : memref<80xi32, #tpu.memory_space<vmem>>, vector<16xi32>,
          %get3A_784 = vector.shape_cast %get3A_783 : vector<16xi32> to vector<16xi32>
          %get3A_785 = arith.constant 64 : index
          %get3A_786 = tpu.vector_load %arg17[%get3A_785] {strides = array<i32>} : memref<80xi32, #tpu.memory_space<vmem>>, vector<16xi32>,
          %get3A_787 = vector.shape_cast %get3A_786 : vector<16xi32> to vector<16xi32>
          %slice3A_788 = vector.extract_strided_slice %get3A_784 {offsets = [0], sizes = [1], strides = [1]} : vector<16xi32> to vector<1xi32>
          %squeeze3A_789 = vector.extract %slice3A_788[0] : i32 from vector<1xi32>
          %slice3A_790 = vector.extract_strided_slice %get3A_787 {offsets = [15], sizes = [1], strides = [1]} : vector<16xi32> to vector<1xi32>
          %squeeze3A_791 = vector.extract %slice3A_790[0] : i32 from vector<1xi32>
          %eq3A_792 = arith.cmpi eq, %squeeze3A_789, %squeeze3A_791 : i32
          %not3A_793 = arith.constant true
          %not3A_794 = arith.xori %eq3A_792, %not3A_793 : i1
          %convert_element_type3A_795 = arith.extui %not3A_794 : i1 to i32
          %cond3A_796 = arith.constant 0 : i32
          %cond3A_797 = arith.cmpi ne, %convert_element_type3A_795, %cond3A_796 : i32
          scf.if %cond3A_797 {
            %dma_wait3A_798 = arith.constant 0 : i32
            %dma_wait3A_799 = arith.constant 0 : i32
            %dma_wait3A_800 = tpu.memref_slice %arg25[%dma_wait3A_798, %dma_wait3A_799] : memref<1040x128xf32, #tpu.memory_space<vmem_shared>> -> memref<1040x128xf32, #tpu.memory_space<vmem_shared>>
            tpu.wait_indirect_dma semaphore(%arg38 : memref<!tpu.dma_semaphore, #tpu.memory_space<semaphore_mem>>) src(%arg12 : memref<80x128xf32, #tpu.memory_space<vmem>>) dst(%dma_wait3A_800 : memref<1040x128xf32, #tpu.memory_space<vmem_shared>>)
            %dma_wait3A_801 = arith.constant 0 : i32
            %dma_wait3A_802 = arith.constant 0 : i32
            %dma_wait3A_803 = tpu.memref_slice %arg27[%dma_wait3A_801, %dma_wait3A_802] : memref<1040x128xf32, #tpu.memory_space<vmem_shared>> -> memref<1040x128xf32, #tpu.memory_space<vmem_shared>>
            tpu.wait_indirect_dma semaphore(%arg38 : memref<!tpu.dma_semaphore, #tpu.memory_space<semaphore_mem>>) src(%arg23 : memref<80x128xf32, #tpu.memory_space<vmem>>) dst(%dma_wait3A_803 : memref<1040x128xf32, #tpu.memory_space<vmem_shared>>)
          } else {
          }
        } else {
        }
        %mul3A_759 = arith.constant 80 : i32
        %mul3A_760 = arith.muli %add3A_559, %mul3A_759 : i32
        %add3A_761 = arith.addi %mul3A_2, %mul3A_760 : i32
        %dma_start3A_762 = tpu.memref_slice %arg4[%add3A_761] : memref<320000xi32, #tpu.memory_space<hbm>> -> memref<80xi32, #tpu.memory_space<hbm>>
        %dma_start3A_763 = tpu.memref_slice %arg4[%add3A_761] : memref<320000xi32, #tpu.memory_space<hbm>> -> memref<80xi32, #tpu.memory_space<hbm>>
        tpu.enqueue_dma source(%dma_start3A_763 : memref<80xi32, #tpu.memory_space<hbm>>) target(%arg17 : memref<80xi32, #tpu.memory_space<vmem>>) target_semaphore(%arg33 : memref<!tpu.dma_semaphore, #tpu.memory_space<semaphore_mem>>)
        %dma_start3A_764 = arith.constant 0 : i32
        %dma_start3A_765 = tpu.memref_slice %arg2[%add3A_761, %dma_start3A_764] : memref<320000x128xf32, #tpu.memory_space<hbm>> -> memref<80x128xf32, #tpu.memory_space<hbm>>
        %dma_start3A_766 = arith.constant 0 : i32
        %dma_start3A_767 = tpu.memref_slice %arg2[%add3A_761, %dma_start3A_766] : memref<320000x128xf32, #tpu.memory_space<hbm>> -> memref<80x128xf32, #tpu.memory_space<hbm>>
        tpu.enqueue_dma source(%dma_start3A_767 : memref<80x128xf32, #tpu.memory_space<hbm>>) target(%arg12 : memref<80x128xf32, #tpu.memory_space<vmem>>) target_semaphore(%arg33 : memref<!tpu.dma_semaphore, #tpu.memory_space<semaphore_mem>>)
      } else {
      }
      %mul3A_565 = arith.constant 5 : i32
      %mul3A_566 = arith.muli %mul3A_565, %scan3A_441 : i32
      %add3A_567 = arith.constant 2 : i32
      %add3A_568 = arith.addi %mul3A_566, %add3A_567 : i32
      %mul3A_569 = arith.constant 80 : i32
      %mul3A_570 = arith.muli %add3A_568, %mul3A_569 : i32
      %add3A_571 = arith.addi %mul3A_2, %mul3A_570 : i32
      %dma_wait3A_572 = tpu.memref_slice %arg4[%add3A_571] : memref<320000xi32, #tpu.memory_space<hbm>> -> memref<80xi32, #tpu.memory_space<hbm>>
      %dma_wait3A_573 = tpu.memref_slice %arg4[%add3A_571] : memref<320000xi32, #tpu.memory_space<hbm>> -> memref<80xi32, #tpu.memory_space<hbm>>
      tpu.wait_dma2 semaphore(%arg31 : memref<!tpu.dma_semaphore, #tpu.memory_space<semaphore_mem>>) src(%dma_wait3A_573 : memref<80xi32, #tpu.memory_space<hbm>>) dst(%arg15 : memref<80xi32, #tpu.memory_space<vmem>>)
      %dma_wait3A_574 = arith.constant 0 : i32
      %dma_wait3A_575 = tpu.memref_slice %arg2[%add3A_571, %dma_wait3A_574] : memref<320000x128xf32, #tpu.memory_space<hbm>> -> memref<80x128xf32, #tpu.memory_space<hbm>>
      %dma_wait3A_576 = arith.constant 0 : i32
      %dma_wait3A_577 = tpu.memref_slice %arg2[%add3A_571, %dma_wait3A_576] : memref<320000x128xf32, #tpu.memory_space<hbm>> -> memref<80x128xf32, #tpu.memory_space<hbm>>
      tpu.wait_dma2 semaphore(%arg31 : memref<!tpu.dma_semaphore, #tpu.memory_space<semaphore_mem>>) src(%dma_wait3A_577 : memref<80x128xf32, #tpu.memory_space<hbm>>) dst(%arg10 : memref<80x128xf32, #tpu.memory_space<vmem>>)
      %get3A_578 = arith.constant 0 : index
      %get3A_579 = tpu.vector_load %arg15[%get3A_578] {strides = array<i32>} : memref<80xi32, #tpu.memory_space<vmem>>, vector<16xi32>,
      %get3A_580 = vector.shape_cast %get3A_579 : vector<16xi32> to vector<16xi32>
      %eq3A_581 = arith.constant 0 : i32
      %eq3A_582 = vector.broadcast %eq3A_581 : i32 to vector<16xi32>
      %eq3A_583 = arith.cmpi eq, %iota3A, %eq3A_582 : vector<16xi32>
      %jit3A_584 = arith.constant 1024 : i32
      %broadcast_in_dim3A_585 = vector.broadcast %jit3A_584 : i32 to vector<16xi32>
      %select_n3A_586 = arith.select %eq3A_583, %get3A_580, %broadcast_in_dim3A_585 : vector<16xi1>, vector<16xi32>
      %swap3A_587 = arith.constant 0 : index
      %swap3A_588 = tpu.vector_load %arg20[%swap3A_587] {strides = array<i32>} : memref<16xi32, #tpu.memory_space<vmem>>, vector<16xi32>,
      %swap3A_589 = vector.shape_cast %swap3A_588 : vector<16xi32> to vector<16xi32>
      %swap3A_590 = vector.shape_cast %select_n3A_586 : vector<16xi32> to vector<16xi32>
      tpu.vector_store %arg20[%swap3A_587], %swap3A_590 {strides = array<i32>} : memref<16xi32, #tpu.memory_space<vmem>>, vector<16xi32>,
      %get3A_591 = arith.constant 0 : index
      %get3A_592 = tpu.vector_load %arg15[%get3A_591] {strides = array<i32>} : memref<80xi32, #tpu.memory_space<vmem>>, vector<16xi32>,
      %get3A_593 = vector.shape_cast %get3A_592 : vector<16xi32> to vector<16xi32>
      %get3A_594 = arith.constant 64 : index
      %get3A_595 = tpu.vector_load %arg15[%get3A_594] {strides = array<i32>} : memref<80xi32, #tpu.memory_space<vmem>>, vector<16xi32>,
      %get3A_596 = vector.shape_cast %get3A_595 : vector<16xi32> to vector<16xi32>
      %slice3A_597 = vector.extract_strided_slice %get3A_593 {offsets = [0], sizes = [1], strides = [1]} : vector<16xi32> to vector<1xi32>
      %squeeze3A_598 = vector.extract %slice3A_597[0] : i32 from vector<1xi32>
      %slice3A_599 = vector.extract_strided_slice %get3A_596 {offsets = [15], sizes = [1], strides = [1]} : vector<16xi32> to vector<1xi32>
      %squeeze3A_600 = vector.extract %slice3A_599[0] : i32 from vector<1xi32>
      %eq3A_601 = arith.cmpi eq, %squeeze3A_598, %squeeze3A_600 : i32
      %convert_element_type3A_602 = arith.extui %eq3A_601 : i1 to i32
      %cond3A_603 = arith.constant 0 : i32
      %cond3A_604 = arith.cmpi ne, %convert_element_type3A_602, %cond3A_603 : i32
      scf.if %cond3A_604 {
        %broadcast_in_dim3A_755 = arith.constant 0.000000e+00 : f32
        %broadcast_in_dim3A_756 = vector.broadcast %broadcast_in_dim3A_755 : f32 to vector<16xf32>
        %broadcast_in_dim3A_757 = arith.constant 0.000000e+00 : f32
        %broadcast_in_dim3A_758 = vector.broadcast %broadcast_in_dim3A_757 : f32 to vector<16xf32>
        %broadcast_in_dim3A_759 = arith.constant 0.000000e+00 : f32
        %broadcast_in_dim3A_760 = vector.broadcast %broadcast_in_dim3A_759 : f32 to vector<16xf32>
        %broadcast_in_dim3A_761 = arith.constant 0.000000e+00 : f32
        %broadcast_in_dim3A_762 = vector.broadcast %broadcast_in_dim3A_761 : f32 to vector<16xf32>
        %broadcast_in_dim3A_763 = arith.constant 0.000000e+00 : f32
        %broadcast_in_dim3A_764 = vector.broadcast %broadcast_in_dim3A_763 : f32 to vector<16xf32>
        %broadcast_in_dim3A_765 = arith.constant 0.000000e+00 : f32
        %broadcast_in_dim3A_766 = vector.broadcast %broadcast_in_dim3A_765 : f32 to vector<16xf32>
        %broadcast_in_dim3A_767 = arith.constant 0.000000e+00 : f32
        %broadcast_in_dim3A_768 = vector.broadcast %broadcast_in_dim3A_767 : f32 to vector<16xf32>
        %broadcast_in_dim3A_769 = arith.constant 0.000000e+00 : f32
        %broadcast_in_dim3A_770 = vector.broadcast %broadcast_in_dim3A_769 : f32 to vector<16xf32>
        %scan3A_771 = arith.constant 0 : i32
        %scan3A_772 = arith.constant 80 : i32
        %scan3A_773 = arith.addi %scan3A_771, %scan3A_772 : i32
        %scan3A_774 = arith.constant 1 : i32
        %scan3A_775:8 = scf.for %scan3A_834 = %scan3A_771 to %scan3A_773 step %scan3A_774 iter_args(%scan3A_835 = %broadcast_in_dim3A_756, %scan3A_836 = %broadcast_in_dim3A_758, %scan3A_837 = %broadcast_in_dim3A_760, %scan3A_838 = %broadcast_in_dim3A_762, %scan3A_839 = %broadcast_in_dim3A_764, %scan3A_840 = %broadcast_in_dim3A_766, %scan3A_841 = %broadcast_in_dim3A_768, %scan3A_842 = %broadcast_in_dim3A_770) -> (vector<16xf32>, vector<16xf32>, vector<16xf32>, vector<16xf32>, vector<16xf32>, vector<16xf32>, vector<16xf32>, vector<16xf32>)  : i32 {
          %get3A_843 = arith.index_cast %scan3A_834 : i32 to index
          %get3A_844 = arith.constant 0 : index
          %get3A_845 = tpu.vector_load %arg10[%get3A_843, %get3A_844] {strides = array<i32>} : memref<80x128xf32, #tpu.memory_space<vmem>>, vector<1x16xf32>,
          %get3A_846 = vector.shape_cast %get3A_845 : vector<1x16xf32> to vector<16xf32>
          %add3A_847 = arith.addf %scan3A_835, %get3A_846 : vector<16xf32>
          %get3A_848 = arith.index_cast %scan3A_834 : i32 to index
          %get3A_849 = arith.constant 16 : index
          %get3A_850 = tpu.vector_load %arg10[%get3A_848, %get3A_849] {strides = array<i32>} : memref<80x128xf32, #tpu.memory_space<vmem>>, vector<1x16xf32>,
          %get3A_851 = vector.shape_cast %get3A_850 : vector<1x16xf32> to vector<16xf32>
          %add3A_852 = arith.addf %scan3A_836, %get3A_851 : vector<16xf32>
          %get3A_853 = arith.index_cast %scan3A_834 : i32 to index
          %get3A_854 = arith.constant 32 : index
          %get3A_855 = tpu.vector_load %arg10[%get3A_853, %get3A_854] {strides = array<i32>} : memref<80x128xf32, #tpu.memory_space<vmem>>, vector<1x16xf32>,
          %get3A_856 = vector.shape_cast %get3A_855 : vector<1x16xf32> to vector<16xf32>
          %add3A_857 = arith.addf %scan3A_837, %get3A_856 : vector<16xf32>
          %get3A_858 = arith.index_cast %scan3A_834 : i32 to index
          %get3A_859 = arith.constant 48 : index
          %get3A_860 = tpu.vector_load %arg10[%get3A_858, %get3A_859] {strides = array<i32>} : memref<80x128xf32, #tpu.memory_space<vmem>>, vector<1x16xf32>,
          %get3A_861 = vector.shape_cast %get3A_860 : vector<1x16xf32> to vector<16xf32>
          %add3A_862 = arith.addf %scan3A_838, %get3A_861 : vector<16xf32>
          %get3A_863 = arith.index_cast %scan3A_834 : i32 to index
          %get3A_864 = arith.constant 64 : index
          %get3A_865 = tpu.vector_load %arg10[%get3A_863, %get3A_864] {strides = array<i32>} : memref<80x128xf32, #tpu.memory_space<vmem>>, vector<1x16xf32>,
          %get3A_866 = vector.shape_cast %get3A_865 : vector<1x16xf32> to vector<16xf32>
          %add3A_867 = arith.addf %scan3A_839, %get3A_866 : vector<16xf32>
          %get3A_868 = arith.index_cast %scan3A_834 : i32 to index
          %get3A_869 = arith.constant 80 : index
          %get3A_870 = tpu.vector_load %arg10[%get3A_868, %get3A_869] {strides = array<i32>} : memref<80x128xf32, #tpu.memory_space<vmem>>, vector<1x16xf32>,
          %get3A_871 = vector.shape_cast %get3A_870 : vector<1x16xf32> to vector<16xf32>
          %add3A_872 = arith.addf %scan3A_840, %get3A_871 : vector<16xf32>
          %get3A_873 = arith.index_cast %scan3A_834 : i32 to index
          %get3A_874 = arith.constant 96 : index
          %get3A_875 = tpu.vector_load %arg10[%get3A_873, %get3A_874] {strides = array<i32>} : memref<80x128xf32, #tpu.memory_space<vmem>>, vector<1x16xf32>,
          %get3A_876 = vector.shape_cast %get3A_875 : vector<1x16xf32> to vector<16xf32>
          %add3A_877 = arith.addf %scan3A_841, %get3A_876 : vector<16xf32>
          %get3A_878 = arith.index_cast %scan3A_834 : i32 to index
          %get3A_879 = arith.constant 112 : index
          %get3A_880 = tpu.vector_load %arg10[%get3A_878, %get3A_879] {strides = array<i32>} : memref<80x128xf32, #tpu.memory_space<vmem>>, vector<1x16xf32>,
          %get3A_881 = vector.shape_cast %get3A_880 : vector<1x16xf32> to vector<16xf32>
          %add3A_882 = arith.addf %scan3A_842, %get3A_881 : vector<16xf32>
          scf.yield %add3A_847, %add3A_852, %add3A_857, %add3A_862, %add3A_867, %add3A_872, %add3A_877, %add3A_882 : vector<16xf32>, vector<16xf32>, vector<16xf32>, vector<16xf32>, vector<16xf32>, vector<16xf32>, vector<16xf32>, vector<16xf32>
        }
        %scan3A_776 = arith.constant 80 : i32
        %swap3A_777 = arith.constant 0 : i32
        %swap3A_778 = arith.index_cast %swap3A_777 : i32 to index
        %swap3A_779 = arith.constant 0 : index
        %swap3A_780 = tpu.vector_load %arg10[%swap3A_778, %swap3A_779] {strides = array<i32>} : memref<80x128xf32, #tpu.memory_space<vmem>>, vector<1x16xf32>,
        %swap3A_781 = vector.shape_cast %swap3A_780 : vector<1x16xf32> to vector<16xf32>
        %swap3A_782 = vector.shape_cast %scan3A_775#0 : vector<16xf32> to vector<1x16xf32>
        tpu.vector_store %arg10[%swap3A_778, %swap3A_779], %swap3A_782 {strides = array<i32>} : memref<80x128xf32, #tpu.memory_space<vmem>>, vector<1x16xf32>,
        %swap3A_783 = arith.constant 0 : i32
        %swap3A_784 = arith.index_cast %swap3A_783 : i32 to index
        %swap3A_785 = arith.constant 16 : index
        %swap3A_786 = tpu.vector_load %arg10[%swap3A_784, %swap3A_785] {strides = array<i32>} : memref<80x128xf32, #tpu.memory_space<vmem>>, vector<1x16xf32>,
        %swap3A_787 = vector.shape_cast %swap3A_786 : vector<1x16xf32> to vector<16xf32>
        %swap3A_788 = vector.shape_cast %scan3A_775#1 : vector<16xf32> to vector<1x16xf32>
        tpu.vector_store %arg10[%swap3A_784, %swap3A_785], %swap3A_788 {strides = array<i32>} : memref<80x128xf32, #tpu.memory_space<vmem>>, vector<1x16xf32>,
        %swap3A_789 = arith.constant 0 : i32
        %swap3A_790 = arith.index_cast %swap3A_789 : i32 to index
        %swap3A_791 = arith.constant 32 : index
        %swap3A_792 = tpu.vector_load %arg10[%swap3A_790, %swap3A_791] {strides = array<i32>} : memref<80x128xf32, #tpu.memory_space<vmem>>, vector<1x16xf32>,
        %swap3A_793 = vector.shape_cast %swap3A_792 : vector<1x16xf32> to vector<16xf32>
        %swap3A_794 = vector.shape_cast %scan3A_775#2 : vector<16xf32> to vector<1x16xf32>
        tpu.vector_store %arg10[%swap3A_790, %swap3A_791], %swap3A_794 {strides = array<i32>} : memref<80x128xf32, #tpu.memory_space<vmem>>, vector<1x16xf32>,
        %swap3A_795 = arith.constant 0 : i32
        %swap3A_796 = arith.index_cast %swap3A_795 : i32 to index
        %swap3A_797 = arith.constant 48 : index
        %swap3A_798 = tpu.vector_load %arg10[%swap3A_796, %swap3A_797] {strides = array<i32>} : memref<80x128xf32, #tpu.memory_space<vmem>>, vector<1x16xf32>,
        %swap3A_799 = vector.shape_cast %swap3A_798 : vector<1x16xf32> to vector<16xf32>
        %swap3A_800 = vector.shape_cast %scan3A_775#3 : vector<16xf32> to vector<1x16xf32>
        tpu.vector_store %arg10[%swap3A_796, %swap3A_797], %swap3A_800 {strides = array<i32>} : memref<80x128xf32, #tpu.memory_space<vmem>>, vector<1x16xf32>,
        %swap3A_801 = arith.constant 0 : i32
        %swap3A_802 = arith.index_cast %swap3A_801 : i32 to index
        %swap3A_803 = arith.constant 64 : index
        %swap3A_804 = tpu.vector_load %arg10[%swap3A_802, %swap3A_803] {strides = array<i32>} : memref<80x128xf32, #tpu.memory_space<vmem>>, vector<1x16xf32>,
        %swap3A_805 = vector.shape_cast %swap3A_804 : vector<1x16xf32> to vector<16xf32>
        %swap3A_806 = vector.shape_cast %scan3A_775#4 : vector<16xf32> to vector<1x16xf32>
        tpu.vector_store %arg10[%swap3A_802, %swap3A_803], %swap3A_806 {strides = array<i32>} : memref<80x128xf32, #tpu.memory_space<vmem>>, vector<1x16xf32>,
        %swap3A_807 = arith.constant 0 : i32
        %swap3A_808 = arith.index_cast %swap3A_807 : i32 to index
        %swap3A_809 = arith.constant 80 : index
        %swap3A_810 = tpu.vector_load %arg10[%swap3A_808, %swap3A_809] {strides = array<i32>} : memref<80x128xf32, #tpu.memory_space<vmem>>, vector<1x16xf32>,
        %swap3A_811 = vector.shape_cast %swap3A_810 : vector<1x16xf32> to vector<16xf32>
        %swap3A_812 = vector.shape_cast %scan3A_775#5 : vector<16xf32> to vector<1x16xf32>
        tpu.vector_store %arg10[%swap3A_808, %swap3A_809], %swap3A_812 {strides = array<i32>} : memref<80x128xf32, #tpu.memory_space<vmem>>, vector<1x16xf32>,
        %swap3A_813 = arith.constant 0 : i32
        %swap3A_814 = arith.index_cast %swap3A_813 : i32 to index
        %swap3A_815 = arith.constant 96 : index
        %swap3A_816 = tpu.vector_load %arg10[%swap3A_814, %swap3A_815] {strides = array<i32>} : memref<80x128xf32, #tpu.memory_space<vmem>>, vector<1x16xf32>,
        %swap3A_817 = vector.shape_cast %swap3A_816 : vector<1x16xf32> to vector<16xf32>
        %swap3A_818 = vector.shape_cast %scan3A_775#6 : vector<16xf32> to vector<1x16xf32>
        tpu.vector_store %arg10[%swap3A_814, %swap3A_815], %swap3A_818 {strides = array<i32>} : memref<80x128xf32, #tpu.memory_space<vmem>>, vector<1x16xf32>,
        %swap3A_819 = arith.constant 0 : i32
        %swap3A_820 = arith.index_cast %swap3A_819 : i32 to index
        %swap3A_821 = arith.constant 112 : index
        %swap3A_822 = tpu.vector_load %arg10[%swap3A_820, %swap3A_821] {strides = array<i32>} : memref<80x128xf32, #tpu.memory_space<vmem>>, vector<1x16xf32>,
        %swap3A_823 = vector.shape_cast %swap3A_822 : vector<1x16xf32> to vector<16xf32>
        %swap3A_824 = vector.shape_cast %scan3A_775#7 : vector<16xf32> to vector<1x16xf32>
        tpu.vector_store %arg10[%swap3A_820, %swap3A_821], %swap3A_824 {strides = array<i32>} : memref<80x128xf32, #tpu.memory_space<vmem>>, vector<1x16xf32>,
        %dma_start3A_825 = arith.constant 0 : i32
        %dma_start3A_826 = arith.constant 0 : i32
        %dma_start3A_827 = tpu.memref_slice %arg10[%dma_start3A_825, %dma_start3A_826] : memref<80x128xf32, #tpu.memory_space<vmem>> -> memref<16x128xf32, #tpu.memory_space<vmem>>
        %dma_start3A_828 = arith.constant 0 : i32
        %dma_start3A_829 = arith.constant 0 : i32
        %dma_start3A_830 = tpu.memref_slice %arg25[%dma_start3A_828, %dma_start3A_829] : memref<1040x128xf32, #tpu.memory_space<vmem_shared>> -> memref<1040x128xf32, #tpu.memory_space<vmem_shared>>
        tpu.enqueue_indirect_dma source(%dma_start3A_827 : memref<16x128xf32, #tpu.memory_space<vmem>>) target(%dma_start3A_830 : memref<1040x128xf32, #tpu.memory_space<vmem_shared>>) offsets(%arg20 : memref<16xi32, #tpu.memory_space<vmem>>) semaphore(%arg36 : memref<!tpu.dma_semaphore, #tpu.memory_space<semaphore_mem>>) {add = true}
        %dma_start3A_831 = arith.constant 0 : i32
        %dma_start3A_832 = arith.constant 0 : i32
        %dma_start3A_833 = tpu.memref_slice %arg27[%dma_start3A_831, %dma_start3A_832] : memref<1040x128xf32, #tpu.memory_space<vmem_shared>> -> memref<1040x128xf32, #tpu.memory_space<vmem_shared>>
        tpu.enqueue_indirect_dma source(%arg24 : memref<16x128xf32, #tpu.memory_space<vmem>>) target(%dma_start3A_833 : memref<1040x128xf32, #tpu.memory_space<vmem_shared>>) offsets(%arg20 : memref<16xi32, #tpu.memory_space<vmem>>) semaphore(%arg36 : memref<!tpu.dma_semaphore, #tpu.memory_space<semaphore_mem>>) {add = true}
      } else {
      }
      %get3A_605 = arith.constant 0 : index
      %get3A_606 = tpu.vector_load %arg15[%get3A_605] {strides = array<i32>} : memref<80xi32, #tpu.memory_space<vmem>>, vector<16xi32>,
      %get3A_607 = vector.shape_cast %get3A_606 : vector<16xi32> to vector<16xi32>
      %get3A_608 = arith.constant 64 : index
      %get3A_609 = tpu.vector_load %arg15[%get3A_608] {strides = array<i32>} : memref<80xi32, #tpu.memory_space<vmem>>, vector<16xi32>,
      %get3A_610 = vector.shape_cast %get3A_609 : vector<16xi32> to vector<16xi32>
      %slice3A_611 = vector.extract_strided_slice %get3A_607 {offsets = [0], sizes = [1], strides = [1]} : vector<16xi32> to vector<1xi32>
      %squeeze3A_612 = vector.extract %slice3A_611[0] : i32 from vector<1xi32>
      %slice3A_613 = vector.extract_strided_slice %get3A_610 {offsets = [15], sizes = [1], strides = [1]} : vector<16xi32> to vector<1xi32>
      %squeeze3A_614 = vector.extract %slice3A_613[0] : i32 from vector<1xi32>
      %eq3A_615 = arith.cmpi eq, %squeeze3A_612, %squeeze3A_614 : i32
      %not3A_616 = arith.constant true
      %not3A_617 = arith.xori %eq3A_615, %not3A_616 : i1
      %convert_element_type3A_618 = arith.extui %not3A_617 : i1 to i32
      %cond3A_619 = arith.constant 0 : i32
      %cond3A_620 = arith.cmpi ne, %convert_element_type3A_618, %cond3A_619 : i32
      scf.if %cond3A_620 {
        %dma_start3A_755 = arith.constant 0 : i32
        %dma_start3A_756 = arith.constant 0 : i32
        %dma_start3A_757 = tpu.memref_slice %arg25[%dma_start3A_755, %dma_start3A_756] : memref<1040x128xf32, #tpu.memory_space<vmem_shared>> -> memref<1040x128xf32, #tpu.memory_space<vmem_shared>>
        tpu.enqueue_indirect_dma source(%arg10 : memref<80x128xf32, #tpu.memory_space<vmem>>) target(%dma_start3A_757 : memref<1040x128xf32, #tpu.memory_space<vmem_shared>>) offsets(%arg15 : memref<80xi32, #tpu.memory_space<vmem>>) semaphore(%arg36 : memref<!tpu.dma_semaphore, #tpu.memory_space<semaphore_mem>>) {add = true}
        %dma_start3A_758 = arith.constant 0 : i32
        %dma_start3A_759 = arith.constant 0 : i32
        %dma_start3A_760 = tpu.memref_slice %arg27[%dma_start3A_758, %dma_start3A_759] : memref<1040x128xf32, #tpu.memory_space<vmem_shared>> -> memref<1040x128xf32, #tpu.memory_space<vmem_shared>>
        tpu.enqueue_indirect_dma source(%arg23 : memref<80x128xf32, #tpu.memory_space<vmem>>) target(%dma_start3A_760 : memref<1040x128xf32, #tpu.memory_space<vmem_shared>>) offsets(%arg15 : memref<80xi32, #tpu.memory_space<vmem>>) semaphore(%arg36 : memref<!tpu.dma_semaphore, #tpu.memory_space<semaphore_mem>>) {add = true}
      } else {
      }
      %add3A_621 = arith.constant 3 : i32
      %add3A_622 = arith.addi %add3A_568, %add3A_621 : i32
      %lt3A_623 = arith.constant 125 : i32
      %lt3A_624 = arith.cmpi slt, %add3A_622, %lt3A_623 : i32
      %convert_element_type3A_625 = arith.extui %lt3A_624 : i1 to i32
      %cond3A_626 = arith.constant 0 : i32
      %cond3A_627 = arith.cmpi ne, %convert_element_type3A_625, %cond3A_626 : i32
      scf.if %cond3A_627 {
        %ge3A = arith.constant 5 : i32
        %ge3A_755 = arith.cmpi sge, %add3A_622, %ge3A : i32
        %convert_element_type3A_756 = arith.extui %ge3A_755 : i1 to i32
        %cond3A_757 = arith.constant 0 : i32
        %cond3A_758 = arith.cmpi ne, %convert_element_type3A_756, %cond3A_757 : i32
        scf.if %cond3A_758 {
          %get3A_768 = arith.constant 0 : index
          %get3A_769 = tpu.vector_load %arg13[%get3A_768] {strides = array<i32>} : memref<80xi32, #tpu.memory_space<vmem>>, vector<16xi32>,
          %get3A_770 = vector.shape_cast %get3A_769 : vector<16xi32> to vector<16xi32>
          %get3A_771 = arith.constant 64 : index
          %get3A_772 = tpu.vector_load %arg13[%get3A_771] {strides = array<i32>} : memref<80xi32, #tpu.memory_space<vmem>>, vector<16xi32>,
          %get3A_773 = vector.shape_cast %get3A_772 : vector<16xi32> to vector<16xi32>
          %slice3A_774 = vector.extract_strided_slice %get3A_770 {offsets = [0], sizes = [1], strides = [1]} : vector<16xi32> to vector<1xi32>
          %squeeze3A_775 = vector.extract %slice3A_774[0] : i32 from vector<1xi32>
          %slice3A_776 = vector.extract_strided_slice %get3A_773 {offsets = [15], sizes = [1], strides = [1]} : vector<16xi32> to vector<1xi32>
          %squeeze3A_777 = vector.extract %slice3A_776[0] : i32 from vector<1xi32>
          %eq3A_778 = arith.cmpi eq, %squeeze3A_775, %squeeze3A_777 : i32
          %convert_element_type3A_779 = arith.extui %eq3A_778 : i1 to i32
          %cond3A_780 = arith.constant 0 : i32
          %cond3A_781 = arith.cmpi ne, %convert_element_type3A_779, %cond3A_780 : i32
          scf.if %cond3A_781 {
            %dma_wait3A_798 = arith.constant 0 : i32
            %dma_wait3A_799 = arith.constant 0 : i32
            %dma_wait3A_800 = tpu.memref_slice %arg8[%dma_wait3A_798, %dma_wait3A_799] : memref<80x128xf32, #tpu.memory_space<vmem>> -> memref<16x128xf32, #tpu.memory_space<vmem>>
            %dma_wait3A_801 = arith.constant 0 : i32
            %dma_wait3A_802 = arith.constant 0 : i32
            %dma_wait3A_803 = tpu.memref_slice %arg25[%dma_wait3A_801, %dma_wait3A_802] : memref<1040x128xf32, #tpu.memory_space<vmem_shared>> -> memref<1040x128xf32, #tpu.memory_space<vmem_shared>>
            tpu.wait_indirect_dma semaphore(%arg34 : memref<!tpu.dma_semaphore, #tpu.memory_space<semaphore_mem>>) src(%dma_wait3A_800 : memref<16x128xf32, #tpu.memory_space<vmem>>) dst(%dma_wait3A_803 : memref<1040x128xf32, #tpu.memory_space<vmem_shared>>)
            %dma_wait3A_804 = arith.constant 0 : i32
            %dma_wait3A_805 = arith.constant 0 : i32
            %dma_wait3A_806 = tpu.memref_slice %arg27[%dma_wait3A_804, %dma_wait3A_805] : memref<1040x128xf32, #tpu.memory_space<vmem_shared>> -> memref<1040x128xf32, #tpu.memory_space<vmem_shared>>
            tpu.wait_indirect_dma semaphore(%arg34 : memref<!tpu.dma_semaphore, #tpu.memory_space<semaphore_mem>>) src(%arg24 : memref<16x128xf32, #tpu.memory_space<vmem>>) dst(%dma_wait3A_806 : memref<1040x128xf32, #tpu.memory_space<vmem_shared>>)
          } else {
          }
          %get3A_782 = arith.constant 0 : index
          %get3A_783 = tpu.vector_load %arg13[%get3A_782] {strides = array<i32>} : memref<80xi32, #tpu.memory_space<vmem>>, vector<16xi32>,
          %get3A_784 = vector.shape_cast %get3A_783 : vector<16xi32> to vector<16xi32>
          %get3A_785 = arith.constant 64 : index
          %get3A_786 = tpu.vector_load %arg13[%get3A_785] {strides = array<i32>} : memref<80xi32, #tpu.memory_space<vmem>>, vector<16xi32>,
          %get3A_787 = vector.shape_cast %get3A_786 : vector<16xi32> to vector<16xi32>
          %slice3A_788 = vector.extract_strided_slice %get3A_784 {offsets = [0], sizes = [1], strides = [1]} : vector<16xi32> to vector<1xi32>
          %squeeze3A_789 = vector.extract %slice3A_788[0] : i32 from vector<1xi32>
          %slice3A_790 = vector.extract_strided_slice %get3A_787 {offsets = [15], sizes = [1], strides = [1]} : vector<16xi32> to vector<1xi32>
          %squeeze3A_791 = vector.extract %slice3A_790[0] : i32 from vector<1xi32>
          %eq3A_792 = arith.cmpi eq, %squeeze3A_789, %squeeze3A_791 : i32
          %not3A_793 = arith.constant true
          %not3A_794 = arith.xori %eq3A_792, %not3A_793 : i1
          %convert_element_type3A_795 = arith.extui %not3A_794 : i1 to i32
          %cond3A_796 = arith.constant 0 : i32
          %cond3A_797 = arith.cmpi ne, %convert_element_type3A_795, %cond3A_796 : i32
          scf.if %cond3A_797 {
            %dma_wait3A_798 = arith.constant 0 : i32
            %dma_wait3A_799 = arith.constant 0 : i32
            %dma_wait3A_800 = tpu.memref_slice %arg25[%dma_wait3A_798, %dma_wait3A_799] : memref<1040x128xf32, #tpu.memory_space<vmem_shared>> -> memref<1040x128xf32, #tpu.memory_space<vmem_shared>>
            tpu.wait_indirect_dma semaphore(%arg34 : memref<!tpu.dma_semaphore, #tpu.memory_space<semaphore_mem>>) src(%arg8 : memref<80x128xf32, #tpu.memory_space<vmem>>) dst(%dma_wait3A_800 : memref<1040x128xf32, #tpu.memory_space<vmem_shared>>)
            %dma_wait3A_801 = arith.constant 0 : i32
            %dma_wait3A_802 = arith.constant 0 : i32
            %dma_wait3A_803 = tpu.memref_slice %arg27[%dma_wait3A_801, %dma_wait3A_802] : memref<1040x128xf32, #tpu.memory_space<vmem_shared>> -> memref<1040x128xf32, #tpu.memory_space<vmem_shared>>
            tpu.wait_indirect_dma semaphore(%arg34 : memref<!tpu.dma_semaphore, #tpu.memory_space<semaphore_mem>>) src(%arg23 : memref<80x128xf32, #tpu.memory_space<vmem>>) dst(%dma_wait3A_803 : memref<1040x128xf32, #tpu.memory_space<vmem_shared>>)
          } else {
          }
        } else {
        }
        %mul3A_759 = arith.constant 80 : i32
        %mul3A_760 = arith.muli %add3A_622, %mul3A_759 : i32
        %add3A_761 = arith.addi %mul3A_2, %mul3A_760 : i32
        %dma_start3A_762 = tpu.memref_slice %arg4[%add3A_761] : memref<320000xi32, #tpu.memory_space<hbm>> -> memref<80xi32, #tpu.memory_space<hbm>>
        %dma_start3A_763 = tpu.memref_slice %arg4[%add3A_761] : memref<320000xi32, #tpu.memory_space<hbm>> -> memref<80xi32, #tpu.memory_space<hbm>>
        tpu.enqueue_dma source(%dma_start3A_763 : memref<80xi32, #tpu.memory_space<hbm>>) target(%arg13 : memref<80xi32, #tpu.memory_space<vmem>>) target_semaphore(%arg29 : memref<!tpu.dma_semaphore, #tpu.memory_space<semaphore_mem>>)
        %dma_start3A_764 = arith.constant 0 : i32
        %dma_start3A_765 = tpu.memref_slice %arg2[%add3A_761, %dma_start3A_764] : memref<320000x128xf32, #tpu.memory_space<hbm>> -> memref<80x128xf32, #tpu.memory_space<hbm>>
        %dma_start3A_766 = arith.constant 0 : i32
        %dma_start3A_767 = tpu.memref_slice %arg2[%add3A_761, %dma_start3A_766] : memref<320000x128xf32, #tpu.memory_space<hbm>> -> memref<80x128xf32, #tpu.memory_space<hbm>>
        tpu.enqueue_dma source(%dma_start3A_767 : memref<80x128xf32, #tpu.memory_space<hbm>>) target(%arg8 : memref<80x128xf32, #tpu.memory_space<vmem>>) target_semaphore(%arg29 : memref<!tpu.dma_semaphore, #tpu.memory_space<semaphore_mem>>)
      } else {
      }
      %mul3A_628 = arith.constant 5 : i32
      %mul3A_629 = arith.muli %mul3A_628, %scan3A_441 : i32
      %add3A_630 = arith.constant 3 : i32
      %add3A_631 = arith.addi %mul3A_629, %add3A_630 : i32
      %mul3A_632 = arith.constant 80 : i32
      %mul3A_633 = arith.muli %add3A_631, %mul3A_632 : i32
      %add3A_634 = arith.addi %mul3A_2, %mul3A_633 : i32
      %dma_wait3A_635 = tpu.memref_slice %arg4[%add3A_634] : memref<320000xi32, #tpu.memory_space<hbm>> -> memref<80xi32, #tpu.memory_space<hbm>>
      %dma_wait3A_636 = tpu.memref_slice %arg4[%add3A_634] : memref<320000xi32, #tpu.memory_space<hbm>> -> memref<80xi32, #tpu.memory_space<hbm>>
      tpu.wait_dma2 semaphore(%arg32 : memref<!tpu.dma_semaphore, #tpu.memory_space<semaphore_mem>>) src(%dma_wait3A_636 : memref<80xi32, #tpu.memory_space<hbm>>) dst(%arg16 : memref<80xi32, #tpu.memory_space<vmem>>)
      %dma_wait3A_637 = arith.constant 0 : i32
      %dma_wait3A_638 = tpu.memref_slice %arg2[%add3A_634, %dma_wait3A_637] : memref<320000x128xf32, #tpu.memory_space<hbm>> -> memref<80x128xf32, #tpu.memory_space<hbm>>
      %dma_wait3A_639 = arith.constant 0 : i32
      %dma_wait3A_640 = tpu.memref_slice %arg2[%add3A_634, %dma_wait3A_639] : memref<320000x128xf32, #tpu.memory_space<hbm>> -> memref<80x128xf32, #tpu.memory_space<hbm>>
      tpu.wait_dma2 semaphore(%arg32 : memref<!tpu.dma_semaphore, #tpu.memory_space<semaphore_mem>>) src(%dma_wait3A_640 : memref<80x128xf32, #tpu.memory_space<hbm>>) dst(%arg11 : memref<80x128xf32, #tpu.memory_space<vmem>>)
      %get3A_641 = arith.constant 0 : index
      %get3A_642 = tpu.vector_load %arg16[%get3A_641] {strides = array<i32>} : memref<80xi32, #tpu.memory_space<vmem>>, vector<16xi32>,
      %get3A_643 = vector.shape_cast %get3A_642 : vector<16xi32> to vector<16xi32>
      %eq3A_644 = arith.constant 0 : i32
      %eq3A_645 = vector.broadcast %eq3A_644 : i32 to vector<16xi32>
      %eq3A_646 = arith.cmpi eq, %iota3A, %eq3A_645 : vector<16xi32>
      %jit3A_647 = arith.constant 1024 : i32
      %broadcast_in_dim3A_648 = vector.broadcast %jit3A_647 : i32 to vector<16xi32>
      %select_n3A_649 = arith.select %eq3A_646, %get3A_643, %broadcast_in_dim3A_648 : vector<16xi1>, vector<16xi32>
      %swap3A_650 = arith.constant 0 : index
      %swap3A_651 = tpu.vector_load %arg21[%swap3A_650] {strides = array<i32>} : memref<16xi32, #tpu.memory_space<vmem>>, vector<16xi32>,
      %swap3A_652 = vector.shape_cast %swap3A_651 : vector<16xi32> to vector<16xi32>
      %swap3A_653 = vector.shape_cast %select_n3A_649 : vector<16xi32> to vector<16xi32>
      tpu.vector_store %arg21[%swap3A_650], %swap3A_653 {strides = array<i32>} : memref<16xi32, #tpu.memory_space<vmem>>, vector<16xi32>,
      %get3A_654 = arith.constant 0 : index
      %get3A_655 = tpu.vector_load %arg16[%get3A_654] {strides = array<i32>} : memref<80xi32, #tpu.memory_space<vmem>>, vector<16xi32>,
      %get3A_656 = vector.shape_cast %get3A_655 : vector<16xi32> to vector<16xi32>
      %get3A_657 = arith.constant 64 : index
      %get3A_658 = tpu.vector_load %arg16[%get3A_657] {strides = array<i32>} : memref<80xi32, #tpu.memory_space<vmem>>, vector<16xi32>,
      %get3A_659 = vector.shape_cast %get3A_658 : vector<16xi32> to vector<16xi32>
      %slice3A_660 = vector.extract_strided_slice %get3A_656 {offsets = [0], sizes = [1], strides = [1]} : vector<16xi32> to vector<1xi32>
      %squeeze3A_661 = vector.extract %slice3A_660[0] : i32 from vector<1xi32>
      %slice3A_662 = vector.extract_strided_slice %get3A_659 {offsets = [15], sizes = [1], strides = [1]} : vector<16xi32> to vector<1xi32>
      %squeeze3A_663 = vector.extract %slice3A_662[0] : i32 from vector<1xi32>
      %eq3A_664 = arith.cmpi eq, %squeeze3A_661, %squeeze3A_663 : i32
      %convert_element_type3A_665 = arith.extui %eq3A_664 : i1 to i32
      %cond3A_666 = arith.constant 0 : i32
      %cond3A_667 = arith.cmpi ne, %convert_element_type3A_665, %cond3A_666 : i32
      scf.if %cond3A_667 {
        %broadcast_in_dim3A_755 = arith.constant 0.000000e+00 : f32
        %broadcast_in_dim3A_756 = vector.broadcast %broadcast_in_dim3A_755 : f32 to vector<16xf32>
        %broadcast_in_dim3A_757 = arith.constant 0.000000e+00 : f32
        %broadcast_in_dim3A_758 = vector.broadcast %broadcast_in_dim3A_757 : f32 to vector<16xf32>
        %broadcast_in_dim3A_759 = arith.constant 0.000000e+00 : f32
        %broadcast_in_dim3A_760 = vector.broadcast %broadcast_in_dim3A_759 : f32 to vector<16xf32>
        %broadcast_in_dim3A_761 = arith.constant 0.000000e+00 : f32
        %broadcast_in_dim3A_762 = vector.broadcast %broadcast_in_dim3A_761 : f32 to vector<16xf32>
        %broadcast_in_dim3A_763 = arith.constant 0.000000e+00 : f32
        %broadcast_in_dim3A_764 = vector.broadcast %broadcast_in_dim3A_763 : f32 to vector<16xf32>
        %broadcast_in_dim3A_765 = arith.constant 0.000000e+00 : f32
        %broadcast_in_dim3A_766 = vector.broadcast %broadcast_in_dim3A_765 : f32 to vector<16xf32>
        %broadcast_in_dim3A_767 = arith.constant 0.000000e+00 : f32
        %broadcast_in_dim3A_768 = vector.broadcast %broadcast_in_dim3A_767 : f32 to vector<16xf32>
        %broadcast_in_dim3A_769 = arith.constant 0.000000e+00 : f32
        %broadcast_in_dim3A_770 = vector.broadcast %broadcast_in_dim3A_769 : f32 to vector<16xf32>
        %scan3A_771 = arith.constant 0 : i32
        %scan3A_772 = arith.constant 80 : i32
        %scan3A_773 = arith.addi %scan3A_771, %scan3A_772 : i32
        %scan3A_774 = arith.constant 1 : i32
        %scan3A_775:8 = scf.for %scan3A_834 = %scan3A_771 to %scan3A_773 step %scan3A_774 iter_args(%scan3A_835 = %broadcast_in_dim3A_756, %scan3A_836 = %broadcast_in_dim3A_758, %scan3A_837 = %broadcast_in_dim3A_760, %scan3A_838 = %broadcast_in_dim3A_762, %scan3A_839 = %broadcast_in_dim3A_764, %scan3A_840 = %broadcast_in_dim3A_766, %scan3A_841 = %broadcast_in_dim3A_768, %scan3A_842 = %broadcast_in_dim3A_770) -> (vector<16xf32>, vector<16xf32>, vector<16xf32>, vector<16xf32>, vector<16xf32>, vector<16xf32>, vector<16xf32>, vector<16xf32>)  : i32 {
          %get3A_843 = arith.index_cast %scan3A_834 : i32 to index
          %get3A_844 = arith.constant 0 : index
          %get3A_845 = tpu.vector_load %arg11[%get3A_843, %get3A_844] {strides = array<i32>} : memref<80x128xf32, #tpu.memory_space<vmem>>, vector<1x16xf32>,
          %get3A_846 = vector.shape_cast %get3A_845 : vector<1x16xf32> to vector<16xf32>
          %add3A_847 = arith.addf %scan3A_835, %get3A_846 : vector<16xf32>
          %get3A_848 = arith.index_cast %scan3A_834 : i32 to index
          %get3A_849 = arith.constant 16 : index
          %get3A_850 = tpu.vector_load %arg11[%get3A_848, %get3A_849] {strides = array<i32>} : memref<80x128xf32, #tpu.memory_space<vmem>>, vector<1x16xf32>,
          %get3A_851 = vector.shape_cast %get3A_850 : vector<1x16xf32> to vector<16xf32>
          %add3A_852 = arith.addf %scan3A_836, %get3A_851 : vector<16xf32>
          %get3A_853 = arith.index_cast %scan3A_834 : i32 to index
          %get3A_854 = arith.constant 32 : index
          %get3A_855 = tpu.vector_load %arg11[%get3A_853, %get3A_854] {strides = array<i32>} : memref<80x128xf32, #tpu.memory_space<vmem>>, vector<1x16xf32>,
          %get3A_856 = vector.shape_cast %get3A_855 : vector<1x16xf32> to vector<16xf32>
          %add3A_857 = arith.addf %scan3A_837, %get3A_856 : vector<16xf32>
          %get3A_858 = arith.index_cast %scan3A_834 : i32 to index
          %get3A_859 = arith.constant 48 : index
          %get3A_860 = tpu.vector_load %arg11[%get3A_858, %get3A_859] {strides = array<i32>} : memref<80x128xf32, #tpu.memory_space<vmem>>, vector<1x16xf32>,
          %get3A_861 = vector.shape_cast %get3A_860 : vector<1x16xf32> to vector<16xf32>
          %add3A_862 = arith.addf %scan3A_838, %get3A_861 : vector<16xf32>
          %get3A_863 = arith.index_cast %scan3A_834 : i32 to index
          %get3A_864 = arith.constant 64 : index
          %get3A_865 = tpu.vector_load %arg11[%get3A_863, %get3A_864] {strides = array<i32>} : memref<80x128xf32, #tpu.memory_space<vmem>>, vector<1x16xf32>,
          %get3A_866 = vector.shape_cast %get3A_865 : vector<1x16xf32> to vector<16xf32>
          %add3A_867 = arith.addf %scan3A_839, %get3A_866 : vector<16xf32>
          %get3A_868 = arith.index_cast %scan3A_834 : i32 to index
          %get3A_869 = arith.constant 80 : index
          %get3A_870 = tpu.vector_load %arg11[%get3A_868, %get3A_869] {strides = array<i32>} : memref<80x128xf32, #tpu.memory_space<vmem>>, vector<1x16xf32>,
          %get3A_871 = vector.shape_cast %get3A_870 : vector<1x16xf32> to vector<16xf32>
          %add3A_872 = arith.addf %scan3A_840, %get3A_871 : vector<16xf32>
          %get3A_873 = arith.index_cast %scan3A_834 : i32 to index
          %get3A_874 = arith.constant 96 : index
          %get3A_875 = tpu.vector_load %arg11[%get3A_873, %get3A_874] {strides = array<i32>} : memref<80x128xf32, #tpu.memory_space<vmem>>, vector<1x16xf32>,
          %get3A_876 = vector.shape_cast %get3A_875 : vector<1x16xf32> to vector<16xf32>
          %add3A_877 = arith.addf %scan3A_841, %get3A_876 : vector<16xf32>
          %get3A_878 = arith.index_cast %scan3A_834 : i32 to index
          %get3A_879 = arith.constant 112 : index
          %get3A_880 = tpu.vector_load %arg11[%get3A_878, %get3A_879] {strides = array<i32>} : memref<80x128xf32, #tpu.memory_space<vmem>>, vector<1x16xf32>,
          %get3A_881 = vector.shape_cast %get3A_880 : vector<1x16xf32> to vector<16xf32>
          %add3A_882 = arith.addf %scan3A_842, %get3A_881 : vector<16xf32>
          scf.yield %add3A_847, %add3A_852, %add3A_857, %add3A_862, %add3A_867, %add3A_872, %add3A_877, %add3A_882 : vector<16xf32>, vector<16xf32>, vector<16xf32>, vector<16xf32>, vector<16xf32>, vector<16xf32>, vector<16xf32>, vector<16xf32>
        }
        %scan3A_776 = arith.constant 80 : i32
        %swap3A_777 = arith.constant 0 : i32
        %swap3A_778 = arith.index_cast %swap3A_777 : i32 to index
        %swap3A_779 = arith.constant 0 : index
        %swap3A_780 = tpu.vector_load %arg11[%swap3A_778, %swap3A_779] {strides = array<i32>} : memref<80x128xf32, #tpu.memory_space<vmem>>, vector<1x16xf32>,
        %swap3A_781 = vector.shape_cast %swap3A_780 : vector<1x16xf32> to vector<16xf32>
        %swap3A_782 = vector.shape_cast %scan3A_775#0 : vector<16xf32> to vector<1x16xf32>
        tpu.vector_store %arg11[%swap3A_778, %swap3A_779], %swap3A_782 {strides = array<i32>} : memref<80x128xf32, #tpu.memory_space<vmem>>, vector<1x16xf32>,
        %swap3A_783 = arith.constant 0 : i32
        %swap3A_784 = arith.index_cast %swap3A_783 : i32 to index
        %swap3A_785 = arith.constant 16 : index
        %swap3A_786 = tpu.vector_load %arg11[%swap3A_784, %swap3A_785] {strides = array<i32>} : memref<80x128xf32, #tpu.memory_space<vmem>>, vector<1x16xf32>,
        %swap3A_787 = vector.shape_cast %swap3A_786 : vector<1x16xf32> to vector<16xf32>
        %swap3A_788 = vector.shape_cast %scan3A_775#1 : vector<16xf32> to vector<1x16xf32>
        tpu.vector_store %arg11[%swap3A_784, %swap3A_785], %swap3A_788 {strides = array<i32>} : memref<80x128xf32, #tpu.memory_space<vmem>>, vector<1x16xf32>,
        %swap3A_789 = arith.constant 0 : i32
        %swap3A_790 = arith.index_cast %swap3A_789 : i32 to index
        %swap3A_791 = arith.constant 32 : index
        %swap3A_792 = tpu.vector_load %arg11[%swap3A_790, %swap3A_791] {strides = array<i32>} : memref<80x128xf32, #tpu.memory_space<vmem>>, vector<1x16xf32>,
        %swap3A_793 = vector.shape_cast %swap3A_792 : vector<1x16xf32> to vector<16xf32>
        %swap3A_794 = vector.shape_cast %scan3A_775#2 : vector<16xf32> to vector<1x16xf32>
        tpu.vector_store %arg11[%swap3A_790, %swap3A_791], %swap3A_794 {strides = array<i32>} : memref<80x128xf32, #tpu.memory_space<vmem>>, vector<1x16xf32>,
        %swap3A_795 = arith.constant 0 : i32
        %swap3A_796 = arith.index_cast %swap3A_795 : i32 to index
        %swap3A_797 = arith.constant 48 : index
        %swap3A_798 = tpu.vector_load %arg11[%swap3A_796, %swap3A_797] {strides = array<i32>} : memref<80x128xf32, #tpu.memory_space<vmem>>, vector<1x16xf32>,
        %swap3A_799 = vector.shape_cast %swap3A_798 : vector<1x16xf32> to vector<16xf32>
        %swap3A_800 = vector.shape_cast %scan3A_775#3 : vector<16xf32> to vector<1x16xf32>
        tpu.vector_store %arg11[%swap3A_796, %swap3A_797], %swap3A_800 {strides = array<i32>} : memref<80x128xf32, #tpu.memory_space<vmem>>, vector<1x16xf32>,
        %swap3A_801 = arith.constant 0 : i32
        %swap3A_802 = arith.index_cast %swap3A_801 : i32 to index
        %swap3A_803 = arith.constant 64 : index
        %swap3A_804 = tpu.vector_load %arg11[%swap3A_802, %swap3A_803] {strides = array<i32>} : memref<80x128xf32, #tpu.memory_space<vmem>>, vector<1x16xf32>,
        %swap3A_805 = vector.shape_cast %swap3A_804 : vector<1x16xf32> to vector<16xf32>
        %swap3A_806 = vector.shape_cast %scan3A_775#4 : vector<16xf32> to vector<1x16xf32>
        tpu.vector_store %arg11[%swap3A_802, %swap3A_803], %swap3A_806 {strides = array<i32>} : memref<80x128xf32, #tpu.memory_space<vmem>>, vector<1x16xf32>,
        %swap3A_807 = arith.constant 0 : i32
        %swap3A_808 = arith.index_cast %swap3A_807 : i32 to index
        %swap3A_809 = arith.constant 80 : index
        %swap3A_810 = tpu.vector_load %arg11[%swap3A_808, %swap3A_809] {strides = array<i32>} : memref<80x128xf32, #tpu.memory_space<vmem>>, vector<1x16xf32>,
        %swap3A_811 = vector.shape_cast %swap3A_810 : vector<1x16xf32> to vector<16xf32>
        %swap3A_812 = vector.shape_cast %scan3A_775#5 : vector<16xf32> to vector<1x16xf32>
        tpu.vector_store %arg11[%swap3A_808, %swap3A_809], %swap3A_812 {strides = array<i32>} : memref<80x128xf32, #tpu.memory_space<vmem>>, vector<1x16xf32>,
        %swap3A_813 = arith.constant 0 : i32
        %swap3A_814 = arith.index_cast %swap3A_813 : i32 to index
        %swap3A_815 = arith.constant 96 : index
        %swap3A_816 = tpu.vector_load %arg11[%swap3A_814, %swap3A_815] {strides = array<i32>} : memref<80x128xf32, #tpu.memory_space<vmem>>, vector<1x16xf32>,
        %swap3A_817 = vector.shape_cast %swap3A_816 : vector<1x16xf32> to vector<16xf32>
        %swap3A_818 = vector.shape_cast %scan3A_775#6 : vector<16xf32> to vector<1x16xf32>
        tpu.vector_store %arg11[%swap3A_814, %swap3A_815], %swap3A_818 {strides = array<i32>} : memref<80x128xf32, #tpu.memory_space<vmem>>, vector<1x16xf32>,
        %swap3A_819 = arith.constant 0 : i32
        %swap3A_820 = arith.index_cast %swap3A_819 : i32 to index
        %swap3A_821 = arith.constant 112 : index
        %swap3A_822 = tpu.vector_load %arg11[%swap3A_820, %swap3A_821] {strides = array<i32>} : memref<80x128xf32, #tpu.memory_space<vmem>>, vector<1x16xf32>,
        %swap3A_823 = vector.shape_cast %swap3A_822 : vector<1x16xf32> to vector<16xf32>
        %swap3A_824 = vector.shape_cast %scan3A_775#7 : vector<16xf32> to vector<1x16xf32>
        tpu.vector_store %arg11[%swap3A_820, %swap3A_821], %swap3A_824 {strides = array<i32>} : memref<80x128xf32, #tpu.memory_space<vmem>>, vector<1x16xf32>,
        %dma_start3A_825 = arith.constant 0 : i32
        %dma_start3A_826 = arith.constant 0 : i32
        %dma_start3A_827 = tpu.memref_slice %arg11[%dma_start3A_825, %dma_start3A_826] : memref<80x128xf32, #tpu.memory_space<vmem>> -> memref<16x128xf32, #tpu.memory_space<vmem>>
        %dma_start3A_828 = arith.constant 0 : i32
        %dma_start3A_829 = arith.constant 0 : i32
        %dma_start3A_830 = tpu.memref_slice %arg25[%dma_start3A_828, %dma_start3A_829] : memref<1040x128xf32, #tpu.memory_space<vmem_shared>> -> memref<1040x128xf32, #tpu.memory_space<vmem_shared>>
        tpu.enqueue_indirect_dma source(%dma_start3A_827 : memref<16x128xf32, #tpu.memory_space<vmem>>) target(%dma_start3A_830 : memref<1040x128xf32, #tpu.memory_space<vmem_shared>>) offsets(%arg21 : memref<16xi32, #tpu.memory_space<vmem>>) semaphore(%arg37 : memref<!tpu.dma_semaphore, #tpu.memory_space<semaphore_mem>>) {add = true}
        %dma_start3A_831 = arith.constant 0 : i32
        %dma_start3A_832 = arith.constant 0 : i32
        %dma_start3A_833 = tpu.memref_slice %arg27[%dma_start3A_831, %dma_start3A_832] : memref<1040x128xf32, #tpu.memory_space<vmem_shared>> -> memref<1040x128xf32, #tpu.memory_space<vmem_shared>>
        tpu.enqueue_indirect_dma source(%arg24 : memref<16x128xf32, #tpu.memory_space<vmem>>) target(%dma_start3A_833 : memref<1040x128xf32, #tpu.memory_space<vmem_shared>>) offsets(%arg21 : memref<16xi32, #tpu.memory_space<vmem>>) semaphore(%arg37 : memref<!tpu.dma_semaphore, #tpu.memory_space<semaphore_mem>>) {add = true}
      } else {
      }
      %get3A_668 = arith.constant 0 : index
      %get3A_669 = tpu.vector_load %arg16[%get3A_668] {strides = array<i32>} : memref<80xi32, #tpu.memory_space<vmem>>, vector<16xi32>,
      %get3A_670 = vector.shape_cast %get3A_669 : vector<16xi32> to vector<16xi32>
      %get3A_671 = arith.constant 64 : index
      %get3A_672 = tpu.vector_load %arg16[%get3A_671] {strides = array<i32>} : memref<80xi32, #tpu.memory_space<vmem>>, vector<16xi32>,
      %get3A_673 = vector.shape_cast %get3A_672 : vector<16xi32> to vector<16xi32>
      %slice3A_674 = vector.extract_strided_slice %get3A_670 {offsets = [0], sizes = [1], strides = [1]} : vector<16xi32> to vector<1xi32>
      %squeeze3A_675 = vector.extract %slice3A_674[0] : i32 from vector<1xi32>
      %slice3A_676 = vector.extract_strided_slice %get3A_673 {offsets = [15], sizes = [1], strides = [1]} : vector<16xi32> to vector<1xi32>
      %squeeze3A_677 = vector.extract %slice3A_676[0] : i32 from vector<1xi32>
      %eq3A_678 = arith.cmpi eq, %squeeze3A_675, %squeeze3A_677 : i32
      %not3A_679 = arith.constant true
      %not3A_680 = arith.xori %eq3A_678, %not3A_679 : i1
      %convert_element_type3A_681 = arith.extui %not3A_680 : i1 to i32
      %cond3A_682 = arith.constant 0 : i32
      %cond3A_683 = arith.cmpi ne, %convert_element_type3A_681, %cond3A_682 : i32
      scf.if %cond3A_683 {
        %dma_start3A_755 = arith.constant 0 : i32
        %dma_start3A_756 = arith.constant 0 : i32
        %dma_start3A_757 = tpu.memref_slice %arg25[%dma_start3A_755, %dma_start3A_756] : memref<1040x128xf32, #tpu.memory_space<vmem_shared>> -> memref<1040x128xf32, #tpu.memory_space<vmem_shared>>
        tpu.enqueue_indirect_dma source(%arg11 : memref<80x128xf32, #tpu.memory_space<vmem>>) target(%dma_start3A_757 : memref<1040x128xf32, #tpu.memory_space<vmem_shared>>) offsets(%arg16 : memref<80xi32, #tpu.memory_space<vmem>>) semaphore(%arg37 : memref<!tpu.dma_semaphore, #tpu.memory_space<semaphore_mem>>) {add = true}
        %dma_start3A_758 = arith.constant 0 : i32
        %dma_start3A_759 = arith.constant 0 : i32
        %dma_start3A_760 = tpu.memref_slice %arg27[%dma_start3A_758, %dma_start3A_759] : memref<1040x128xf32, #tpu.memory_space<vmem_shared>> -> memref<1040x128xf32, #tpu.memory_space<vmem_shared>>
        tpu.enqueue_indirect_dma source(%arg23 : memref<80x128xf32, #tpu.memory_space<vmem>>) target(%dma_start3A_760 : memref<1040x128xf32, #tpu.memory_space<vmem_shared>>) offsets(%arg16 : memref<80xi32, #tpu.memory_space<vmem>>) semaphore(%arg37 : memref<!tpu.dma_semaphore, #tpu.memory_space<semaphore_mem>>) {add = true}
      } else {
      }
      %add3A_684 = arith.constant 3 : i32
      %add3A_685 = arith.addi %add3A_631, %add3A_684 : i32
      %lt3A_686 = arith.constant 125 : i32
      %lt3A_687 = arith.cmpi slt, %add3A_685, %lt3A_686 : i32
      %convert_element_type3A_688 = arith.extui %lt3A_687 : i1 to i32
      %cond3A_689 = arith.constant 0 : i32
      %cond3A_690 = arith.cmpi ne, %convert_element_type3A_688, %cond3A_689 : i32
      scf.if %cond3A_690 {
        %ge3A = arith.constant 5 : i32
        %ge3A_755 = arith.cmpi sge, %add3A_685, %ge3A : i32
        %convert_element_type3A_756 = arith.extui %ge3A_755 : i1 to i32
        %cond3A_757 = arith.constant 0 : i32
        %cond3A_758 = arith.cmpi ne, %convert_element_type3A_756, %cond3A_757 : i32
        scf.if %cond3A_758 {
          %get3A_768 = arith.constant 0 : index
          %get3A_769 = tpu.vector_load %arg14[%get3A_768] {strides = array<i32>} : memref<80xi32, #tpu.memory_space<vmem>>, vector<16xi32>,
          %get3A_770 = vector.shape_cast %get3A_769 : vector<16xi32> to vector<16xi32>
          %get3A_771 = arith.constant 64 : index
          %get3A_772 = tpu.vector_load %arg14[%get3A_771] {strides = array<i32>} : memref<80xi32, #tpu.memory_space<vmem>>, vector<16xi32>,
          %get3A_773 = vector.shape_cast %get3A_772 : vector<16xi32> to vector<16xi32>
          %slice3A_774 = vector.extract_strided_slice %get3A_770 {offsets = [0], sizes = [1], strides = [1]} : vector<16xi32> to vector<1xi32>
          %squeeze3A_775 = vector.extract %slice3A_774[0] : i32 from vector<1xi32>
          %slice3A_776 = vector.extract_strided_slice %get3A_773 {offsets = [15], sizes = [1], strides = [1]} : vector<16xi32> to vector<1xi32>
          %squeeze3A_777 = vector.extract %slice3A_776[0] : i32 from vector<1xi32>
          %eq3A_778 = arith.cmpi eq, %squeeze3A_775, %squeeze3A_777 : i32
          %convert_element_type3A_779 = arith.extui %eq3A_778 : i1 to i32
          %cond3A_780 = arith.constant 0 : i32
          %cond3A_781 = arith.cmpi ne, %convert_element_type3A_779, %cond3A_780 : i32
          scf.if %cond3A_781 {
            %dma_wait3A_798 = arith.constant 0 : i32
            %dma_wait3A_799 = arith.constant 0 : i32
            %dma_wait3A_800 = tpu.memref_slice %arg9[%dma_wait3A_798, %dma_wait3A_799] : memref<80x128xf32, #tpu.memory_space<vmem>> -> memref<16x128xf32, #tpu.memory_space<vmem>>
            %dma_wait3A_801 = arith.constant 0 : i32
            %dma_wait3A_802 = arith.constant 0 : i32
            %dma_wait3A_803 = tpu.memref_slice %arg25[%dma_wait3A_801, %dma_wait3A_802] : memref<1040x128xf32, #tpu.memory_space<vmem_shared>> -> memref<1040x128xf32, #tpu.memory_space<vmem_shared>>
            tpu.wait_indirect_dma semaphore(%arg35 : memref<!tpu.dma_semaphore, #tpu.memory_space<semaphore_mem>>) src(%dma_wait3A_800 : memref<16x128xf32, #tpu.memory_space<vmem>>) dst(%dma_wait3A_803 : memref<1040x128xf32, #tpu.memory_space<vmem_shared>>)
            %dma_wait3A_804 = arith.constant 0 : i32
            %dma_wait3A_805 = arith.constant 0 : i32
            %dma_wait3A_806 = tpu.memref_slice %arg27[%dma_wait3A_804, %dma_wait3A_805] : memref<1040x128xf32, #tpu.memory_space<vmem_shared>> -> memref<1040x128xf32, #tpu.memory_space<vmem_shared>>
            tpu.wait_indirect_dma semaphore(%arg35 : memref<!tpu.dma_semaphore, #tpu.memory_space<semaphore_mem>>) src(%arg24 : memref<16x128xf32, #tpu.memory_space<vmem>>) dst(%dma_wait3A_806 : memref<1040x128xf32, #tpu.memory_space<vmem_shared>>)
          } else {
          }
          %get3A_782 = arith.constant 0 : index
          %get3A_783 = tpu.vector_load %arg14[%get3A_782] {strides = array<i32>} : memref<80xi32, #tpu.memory_space<vmem>>, vector<16xi32>,
          %get3A_784 = vector.shape_cast %get3A_783 : vector<16xi32> to vector<16xi32>
          %get3A_785 = arith.constant 64 : index
          %get3A_786 = tpu.vector_load %arg14[%get3A_785] {strides = array<i32>} : memref<80xi32, #tpu.memory_space<vmem>>, vector<16xi32>,
          %get3A_787 = vector.shape_cast %get3A_786 : vector<16xi32> to vector<16xi32>
          %slice3A_788 = vector.extract_strided_slice %get3A_784 {offsets = [0], sizes = [1], strides = [1]} : vector<16xi32> to vector<1xi32>
          %squeeze3A_789 = vector.extract %slice3A_788[0] : i32 from vector<1xi32>
          %slice3A_790 = vector.extract_strided_slice %get3A_787 {offsets = [15], sizes = [1], strides = [1]} : vector<16xi32> to vector<1xi32>
          %squeeze3A_791 = vector.extract %slice3A_790[0] : i32 from vector<1xi32>
          %eq3A_792 = arith.cmpi eq, %squeeze3A_789, %squeeze3A_791 : i32
          %not3A_793 = arith.constant true
          %not3A_794 = arith.xori %eq3A_792, %not3A_793 : i1
          %convert_element_type3A_795 = arith.extui %not3A_794 : i1 to i32
          %cond3A_796 = arith.constant 0 : i32
          %cond3A_797 = arith.cmpi ne, %convert_element_type3A_795, %cond3A_796 : i32
          scf.if %cond3A_797 {
            %dma_wait3A_798 = arith.constant 0 : i32
            %dma_wait3A_799 = arith.constant 0 : i32
            %dma_wait3A_800 = tpu.memref_slice %arg25[%dma_wait3A_798, %dma_wait3A_799] : memref<1040x128xf32, #tpu.memory_space<vmem_shared>> -> memref<1040x128xf32, #tpu.memory_space<vmem_shared>>
            tpu.wait_indirect_dma semaphore(%arg35 : memref<!tpu.dma_semaphore, #tpu.memory_space<semaphore_mem>>) src(%arg9 : memref<80x128xf32, #tpu.memory_space<vmem>>) dst(%dma_wait3A_800 : memref<1040x128xf32, #tpu.memory_space<vmem_shared>>)
            %dma_wait3A_801 = arith.constant 0 : i32
            %dma_wait3A_802 = arith.constant 0 : i32
            %dma_wait3A_803 = tpu.memref_slice %arg27[%dma_wait3A_801, %dma_wait3A_802] : memref<1040x128xf32, #tpu.memory_space<vmem_shared>> -> memref<1040x128xf32, #tpu.memory_space<vmem_shared>>
            tpu.wait_indirect_dma semaphore(%arg35 : memref<!tpu.dma_semaphore, #tpu.memory_space<semaphore_mem>>) src(%arg23 : memref<80x128xf32, #tpu.memory_space<vmem>>) dst(%dma_wait3A_803 : memref<1040x128xf32, #tpu.memory_space<vmem_shared>>)
          } else {
          }
        } else {
        }
        %mul3A_759 = arith.constant 80 : i32
        %mul3A_760 = arith.muli %add3A_685, %mul3A_759 : i32
        %add3A_761 = arith.addi %mul3A_2, %mul3A_760 : i32
        %dma_start3A_762 = tpu.memref_slice %arg4[%add3A_761] : memref<320000xi32, #tpu.memory_space<hbm>> -> memref<80xi32, #tpu.memory_space<hbm>>
        %dma_start3A_763 = tpu.memref_slice %arg4[%add3A_761] : memref<320000xi32, #tpu.memory_space<hbm>> -> memref<80xi32, #tpu.memory_space<hbm>>
        tpu.enqueue_dma source(%dma_start3A_763 : memref<80xi32, #tpu.memory_space<hbm>>) target(%arg14 : memref<80xi32, #tpu.memory_space<vmem>>) target_semaphore(%arg30 : memref<!tpu.dma_semaphore, #tpu.memory_space<semaphore_mem>>)
        %dma_start3A_764 = arith.constant 0 : i32
        %dma_start3A_765 = tpu.memref_slice %arg2[%add3A_761, %dma_start3A_764] : memref<320000x128xf32, #tpu.memory_space<hbm>> -> memref<80x128xf32, #tpu.memory_space<hbm>>
        %dma_start3A_766 = arith.constant 0 : i32
        %dma_start3A_767 = tpu.memref_slice %arg2[%add3A_761, %dma_start3A_766] : memref<320000x128xf32, #tpu.memory_space<hbm>> -> memref<80x128xf32, #tpu.memory_space<hbm>>
        tpu.enqueue_dma source(%dma_start3A_767 : memref<80x128xf32, #tpu.memory_space<hbm>>) target(%arg9 : memref<80x128xf32, #tpu.memory_space<vmem>>) target_semaphore(%arg30 : memref<!tpu.dma_semaphore, #tpu.memory_space<semaphore_mem>>)
      } else {
      }
      %mul3A_691 = arith.constant 5 : i32
      %mul3A_692 = arith.muli %mul3A_691, %scan3A_441 : i32
      %add3A_693 = arith.constant 4 : i32
      %add3A_694 = arith.addi %mul3A_692, %add3A_693 : i32
      %mul3A_695 = arith.constant 80 : i32
      %mul3A_696 = arith.muli %add3A_694, %mul3A_695 : i32
      %add3A_697 = arith.addi %mul3A_2, %mul3A_696 : i32
      %dma_wait3A_698 = tpu.memref_slice %arg4[%add3A_697] : memref<320000xi32, #tpu.memory_space<hbm>> -> memref<80xi32, #tpu.memory_space<hbm>>
      %dma_wait3A_699 = tpu.memref_slice %arg4[%add3A_697] : memref<320000xi32, #tpu.memory_space<hbm>> -> memref<80xi32, #tpu.memory_space<hbm>>
      tpu.wait_dma2 semaphore(%arg33 : memref<!tpu.dma_semaphore, #tpu.memory_space<semaphore_mem>>) src(%dma_wait3A_699 : memref<80xi32, #tpu.memory_space<hbm>>) dst(%arg17 : memref<80xi32, #tpu.memory_space<vmem>>)
      %dma_wait3A_700 = arith.constant 0 : i32
      %dma_wait3A_701 = tpu.memref_slice %arg2[%add3A_697, %dma_wait3A_700] : memref<320000x128xf32, #tpu.memory_space<hbm>> -> memref<80x128xf32, #tpu.memory_space<hbm>>
      %dma_wait3A_702 = arith.constant 0 : i32
      %dma_wait3A_703 = tpu.memref_slice %arg2[%add3A_697, %dma_wait3A_702] : memref<320000x128xf32, #tpu.memory_space<hbm>> -> memref<80x128xf32, #tpu.memory_space<hbm>>
      tpu.wait_dma2 semaphore(%arg33 : memref<!tpu.dma_semaphore, #tpu.memory_space<semaphore_mem>>) src(%dma_wait3A_703 : memref<80x128xf32, #tpu.memory_space<hbm>>) dst(%arg12 : memref<80x128xf32, #tpu.memory_space<vmem>>)
      %get3A_704 = arith.constant 0 : index
      %get3A_705 = tpu.vector_load %arg17[%get3A_704] {strides = array<i32>} : memref<80xi32, #tpu.memory_space<vmem>>, vector<16xi32>,
      %get3A_706 = vector.shape_cast %get3A_705 : vector<16xi32> to vector<16xi32>
      %eq3A_707 = arith.constant 0 : i32
      %eq3A_708 = vector.broadcast %eq3A_707 : i32 to vector<16xi32>
      %eq3A_709 = arith.cmpi eq, %iota3A, %eq3A_708 : vector<16xi32>
      %jit3A_710 = arith.constant 1024 : i32
      %broadcast_in_dim3A_711 = vector.broadcast %jit3A_710 : i32 to vector<16xi32>
      %select_n3A_712 = arith.select %eq3A_709, %get3A_706, %broadcast_in_dim3A_711 : vector<16xi1>, vector<16xi32>
      %swap3A_713 = arith.constant 0 : index
      %swap3A_714 = tpu.vector_load %arg22[%swap3A_713] {strides = array<i32>} : memref<16xi32, #tpu.memory_space<vmem>>, vector<16xi32>,
      %swap3A_715 = vector.shape_cast %swap3A_714 : vector<16xi32> to vector<16xi32>
      %swap3A_716 = vector.shape_cast %select_n3A_712 : vector<16xi32> to vector<16xi32>
      tpu.vector_store %arg22[%swap3A_713], %swap3A_716 {strides = array<i32>} : memref<16xi32, #tpu.memory_space<vmem>>, vector<16xi32>,
      %get3A_717 = arith.constant 0 : index
      %get3A_718 = tpu.vector_load %arg17[%get3A_717] {strides = array<i32>} : memref<80xi32, #tpu.memory_space<vmem>>, vector<16xi32>,
      %get3A_719 = vector.shape_cast %get3A_718 : vector<16xi32> to vector<16xi32>
      %get3A_720 = arith.constant 64 : index
      %get3A_721 = tpu.vector_load %arg17[%get3A_720] {strides = array<i32>} : memref<80xi32, #tpu.memory_space<vmem>>, vector<16xi32>,
      %get3A_722 = vector.shape_cast %get3A_721 : vector<16xi32> to vector<16xi32>
      %slice3A_723 = vector.extract_strided_slice %get3A_719 {offsets = [0], sizes = [1], strides = [1]} : vector<16xi32> to vector<1xi32>
      %squeeze3A_724 = vector.extract %slice3A_723[0] : i32 from vector<1xi32>
      %slice3A_725 = vector.extract_strided_slice %get3A_722 {offsets = [15], sizes = [1], strides = [1]} : vector<16xi32> to vector<1xi32>
      %squeeze3A_726 = vector.extract %slice3A_725[0] : i32 from vector<1xi32>
      %eq3A_727 = arith.cmpi eq, %squeeze3A_724, %squeeze3A_726 : i32
      %convert_element_type3A_728 = arith.extui %eq3A_727 : i1 to i32
      %cond3A_729 = arith.constant 0 : i32
      %cond3A_730 = arith.cmpi ne, %convert_element_type3A_728, %cond3A_729 : i32
      scf.if %cond3A_730 {
        %broadcast_in_dim3A_755 = arith.constant 0.000000e+00 : f32
        %broadcast_in_dim3A_756 = vector.broadcast %broadcast_in_dim3A_755 : f32 to vector<16xf32>
        %broadcast_in_dim3A_757 = arith.constant 0.000000e+00 : f32
        %broadcast_in_dim3A_758 = vector.broadcast %broadcast_in_dim3A_757 : f32 to vector<16xf32>
        %broadcast_in_dim3A_759 = arith.constant 0.000000e+00 : f32
        %broadcast_in_dim3A_760 = vector.broadcast %broadcast_in_dim3A_759 : f32 to vector<16xf32>
        %broadcast_in_dim3A_761 = arith.constant 0.000000e+00 : f32
        %broadcast_in_dim3A_762 = vector.broadcast %broadcast_in_dim3A_761 : f32 to vector<16xf32>
        %broadcast_in_dim3A_763 = arith.constant 0.000000e+00 : f32
        %broadcast_in_dim3A_764 = vector.broadcast %broadcast_in_dim3A_763 : f32 to vector<16xf32>
        %broadcast_in_dim3A_765 = arith.constant 0.000000e+00 : f32
        %broadcast_in_dim3A_766 = vector.broadcast %broadcast_in_dim3A_765 : f32 to vector<16xf32>
        %broadcast_in_dim3A_767 = arith.constant 0.000000e+00 : f32
        %broadcast_in_dim3A_768 = vector.broadcast %broadcast_in_dim3A_767 : f32 to vector<16xf32>
        %broadcast_in_dim3A_769 = arith.constant 0.000000e+00 : f32
        %broadcast_in_dim3A_770 = vector.broadcast %broadcast_in_dim3A_769 : f32 to vector<16xf32>
        %scan3A_771 = arith.constant 0 : i32
        %scan3A_772 = arith.constant 80 : i32
        %scan3A_773 = arith.addi %scan3A_771, %scan3A_772 : i32
        %scan3A_774 = arith.constant 1 : i32
        %scan3A_775:8 = scf.for %scan3A_834 = %scan3A_771 to %scan3A_773 step %scan3A_774 iter_args(%scan3A_835 = %broadcast_in_dim3A_756, %scan3A_836 = %broadcast_in_dim3A_758, %scan3A_837 = %broadcast_in_dim3A_760, %scan3A_838 = %broadcast_in_dim3A_762, %scan3A_839 = %broadcast_in_dim3A_764, %scan3A_840 = %broadcast_in_dim3A_766, %scan3A_841 = %broadcast_in_dim3A_768, %scan3A_842 = %broadcast_in_dim3A_770) -> (vector<16xf32>, vector<16xf32>, vector<16xf32>, vector<16xf32>, vector<16xf32>, vector<16xf32>, vector<16xf32>, vector<16xf32>)  : i32 {
          %get3A_843 = arith.index_cast %scan3A_834 : i32 to index
          %get3A_844 = arith.constant 0 : index
          %get3A_845 = tpu.vector_load %arg12[%get3A_843, %get3A_844] {strides = array<i32>} : memref<80x128xf32, #tpu.memory_space<vmem>>, vector<1x16xf32>,
          %get3A_846 = vector.shape_cast %get3A_845 : vector<1x16xf32> to vector<16xf32>
          %add3A_847 = arith.addf %scan3A_835, %get3A_846 : vector<16xf32>
          %get3A_848 = arith.index_cast %scan3A_834 : i32 to index
          %get3A_849 = arith.constant 16 : index
          %get3A_850 = tpu.vector_load %arg12[%get3A_848, %get3A_849] {strides = array<i32>} : memref<80x128xf32, #tpu.memory_space<vmem>>, vector<1x16xf32>,
          %get3A_851 = vector.shape_cast %get3A_850 : vector<1x16xf32> to vector<16xf32>
          %add3A_852 = arith.addf %scan3A_836, %get3A_851 : vector<16xf32>
          %get3A_853 = arith.index_cast %scan3A_834 : i32 to index
          %get3A_854 = arith.constant 32 : index
          %get3A_855 = tpu.vector_load %arg12[%get3A_853, %get3A_854] {strides = array<i32>} : memref<80x128xf32, #tpu.memory_space<vmem>>, vector<1x16xf32>,
          %get3A_856 = vector.shape_cast %get3A_855 : vector<1x16xf32> to vector<16xf32>
          %add3A_857 = arith.addf %scan3A_837, %get3A_856 : vector<16xf32>
          %get3A_858 = arith.index_cast %scan3A_834 : i32 to index
          %get3A_859 = arith.constant 48 : index
          %get3A_860 = tpu.vector_load %arg12[%get3A_858, %get3A_859] {strides = array<i32>} : memref<80x128xf32, #tpu.memory_space<vmem>>, vector<1x16xf32>,
          %get3A_861 = vector.shape_cast %get3A_860 : vector<1x16xf32> to vector<16xf32>
          %add3A_862 = arith.addf %scan3A_838, %get3A_861 : vector<16xf32>
          %get3A_863 = arith.index_cast %scan3A_834 : i32 to index
          %get3A_864 = arith.constant 64 : index
          %get3A_865 = tpu.vector_load %arg12[%get3A_863, %get3A_864] {strides = array<i32>} : memref<80x128xf32, #tpu.memory_space<vmem>>, vector<1x16xf32>,
          %get3A_866 = vector.shape_cast %get3A_865 : vector<1x16xf32> to vector<16xf32>
          %add3A_867 = arith.addf %scan3A_839, %get3A_866 : vector<16xf32>
          %get3A_868 = arith.index_cast %scan3A_834 : i32 to index
          %get3A_869 = arith.constant 80 : index
          %get3A_870 = tpu.vector_load %arg12[%get3A_868, %get3A_869] {strides = array<i32>} : memref<80x128xf32, #tpu.memory_space<vmem>>, vector<1x16xf32>,
          %get3A_871 = vector.shape_cast %get3A_870 : vector<1x16xf32> to vector<16xf32>
          %add3A_872 = arith.addf %scan3A_840, %get3A_871 : vector<16xf32>
          %get3A_873 = arith.index_cast %scan3A_834 : i32 to index
          %get3A_874 = arith.constant 96 : index
          %get3A_875 = tpu.vector_load %arg12[%get3A_873, %get3A_874] {strides = array<i32>} : memref<80x128xf32, #tpu.memory_space<vmem>>, vector<1x16xf32>,
          %get3A_876 = vector.shape_cast %get3A_875 : vector<1x16xf32> to vector<16xf32>
          %add3A_877 = arith.addf %scan3A_841, %get3A_876 : vector<16xf32>
          %get3A_878 = arith.index_cast %scan3A_834 : i32 to index
          %get3A_879 = arith.constant 112 : index
          %get3A_880 = tpu.vector_load %arg12[%get3A_878, %get3A_879] {strides = array<i32>} : memref<80x128xf32, #tpu.memory_space<vmem>>, vector<1x16xf32>,
          %get3A_881 = vector.shape_cast %get3A_880 : vector<1x16xf32> to vector<16xf32>
          %add3A_882 = arith.addf %scan3A_842, %get3A_881 : vector<16xf32>
          scf.yield %add3A_847, %add3A_852, %add3A_857, %add3A_862, %add3A_867, %add3A_872, %add3A_877, %add3A_882 : vector<16xf32>, vector<16xf32>, vector<16xf32>, vector<16xf32>, vector<16xf32>, vector<16xf32>, vector<16xf32>, vector<16xf32>
        }
        %scan3A_776 = arith.constant 80 : i32
        %swap3A_777 = arith.constant 0 : i32
        %swap3A_778 = arith.index_cast %swap3A_777 : i32 to index
        %swap3A_779 = arith.constant 0 : index
        %swap3A_780 = tpu.vector_load %arg12[%swap3A_778, %swap3A_779] {strides = array<i32>} : memref<80x128xf32, #tpu.memory_space<vmem>>, vector<1x16xf32>,
        %swap3A_781 = vector.shape_cast %swap3A_780 : vector<1x16xf32> to vector<16xf32>
        %swap3A_782 = vector.shape_cast %scan3A_775#0 : vector<16xf32> to vector<1x16xf32>
        tpu.vector_store %arg12[%swap3A_778, %swap3A_779], %swap3A_782 {strides = array<i32>} : memref<80x128xf32, #tpu.memory_space<vmem>>, vector<1x16xf32>,
        %swap3A_783 = arith.constant 0 : i32
        %swap3A_784 = arith.index_cast %swap3A_783 : i32 to index
        %swap3A_785 = arith.constant 16 : index
        %swap3A_786 = tpu.vector_load %arg12[%swap3A_784, %swap3A_785] {strides = array<i32>} : memref<80x128xf32, #tpu.memory_space<vmem>>, vector<1x16xf32>,
        %swap3A_787 = vector.shape_cast %swap3A_786 : vector<1x16xf32> to vector<16xf32>
        %swap3A_788 = vector.shape_cast %scan3A_775#1 : vector<16xf32> to vector<1x16xf32>
        tpu.vector_store %arg12[%swap3A_784, %swap3A_785], %swap3A_788 {strides = array<i32>} : memref<80x128xf32, #tpu.memory_space<vmem>>, vector<1x16xf32>,
        %swap3A_789 = arith.constant 0 : i32
        %swap3A_790 = arith.index_cast %swap3A_789 : i32 to index
        %swap3A_791 = arith.constant 32 : index
        %swap3A_792 = tpu.vector_load %arg12[%swap3A_790, %swap3A_791] {strides = array<i32>} : memref<80x128xf32, #tpu.memory_space<vmem>>, vector<1x16xf32>,
        %swap3A_793 = vector.shape_cast %swap3A_792 : vector<1x16xf32> to vector<16xf32>
        %swap3A_794 = vector.shape_cast %scan3A_775#2 : vector<16xf32> to vector<1x16xf32>
        tpu.vector_store %arg12[%swap3A_790, %swap3A_791], %swap3A_794 {strides = array<i32>} : memref<80x128xf32, #tpu.memory_space<vmem>>, vector<1x16xf32>,
        %swap3A_795 = arith.constant 0 : i32
        %swap3A_796 = arith.index_cast %swap3A_795 : i32 to index
        %swap3A_797 = arith.constant 48 : index
        %swap3A_798 = tpu.vector_load %arg12[%swap3A_796, %swap3A_797] {strides = array<i32>} : memref<80x128xf32, #tpu.memory_space<vmem>>, vector<1x16xf32>,
        %swap3A_799 = vector.shape_cast %swap3A_798 : vector<1x16xf32> to vector<16xf32>
        %swap3A_800 = vector.shape_cast %scan3A_775#3 : vector<16xf32> to vector<1x16xf32>
        tpu.vector_store %arg12[%swap3A_796, %swap3A_797], %swap3A_800 {strides = array<i32>} : memref<80x128xf32, #tpu.memory_space<vmem>>, vector<1x16xf32>,
        %swap3A_801 = arith.constant 0 : i32
        %swap3A_802 = arith.index_cast %swap3A_801 : i32 to index
        %swap3A_803 = arith.constant 64 : index
        %swap3A_804 = tpu.vector_load %arg12[%swap3A_802, %swap3A_803] {strides = array<i32>} : memref<80x128xf32, #tpu.memory_space<vmem>>, vector<1x16xf32>,
        %swap3A_805 = vector.shape_cast %swap3A_804 : vector<1x16xf32> to vector<16xf32>
        %swap3A_806 = vector.shape_cast %scan3A_775#4 : vector<16xf32> to vector<1x16xf32>
        tpu.vector_store %arg12[%swap3A_802, %swap3A_803], %swap3A_806 {strides = array<i32>} : memref<80x128xf32, #tpu.memory_space<vmem>>, vector<1x16xf32>,
        %swap3A_807 = arith.constant 0 : i32
        %swap3A_808 = arith.index_cast %swap3A_807 : i32 to index
        %swap3A_809 = arith.constant 80 : index
        %swap3A_810 = tpu.vector_load %arg12[%swap3A_808, %swap3A_809] {strides = array<i32>} : memref<80x128xf32, #tpu.memory_space<vmem>>, vector<1x16xf32>,
        %swap3A_811 = vector.shape_cast %swap3A_810 : vector<1x16xf32> to vector<16xf32>
        %swap3A_812 = vector.shape_cast %scan3A_775#5 : vector<16xf32> to vector<1x16xf32>
        tpu.vector_store %arg12[%swap3A_808, %swap3A_809], %swap3A_812 {strides = array<i32>} : memref<80x128xf32, #tpu.memory_space<vmem>>, vector<1x16xf32>,
        %swap3A_813 = arith.constant 0 : i32
        %swap3A_814 = arith.index_cast %swap3A_813 : i32 to index
        %swap3A_815 = arith.constant 96 : index
        %swap3A_816 = tpu.vector_load %arg12[%swap3A_814, %swap3A_815] {strides = array<i32>} : memref<80x128xf32, #tpu.memory_space<vmem>>, vector<1x16xf32>,
        %swap3A_817 = vector.shape_cast %swap3A_816 : vector<1x16xf32> to vector<16xf32>
        %swap3A_818 = vector.shape_cast %scan3A_775#6 : vector<16xf32> to vector<1x16xf32>
        tpu.vector_store %arg12[%swap3A_814, %swap3A_815], %swap3A_818 {strides = array<i32>} : memref<80x128xf32, #tpu.memory_space<vmem>>, vector<1x16xf32>,
        %swap3A_819 = arith.constant 0 : i32
        %swap3A_820 = arith.index_cast %swap3A_819 : i32 to index
        %swap3A_821 = arith.constant 112 : index
        %swap3A_822 = tpu.vector_load %arg12[%swap3A_820, %swap3A_821] {strides = array<i32>} : memref<80x128xf32, #tpu.memory_space<vmem>>, vector<1x16xf32>,
        %swap3A_823 = vector.shape_cast %swap3A_822 : vector<1x16xf32> to vector<16xf32>
        %swap3A_824 = vector.shape_cast %scan3A_775#7 : vector<16xf32> to vector<1x16xf32>
        tpu.vector_store %arg12[%swap3A_820, %swap3A_821], %swap3A_824 {strides = array<i32>} : memref<80x128xf32, #tpu.memory_space<vmem>>, vector<1x16xf32>,
        %dma_start3A_825 = arith.constant 0 : i32
        %dma_start3A_826 = arith.constant 0 : i32
        %dma_start3A_827 = tpu.memref_slice %arg12[%dma_start3A_825, %dma_start3A_826] : memref<80x128xf32, #tpu.memory_space<vmem>> -> memref<16x128xf32, #tpu.memory_space<vmem>>
        %dma_start3A_828 = arith.constant 0 : i32
        %dma_start3A_829 = arith.constant 0 : i32
        %dma_start3A_830 = tpu.memref_slice %arg25[%dma_start3A_828, %dma_start3A_829] : memref<1040x128xf32, #tpu.memory_space<vmem_shared>> -> memref<1040x128xf32, #tpu.memory_space<vmem_shared>>
        tpu.enqueue_indirect_dma source(%dma_start3A_827 : memref<16x128xf32, #tpu.memory_space<vmem>>) target(%dma_start3A_830 : memref<1040x128xf32, #tpu.memory_space<vmem_shared>>) offsets(%arg22 : memref<16xi32, #tpu.memory_space<vmem>>) semaphore(%arg38 : memref<!tpu.dma_semaphore, #tpu.memory_space<semaphore_mem>>) {add = true}
        %dma_start3A_831 = arith.constant 0 : i32
        %dma_start3A_832 = arith.constant 0 : i32
        %dma_start3A_833 = tpu.memref_slice %arg27[%dma_start3A_831, %dma_start3A_832] : memref<1040x128xf32, #tpu.memory_space<vmem_shared>> -> memref<1040x128xf32, #tpu.memory_space<vmem_shared>>
        tpu.enqueue_indirect_dma source(%arg24 : memref<16x128xf32, #tpu.memory_space<vmem>>) target(%dma_start3A_833 : memref<1040x128xf32, #tpu.memory_space<vmem_shared>>) offsets(%arg22 : memref<16xi32, #tpu.memory_space<vmem>>) semaphore(%arg38 : memref<!tpu.dma_semaphore, #tpu.memory_space<semaphore_mem>>) {add = true}
      } else {
      }
      %get3A_731 = arith.constant 0 : index
      %get3A_732 = tpu.vector_load %arg17[%get3A_731] {strides = array<i32>} : memref<80xi32, #tpu.memory_space<vmem>>, vector<16xi32>,
      %get3A_733 = vector.shape_cast %get3A_732 : vector<16xi32> to vector<16xi32>
      %get3A_734 = arith.constant 64 : index
      %get3A_735 = tpu.vector_load %arg17[%get3A_734] {strides = array<i32>} : memref<80xi32, #tpu.memory_space<vmem>>, vector<16xi32>,
      %get3A_736 = vector.shape_cast %get3A_735 : vector<16xi32> to vector<16xi32>
      %slice3A_737 = vector.extract_strided_slice %get3A_733 {offsets = [0], sizes = [1], strides = [1]} : vector<16xi32> to vector<1xi32>
      %squeeze3A_738 = vector.extract %slice3A_737[0] : i32 from vector<1xi32>
      %slice3A_739 = vector.extract_strided_slice %get3A_736 {offsets = [15], sizes = [1], strides = [1]} : vector<16xi32> to vector<1xi32>
      %squeeze3A_740 = vector.extract %slice3A_739[0] : i32 from vector<1xi32>
      %eq3A_741 = arith.cmpi eq, %squeeze3A_738, %squeeze3A_740 : i32
      %not3A_742 = arith.constant true
      %not3A_743 = arith.xori %eq3A_741, %not3A_742 : i1
      %convert_element_type3A_744 = arith.extui %not3A_743 : i1 to i32
      %cond3A_745 = arith.constant 0 : i32
      %cond3A_746 = arith.cmpi ne, %convert_element_type3A_744, %cond3A_745 : i32
      scf.if %cond3A_746 {
        %dma_start3A_755 = arith.constant 0 : i32
        %dma_start3A_756 = arith.constant 0 : i32
        %dma_start3A_757 = tpu.memref_slice %arg25[%dma_start3A_755, %dma_start3A_756] : memref<1040x128xf32, #tpu.memory_space<vmem_shared>> -> memref<1040x128xf32, #tpu.memory_space<vmem_shared>>
        tpu.enqueue_indirect_dma source(%arg12 : memref<80x128xf32, #tpu.memory_space<vmem>>) target(%dma_start3A_757 : memref<1040x128xf32, #tpu.memory_space<vmem_shared>>) offsets(%arg17 : memref<80xi32, #tpu.memory_space<vmem>>) semaphore(%arg38 : memref<!tpu.dma_semaphore, #tpu.memory_space<semaphore_mem>>) {add = true}
        %dma_start3A_758 = arith.constant 0 : i32
        %dma_start3A_759 = arith.constant 0 : i32
        %dma_start3A_760 = tpu.memref_slice %arg27[%dma_start3A_758, %dma_start3A_759] : memref<1040x128xf32, #tpu.memory_space<vmem_shared>> -> memref<1040x128xf32, #tpu.memory_space<vmem_shared>>
        tpu.enqueue_indirect_dma source(%arg23 : memref<80x128xf32, #tpu.memory_space<vmem>>) target(%dma_start3A_760 : memref<1040x128xf32, #tpu.memory_space<vmem_shared>>) offsets(%arg17 : memref<80xi32, #tpu.memory_space<vmem>>) semaphore(%arg38 : memref<!tpu.dma_semaphore, #tpu.memory_space<semaphore_mem>>) {add = true}
      } else {
      }
      %add3A_747 = arith.constant 3 : i32
      %add3A_748 = arith.addi %add3A_694, %add3A_747 : i32
      %lt3A_749 = arith.constant 125 : i32
      %lt3A_750 = arith.cmpi slt, %add3A_748, %lt3A_749 : i32
      %convert_element_type3A_751 = arith.extui %lt3A_750 : i1 to i32
      %cond3A_752 = arith.constant 0 : i32
      %cond3A_753 = arith.cmpi ne, %convert_element_type3A_751, %cond3A_752 : i32
      scf.if %cond3A_753 {
        %ge3A = arith.constant 5 : i32
        %ge3A_755 = arith.cmpi sge, %add3A_748, %ge3A : i32
        %convert_element_type3A_756 = arith.extui %ge3A_755 : i1 to i32
        %cond3A_757 = arith.constant 0 : i32
        %cond3A_758 = arith.cmpi ne, %convert_element_type3A_756, %cond3A_757 : i32
        scf.if %cond3A_758 {
          %get3A_768 = arith.constant 0 : index
          %get3A_769 = tpu.vector_load %arg15[%get3A_768] {strides = array<i32>} : memref<80xi32, #tpu.memory_space<vmem>>, vector<16xi32>,
          %get3A_770 = vector.shape_cast %get3A_769 : vector<16xi32> to vector<16xi32>
          %get3A_771 = arith.constant 64 : index
          %get3A_772 = tpu.vector_load %arg15[%get3A_771] {strides = array<i32>} : memref<80xi32, #tpu.memory_space<vmem>>, vector<16xi32>,
          %get3A_773 = vector.shape_cast %get3A_772 : vector<16xi32> to vector<16xi32>
          %slice3A_774 = vector.extract_strided_slice %get3A_770 {offsets = [0], sizes = [1], strides = [1]} : vector<16xi32> to vector<1xi32>
          %squeeze3A_775 = vector.extract %slice3A_774[0] : i32 from vector<1xi32>
          %slice3A_776 = vector.extract_strided_slice %get3A_773 {offsets = [15], sizes = [1], strides = [1]} : vector<16xi32> to vector<1xi32>
          %squeeze3A_777 = vector.extract %slice3A_776[0] : i32 from vector<1xi32>
          %eq3A_778 = arith.cmpi eq, %squeeze3A_775, %squeeze3A_777 : i32
          %convert_element_type3A_779 = arith.extui %eq3A_778 : i1 to i32
          %cond3A_780 = arith.constant 0 : i32
          %cond3A_781 = arith.cmpi ne, %convert_element_type3A_779, %cond3A_780 : i32
          scf.if %cond3A_781 {
            %dma_wait3A_798 = arith.constant 0 : i32
            %dma_wait3A_799 = arith.constant 0 : i32
            %dma_wait3A_800 = tpu.memref_slice %arg10[%dma_wait3A_798, %dma_wait3A_799] : memref<80x128xf32, #tpu.memory_space<vmem>> -> memref<16x128xf32, #tpu.memory_space<vmem>>
            %dma_wait3A_801 = arith.constant 0 : i32
            %dma_wait3A_802 = arith.constant 0 : i32
            %dma_wait3A_803 = tpu.memref_slice %arg25[%dma_wait3A_801, %dma_wait3A_802] : memref<1040x128xf32, #tpu.memory_space<vmem_shared>> -> memref<1040x128xf32, #tpu.memory_space<vmem_shared>>
            tpu.wait_indirect_dma semaphore(%arg36 : memref<!tpu.dma_semaphore, #tpu.memory_space<semaphore_mem>>) src(%dma_wait3A_800 : memref<16x128xf32, #tpu.memory_space<vmem>>) dst(%dma_wait3A_803 : memref<1040x128xf32, #tpu.memory_space<vmem_shared>>)
            %dma_wait3A_804 = arith.constant 0 : i32
            %dma_wait3A_805 = arith.constant 0 : i32
            %dma_wait3A_806 = tpu.memref_slice %arg27[%dma_wait3A_804, %dma_wait3A_805] : memref<1040x128xf32, #tpu.memory_space<vmem_shared>> -> memref<1040x128xf32, #tpu.memory_space<vmem_shared>>
            tpu.wait_indirect_dma semaphore(%arg36 : memref<!tpu.dma_semaphore, #tpu.memory_space<semaphore_mem>>) src(%arg24 : memref<16x128xf32, #tpu.memory_space<vmem>>) dst(%dma_wait3A_806 : memref<1040x128xf32, #tpu.memory_space<vmem_shared>>)
          } else {
          }
          %get3A_782 = arith.constant 0 : index
          %get3A_783 = tpu.vector_load %arg15[%get3A_782] {strides = array<i32>} : memref<80xi32, #tpu.memory_space<vmem>>, vector<16xi32>,
          %get3A_784 = vector.shape_cast %get3A_783 : vector<16xi32> to vector<16xi32>
          %get3A_785 = arith.constant 64 : index
          %get3A_786 = tpu.vector_load %arg15[%get3A_785] {strides = array<i32>} : memref<80xi32, #tpu.memory_space<vmem>>, vector<16xi32>,
          %get3A_787 = vector.shape_cast %get3A_786 : vector<16xi32> to vector<16xi32>
          %slice3A_788 = vector.extract_strided_slice %get3A_784 {offsets = [0], sizes = [1], strides = [1]} : vector<16xi32> to vector<1xi32>
          %squeeze3A_789 = vector.extract %slice3A_788[0] : i32 from vector<1xi32>
          %slice3A_790 = vector.extract_strided_slice %get3A_787 {offsets = [15], sizes = [1], strides = [1]} : vector<16xi32> to vector<1xi32>
          %squeeze3A_791 = vector.extract %slice3A_790[0] : i32 from vector<1xi32>
          %eq3A_792 = arith.cmpi eq, %squeeze3A_789, %squeeze3A_791 : i32
          %not3A_793 = arith.constant true
          %not3A_794 = arith.xori %eq3A_792, %not3A_793 : i1
          %convert_element_type3A_795 = arith.extui %not3A_794 : i1 to i32
          %cond3A_796 = arith.constant 0 : i32
          %cond3A_797 = arith.cmpi ne, %convert_element_type3A_795, %cond3A_796 : i32
          scf.if %cond3A_797 {
            %dma_wait3A_798 = arith.constant 0 : i32
            %dma_wait3A_799 = arith.constant 0 : i32
            %dma_wait3A_800 = tpu.memref_slice %arg25[%dma_wait3A_798, %dma_wait3A_799] : memref<1040x128xf32, #tpu.memory_space<vmem_shared>> -> memref<1040x128xf32, #tpu.memory_space<vmem_shared>>
            tpu.wait_indirect_dma semaphore(%arg36 : memref<!tpu.dma_semaphore, #tpu.memory_space<semaphore_mem>>) src(%arg10 : memref<80x128xf32, #tpu.memory_space<vmem>>) dst(%dma_wait3A_800 : memref<1040x128xf32, #tpu.memory_space<vmem_shared>>)
            %dma_wait3A_801 = arith.constant 0 : i32
            %dma_wait3A_802 = arith.constant 0 : i32
            %dma_wait3A_803 = tpu.memref_slice %arg27[%dma_wait3A_801, %dma_wait3A_802] : memref<1040x128xf32, #tpu.memory_space<vmem_shared>> -> memref<1040x128xf32, #tpu.memory_space<vmem_shared>>
            tpu.wait_indirect_dma semaphore(%arg36 : memref<!tpu.dma_semaphore, #tpu.memory_space<semaphore_mem>>) src(%arg23 : memref<80x128xf32, #tpu.memory_space<vmem>>) dst(%dma_wait3A_803 : memref<1040x128xf32, #tpu.memory_space<vmem_shared>>)
          } else {
          }
        } else {
        }
        %mul3A_759 = arith.constant 80 : i32
        %mul3A_760 = arith.muli %add3A_748, %mul3A_759 : i32
        %add3A_761 = arith.addi %mul3A_2, %mul3A_760 : i32
        %dma_start3A_762 = tpu.memref_slice %arg4[%add3A_761] : memref<320000xi32, #tpu.memory_space<hbm>> -> memref<80xi32, #tpu.memory_space<hbm>>
        %dma_start3A_763 = tpu.memref_slice %arg4[%add3A_761] : memref<320000xi32, #tpu.memory_space<hbm>> -> memref<80xi32, #tpu.memory_space<hbm>>
        tpu.enqueue_dma source(%dma_start3A_763 : memref<80xi32, #tpu.memory_space<hbm>>) target(%arg15 : memref<80xi32, #tpu.memory_space<vmem>>) target_semaphore(%arg31 : memref<!tpu.dma_semaphore, #tpu.memory_space<semaphore_mem>>)
        %dma_start3A_764 = arith.constant 0 : i32
        %dma_start3A_765 = tpu.memref_slice %arg2[%add3A_761, %dma_start3A_764] : memref<320000x128xf32, #tpu.memory_space<hbm>> -> memref<80x128xf32, #tpu.memory_space<hbm>>
        %dma_start3A_766 = arith.constant 0 : i32
        %dma_start3A_767 = tpu.memref_slice %arg2[%add3A_761, %dma_start3A_766] : memref<320000x128xf32, #tpu.memory_space<hbm>> -> memref<80x128xf32, #tpu.memory_space<hbm>>
        tpu.enqueue_dma source(%dma_start3A_767 : memref<80x128xf32, #tpu.memory_space<hbm>>) target(%arg10 : memref<80x128xf32, #tpu.memory_space<vmem>>) target_semaphore(%arg31 : memref<!tpu.dma_semaphore, #tpu.memory_space<semaphore_mem>>)
      } else {
      }
      %scan3A_754 = arith.constant 0 : i32
      scf.yield %scan3A_754 : i32
    }
    %scan3A_106 = arith.constant 25 : i32
    %get3A = arith.constant 0 : index
    %get3A_107 = tpu.vector_load %arg13[%get3A] {strides = array<i32>} : memref<80xi32, #tpu.memory_space<vmem>>, vector<16xi32>,
    %get3A_108 = vector.shape_cast %get3A_107 : vector<16xi32> to vector<16xi32>
    %get3A_109 = arith.constant 64 : index
    %get3A_110 = tpu.vector_load %arg13[%get3A_109] {strides = array<i32>} : memref<80xi32, #tpu.memory_space<vmem>>, vector<16xi32>,
    %get3A_111 = vector.shape_cast %get3A_110 : vector<16xi32> to vector<16xi32>
    %slice3A = vector.extract_strided_slice %get3A_108 {offsets = [0], sizes = [1], strides = [1]} : vector<16xi32> to vector<1xi32>
    %squeeze3A = vector.extract %slice3A[0] : i32 from vector<1xi32>
    %slice3A_112 = vector.extract_strided_slice %get3A_111 {offsets = [15], sizes = [1], strides = [1]} : vector<16xi32> to vector<1xi32>
    %squeeze3A_113 = vector.extract %slice3A_112[0] : i32 from vector<1xi32>
    %eq3A = arith.cmpi eq, %squeeze3A, %squeeze3A_113 : i32
    %convert_element_type3A = arith.extui %eq3A : i1 to i32
    %cond3A = arith.constant 0 : i32
    %cond3A_114 = arith.cmpi ne, %convert_element_type3A, %cond3A : i32
    scf.if %cond3A_114 {
      %dma_wait3A = arith.constant 0 : i32
      %dma_wait3A_441 = arith.constant 0 : i32
      %dma_wait3A_442 = tpu.memref_slice %arg8[%dma_wait3A, %dma_wait3A_441] : memref<80x128xf32, #tpu.memory_space<vmem>> -> memref<16x128xf32, #tpu.memory_space<vmem>>
      %dma_wait3A_443 = arith.constant 0 : i32
      %dma_wait3A_444 = arith.constant 0 : i32
      %dma_wait3A_445 = tpu.memref_slice %arg25[%dma_wait3A_443, %dma_wait3A_444] : memref<1040x128xf32, #tpu.memory_space<vmem_shared>> -> memref<1040x128xf32, #tpu.memory_space<vmem_shared>>
      tpu.wait_indirect_dma semaphore(%arg34 : memref<!tpu.dma_semaphore, #tpu.memory_space<semaphore_mem>>) src(%dma_wait3A_442 : memref<16x128xf32, #tpu.memory_space<vmem>>) dst(%dma_wait3A_445 : memref<1040x128xf32, #tpu.memory_space<vmem_shared>>)
      %dma_wait3A_446 = arith.constant 0 : i32
      %dma_wait3A_447 = arith.constant 0 : i32
      %dma_wait3A_448 = tpu.memref_slice %arg27[%dma_wait3A_446, %dma_wait3A_447] : memref<1040x128xf32, #tpu.memory_space<vmem_shared>> -> memref<1040x128xf32, #tpu.memory_space<vmem_shared>>
      tpu.wait_indirect_dma semaphore(%arg34 : memref<!tpu.dma_semaphore, #tpu.memory_space<semaphore_mem>>) src(%arg24 : memref<16x128xf32, #tpu.memory_space<vmem>>) dst(%dma_wait3A_448 : memref<1040x128xf32, #tpu.memory_space<vmem_shared>>)
    } else {
    }
    %get3A_115 = arith.constant 0 : index
    %get3A_116 = tpu.vector_load %arg13[%get3A_115] {strides = array<i32>} : memref<80xi32, #tpu.memory_space<vmem>>, vector<16xi32>,
    %get3A_117 = vector.shape_cast %get3A_116 : vector<16xi32> to vector<16xi32>
    %get3A_118 = arith.constant 64 : index
    %get3A_119 = tpu.vector_load %arg13[%get3A_118] {strides = array<i32>} : memref<80xi32, #tpu.memory_space<vmem>>, vector<16xi32>,
    %get3A_120 = vector.shape_cast %get3A_119 : vector<16xi32> to vector<16xi32>
    %slice3A_121 = vector.extract_strided_slice %get3A_117 {offsets = [0], sizes = [1], strides = [1]} : vector<16xi32> to vector<1xi32>
    %squeeze3A_122 = vector.extract %slice3A_121[0] : i32 from vector<1xi32>
    %slice3A_123 = vector.extract_strided_slice %get3A_120 {offsets = [15], sizes = [1], strides = [1]} : vector<16xi32> to vector<1xi32>
    %squeeze3A_124 = vector.extract %slice3A_123[0] : i32 from vector<1xi32>
    %eq3A_125 = arith.cmpi eq, %squeeze3A_122, %squeeze3A_124 : i32
    %not3A = arith.constant true
    %not3A_126 = arith.xori %eq3A_125, %not3A : i1
    %convert_element_type3A_127 = arith.extui %not3A_126 : i1 to i32
    %cond3A_128 = arith.constant 0 : i32
    %cond3A_129 = arith.cmpi ne, %convert_element_type3A_127, %cond3A_128 : i32
    scf.if %cond3A_129 {
      %dma_wait3A = arith.constant 0 : i32
      %dma_wait3A_441 = arith.constant 0 : i32
      %dma_wait3A_442 = tpu.memref_slice %arg25[%dma_wait3A, %dma_wait3A_441] : memref<1040x128xf32, #tpu.memory_space<vmem_shared>> -> memref<1040x128xf32, #tpu.memory_space<vmem_shared>>
      tpu.wait_indirect_dma semaphore(%arg34 : memref<!tpu.dma_semaphore, #tpu.memory_space<semaphore_mem>>) src(%arg8 : memref<80x128xf32, #tpu.memory_space<vmem>>) dst(%dma_wait3A_442 : memref<1040x128xf32, #tpu.memory_space<vmem_shared>>)
      %dma_wait3A_443 = arith.constant 0 : i32
      %dma_wait3A_444 = arith.constant 0 : i32
      %dma_wait3A_445 = tpu.memref_slice %arg27[%dma_wait3A_443, %dma_wait3A_444] : memref<1040x128xf32, #tpu.memory_space<vmem_shared>> -> memref<1040x128xf32, #tpu.memory_space<vmem_shared>>
      tpu.wait_indirect_dma semaphore(%arg34 : memref<!tpu.dma_semaphore, #tpu.memory_space<semaphore_mem>>) src(%arg23 : memref<80x128xf32, #tpu.memory_space<vmem>>) dst(%dma_wait3A_445 : memref<1040x128xf32, #tpu.memory_space<vmem_shared>>)
    } else {
    }
    %get3A_130 = arith.constant 0 : index
    %get3A_131 = tpu.vector_load %arg14[%get3A_130] {strides = array<i32>} : memref<80xi32, #tpu.memory_space<vmem>>, vector<16xi32>,
    %get3A_132 = vector.shape_cast %get3A_131 : vector<16xi32> to vector<16xi32>
    %get3A_133 = arith.constant 64 : index
    %get3A_134 = tpu.vector_load %arg14[%get3A_133] {strides = array<i32>} : memref<80xi32, #tpu.memory_space<vmem>>, vector<16xi32>,
    %get3A_135 = vector.shape_cast %get3A_134 : vector<16xi32> to vector<16xi32>
    %slice3A_136 = vector.extract_strided_slice %get3A_132 {offsets = [0], sizes = [1], strides = [1]} : vector<16xi32> to vector<1xi32>
    %squeeze3A_137 = vector.extract %slice3A_136[0] : i32 from vector<1xi32>
    %slice3A_138 = vector.extract_strided_slice %get3A_135 {offsets = [15], sizes = [1], strides = [1]} : vector<16xi32> to vector<1xi32>
    %squeeze3A_139 = vector.extract %slice3A_138[0] : i32 from vector<1xi32>
    %eq3A_140 = arith.cmpi eq, %squeeze3A_137, %squeeze3A_139 : i32
    %convert_element_type3A_141 = arith.extui %eq3A_140 : i1 to i32
    %cond3A_142 = arith.constant 0 : i32
    %cond3A_143 = arith.cmpi ne, %convert_element_type3A_141, %cond3A_142 : i32
    scf.if %cond3A_143 {
      %dma_wait3A = arith.constant 0 : i32
      %dma_wait3A_441 = arith.constant 0 : i32
      %dma_wait3A_442 = tpu.memref_slice %arg9[%dma_wait3A, %dma_wait3A_441] : memref<80x128xf32, #tpu.memory_space<vmem>> -> memref<16x128xf32, #tpu.memory_space<vmem>>
      %dma_wait3A_443 = arith.constant 0 : i32
      %dma_wait3A_444 = arith.constant 0 : i32
      %dma_wait3A_445 = tpu.memref_slice %arg25[%dma_wait3A_443, %dma_wait3A_444] : memref<1040x128xf32, #tpu.memory_space<vmem_shared>> -> memref<1040x128xf32, #tpu.memory_space<vmem_shared>>
      tpu.wait_indirect_dma semaphore(%arg35 : memref<!tpu.dma_semaphore, #tpu.memory_space<semaphore_mem>>) src(%dma_wait3A_442 : memref<16x128xf32, #tpu.memory_space<vmem>>) dst(%dma_wait3A_445 : memref<1040x128xf32, #tpu.memory_space<vmem_shared>>)
      %dma_wait3A_446 = arith.constant 0 : i32
      %dma_wait3A_447 = arith.constant 0 : i32
      %dma_wait3A_448 = tpu.memref_slice %arg27[%dma_wait3A_446, %dma_wait3A_447] : memref<1040x128xf32, #tpu.memory_space<vmem_shared>> -> memref<1040x128xf32, #tpu.memory_space<vmem_shared>>
      tpu.wait_indirect_dma semaphore(%arg35 : memref<!tpu.dma_semaphore, #tpu.memory_space<semaphore_mem>>) src(%arg24 : memref<16x128xf32, #tpu.memory_space<vmem>>) dst(%dma_wait3A_448 : memref<1040x128xf32, #tpu.memory_space<vmem_shared>>)
    } else {
    }
    %get3A_144 = arith.constant 0 : index
    %get3A_145 = tpu.vector_load %arg14[%get3A_144] {strides = array<i32>} : memref<80xi32, #tpu.memory_space<vmem>>, vector<16xi32>,
    %get3A_146 = vector.shape_cast %get3A_145 : vector<16xi32> to vector<16xi32>
    %get3A_147 = arith.constant 64 : index
    %get3A_148 = tpu.vector_load %arg14[%get3A_147] {strides = array<i32>} : memref<80xi32, #tpu.memory_space<vmem>>, vector<16xi32>,
    %get3A_149 = vector.shape_cast %get3A_148 : vector<16xi32> to vector<16xi32>
    %slice3A_150 = vector.extract_strided_slice %get3A_146 {offsets = [0], sizes = [1], strides = [1]} : vector<16xi32> to vector<1xi32>
    %squeeze3A_151 = vector.extract %slice3A_150[0] : i32 from vector<1xi32>
    %slice3A_152 = vector.extract_strided_slice %get3A_149 {offsets = [15], sizes = [1], strides = [1]} : vector<16xi32> to vector<1xi32>
    %squeeze3A_153 = vector.extract %slice3A_152[0] : i32 from vector<1xi32>
    %eq3A_154 = arith.cmpi eq, %squeeze3A_151, %squeeze3A_153 : i32
    %not3A_155 = arith.constant true
    %not3A_156 = arith.xori %eq3A_154, %not3A_155 : i1
    %convert_element_type3A_157 = arith.extui %not3A_156 : i1 to i32
    %cond3A_158 = arith.constant 0 : i32
    %cond3A_159 = arith.cmpi ne, %convert_element_type3A_157, %cond3A_158 : i32
    scf.if %cond3A_159 {
      %dma_wait3A = arith.constant 0 : i32
      %dma_wait3A_441 = arith.constant 0 : i32
      %dma_wait3A_442 = tpu.memref_slice %arg25[%dma_wait3A, %dma_wait3A_441] : memref<1040x128xf32, #tpu.memory_space<vmem_shared>> -> memref<1040x128xf32, #tpu.memory_space<vmem_shared>>
      tpu.wait_indirect_dma semaphore(%arg35 : memref<!tpu.dma_semaphore, #tpu.memory_space<semaphore_mem>>) src(%arg9 : memref<80x128xf32, #tpu.memory_space<vmem>>) dst(%dma_wait3A_442 : memref<1040x128xf32, #tpu.memory_space<vmem_shared>>)
      %dma_wait3A_443 = arith.constant 0 : i32
      %dma_wait3A_444 = arith.constant 0 : i32
      %dma_wait3A_445 = tpu.memref_slice %arg27[%dma_wait3A_443, %dma_wait3A_444] : memref<1040x128xf32, #tpu.memory_space<vmem_shared>> -> memref<1040x128xf32, #tpu.memory_space<vmem_shared>>
      tpu.wait_indirect_dma semaphore(%arg35 : memref<!tpu.dma_semaphore, #tpu.memory_space<semaphore_mem>>) src(%arg23 : memref<80x128xf32, #tpu.memory_space<vmem>>) dst(%dma_wait3A_445 : memref<1040x128xf32, #tpu.memory_space<vmem_shared>>)
    } else {
    }
    %get3A_160 = arith.constant 0 : index
    %get3A_161 = tpu.vector_load %arg15[%get3A_160] {strides = array<i32>} : memref<80xi32, #tpu.memory_space<vmem>>, vector<16xi32>,
    %get3A_162 = vector.shape_cast %get3A_161 : vector<16xi32> to vector<16xi32>
    %get3A_163 = arith.constant 64 : index
    %get3A_164 = tpu.vector_load %arg15[%get3A_163] {strides = array<i32>} : memref<80xi32, #tpu.memory_space<vmem>>, vector<16xi32>,
    %get3A_165 = vector.shape_cast %get3A_164 : vector<16xi32> to vector<16xi32>
    %slice3A_166 = vector.extract_strided_slice %get3A_162 {offsets = [0], sizes = [1], strides = [1]} : vector<16xi32> to vector<1xi32>
    %squeeze3A_167 = vector.extract %slice3A_166[0] : i32 from vector<1xi32>
    %slice3A_168 = vector.extract_strided_slice %get3A_165 {offsets = [15], sizes = [1], strides = [1]} : vector<16xi32> to vector<1xi32>
    %squeeze3A_169 = vector.extract %slice3A_168[0] : i32 from vector<1xi32>
    %eq3A_170 = arith.cmpi eq, %squeeze3A_167, %squeeze3A_169 : i32
    %convert_element_type3A_171 = arith.extui %eq3A_170 : i1 to i32
    %cond3A_172 = arith.constant 0 : i32
    %cond3A_173 = arith.cmpi ne, %convert_element_type3A_171, %cond3A_172 : i32
    scf.if %cond3A_173 {
      %dma_wait3A = arith.constant 0 : i32
      %dma_wait3A_441 = arith.constant 0 : i32
      %dma_wait3A_442 = tpu.memref_slice %arg10[%dma_wait3A, %dma_wait3A_441] : memref<80x128xf32, #tpu.memory_space<vmem>> -> memref<16x128xf32, #tpu.memory_space<vmem>>
      %dma_wait3A_443 = arith.constant 0 : i32
      %dma_wait3A_444 = arith.constant 0 : i32
      %dma_wait3A_445 = tpu.memref_slice %arg25[%dma_wait3A_443, %dma_wait3A_444] : memref<1040x128xf32, #tpu.memory_space<vmem_shared>> -> memref<1040x128xf32, #tpu.memory_space<vmem_shared>>
      tpu.wait_indirect_dma semaphore(%arg36 : memref<!tpu.dma_semaphore, #tpu.memory_space<semaphore_mem>>) src(%dma_wait3A_442 : memref<16x128xf32, #tpu.memory_space<vmem>>) dst(%dma_wait3A_445 : memref<1040x128xf32, #tpu.memory_space<vmem_shared>>)
      %dma_wait3A_446 = arith.constant 0 : i32
      %dma_wait3A_447 = arith.constant 0 : i32
      %dma_wait3A_448 = tpu.memref_slice %arg27[%dma_wait3A_446, %dma_wait3A_447] : memref<1040x128xf32, #tpu.memory_space<vmem_shared>> -> memref<1040x128xf32, #tpu.memory_space<vmem_shared>>
      tpu.wait_indirect_dma semaphore(%arg36 : memref<!tpu.dma_semaphore, #tpu.memory_space<semaphore_mem>>) src(%arg24 : memref<16x128xf32, #tpu.memory_space<vmem>>) dst(%dma_wait3A_448 : memref<1040x128xf32, #tpu.memory_space<vmem_shared>>)
    } else {
    }
    %get3A_174 = arith.constant 0 : index
    %get3A_175 = tpu.vector_load %arg15[%get3A_174] {strides = array<i32>} : memref<80xi32, #tpu.memory_space<vmem>>, vector<16xi32>,
    %get3A_176 = vector.shape_cast %get3A_175 : vector<16xi32> to vector<16xi32>
    %get3A_177 = arith.constant 64 : index
    %get3A_178 = tpu.vector_load %arg15[%get3A_177] {strides = array<i32>} : memref<80xi32, #tpu.memory_space<vmem>>, vector<16xi32>,
    %get3A_179 = vector.shape_cast %get3A_178 : vector<16xi32> to vector<16xi32>
    %slice3A_180 = vector.extract_strided_slice %get3A_176 {offsets = [0], sizes = [1], strides = [1]} : vector<16xi32> to vector<1xi32>
    %squeeze3A_181 = vector.extract %slice3A_180[0] : i32 from vector<1xi32>
    %slice3A_182 = vector.extract_strided_slice %get3A_179 {offsets = [15], sizes = [1], strides = [1]} : vector<16xi32> to vector<1xi32>
    %squeeze3A_183 = vector.extract %slice3A_182[0] : i32 from vector<1xi32>
    %eq3A_184 = arith.cmpi eq, %squeeze3A_181, %squeeze3A_183 : i32
    %not3A_185 = arith.constant true
    %not3A_186 = arith.xori %eq3A_184, %not3A_185 : i1
    %convert_element_type3A_187 = arith.extui %not3A_186 : i1 to i32
    %cond3A_188 = arith.constant 0 : i32
    %cond3A_189 = arith.cmpi ne, %convert_element_type3A_187, %cond3A_188 : i32
    scf.if %cond3A_189 {
      %dma_wait3A = arith.constant 0 : i32
      %dma_wait3A_441 = arith.constant 0 : i32
      %dma_wait3A_442 = tpu.memref_slice %arg25[%dma_wait3A, %dma_wait3A_441] : memref<1040x128xf32, #tpu.memory_space<vmem_shared>> -> memref<1040x128xf32, #tpu.memory_space<vmem_shared>>
      tpu.wait_indirect_dma semaphore(%arg36 : memref<!tpu.dma_semaphore, #tpu.memory_space<semaphore_mem>>) src(%arg10 : memref<80x128xf32, #tpu.memory_space<vmem>>) dst(%dma_wait3A_442 : memref<1040x128xf32, #tpu.memory_space<vmem_shared>>)
      %dma_wait3A_443 = arith.constant 0 : i32
      %dma_wait3A_444 = arith.constant 0 : i32
      %dma_wait3A_445 = tpu.memref_slice %arg27[%dma_wait3A_443, %dma_wait3A_444] : memref<1040x128xf32, #tpu.memory_space<vmem_shared>> -> memref<1040x128xf32, #tpu.memory_space<vmem_shared>>
      tpu.wait_indirect_dma semaphore(%arg36 : memref<!tpu.dma_semaphore, #tpu.memory_space<semaphore_mem>>) src(%arg23 : memref<80x128xf32, #tpu.memory_space<vmem>>) dst(%dma_wait3A_445 : memref<1040x128xf32, #tpu.memory_space<vmem_shared>>)
    } else {
    }
    %get3A_190 = arith.constant 0 : index
    %get3A_191 = tpu.vector_load %arg16[%get3A_190] {strides = array<i32>} : memref<80xi32, #tpu.memory_space<vmem>>, vector<16xi32>,
    %get3A_192 = vector.shape_cast %get3A_191 : vector<16xi32> to vector<16xi32>
    %get3A_193 = arith.constant 64 : index
    %get3A_194 = tpu.vector_load %arg16[%get3A_193] {strides = array<i32>} : memref<80xi32, #tpu.memory_space<vmem>>, vector<16xi32>,
    %get3A_195 = vector.shape_cast %get3A_194 : vector<16xi32> to vector<16xi32>
    %slice3A_196 = vector.extract_strided_slice %get3A_192 {offsets = [0], sizes = [1], strides = [1]} : vector<16xi32> to vector<1xi32>
    %squeeze3A_197 = vector.extract %slice3A_196[0] : i32 from vector<1xi32>
    %slice3A_198 = vector.extract_strided_slice %get3A_195 {offsets = [15], sizes = [1], strides = [1]} : vector<16xi32> to vector<1xi32>
    %squeeze3A_199 = vector.extract %slice3A_198[0] : i32 from vector<1xi32>
    %eq3A_200 = arith.cmpi eq, %squeeze3A_197, %squeeze3A_199 : i32
    %convert_element_type3A_201 = arith.extui %eq3A_200 : i1 to i32
    %cond3A_202 = arith.constant 0 : i32
    %cond3A_203 = arith.cmpi ne, %convert_element_type3A_201, %cond3A_202 : i32
    scf.if %cond3A_203 {
      %dma_wait3A = arith.constant 0 : i32
      %dma_wait3A_441 = arith.constant 0 : i32
      %dma_wait3A_442 = tpu.memref_slice %arg11[%dma_wait3A, %dma_wait3A_441] : memref<80x128xf32, #tpu.memory_space<vmem>> -> memref<16x128xf32, #tpu.memory_space<vmem>>
      %dma_wait3A_443 = arith.constant 0 : i32
      %dma_wait3A_444 = arith.constant 0 : i32
      %dma_wait3A_445 = tpu.memref_slice %arg25[%dma_wait3A_443, %dma_wait3A_444] : memref<1040x128xf32, #tpu.memory_space<vmem_shared>> -> memref<1040x128xf32, #tpu.memory_space<vmem_shared>>
      tpu.wait_indirect_dma semaphore(%arg37 : memref<!tpu.dma_semaphore, #tpu.memory_space<semaphore_mem>>) src(%dma_wait3A_442 : memref<16x128xf32, #tpu.memory_space<vmem>>) dst(%dma_wait3A_445 : memref<1040x128xf32, #tpu.memory_space<vmem_shared>>)
      %dma_wait3A_446 = arith.constant 0 : i32
      %dma_wait3A_447 = arith.constant 0 : i32
      %dma_wait3A_448 = tpu.memref_slice %arg27[%dma_wait3A_446, %dma_wait3A_447] : memref<1040x128xf32, #tpu.memory_space<vmem_shared>> -> memref<1040x128xf32, #tpu.memory_space<vmem_shared>>
      tpu.wait_indirect_dma semaphore(%arg37 : memref<!tpu.dma_semaphore, #tpu.memory_space<semaphore_mem>>) src(%arg24 : memref<16x128xf32, #tpu.memory_space<vmem>>) dst(%dma_wait3A_448 : memref<1040x128xf32, #tpu.memory_space<vmem_shared>>)
    } else {
    }
    %get3A_204 = arith.constant 0 : index
    %get3A_205 = tpu.vector_load %arg16[%get3A_204] {strides = array<i32>} : memref<80xi32, #tpu.memory_space<vmem>>, vector<16xi32>,
    %get3A_206 = vector.shape_cast %get3A_205 : vector<16xi32> to vector<16xi32>
    %get3A_207 = arith.constant 64 : index
    %get3A_208 = tpu.vector_load %arg16[%get3A_207] {strides = array<i32>} : memref<80xi32, #tpu.memory_space<vmem>>, vector<16xi32>,
    %get3A_209 = vector.shape_cast %get3A_208 : vector<16xi32> to vector<16xi32>
    %slice3A_210 = vector.extract_strided_slice %get3A_206 {offsets = [0], sizes = [1], strides = [1]} : vector<16xi32> to vector<1xi32>
    %squeeze3A_211 = vector.extract %slice3A_210[0] : i32 from vector<1xi32>
    %slice3A_212 = vector.extract_strided_slice %get3A_209 {offsets = [15], sizes = [1], strides = [1]} : vector<16xi32> to vector<1xi32>
    %squeeze3A_213 = vector.extract %slice3A_212[0] : i32 from vector<1xi32>
    %eq3A_214 = arith.cmpi eq, %squeeze3A_211, %squeeze3A_213 : i32
    %not3A_215 = arith.constant true
    %not3A_216 = arith.xori %eq3A_214, %not3A_215 : i1
    %convert_element_type3A_217 = arith.extui %not3A_216 : i1 to i32
    %cond3A_218 = arith.constant 0 : i32
    %cond3A_219 = arith.cmpi ne, %convert_element_type3A_217, %cond3A_218 : i32
    scf.if %cond3A_219 {
      %dma_wait3A = arith.constant 0 : i32
      %dma_wait3A_441 = arith.constant 0 : i32
      %dma_wait3A_442 = tpu.memref_slice %arg25[%dma_wait3A, %dma_wait3A_441] : memref<1040x128xf32, #tpu.memory_space<vmem_shared>> -> memref<1040x128xf32, #tpu.memory_space<vmem_shared>>
      tpu.wait_indirect_dma semaphore(%arg37 : memref<!tpu.dma_semaphore, #tpu.memory_space<semaphore_mem>>) src(%arg11 : memref<80x128xf32, #tpu.memory_space<vmem>>) dst(%dma_wait3A_442 : memref<1040x128xf32, #tpu.memory_space<vmem_shared>>)
      %dma_wait3A_443 = arith.constant 0 : i32
      %dma_wait3A_444 = arith.constant 0 : i32
      %dma_wait3A_445 = tpu.memref_slice %arg27[%dma_wait3A_443, %dma_wait3A_444] : memref<1040x128xf32, #tpu.memory_space<vmem_shared>> -> memref<1040x128xf32, #tpu.memory_space<vmem_shared>>
      tpu.wait_indirect_dma semaphore(%arg37 : memref<!tpu.dma_semaphore, #tpu.memory_space<semaphore_mem>>) src(%arg23 : memref<80x128xf32, #tpu.memory_space<vmem>>) dst(%dma_wait3A_445 : memref<1040x128xf32, #tpu.memory_space<vmem_shared>>)
    } else {
    }
    %get3A_220 = arith.constant 0 : index
    %get3A_221 = tpu.vector_load %arg17[%get3A_220] {strides = array<i32>} : memref<80xi32, #tpu.memory_space<vmem>>, vector<16xi32>,
    %get3A_222 = vector.shape_cast %get3A_221 : vector<16xi32> to vector<16xi32>
    %get3A_223 = arith.constant 64 : index
    %get3A_224 = tpu.vector_load %arg17[%get3A_223] {strides = array<i32>} : memref<80xi32, #tpu.memory_space<vmem>>, vector<16xi32>,
    %get3A_225 = vector.shape_cast %get3A_224 : vector<16xi32> to vector<16xi32>
    %slice3A_226 = vector.extract_strided_slice %get3A_222 {offsets = [0], sizes = [1], strides = [1]} : vector<16xi32> to vector<1xi32>
    %squeeze3A_227 = vector.extract %slice3A_226[0] : i32 from vector<1xi32>
    %slice3A_228 = vector.extract_strided_slice %get3A_225 {offsets = [15], sizes = [1], strides = [1]} : vector<16xi32> to vector<1xi32>
    %squeeze3A_229 = vector.extract %slice3A_228[0] : i32 from vector<1xi32>
    %eq3A_230 = arith.cmpi eq, %squeeze3A_227, %squeeze3A_229 : i32
    %convert_element_type3A_231 = arith.extui %eq3A_230 : i1 to i32
    %cond3A_232 = arith.constant 0 : i32
    %cond3A_233 = arith.cmpi ne, %convert_element_type3A_231, %cond3A_232 : i32
    scf.if %cond3A_233 {
      %dma_wait3A = arith.constant 0 : i32
      %dma_wait3A_441 = arith.constant 0 : i32
      %dma_wait3A_442 = tpu.memref_slice %arg12[%dma_wait3A, %dma_wait3A_441] : memref<80x128xf32, #tpu.memory_space<vmem>> -> memref<16x128xf32, #tpu.memory_space<vmem>>
      %dma_wait3A_443 = arith.constant 0 : i32
      %dma_wait3A_444 = arith.constant 0 : i32
      %dma_wait3A_445 = tpu.memref_slice %arg25[%dma_wait3A_443, %dma_wait3A_444] : memref<1040x128xf32, #tpu.memory_space<vmem_shared>> -> memref<1040x128xf32, #tpu.memory_space<vmem_shared>>
      tpu.wait_indirect_dma semaphore(%arg38 : memref<!tpu.dma_semaphore, #tpu.memory_space<semaphore_mem>>) src(%dma_wait3A_442 : memref<16x128xf32, #tpu.memory_space<vmem>>) dst(%dma_wait3A_445 : memref<1040x128xf32, #tpu.memory_space<vmem_shared>>)
      %dma_wait3A_446 = arith.constant 0 : i32
      %dma_wait3A_447 = arith.constant 0 : i32
      %dma_wait3A_448 = tpu.memref_slice %arg27[%dma_wait3A_446, %dma_wait3A_447] : memref<1040x128xf32, #tpu.memory_space<vmem_shared>> -> memref<1040x128xf32, #tpu.memory_space<vmem_shared>>
      tpu.wait_indirect_dma semaphore(%arg38 : memref<!tpu.dma_semaphore, #tpu.memory_space<semaphore_mem>>) src(%arg24 : memref<16x128xf32, #tpu.memory_space<vmem>>) dst(%dma_wait3A_448 : memref<1040x128xf32, #tpu.memory_space<vmem_shared>>)
    } else {
    }
    %get3A_234 = arith.constant 0 : index
    %get3A_235 = tpu.vector_load %arg17[%get3A_234] {strides = array<i32>} : memref<80xi32, #tpu.memory_space<vmem>>, vector<16xi32>,
    %get3A_236 = vector.shape_cast %get3A_235 : vector<16xi32> to vector<16xi32>
    %get3A_237 = arith.constant 64 : index
    %get3A_238 = tpu.vector_load %arg17[%get3A_237] {strides = array<i32>} : memref<80xi32, #tpu.memory_space<vmem>>, vector<16xi32>,
    %get3A_239 = vector.shape_cast %get3A_238 : vector<16xi32> to vector<16xi32>
    %slice3A_240 = vector.extract_strided_slice %get3A_236 {offsets = [0], sizes = [1], strides = [1]} : vector<16xi32> to vector<1xi32>
    %squeeze3A_241 = vector.extract %slice3A_240[0] : i32 from vector<1xi32>
    %slice3A_242 = vector.extract_strided_slice %get3A_239 {offsets = [15], sizes = [1], strides = [1]} : vector<16xi32> to vector<1xi32>
    %squeeze3A_243 = vector.extract %slice3A_242[0] : i32 from vector<1xi32>
    %eq3A_244 = arith.cmpi eq, %squeeze3A_241, %squeeze3A_243 : i32
    %not3A_245 = arith.constant true
    %not3A_246 = arith.xori %eq3A_244, %not3A_245 : i1
    %convert_element_type3A_247 = arith.extui %not3A_246 : i1 to i32
    %cond3A_248 = arith.constant 0 : i32
    %cond3A_249 = arith.cmpi ne, %convert_element_type3A_247, %cond3A_248 : i32
    scf.if %cond3A_249 {
      %dma_wait3A = arith.constant 0 : i32
      %dma_wait3A_441 = arith.constant 0 : i32
      %dma_wait3A_442 = tpu.memref_slice %arg25[%dma_wait3A, %dma_wait3A_441] : memref<1040x128xf32, #tpu.memory_space<vmem_shared>> -> memref<1040x128xf32, #tpu.memory_space<vmem_shared>>
      tpu.wait_indirect_dma semaphore(%arg38 : memref<!tpu.dma_semaphore, #tpu.memory_space<semaphore_mem>>) src(%arg12 : memref<80x128xf32, #tpu.memory_space<vmem>>) dst(%dma_wait3A_442 : memref<1040x128xf32, #tpu.memory_space<vmem_shared>>)
      %dma_wait3A_443 = arith.constant 0 : i32
      %dma_wait3A_444 = arith.constant 0 : i32
      %dma_wait3A_445 = tpu.memref_slice %arg27[%dma_wait3A_443, %dma_wait3A_444] : memref<1040x128xf32, #tpu.memory_space<vmem_shared>> -> memref<1040x128xf32, #tpu.memory_space<vmem_shared>>
      tpu.wait_indirect_dma semaphore(%arg38 : memref<!tpu.dma_semaphore, #tpu.memory_space<semaphore_mem>>) src(%arg23 : memref<80x128xf32, #tpu.memory_space<vmem>>) dst(%dma_wait3A_445 : memref<1040x128xf32, #tpu.memory_space<vmem_shared>>)
    } else {
    }
    %add3A_250 = arith.constant 0 : i32
    %add3A_251 = arith.addi %mul3A_2, %add3A_250 : i32
    %dma_start3A_252 = tpu.memref_slice %arg5[%add3A_251] : memref<320000xi32, #tpu.memory_space<hbm>> -> memref<80xi32, #tpu.memory_space<hbm>>
    %dma_start3A_253 = tpu.memref_slice %arg5[%add3A_251] : memref<320000xi32, #tpu.memory_space<hbm>> -> memref<80xi32, #tpu.memory_space<hbm>>
    tpu.enqueue_dma source(%dma_start3A_253 : memref<80xi32, #tpu.memory_space<hbm>>) target(%arg13 : memref<80xi32, #tpu.memory_space<vmem>>) target_semaphore(%arg29 : memref<!tpu.dma_semaphore, #tpu.memory_space<semaphore_mem>>)
    %dma_start3A_254 = arith.constant 0 : i32
    %dma_start3A_255 = tpu.memref_slice %arg3[%add3A_251, %dma_start3A_254] : memref<320000x128xf32, #tpu.memory_space<hbm>> -> memref<80x128xf32, #tpu.memory_space<hbm>>
    %dma_start3A_256 = arith.constant 0 : i32
    %dma_start3A_257 = tpu.memref_slice %arg3[%add3A_251, %dma_start3A_256] : memref<320000x128xf32, #tpu.memory_space<hbm>> -> memref<80x128xf32, #tpu.memory_space<hbm>>
    tpu.enqueue_dma source(%dma_start3A_257 : memref<80x128xf32, #tpu.memory_space<hbm>>) target(%arg8 : memref<80x128xf32, #tpu.memory_space<vmem>>) target_semaphore(%arg29 : memref<!tpu.dma_semaphore, #tpu.memory_space<semaphore_mem>>)
    %add3A_258 = arith.constant 80 : i32
    %add3A_259 = arith.addi %mul3A_2, %add3A_258 : i32
    %dma_start3A_260 = tpu.memref_slice %arg5[%add3A_259] : memref<320000xi32, #tpu.memory_space<hbm>> -> memref<80xi32, #tpu.memory_space<hbm>>
    %dma_start3A_261 = tpu.memref_slice %arg5[%add3A_259] : memref<320000xi32, #tpu.memory_space<hbm>> -> memref<80xi32, #tpu.memory_space<hbm>>
    tpu.enqueue_dma source(%dma_start3A_261 : memref<80xi32, #tpu.memory_space<hbm>>) target(%arg14 : memref<80xi32, #tpu.memory_space<vmem>>) target_semaphore(%arg30 : memref<!tpu.dma_semaphore, #tpu.memory_space<semaphore_mem>>)
    %dma_start3A_262 = arith.constant 0 : i32
    %dma_start3A_263 = tpu.memref_slice %arg3[%add3A_259, %dma_start3A_262] : memref<320000x128xf32, #tpu.memory_space<hbm>> -> memref<80x128xf32, #tpu.memory_space<hbm>>
    %dma_start3A_264 = arith.constant 0 : i32
    %dma_start3A_265 = tpu.memref_slice %arg3[%add3A_259, %dma_start3A_264] : memref<320000x128xf32, #tpu.memory_space<hbm>> -> memref<80x128xf32, #tpu.memory_space<hbm>>
    tpu.enqueue_dma source(%dma_start3A_265 : memref<80x128xf32, #tpu.memory_space<hbm>>) target(%arg9 : memref<80x128xf32, #tpu.memory_space<vmem>>) target_semaphore(%arg30 : memref<!tpu.dma_semaphore, #tpu.memory_space<semaphore_mem>>)
    %add3A_266 = arith.constant 160 : i32
    %add3A_267 = arith.addi %mul3A_2, %add3A_266 : i32
    %dma_start3A_268 = tpu.memref_slice %arg5[%add3A_267] : memref<320000xi32, #tpu.memory_space<hbm>> -> memref<80xi32, #tpu.memory_space<hbm>>
    %dma_start3A_269 = tpu.memref_slice %arg5[%add3A_267] : memref<320000xi32, #tpu.memory_space<hbm>> -> memref<80xi32, #tpu.memory_space<hbm>>
    tpu.enqueue_dma source(%dma_start3A_269 : memref<80xi32, #tpu.memory_space<hbm>>) target(%arg15 : memref<80xi32, #tpu.memory_space<vmem>>) target_semaphore(%arg31 : memref<!tpu.dma_semaphore, #tpu.memory_space<semaphore_mem>>)
    %dma_start3A_270 = arith.constant 0 : i32
    %dma_start3A_271 = tpu.memref_slice %arg3[%add3A_267, %dma_start3A_270] : memref<320000x128xf32, #tpu.memory_space<hbm>> -> memref<80x128xf32, #tpu.memory_space<hbm>>
    %dma_start3A_272 = arith.constant 0 : i32
    %dma_start3A_273 = tpu.memref_slice %arg3[%add3A_267, %dma_start3A_272] : memref<320000x128xf32, #tpu.memory_space<hbm>> -> memref<80x128xf32, #tpu.memory_space<hbm>>
    tpu.enqueue_dma source(%dma_start3A_273 : memref<80x128xf32, #tpu.memory_space<hbm>>) target(%arg10 : memref<80x128xf32, #tpu.memory_space<vmem>>) target_semaphore(%arg31 : memref<!tpu.dma_semaphore, #tpu.memory_space<semaphore_mem>>)
    %scan3A_274 = arith.constant 0 : i32
    %scan3A_275 = arith.constant 0 : i32
    %scan3A_276 = arith.constant 25 : i32
    %scan3A_277 = arith.addi %scan3A_275, %scan3A_276 : i32
    %scan3A_278 = arith.constant 1 : i32
    %scan3A_279 = scf.for %scan3A_441 = %scan3A_275 to %scan3A_277 step %scan3A_278 iter_args(%scan3A_442 = %scan3A_274) -> (i32)  : i32 {
      %mul3A_443 = arith.constant 5 : i32
      %mul3A_444 = arith.muli %mul3A_443, %scan3A_441 : i32
      %add3A_445 = arith.constant 0 : i32
      %add3A_446 = arith.addi %mul3A_444, %add3A_445 : i32
      %mul3A_447 = arith.constant 80 : i32
      %mul3A_448 = arith.muli %add3A_446, %mul3A_447 : i32
      %add3A_449 = arith.addi %mul3A_2, %mul3A_448 : i32
      %dma_wait3A = tpu.memref_slice %arg5[%add3A_449] : memref<320000xi32, #tpu.memory_space<hbm>> -> memref<80xi32, #tpu.memory_space<hbm>>
      %dma_wait3A_450 = tpu.memref_slice %arg5[%add3A_449] : memref<320000xi32, #tpu.memory_space<hbm>> -> memref<80xi32, #tpu.memory_space<hbm>>
      tpu.wait_dma2 semaphore(%arg29 : memref<!tpu.dma_semaphore, #tpu.memory_space<semaphore_mem>>) src(%dma_wait3A_450 : memref<80xi32, #tpu.memory_space<hbm>>) dst(%arg13 : memref<80xi32, #tpu.memory_space<vmem>>)
      %dma_wait3A_451 = arith.constant 0 : i32
      %dma_wait3A_452 = tpu.memref_slice %arg3[%add3A_449, %dma_wait3A_451] : memref<320000x128xf32, #tpu.memory_space<hbm>> -> memref<80x128xf32, #tpu.memory_space<hbm>>
      %dma_wait3A_453 = arith.constant 0 : i32
      %dma_wait3A_454 = tpu.memref_slice %arg3[%add3A_449, %dma_wait3A_453] : memref<320000x128xf32, #tpu.memory_space<hbm>> -> memref<80x128xf32, #tpu.memory_space<hbm>>
      tpu.wait_dma2 semaphore(%arg29 : memref<!tpu.dma_semaphore, #tpu.memory_space<semaphore_mem>>) src(%dma_wait3A_454 : memref<80x128xf32, #tpu.memory_space<hbm>>) dst(%arg8 : memref<80x128xf32, #tpu.memory_space<vmem>>)
      %get3A_455 = arith.constant 0 : index
      %get3A_456 = tpu.vector_load %arg13[%get3A_455] {strides = array<i32>} : memref<80xi32, #tpu.memory_space<vmem>>, vector<16xi32>,
      %get3A_457 = vector.shape_cast %get3A_456 : vector<16xi32> to vector<16xi32>
      %eq3A_458 = arith.constant 0 : i32
      %eq3A_459 = vector.broadcast %eq3A_458 : i32 to vector<16xi32>
      %eq3A_460 = arith.cmpi eq, %iota3A, %eq3A_459 : vector<16xi32>
      %jit3A = arith.constant 1024 : i32
      %broadcast_in_dim3A_461 = vector.broadcast %jit3A : i32 to vector<16xi32>
      %select_n3A = arith.select %eq3A_460, %get3A_457, %broadcast_in_dim3A_461 : vector<16xi1>, vector<16xi32>
      %swap3A_462 = arith.constant 0 : index
      %swap3A_463 = tpu.vector_load %arg18[%swap3A_462] {strides = array<i32>} : memref<16xi32, #tpu.memory_space<vmem>>, vector<16xi32>,
      %swap3A_464 = vector.shape_cast %swap3A_463 : vector<16xi32> to vector<16xi32>
      %swap3A_465 = vector.shape_cast %select_n3A : vector<16xi32> to vector<16xi32>
      tpu.vector_store %arg18[%swap3A_462], %swap3A_465 {strides = array<i32>} : memref<16xi32, #tpu.memory_space<vmem>>, vector<16xi32>,
      %get3A_466 = arith.constant 0 : index
      %get3A_467 = tpu.vector_load %arg13[%get3A_466] {strides = array<i32>} : memref<80xi32, #tpu.memory_space<vmem>>, vector<16xi32>,
      %get3A_468 = vector.shape_cast %get3A_467 : vector<16xi32> to vector<16xi32>
      %get3A_469 = arith.constant 64 : index
      %get3A_470 = tpu.vector_load %arg13[%get3A_469] {strides = array<i32>} : memref<80xi32, #tpu.memory_space<vmem>>, vector<16xi32>,
      %get3A_471 = vector.shape_cast %get3A_470 : vector<16xi32> to vector<16xi32>
      %slice3A_472 = vector.extract_strided_slice %get3A_468 {offsets = [0], sizes = [1], strides = [1]} : vector<16xi32> to vector<1xi32>
      %squeeze3A_473 = vector.extract %slice3A_472[0] : i32 from vector<1xi32>
      %slice3A_474 = vector.extract_strided_slice %get3A_471 {offsets = [15], sizes = [1], strides = [1]} : vector<16xi32> to vector<1xi32>
      %squeeze3A_475 = vector.extract %slice3A_474[0] : i32 from vector<1xi32>
      %eq3A_476 = arith.cmpi eq, %squeeze3A_473, %squeeze3A_475 : i32
      %convert_element_type3A_477 = arith.extui %eq3A_476 : i1 to i32
      %cond3A_478 = arith.constant 0 : i32
      %cond3A_479 = arith.cmpi ne, %convert_element_type3A_477, %cond3A_478 : i32
      scf.if %cond3A_479 {
        %broadcast_in_dim3A_755 = arith.constant 0.000000e+00 : f32
        %broadcast_in_dim3A_756 = vector.broadcast %broadcast_in_dim3A_755 : f32 to vector<16xf32>
        %broadcast_in_dim3A_757 = arith.constant 0.000000e+00 : f32
        %broadcast_in_dim3A_758 = vector.broadcast %broadcast_in_dim3A_757 : f32 to vector<16xf32>
        %broadcast_in_dim3A_759 = arith.constant 0.000000e+00 : f32
        %broadcast_in_dim3A_760 = vector.broadcast %broadcast_in_dim3A_759 : f32 to vector<16xf32>
        %broadcast_in_dim3A_761 = arith.constant 0.000000e+00 : f32
        %broadcast_in_dim3A_762 = vector.broadcast %broadcast_in_dim3A_761 : f32 to vector<16xf32>
        %broadcast_in_dim3A_763 = arith.constant 0.000000e+00 : f32
        %broadcast_in_dim3A_764 = vector.broadcast %broadcast_in_dim3A_763 : f32 to vector<16xf32>
        %broadcast_in_dim3A_765 = arith.constant 0.000000e+00 : f32
        %broadcast_in_dim3A_766 = vector.broadcast %broadcast_in_dim3A_765 : f32 to vector<16xf32>
        %broadcast_in_dim3A_767 = arith.constant 0.000000e+00 : f32
        %broadcast_in_dim3A_768 = vector.broadcast %broadcast_in_dim3A_767 : f32 to vector<16xf32>
        %broadcast_in_dim3A_769 = arith.constant 0.000000e+00 : f32
        %broadcast_in_dim3A_770 = vector.broadcast %broadcast_in_dim3A_769 : f32 to vector<16xf32>
        %scan3A_771 = arith.constant 0 : i32
        %scan3A_772 = arith.constant 80 : i32
        %scan3A_773 = arith.addi %scan3A_771, %scan3A_772 : i32
        %scan3A_774 = arith.constant 1 : i32
        %scan3A_775:8 = scf.for %scan3A_834 = %scan3A_771 to %scan3A_773 step %scan3A_774 iter_args(%scan3A_835 = %broadcast_in_dim3A_756, %scan3A_836 = %broadcast_in_dim3A_758, %scan3A_837 = %broadcast_in_dim3A_760, %scan3A_838 = %broadcast_in_dim3A_762, %scan3A_839 = %broadcast_in_dim3A_764, %scan3A_840 = %broadcast_in_dim3A_766, %scan3A_841 = %broadcast_in_dim3A_768, %scan3A_842 = %broadcast_in_dim3A_770) -> (vector<16xf32>, vector<16xf32>, vector<16xf32>, vector<16xf32>, vector<16xf32>, vector<16xf32>, vector<16xf32>, vector<16xf32>)  : i32 {
          %get3A_843 = arith.index_cast %scan3A_834 : i32 to index
          %get3A_844 = arith.constant 0 : index
          %get3A_845 = tpu.vector_load %arg8[%get3A_843, %get3A_844] {strides = array<i32>} : memref<80x128xf32, #tpu.memory_space<vmem>>, vector<1x16xf32>,
          %get3A_846 = vector.shape_cast %get3A_845 : vector<1x16xf32> to vector<16xf32>
          %add3A_847 = arith.addf %scan3A_835, %get3A_846 : vector<16xf32>
          %get3A_848 = arith.index_cast %scan3A_834 : i32 to index
          %get3A_849 = arith.constant 16 : index
          %get3A_850 = tpu.vector_load %arg8[%get3A_848, %get3A_849] {strides = array<i32>} : memref<80x128xf32, #tpu.memory_space<vmem>>, vector<1x16xf32>,
          %get3A_851 = vector.shape_cast %get3A_850 : vector<1x16xf32> to vector<16xf32>
          %add3A_852 = arith.addf %scan3A_836, %get3A_851 : vector<16xf32>
          %get3A_853 = arith.index_cast %scan3A_834 : i32 to index
          %get3A_854 = arith.constant 32 : index
          %get3A_855 = tpu.vector_load %arg8[%get3A_853, %get3A_854] {strides = array<i32>} : memref<80x128xf32, #tpu.memory_space<vmem>>, vector<1x16xf32>,
          %get3A_856 = vector.shape_cast %get3A_855 : vector<1x16xf32> to vector<16xf32>
          %add3A_857 = arith.addf %scan3A_837, %get3A_856 : vector<16xf32>
          %get3A_858 = arith.index_cast %scan3A_834 : i32 to index
          %get3A_859 = arith.constant 48 : index
          %get3A_860 = tpu.vector_load %arg8[%get3A_858, %get3A_859] {strides = array<i32>} : memref<80x128xf32, #tpu.memory_space<vmem>>, vector<1x16xf32>,
          %get3A_861 = vector.shape_cast %get3A_860 : vector<1x16xf32> to vector<16xf32>
          %add3A_862 = arith.addf %scan3A_838, %get3A_861 : vector<16xf32>
          %get3A_863 = arith.index_cast %scan3A_834 : i32 to index
          %get3A_864 = arith.constant 64 : index
          %get3A_865 = tpu.vector_load %arg8[%get3A_863, %get3A_864] {strides = array<i32>} : memref<80x128xf32, #tpu.memory_space<vmem>>, vector<1x16xf32>,
          %get3A_866 = vector.shape_cast %get3A_865 : vector<1x16xf32> to vector<16xf32>
          %add3A_867 = arith.addf %scan3A_839, %get3A_866 : vector<16xf32>
          %get3A_868 = arith.index_cast %scan3A_834 : i32 to index
          %get3A_869 = arith.constant 80 : index
          %get3A_870 = tpu.vector_load %arg8[%get3A_868, %get3A_869] {strides = array<i32>} : memref<80x128xf32, #tpu.memory_space<vmem>>, vector<1x16xf32>,
          %get3A_871 = vector.shape_cast %get3A_870 : vector<1x16xf32> to vector<16xf32>
          %add3A_872 = arith.addf %scan3A_840, %get3A_871 : vector<16xf32>
          %get3A_873 = arith.index_cast %scan3A_834 : i32 to index
          %get3A_874 = arith.constant 96 : index
          %get3A_875 = tpu.vector_load %arg8[%get3A_873, %get3A_874] {strides = array<i32>} : memref<80x128xf32, #tpu.memory_space<vmem>>, vector<1x16xf32>,
          %get3A_876 = vector.shape_cast %get3A_875 : vector<1x16xf32> to vector<16xf32>
          %add3A_877 = arith.addf %scan3A_841, %get3A_876 : vector<16xf32>
          %get3A_878 = arith.index_cast %scan3A_834 : i32 to index
          %get3A_879 = arith.constant 112 : index
          %get3A_880 = tpu.vector_load %arg8[%get3A_878, %get3A_879] {strides = array<i32>} : memref<80x128xf32, #tpu.memory_space<vmem>>, vector<1x16xf32>,
          %get3A_881 = vector.shape_cast %get3A_880 : vector<1x16xf32> to vector<16xf32>
          %add3A_882 = arith.addf %scan3A_842, %get3A_881 : vector<16xf32>
          scf.yield %add3A_847, %add3A_852, %add3A_857, %add3A_862, %add3A_867, %add3A_872, %add3A_877, %add3A_882 : vector<16xf32>, vector<16xf32>, vector<16xf32>, vector<16xf32>, vector<16xf32>, vector<16xf32>, vector<16xf32>, vector<16xf32>
        }
        %scan3A_776 = arith.constant 80 : i32
        %swap3A_777 = arith.constant 0 : i32
        %swap3A_778 = arith.index_cast %swap3A_777 : i32 to index
        %swap3A_779 = arith.constant 0 : index
        %swap3A_780 = tpu.vector_load %arg8[%swap3A_778, %swap3A_779] {strides = array<i32>} : memref<80x128xf32, #tpu.memory_space<vmem>>, vector<1x16xf32>,
        %swap3A_781 = vector.shape_cast %swap3A_780 : vector<1x16xf32> to vector<16xf32>
        %swap3A_782 = vector.shape_cast %scan3A_775#0 : vector<16xf32> to vector<1x16xf32>
        tpu.vector_store %arg8[%swap3A_778, %swap3A_779], %swap3A_782 {strides = array<i32>} : memref<80x128xf32, #tpu.memory_space<vmem>>, vector<1x16xf32>,
        %swap3A_783 = arith.constant 0 : i32
        %swap3A_784 = arith.index_cast %swap3A_783 : i32 to index
        %swap3A_785 = arith.constant 16 : index
        %swap3A_786 = tpu.vector_load %arg8[%swap3A_784, %swap3A_785] {strides = array<i32>} : memref<80x128xf32, #tpu.memory_space<vmem>>, vector<1x16xf32>,
        %swap3A_787 = vector.shape_cast %swap3A_786 : vector<1x16xf32> to vector<16xf32>
        %swap3A_788 = vector.shape_cast %scan3A_775#1 : vector<16xf32> to vector<1x16xf32>
        tpu.vector_store %arg8[%swap3A_784, %swap3A_785], %swap3A_788 {strides = array<i32>} : memref<80x128xf32, #tpu.memory_space<vmem>>, vector<1x16xf32>,
        %swap3A_789 = arith.constant 0 : i32
        %swap3A_790 = arith.index_cast %swap3A_789 : i32 to index
        %swap3A_791 = arith.constant 32 : index
        %swap3A_792 = tpu.vector_load %arg8[%swap3A_790, %swap3A_791] {strides = array<i32>} : memref<80x128xf32, #tpu.memory_space<vmem>>, vector<1x16xf32>,
        %swap3A_793 = vector.shape_cast %swap3A_792 : vector<1x16xf32> to vector<16xf32>
        %swap3A_794 = vector.shape_cast %scan3A_775#2 : vector<16xf32> to vector<1x16xf32>
        tpu.vector_store %arg8[%swap3A_790, %swap3A_791], %swap3A_794 {strides = array<i32>} : memref<80x128xf32, #tpu.memory_space<vmem>>, vector<1x16xf32>,
        %swap3A_795 = arith.constant 0 : i32
        %swap3A_796 = arith.index_cast %swap3A_795 : i32 to index
        %swap3A_797 = arith.constant 48 : index
        %swap3A_798 = tpu.vector_load %arg8[%swap3A_796, %swap3A_797] {strides = array<i32>} : memref<80x128xf32, #tpu.memory_space<vmem>>, vector<1x16xf32>,
        %swap3A_799 = vector.shape_cast %swap3A_798 : vector<1x16xf32> to vector<16xf32>
        %swap3A_800 = vector.shape_cast %scan3A_775#3 : vector<16xf32> to vector<1x16xf32>
        tpu.vector_store %arg8[%swap3A_796, %swap3A_797], %swap3A_800 {strides = array<i32>} : memref<80x128xf32, #tpu.memory_space<vmem>>, vector<1x16xf32>,
        %swap3A_801 = arith.constant 0 : i32
        %swap3A_802 = arith.index_cast %swap3A_801 : i32 to index
        %swap3A_803 = arith.constant 64 : index
        %swap3A_804 = tpu.vector_load %arg8[%swap3A_802, %swap3A_803] {strides = array<i32>} : memref<80x128xf32, #tpu.memory_space<vmem>>, vector<1x16xf32>,
        %swap3A_805 = vector.shape_cast %swap3A_804 : vector<1x16xf32> to vector<16xf32>
        %swap3A_806 = vector.shape_cast %scan3A_775#4 : vector<16xf32> to vector<1x16xf32>
        tpu.vector_store %arg8[%swap3A_802, %swap3A_803], %swap3A_806 {strides = array<i32>} : memref<80x128xf32, #tpu.memory_space<vmem>>, vector<1x16xf32>,
        %swap3A_807 = arith.constant 0 : i32
        %swap3A_808 = arith.index_cast %swap3A_807 : i32 to index
        %swap3A_809 = arith.constant 80 : index
        %swap3A_810 = tpu.vector_load %arg8[%swap3A_808, %swap3A_809] {strides = array<i32>} : memref<80x128xf32, #tpu.memory_space<vmem>>, vector<1x16xf32>,
        %swap3A_811 = vector.shape_cast %swap3A_810 : vector<1x16xf32> to vector<16xf32>
        %swap3A_812 = vector.shape_cast %scan3A_775#5 : vector<16xf32> to vector<1x16xf32>
        tpu.vector_store %arg8[%swap3A_808, %swap3A_809], %swap3A_812 {strides = array<i32>} : memref<80x128xf32, #tpu.memory_space<vmem>>, vector<1x16xf32>,
        %swap3A_813 = arith.constant 0 : i32
        %swap3A_814 = arith.index_cast %swap3A_813 : i32 to index
        %swap3A_815 = arith.constant 96 : index
        %swap3A_816 = tpu.vector_load %arg8[%swap3A_814, %swap3A_815] {strides = array<i32>} : memref<80x128xf32, #tpu.memory_space<vmem>>, vector<1x16xf32>,
        %swap3A_817 = vector.shape_cast %swap3A_816 : vector<1x16xf32> to vector<16xf32>
        %swap3A_818 = vector.shape_cast %scan3A_775#6 : vector<16xf32> to vector<1x16xf32>
        tpu.vector_store %arg8[%swap3A_814, %swap3A_815], %swap3A_818 {strides = array<i32>} : memref<80x128xf32, #tpu.memory_space<vmem>>, vector<1x16xf32>,
        %swap3A_819 = arith.constant 0 : i32
        %swap3A_820 = arith.index_cast %swap3A_819 : i32 to index
        %swap3A_821 = arith.constant 112 : index
        %swap3A_822 = tpu.vector_load %arg8[%swap3A_820, %swap3A_821] {strides = array<i32>} : memref<80x128xf32, #tpu.memory_space<vmem>>, vector<1x16xf32>,
        %swap3A_823 = vector.shape_cast %swap3A_822 : vector<1x16xf32> to vector<16xf32>
        %swap3A_824 = vector.shape_cast %scan3A_775#7 : vector<16xf32> to vector<1x16xf32>
        tpu.vector_store %arg8[%swap3A_820, %swap3A_821], %swap3A_824 {strides = array<i32>} : memref<80x128xf32, #tpu.memory_space<vmem>>, vector<1x16xf32>,
        %dma_start3A_825 = arith.constant 0 : i32
        %dma_start3A_826 = arith.constant 0 : i32
        %dma_start3A_827 = tpu.memref_slice %arg8[%dma_start3A_825, %dma_start3A_826] : memref<80x128xf32, #tpu.memory_space<vmem>> -> memref<16x128xf32, #tpu.memory_space<vmem>>
        %dma_start3A_828 = arith.constant 0 : i32
        %dma_start3A_829 = arith.constant 0 : i32
        %dma_start3A_830 = tpu.memref_slice %arg26[%dma_start3A_828, %dma_start3A_829] : memref<1040x128xf32, #tpu.memory_space<vmem_shared>> -> memref<1040x128xf32, #tpu.memory_space<vmem_shared>>
        tpu.enqueue_indirect_dma source(%dma_start3A_827 : memref<16x128xf32, #tpu.memory_space<vmem>>) target(%dma_start3A_830 : memref<1040x128xf32, #tpu.memory_space<vmem_shared>>) offsets(%arg18 : memref<16xi32, #tpu.memory_space<vmem>>) semaphore(%arg34 : memref<!tpu.dma_semaphore, #tpu.memory_space<semaphore_mem>>) {add = true}
        %dma_start3A_831 = arith.constant 0 : i32
        %dma_start3A_832 = arith.constant 0 : i32
        %dma_start3A_833 = tpu.memref_slice %arg28[%dma_start3A_831, %dma_start3A_832] : memref<1040x128xf32, #tpu.memory_space<vmem_shared>> -> memref<1040x128xf32, #tpu.memory_space<vmem_shared>>
        tpu.enqueue_indirect_dma source(%arg24 : memref<16x128xf32, #tpu.memory_space<vmem>>) target(%dma_start3A_833 : memref<1040x128xf32, #tpu.memory_space<vmem_shared>>) offsets(%arg18 : memref<16xi32, #tpu.memory_space<vmem>>) semaphore(%arg34 : memref<!tpu.dma_semaphore, #tpu.memory_space<semaphore_mem>>) {add = true}
      } else {
      }
      %get3A_480 = arith.constant 0 : index
      %get3A_481 = tpu.vector_load %arg13[%get3A_480] {strides = array<i32>} : memref<80xi32, #tpu.memory_space<vmem>>, vector<16xi32>,
      %get3A_482 = vector.shape_cast %get3A_481 : vector<16xi32> to vector<16xi32>
      %get3A_483 = arith.constant 64 : index
      %get3A_484 = tpu.vector_load %arg13[%get3A_483] {strides = array<i32>} : memref<80xi32, #tpu.memory_space<vmem>>, vector<16xi32>,
      %get3A_485 = vector.shape_cast %get3A_484 : vector<16xi32> to vector<16xi32>
      %slice3A_486 = vector.extract_strided_slice %get3A_482 {offsets = [0], sizes = [1], strides = [1]} : vector<16xi32> to vector<1xi32>
      %squeeze3A_487 = vector.extract %slice3A_486[0] : i32 from vector<1xi32>
      %slice3A_488 = vector.extract_strided_slice %get3A_485 {offsets = [15], sizes = [1], strides = [1]} : vector<16xi32> to vector<1xi32>
      %squeeze3A_489 = vector.extract %slice3A_488[0] : i32 from vector<1xi32>
      %eq3A_490 = arith.cmpi eq, %squeeze3A_487, %squeeze3A_489 : i32
      %not3A_491 = arith.constant true
      %not3A_492 = arith.xori %eq3A_490, %not3A_491 : i1
      %convert_element_type3A_493 = arith.extui %not3A_492 : i1 to i32
      %cond3A_494 = arith.constant 0 : i32
      %cond3A_495 = arith.cmpi ne, %convert_element_type3A_493, %cond3A_494 : i32
      scf.if %cond3A_495 {
        %dma_start3A_755 = arith.constant 0 : i32
        %dma_start3A_756 = arith.constant 0 : i32
        %dma_start3A_757 = tpu.memref_slice %arg26[%dma_start3A_755, %dma_start3A_756] : memref<1040x128xf32, #tpu.memory_space<vmem_shared>> -> memref<1040x128xf32, #tpu.memory_space<vmem_shared>>
        tpu.enqueue_indirect_dma source(%arg8 : memref<80x128xf32, #tpu.memory_space<vmem>>) target(%dma_start3A_757 : memref<1040x128xf32, #tpu.memory_space<vmem_shared>>) offsets(%arg13 : memref<80xi32, #tpu.memory_space<vmem>>) semaphore(%arg34 : memref<!tpu.dma_semaphore, #tpu.memory_space<semaphore_mem>>) {add = true}
        %dma_start3A_758 = arith.constant 0 : i32
        %dma_start3A_759 = arith.constant 0 : i32
        %dma_start3A_760 = tpu.memref_slice %arg28[%dma_start3A_758, %dma_start3A_759] : memref<1040x128xf32, #tpu.memory_space<vmem_shared>> -> memref<1040x128xf32, #tpu.memory_space<vmem_shared>>
        tpu.enqueue_indirect_dma source(%arg23 : memref<80x128xf32, #tpu.memory_space<vmem>>) target(%dma_start3A_760 : memref<1040x128xf32, #tpu.memory_space<vmem_shared>>) offsets(%arg13 : memref<80xi32, #tpu.memory_space<vmem>>) semaphore(%arg34 : memref<!tpu.dma_semaphore, #tpu.memory_space<semaphore_mem>>) {add = true}
      } else {
      }
      %add3A_496 = arith.constant 3 : i32
      %add3A_497 = arith.addi %add3A_446, %add3A_496 : i32
      %lt3A = arith.constant 125 : i32
      %lt3A_498 = arith.cmpi slt, %add3A_497, %lt3A : i32
      %convert_element_type3A_499 = arith.extui %lt3A_498 : i1 to i32
      %cond3A_500 = arith.constant 0 : i32
      %cond3A_501 = arith.cmpi ne, %convert_element_type3A_499, %cond3A_500 : i32
      scf.if %cond3A_501 {
        %ge3A = arith.constant 5 : i32
        %ge3A_755 = arith.cmpi sge, %add3A_497, %ge3A : i32
        %convert_element_type3A_756 = arith.extui %ge3A_755 : i1 to i32
        %cond3A_757 = arith.constant 0 : i32
        %cond3A_758 = arith.cmpi ne, %convert_element_type3A_756, %cond3A_757 : i32
        scf.if %cond3A_758 {
          %get3A_768 = arith.constant 0 : index
          %get3A_769 = tpu.vector_load %arg16[%get3A_768] {strides = array<i32>} : memref<80xi32, #tpu.memory_space<vmem>>, vector<16xi32>,
          %get3A_770 = vector.shape_cast %get3A_769 : vector<16xi32> to vector<16xi32>
          %get3A_771 = arith.constant 64 : index
          %get3A_772 = tpu.vector_load %arg16[%get3A_771] {strides = array<i32>} : memref<80xi32, #tpu.memory_space<vmem>>, vector<16xi32>,
          %get3A_773 = vector.shape_cast %get3A_772 : vector<16xi32> to vector<16xi32>
          %slice3A_774 = vector.extract_strided_slice %get3A_770 {offsets = [0], sizes = [1], strides = [1]} : vector<16xi32> to vector<1xi32>
          %squeeze3A_775 = vector.extract %slice3A_774[0] : i32 from vector<1xi32>
          %slice3A_776 = vector.extract_strided_slice %get3A_773 {offsets = [15], sizes = [1], strides = [1]} : vector<16xi32> to vector<1xi32>
          %squeeze3A_777 = vector.extract %slice3A_776[0] : i32 from vector<1xi32>
          %eq3A_778 = arith.cmpi eq, %squeeze3A_775, %squeeze3A_777 : i32
          %convert_element_type3A_779 = arith.extui %eq3A_778 : i1 to i32
          %cond3A_780 = arith.constant 0 : i32
          %cond3A_781 = arith.cmpi ne, %convert_element_type3A_779, %cond3A_780 : i32
          scf.if %cond3A_781 {
            %dma_wait3A_798 = arith.constant 0 : i32
            %dma_wait3A_799 = arith.constant 0 : i32
            %dma_wait3A_800 = tpu.memref_slice %arg11[%dma_wait3A_798, %dma_wait3A_799] : memref<80x128xf32, #tpu.memory_space<vmem>> -> memref<16x128xf32, #tpu.memory_space<vmem>>
            %dma_wait3A_801 = arith.constant 0 : i32
            %dma_wait3A_802 = arith.constant 0 : i32
            %dma_wait3A_803 = tpu.memref_slice %arg26[%dma_wait3A_801, %dma_wait3A_802] : memref<1040x128xf32, #tpu.memory_space<vmem_shared>> -> memref<1040x128xf32, #tpu.memory_space<vmem_shared>>
            tpu.wait_indirect_dma semaphore(%arg37 : memref<!tpu.dma_semaphore, #tpu.memory_space<semaphore_mem>>) src(%dma_wait3A_800 : memref<16x128xf32, #tpu.memory_space<vmem>>) dst(%dma_wait3A_803 : memref<1040x128xf32, #tpu.memory_space<vmem_shared>>)
            %dma_wait3A_804 = arith.constant 0 : i32
            %dma_wait3A_805 = arith.constant 0 : i32
            %dma_wait3A_806 = tpu.memref_slice %arg28[%dma_wait3A_804, %dma_wait3A_805] : memref<1040x128xf32, #tpu.memory_space<vmem_shared>> -> memref<1040x128xf32, #tpu.memory_space<vmem_shared>>
            tpu.wait_indirect_dma semaphore(%arg37 : memref<!tpu.dma_semaphore, #tpu.memory_space<semaphore_mem>>) src(%arg24 : memref<16x128xf32, #tpu.memory_space<vmem>>) dst(%dma_wait3A_806 : memref<1040x128xf32, #tpu.memory_space<vmem_shared>>)
          } else {
          }
          %get3A_782 = arith.constant 0 : index
          %get3A_783 = tpu.vector_load %arg16[%get3A_782] {strides = array<i32>} : memref<80xi32, #tpu.memory_space<vmem>>, vector<16xi32>,
          %get3A_784 = vector.shape_cast %get3A_783 : vector<16xi32> to vector<16xi32>
          %get3A_785 = arith.constant 64 : index
          %get3A_786 = tpu.vector_load %arg16[%get3A_785] {strides = array<i32>} : memref<80xi32, #tpu.memory_space<vmem>>, vector<16xi32>,
          %get3A_787 = vector.shape_cast %get3A_786 : vector<16xi32> to vector<16xi32>
          %slice3A_788 = vector.extract_strided_slice %get3A_784 {offsets = [0], sizes = [1], strides = [1]} : vector<16xi32> to vector<1xi32>
          %squeeze3A_789 = vector.extract %slice3A_788[0] : i32 from vector<1xi32>
          %slice3A_790 = vector.extract_strided_slice %get3A_787 {offsets = [15], sizes = [1], strides = [1]} : vector<16xi32> to vector<1xi32>
          %squeeze3A_791 = vector.extract %slice3A_790[0] : i32 from vector<1xi32>
          %eq3A_792 = arith.cmpi eq, %squeeze3A_789, %squeeze3A_791 : i32
          %not3A_793 = arith.constant true
          %not3A_794 = arith.xori %eq3A_792, %not3A_793 : i1
          %convert_element_type3A_795 = arith.extui %not3A_794 : i1 to i32
          %cond3A_796 = arith.constant 0 : i32
          %cond3A_797 = arith.cmpi ne, %convert_element_type3A_795, %cond3A_796 : i32
          scf.if %cond3A_797 {
            %dma_wait3A_798 = arith.constant 0 : i32
            %dma_wait3A_799 = arith.constant 0 : i32
            %dma_wait3A_800 = tpu.memref_slice %arg26[%dma_wait3A_798, %dma_wait3A_799] : memref<1040x128xf32, #tpu.memory_space<vmem_shared>> -> memref<1040x128xf32, #tpu.memory_space<vmem_shared>>
            tpu.wait_indirect_dma semaphore(%arg37 : memref<!tpu.dma_semaphore, #tpu.memory_space<semaphore_mem>>) src(%arg11 : memref<80x128xf32, #tpu.memory_space<vmem>>) dst(%dma_wait3A_800 : memref<1040x128xf32, #tpu.memory_space<vmem_shared>>)
            %dma_wait3A_801 = arith.constant 0 : i32
            %dma_wait3A_802 = arith.constant 0 : i32
            %dma_wait3A_803 = tpu.memref_slice %arg28[%dma_wait3A_801, %dma_wait3A_802] : memref<1040x128xf32, #tpu.memory_space<vmem_shared>> -> memref<1040x128xf32, #tpu.memory_space<vmem_shared>>
            tpu.wait_indirect_dma semaphore(%arg37 : memref<!tpu.dma_semaphore, #tpu.memory_space<semaphore_mem>>) src(%arg23 : memref<80x128xf32, #tpu.memory_space<vmem>>) dst(%dma_wait3A_803 : memref<1040x128xf32, #tpu.memory_space<vmem_shared>>)
          } else {
          }
        } else {
        }
        %mul3A_759 = arith.constant 80 : i32
        %mul3A_760 = arith.muli %add3A_497, %mul3A_759 : i32
        %add3A_761 = arith.addi %mul3A_2, %mul3A_760 : i32
        %dma_start3A_762 = tpu.memref_slice %arg5[%add3A_761] : memref<320000xi32, #tpu.memory_space<hbm>> -> memref<80xi32, #tpu.memory_space<hbm>>
        %dma_start3A_763 = tpu.memref_slice %arg5[%add3A_761] : memref<320000xi32, #tpu.memory_space<hbm>> -> memref<80xi32, #tpu.memory_space<hbm>>
        tpu.enqueue_dma source(%dma_start3A_763 : memref<80xi32, #tpu.memory_space<hbm>>) target(%arg16 : memref<80xi32, #tpu.memory_space<vmem>>) target_semaphore(%arg32 : memref<!tpu.dma_semaphore, #tpu.memory_space<semaphore_mem>>)
        %dma_start3A_764 = arith.constant 0 : i32
        %dma_start3A_765 = tpu.memref_slice %arg3[%add3A_761, %dma_start3A_764] : memref<320000x128xf32, #tpu.memory_space<hbm>> -> memref<80x128xf32, #tpu.memory_space<hbm>>
        %dma_start3A_766 = arith.constant 0 : i32
        %dma_start3A_767 = tpu.memref_slice %arg3[%add3A_761, %dma_start3A_766] : memref<320000x128xf32, #tpu.memory_space<hbm>> -> memref<80x128xf32, #tpu.memory_space<hbm>>
        tpu.enqueue_dma source(%dma_start3A_767 : memref<80x128xf32, #tpu.memory_space<hbm>>) target(%arg11 : memref<80x128xf32, #tpu.memory_space<vmem>>) target_semaphore(%arg32 : memref<!tpu.dma_semaphore, #tpu.memory_space<semaphore_mem>>)
      } else {
      }
      %mul3A_502 = arith.constant 5 : i32
      %mul3A_503 = arith.muli %mul3A_502, %scan3A_441 : i32
      %add3A_504 = arith.constant 1 : i32
      %add3A_505 = arith.addi %mul3A_503, %add3A_504 : i32
      %mul3A_506 = arith.constant 80 : i32
      %mul3A_507 = arith.muli %add3A_505, %mul3A_506 : i32
      %add3A_508 = arith.addi %mul3A_2, %mul3A_507 : i32
      %dma_wait3A_509 = tpu.memref_slice %arg5[%add3A_508] : memref<320000xi32, #tpu.memory_space<hbm>> -> memref<80xi32, #tpu.memory_space<hbm>>
      %dma_wait3A_510 = tpu.memref_slice %arg5[%add3A_508] : memref<320000xi32, #tpu.memory_space<hbm>> -> memref<80xi32, #tpu.memory_space<hbm>>
      tpu.wait_dma2 semaphore(%arg30 : memref<!tpu.dma_semaphore, #tpu.memory_space<semaphore_mem>>) src(%dma_wait3A_510 : memref<80xi32, #tpu.memory_space<hbm>>) dst(%arg14 : memref<80xi32, #tpu.memory_space<vmem>>)
      %dma_wait3A_511 = arith.constant 0 : i32
      %dma_wait3A_512 = tpu.memref_slice %arg3[%add3A_508, %dma_wait3A_511] : memref<320000x128xf32, #tpu.memory_space<hbm>> -> memref<80x128xf32, #tpu.memory_space<hbm>>
      %dma_wait3A_513 = arith.constant 0 : i32
      %dma_wait3A_514 = tpu.memref_slice %arg3[%add3A_508, %dma_wait3A_513] : memref<320000x128xf32, #tpu.memory_space<hbm>> -> memref<80x128xf32, #tpu.memory_space<hbm>>
      tpu.wait_dma2 semaphore(%arg30 : memref<!tpu.dma_semaphore, #tpu.memory_space<semaphore_mem>>) src(%dma_wait3A_514 : memref<80x128xf32, #tpu.memory_space<hbm>>) dst(%arg9 : memref<80x128xf32, #tpu.memory_space<vmem>>)
      %get3A_515 = arith.constant 0 : index
      %get3A_516 = tpu.vector_load %arg14[%get3A_515] {strides = array<i32>} : memref<80xi32, #tpu.memory_space<vmem>>, vector<16xi32>,
      %get3A_517 = vector.shape_cast %get3A_516 : vector<16xi32> to vector<16xi32>
      %eq3A_518 = arith.constant 0 : i32
      %eq3A_519 = vector.broadcast %eq3A_518 : i32 to vector<16xi32>
      %eq3A_520 = arith.cmpi eq, %iota3A, %eq3A_519 : vector<16xi32>
      %jit3A_521 = arith.constant 1024 : i32
      %broadcast_in_dim3A_522 = vector.broadcast %jit3A_521 : i32 to vector<16xi32>
      %select_n3A_523 = arith.select %eq3A_520, %get3A_517, %broadcast_in_dim3A_522 : vector<16xi1>, vector<16xi32>
      %swap3A_524 = arith.constant 0 : index
      %swap3A_525 = tpu.vector_load %arg19[%swap3A_524] {strides = array<i32>} : memref<16xi32, #tpu.memory_space<vmem>>, vector<16xi32>,
      %swap3A_526 = vector.shape_cast %swap3A_525 : vector<16xi32> to vector<16xi32>
      %swap3A_527 = vector.shape_cast %select_n3A_523 : vector<16xi32> to vector<16xi32>
      tpu.vector_store %arg19[%swap3A_524], %swap3A_527 {strides = array<i32>} : memref<16xi32, #tpu.memory_space<vmem>>, vector<16xi32>,
      %get3A_528 = arith.constant 0 : index
      %get3A_529 = tpu.vector_load %arg14[%get3A_528] {strides = array<i32>} : memref<80xi32, #tpu.memory_space<vmem>>, vector<16xi32>,
      %get3A_530 = vector.shape_cast %get3A_529 : vector<16xi32> to vector<16xi32>
      %get3A_531 = arith.constant 64 : index
      %get3A_532 = tpu.vector_load %arg14[%get3A_531] {strides = array<i32>} : memref<80xi32, #tpu.memory_space<vmem>>, vector<16xi32>,
      %get3A_533 = vector.shape_cast %get3A_532 : vector<16xi32> to vector<16xi32>
      %slice3A_534 = vector.extract_strided_slice %get3A_530 {offsets = [0], sizes = [1], strides = [1]} : vector<16xi32> to vector<1xi32>
      %squeeze3A_535 = vector.extract %slice3A_534[0] : i32 from vector<1xi32>
      %slice3A_536 = vector.extract_strided_slice %get3A_533 {offsets = [15], sizes = [1], strides = [1]} : vector<16xi32> to vector<1xi32>
      %squeeze3A_537 = vector.extract %slice3A_536[0] : i32 from vector<1xi32>
      %eq3A_538 = arith.cmpi eq, %squeeze3A_535, %squeeze3A_537 : i32
      %convert_element_type3A_539 = arith.extui %eq3A_538 : i1 to i32
      %cond3A_540 = arith.constant 0 : i32
      %cond3A_541 = arith.cmpi ne, %convert_element_type3A_539, %cond3A_540 : i32
      scf.if %cond3A_541 {
        %broadcast_in_dim3A_755 = arith.constant 0.000000e+00 : f32
        %broadcast_in_dim3A_756 = vector.broadcast %broadcast_in_dim3A_755 : f32 to vector<16xf32>
        %broadcast_in_dim3A_757 = arith.constant 0.000000e+00 : f32
        %broadcast_in_dim3A_758 = vector.broadcast %broadcast_in_dim3A_757 : f32 to vector<16xf32>
        %broadcast_in_dim3A_759 = arith.constant 0.000000e+00 : f32
        %broadcast_in_dim3A_760 = vector.broadcast %broadcast_in_dim3A_759 : f32 to vector<16xf32>
        %broadcast_in_dim3A_761 = arith.constant 0.000000e+00 : f32
        %broadcast_in_dim3A_762 = vector.broadcast %broadcast_in_dim3A_761 : f32 to vector<16xf32>
        %broadcast_in_dim3A_763 = arith.constant 0.000000e+00 : f32
        %broadcast_in_dim3A_764 = vector.broadcast %broadcast_in_dim3A_763 : f32 to vector<16xf32>
        %broadcast_in_dim3A_765 = arith.constant 0.000000e+00 : f32
        %broadcast_in_dim3A_766 = vector.broadcast %broadcast_in_dim3A_765 : f32 to vector<16xf32>
        %broadcast_in_dim3A_767 = arith.constant 0.000000e+00 : f32
        %broadcast_in_dim3A_768 = vector.broadcast %broadcast_in_dim3A_767 : f32 to vector<16xf32>
        %broadcast_in_dim3A_769 = arith.constant 0.000000e+00 : f32
        %broadcast_in_dim3A_770 = vector.broadcast %broadcast_in_dim3A_769 : f32 to vector<16xf32>
        %scan3A_771 = arith.constant 0 : i32
        %scan3A_772 = arith.constant 80 : i32
        %scan3A_773 = arith.addi %scan3A_771, %scan3A_772 : i32
        %scan3A_774 = arith.constant 1 : i32
        %scan3A_775:8 = scf.for %scan3A_834 = %scan3A_771 to %scan3A_773 step %scan3A_774 iter_args(%scan3A_835 = %broadcast_in_dim3A_756, %scan3A_836 = %broadcast_in_dim3A_758, %scan3A_837 = %broadcast_in_dim3A_760, %scan3A_838 = %broadcast_in_dim3A_762, %scan3A_839 = %broadcast_in_dim3A_764, %scan3A_840 = %broadcast_in_dim3A_766, %scan3A_841 = %broadcast_in_dim3A_768, %scan3A_842 = %broadcast_in_dim3A_770) -> (vector<16xf32>, vector<16xf32>, vector<16xf32>, vector<16xf32>, vector<16xf32>, vector<16xf32>, vector<16xf32>, vector<16xf32>)  : i32 {
          %get3A_843 = arith.index_cast %scan3A_834 : i32 to index
          %get3A_844 = arith.constant 0 : index
          %get3A_845 = tpu.vector_load %arg9[%get3A_843, %get3A_844] {strides = array<i32>} : memref<80x128xf32, #tpu.memory_space<vmem>>, vector<1x16xf32>,
          %get3A_846 = vector.shape_cast %get3A_845 : vector<1x16xf32> to vector<16xf32>
          %add3A_847 = arith.addf %scan3A_835, %get3A_846 : vector<16xf32>
          %get3A_848 = arith.index_cast %scan3A_834 : i32 to index
          %get3A_849 = arith.constant 16 : index
          %get3A_850 = tpu.vector_load %arg9[%get3A_848, %get3A_849] {strides = array<i32>} : memref<80x128xf32, #tpu.memory_space<vmem>>, vector<1x16xf32>,
          %get3A_851 = vector.shape_cast %get3A_850 : vector<1x16xf32> to vector<16xf32>
          %add3A_852 = arith.addf %scan3A_836, %get3A_851 : vector<16xf32>
          %get3A_853 = arith.index_cast %scan3A_834 : i32 to index
          %get3A_854 = arith.constant 32 : index
          %get3A_855 = tpu.vector_load %arg9[%get3A_853, %get3A_854] {strides = array<i32>} : memref<80x128xf32, #tpu.memory_space<vmem>>, vector<1x16xf32>,
          %get3A_856 = vector.shape_cast %get3A_855 : vector<1x16xf32> to vector<16xf32>
          %add3A_857 = arith.addf %scan3A_837, %get3A_856 : vector<16xf32>
          %get3A_858 = arith.index_cast %scan3A_834 : i32 to index
          %get3A_859 = arith.constant 48 : index
          %get3A_860 = tpu.vector_load %arg9[%get3A_858, %get3A_859] {strides = array<i32>} : memref<80x128xf32, #tpu.memory_space<vmem>>, vector<1x16xf32>,
          %get3A_861 = vector.shape_cast %get3A_860 : vector<1x16xf32> to vector<16xf32>
          %add3A_862 = arith.addf %scan3A_838, %get3A_861 : vector<16xf32>
          %get3A_863 = arith.index_cast %scan3A_834 : i32 to index
          %get3A_864 = arith.constant 64 : index
          %get3A_865 = tpu.vector_load %arg9[%get3A_863, %get3A_864] {strides = array<i32>} : memref<80x128xf32, #tpu.memory_space<vmem>>, vector<1x16xf32>,
          %get3A_866 = vector.shape_cast %get3A_865 : vector<1x16xf32> to vector<16xf32>
          %add3A_867 = arith.addf %scan3A_839, %get3A_866 : vector<16xf32>
          %get3A_868 = arith.index_cast %scan3A_834 : i32 to index
          %get3A_869 = arith.constant 80 : index
          %get3A_870 = tpu.vector_load %arg9[%get3A_868, %get3A_869] {strides = array<i32>} : memref<80x128xf32, #tpu.memory_space<vmem>>, vector<1x16xf32>,
          %get3A_871 = vector.shape_cast %get3A_870 : vector<1x16xf32> to vector<16xf32>
          %add3A_872 = arith.addf %scan3A_840, %get3A_871 : vector<16xf32>
          %get3A_873 = arith.index_cast %scan3A_834 : i32 to index
          %get3A_874 = arith.constant 96 : index
          %get3A_875 = tpu.vector_load %arg9[%get3A_873, %get3A_874] {strides = array<i32>} : memref<80x128xf32, #tpu.memory_space<vmem>>, vector<1x16xf32>,
          %get3A_876 = vector.shape_cast %get3A_875 : vector<1x16xf32> to vector<16xf32>
          %add3A_877 = arith.addf %scan3A_841, %get3A_876 : vector<16xf32>
          %get3A_878 = arith.index_cast %scan3A_834 : i32 to index
          %get3A_879 = arith.constant 112 : index
          %get3A_880 = tpu.vector_load %arg9[%get3A_878, %get3A_879] {strides = array<i32>} : memref<80x128xf32, #tpu.memory_space<vmem>>, vector<1x16xf32>,
          %get3A_881 = vector.shape_cast %get3A_880 : vector<1x16xf32> to vector<16xf32>
          %add3A_882 = arith.addf %scan3A_842, %get3A_881 : vector<16xf32>
          scf.yield %add3A_847, %add3A_852, %add3A_857, %add3A_862, %add3A_867, %add3A_872, %add3A_877, %add3A_882 : vector<16xf32>, vector<16xf32>, vector<16xf32>, vector<16xf32>, vector<16xf32>, vector<16xf32>, vector<16xf32>, vector<16xf32>
        }
        %scan3A_776 = arith.constant 80 : i32
        %swap3A_777 = arith.constant 0 : i32
        %swap3A_778 = arith.index_cast %swap3A_777 : i32 to index
        %swap3A_779 = arith.constant 0 : index
        %swap3A_780 = tpu.vector_load %arg9[%swap3A_778, %swap3A_779] {strides = array<i32>} : memref<80x128xf32, #tpu.memory_space<vmem>>, vector<1x16xf32>,
        %swap3A_781 = vector.shape_cast %swap3A_780 : vector<1x16xf32> to vector<16xf32>
        %swap3A_782 = vector.shape_cast %scan3A_775#0 : vector<16xf32> to vector<1x16xf32>
        tpu.vector_store %arg9[%swap3A_778, %swap3A_779], %swap3A_782 {strides = array<i32>} : memref<80x128xf32, #tpu.memory_space<vmem>>, vector<1x16xf32>,
        %swap3A_783 = arith.constant 0 : i32
        %swap3A_784 = arith.index_cast %swap3A_783 : i32 to index
        %swap3A_785 = arith.constant 16 : index
        %swap3A_786 = tpu.vector_load %arg9[%swap3A_784, %swap3A_785] {strides = array<i32>} : memref<80x128xf32, #tpu.memory_space<vmem>>, vector<1x16xf32>,
        %swap3A_787 = vector.shape_cast %swap3A_786 : vector<1x16xf32> to vector<16xf32>
        %swap3A_788 = vector.shape_cast %scan3A_775#1 : vector<16xf32> to vector<1x16xf32>
        tpu.vector_store %arg9[%swap3A_784, %swap3A_785], %swap3A_788 {strides = array<i32>} : memref<80x128xf32, #tpu.memory_space<vmem>>, vector<1x16xf32>,
        %swap3A_789 = arith.constant 0 : i32
        %swap3A_790 = arith.index_cast %swap3A_789 : i32 to index
        %swap3A_791 = arith.constant 32 : index
        %swap3A_792 = tpu.vector_load %arg9[%swap3A_790, %swap3A_791] {strides = array<i32>} : memref<80x128xf32, #tpu.memory_space<vmem>>, vector<1x16xf32>,
        %swap3A_793 = vector.shape_cast %swap3A_792 : vector<1x16xf32> to vector<16xf32>
        %swap3A_794 = vector.shape_cast %scan3A_775#2 : vector<16xf32> to vector<1x16xf32>
        tpu.vector_store %arg9[%swap3A_790, %swap3A_791], %swap3A_794 {strides = array<i32>} : memref<80x128xf32, #tpu.memory_space<vmem>>, vector<1x16xf32>,
        %swap3A_795 = arith.constant 0 : i32
        %swap3A_796 = arith.index_cast %swap3A_795 : i32 to index
        %swap3A_797 = arith.constant 48 : index
        %swap3A_798 = tpu.vector_load %arg9[%swap3A_796, %swap3A_797] {strides = array<i32>} : memref<80x128xf32, #tpu.memory_space<vmem>>, vector<1x16xf32>,
        %swap3A_799 = vector.shape_cast %swap3A_798 : vector<1x16xf32> to vector<16xf32>
        %swap3A_800 = vector.shape_cast %scan3A_775#3 : vector<16xf32> to vector<1x16xf32>
        tpu.vector_store %arg9[%swap3A_796, %swap3A_797], %swap3A_800 {strides = array<i32>} : memref<80x128xf32, #tpu.memory_space<vmem>>, vector<1x16xf32>,
        %swap3A_801 = arith.constant 0 : i32
        %swap3A_802 = arith.index_cast %swap3A_801 : i32 to index
        %swap3A_803 = arith.constant 64 : index
        %swap3A_804 = tpu.vector_load %arg9[%swap3A_802, %swap3A_803] {strides = array<i32>} : memref<80x128xf32, #tpu.memory_space<vmem>>, vector<1x16xf32>,
        %swap3A_805 = vector.shape_cast %swap3A_804 : vector<1x16xf32> to vector<16xf32>
        %swap3A_806 = vector.shape_cast %scan3A_775#4 : vector<16xf32> to vector<1x16xf32>
        tpu.vector_store %arg9[%swap3A_802, %swap3A_803], %swap3A_806 {strides = array<i32>} : memref<80x128xf32, #tpu.memory_space<vmem>>, vector<1x16xf32>,
        %swap3A_807 = arith.constant 0 : i32
        %swap3A_808 = arith.index_cast %swap3A_807 : i32 to index
        %swap3A_809 = arith.constant 80 : index
        %swap3A_810 = tpu.vector_load %arg9[%swap3A_808, %swap3A_809] {strides = array<i32>} : memref<80x128xf32, #tpu.memory_space<vmem>>, vector<1x16xf32>,
        %swap3A_811 = vector.shape_cast %swap3A_810 : vector<1x16xf32> to vector<16xf32>
        %swap3A_812 = vector.shape_cast %scan3A_775#5 : vector<16xf32> to vector<1x16xf32>
        tpu.vector_store %arg9[%swap3A_808, %swap3A_809], %swap3A_812 {strides = array<i32>} : memref<80x128xf32, #tpu.memory_space<vmem>>, vector<1x16xf32>,
        %swap3A_813 = arith.constant 0 : i32
        %swap3A_814 = arith.index_cast %swap3A_813 : i32 to index
        %swap3A_815 = arith.constant 96 : index
        %swap3A_816 = tpu.vector_load %arg9[%swap3A_814, %swap3A_815] {strides = array<i32>} : memref<80x128xf32, #tpu.memory_space<vmem>>, vector<1x16xf32>,
        %swap3A_817 = vector.shape_cast %swap3A_816 : vector<1x16xf32> to vector<16xf32>
        %swap3A_818 = vector.shape_cast %scan3A_775#6 : vector<16xf32> to vector<1x16xf32>
        tpu.vector_store %arg9[%swap3A_814, %swap3A_815], %swap3A_818 {strides = array<i32>} : memref<80x128xf32, #tpu.memory_space<vmem>>, vector<1x16xf32>,
        %swap3A_819 = arith.constant 0 : i32
        %swap3A_820 = arith.index_cast %swap3A_819 : i32 to index
        %swap3A_821 = arith.constant 112 : index
        %swap3A_822 = tpu.vector_load %arg9[%swap3A_820, %swap3A_821] {strides = array<i32>} : memref<80x128xf32, #tpu.memory_space<vmem>>, vector<1x16xf32>,
        %swap3A_823 = vector.shape_cast %swap3A_822 : vector<1x16xf32> to vector<16xf32>
        %swap3A_824 = vector.shape_cast %scan3A_775#7 : vector<16xf32> to vector<1x16xf32>
        tpu.vector_store %arg9[%swap3A_820, %swap3A_821], %swap3A_824 {strides = array<i32>} : memref<80x128xf32, #tpu.memory_space<vmem>>, vector<1x16xf32>,
        %dma_start3A_825 = arith.constant 0 : i32
        %dma_start3A_826 = arith.constant 0 : i32
        %dma_start3A_827 = tpu.memref_slice %arg9[%dma_start3A_825, %dma_start3A_826] : memref<80x128xf32, #tpu.memory_space<vmem>> -> memref<16x128xf32, #tpu.memory_space<vmem>>
        %dma_start3A_828 = arith.constant 0 : i32
        %dma_start3A_829 = arith.constant 0 : i32
        %dma_start3A_830 = tpu.memref_slice %arg26[%dma_start3A_828, %dma_start3A_829] : memref<1040x128xf32, #tpu.memory_space<vmem_shared>> -> memref<1040x128xf32, #tpu.memory_space<vmem_shared>>
        tpu.enqueue_indirect_dma source(%dma_start3A_827 : memref<16x128xf32, #tpu.memory_space<vmem>>) target(%dma_start3A_830 : memref<1040x128xf32, #tpu.memory_space<vmem_shared>>) offsets(%arg19 : memref<16xi32, #tpu.memory_space<vmem>>) semaphore(%arg35 : memref<!tpu.dma_semaphore, #tpu.memory_space<semaphore_mem>>) {add = true}
        %dma_start3A_831 = arith.constant 0 : i32
        %dma_start3A_832 = arith.constant 0 : i32
        %dma_start3A_833 = tpu.memref_slice %arg28[%dma_start3A_831, %dma_start3A_832] : memref<1040x128xf32, #tpu.memory_space<vmem_shared>> -> memref<1040x128xf32, #tpu.memory_space<vmem_shared>>
        tpu.enqueue_indirect_dma source(%arg24 : memref<16x128xf32, #tpu.memory_space<vmem>>) target(%dma_start3A_833 : memref<1040x128xf32, #tpu.memory_space<vmem_shared>>) offsets(%arg19 : memref<16xi32, #tpu.memory_space<vmem>>) semaphore(%arg35 : memref<!tpu.dma_semaphore, #tpu.memory_space<semaphore_mem>>) {add = true}
      } else {
      }
      %get3A_542 = arith.constant 0 : index
      %get3A_543 = tpu.vector_load %arg14[%get3A_542] {strides = array<i32>} : memref<80xi32, #tpu.memory_space<vmem>>, vector<16xi32>,
      %get3A_544 = vector.shape_cast %get3A_543 : vector<16xi32> to vector<16xi32>
      %get3A_545 = arith.constant 64 : index
      %get3A_546 = tpu.vector_load %arg14[%get3A_545] {strides = array<i32>} : memref<80xi32, #tpu.memory_space<vmem>>, vector<16xi32>,
      %get3A_547 = vector.shape_cast %get3A_546 : vector<16xi32> to vector<16xi32>
      %slice3A_548 = vector.extract_strided_slice %get3A_544 {offsets = [0], sizes = [1], strides = [1]} : vector<16xi32> to vector<1xi32>
      %squeeze3A_549 = vector.extract %slice3A_548[0] : i32 from vector<1xi32>
      %slice3A_550 = vector.extract_strided_slice %get3A_547 {offsets = [15], sizes = [1], strides = [1]} : vector<16xi32> to vector<1xi32>
      %squeeze3A_551 = vector.extract %slice3A_550[0] : i32 from vector<1xi32>
      %eq3A_552 = arith.cmpi eq, %squeeze3A_549, %squeeze3A_551 : i32
      %not3A_553 = arith.constant true
      %not3A_554 = arith.xori %eq3A_552, %not3A_553 : i1
      %convert_element_type3A_555 = arith.extui %not3A_554 : i1 to i32
      %cond3A_556 = arith.constant 0 : i32
      %cond3A_557 = arith.cmpi ne, %convert_element_type3A_555, %cond3A_556 : i32
      scf.if %cond3A_557 {
        %dma_start3A_755 = arith.constant 0 : i32
        %dma_start3A_756 = arith.constant 0 : i32
        %dma_start3A_757 = tpu.memref_slice %arg26[%dma_start3A_755, %dma_start3A_756] : memref<1040x128xf32, #tpu.memory_space<vmem_shared>> -> memref<1040x128xf32, #tpu.memory_space<vmem_shared>>
        tpu.enqueue_indirect_dma source(%arg9 : memref<80x128xf32, #tpu.memory_space<vmem>>) target(%dma_start3A_757 : memref<1040x128xf32, #tpu.memory_space<vmem_shared>>) offsets(%arg14 : memref<80xi32, #tpu.memory_space<vmem>>) semaphore(%arg35 : memref<!tpu.dma_semaphore, #tpu.memory_space<semaphore_mem>>) {add = true}
        %dma_start3A_758 = arith.constant 0 : i32
        %dma_start3A_759 = arith.constant 0 : i32
        %dma_start3A_760 = tpu.memref_slice %arg28[%dma_start3A_758, %dma_start3A_759] : memref<1040x128xf32, #tpu.memory_space<vmem_shared>> -> memref<1040x128xf32, #tpu.memory_space<vmem_shared>>
        tpu.enqueue_indirect_dma source(%arg23 : memref<80x128xf32, #tpu.memory_space<vmem>>) target(%dma_start3A_760 : memref<1040x128xf32, #tpu.memory_space<vmem_shared>>) offsets(%arg14 : memref<80xi32, #tpu.memory_space<vmem>>) semaphore(%arg35 : memref<!tpu.dma_semaphore, #tpu.memory_space<semaphore_mem>>) {add = true}
      } else {
      }
      %add3A_558 = arith.constant 3 : i32
      %add3A_559 = arith.addi %add3A_505, %add3A_558 : i32
      %lt3A_560 = arith.constant 125 : i32
      %lt3A_561 = arith.cmpi slt, %add3A_559, %lt3A_560 : i32
      %convert_element_type3A_562 = arith.extui %lt3A_561 : i1 to i32
      %cond3A_563 = arith.constant 0 : i32
      %cond3A_564 = arith.cmpi ne, %convert_element_type3A_562, %cond3A_563 : i32
      scf.if %cond3A_564 {
        %ge3A = arith.constant 5 : i32
        %ge3A_755 = arith.cmpi sge, %add3A_559, %ge3A : i32
        %convert_element_type3A_756 = arith.extui %ge3A_755 : i1 to i32
        %cond3A_757 = arith.constant 0 : i32
        %cond3A_758 = arith.cmpi ne, %convert_element_type3A_756, %cond3A_757 : i32
        scf.if %cond3A_758 {
          %get3A_768 = arith.constant 0 : index
          %get3A_769 = tpu.vector_load %arg17[%get3A_768] {strides = array<i32>} : memref<80xi32, #tpu.memory_space<vmem>>, vector<16xi32>,
          %get3A_770 = vector.shape_cast %get3A_769 : vector<16xi32> to vector<16xi32>
          %get3A_771 = arith.constant 64 : index
          %get3A_772 = tpu.vector_load %arg17[%get3A_771] {strides = array<i32>} : memref<80xi32, #tpu.memory_space<vmem>>, vector<16xi32>,
          %get3A_773 = vector.shape_cast %get3A_772 : vector<16xi32> to vector<16xi32>
          %slice3A_774 = vector.extract_strided_slice %get3A_770 {offsets = [0], sizes = [1], strides = [1]} : vector<16xi32> to vector<1xi32>
          %squeeze3A_775 = vector.extract %slice3A_774[0] : i32 from vector<1xi32>
          %slice3A_776 = vector.extract_strided_slice %get3A_773 {offsets = [15], sizes = [1], strides = [1]} : vector<16xi32> to vector<1xi32>
          %squeeze3A_777 = vector.extract %slice3A_776[0] : i32 from vector<1xi32>
          %eq3A_778 = arith.cmpi eq, %squeeze3A_775, %squeeze3A_777 : i32
          %convert_element_type3A_779 = arith.extui %eq3A_778 : i1 to i32
          %cond3A_780 = arith.constant 0 : i32
          %cond3A_781 = arith.cmpi ne, %convert_element_type3A_779, %cond3A_780 : i32
          scf.if %cond3A_781 {
            %dma_wait3A_798 = arith.constant 0 : i32
            %dma_wait3A_799 = arith.constant 0 : i32
            %dma_wait3A_800 = tpu.memref_slice %arg12[%dma_wait3A_798, %dma_wait3A_799] : memref<80x128xf32, #tpu.memory_space<vmem>> -> memref<16x128xf32, #tpu.memory_space<vmem>>
            %dma_wait3A_801 = arith.constant 0 : i32
            %dma_wait3A_802 = arith.constant 0 : i32
            %dma_wait3A_803 = tpu.memref_slice %arg26[%dma_wait3A_801, %dma_wait3A_802] : memref<1040x128xf32, #tpu.memory_space<vmem_shared>> -> memref<1040x128xf32, #tpu.memory_space<vmem_shared>>
            tpu.wait_indirect_dma semaphore(%arg38 : memref<!tpu.dma_semaphore, #tpu.memory_space<semaphore_mem>>) src(%dma_wait3A_800 : memref<16x128xf32, #tpu.memory_space<vmem>>) dst(%dma_wait3A_803 : memref<1040x128xf32, #tpu.memory_space<vmem_shared>>)
            %dma_wait3A_804 = arith.constant 0 : i32
            %dma_wait3A_805 = arith.constant 0 : i32
            %dma_wait3A_806 = tpu.memref_slice %arg28[%dma_wait3A_804, %dma_wait3A_805] : memref<1040x128xf32, #tpu.memory_space<vmem_shared>> -> memref<1040x128xf32, #tpu.memory_space<vmem_shared>>
            tpu.wait_indirect_dma semaphore(%arg38 : memref<!tpu.dma_semaphore, #tpu.memory_space<semaphore_mem>>) src(%arg24 : memref<16x128xf32, #tpu.memory_space<vmem>>) dst(%dma_wait3A_806 : memref<1040x128xf32, #tpu.memory_space<vmem_shared>>)
          } else {
          }
          %get3A_782 = arith.constant 0 : index
          %get3A_783 = tpu.vector_load %arg17[%get3A_782] {strides = array<i32>} : memref<80xi32, #tpu.memory_space<vmem>>, vector<16xi32>,
          %get3A_784 = vector.shape_cast %get3A_783 : vector<16xi32> to vector<16xi32>
          %get3A_785 = arith.constant 64 : index
          %get3A_786 = tpu.vector_load %arg17[%get3A_785] {strides = array<i32>} : memref<80xi32, #tpu.memory_space<vmem>>, vector<16xi32>,
          %get3A_787 = vector.shape_cast %get3A_786 : vector<16xi32> to vector<16xi32>
          %slice3A_788 = vector.extract_strided_slice %get3A_784 {offsets = [0], sizes = [1], strides = [1]} : vector<16xi32> to vector<1xi32>
          %squeeze3A_789 = vector.extract %slice3A_788[0] : i32 from vector<1xi32>
          %slice3A_790 = vector.extract_strided_slice %get3A_787 {offsets = [15], sizes = [1], strides = [1]} : vector<16xi32> to vector<1xi32>
          %squeeze3A_791 = vector.extract %slice3A_790[0] : i32 from vector<1xi32>
          %eq3A_792 = arith.cmpi eq, %squeeze3A_789, %squeeze3A_791 : i32
          %not3A_793 = arith.constant true
          %not3A_794 = arith.xori %eq3A_792, %not3A_793 : i1
          %convert_element_type3A_795 = arith.extui %not3A_794 : i1 to i32
          %cond3A_796 = arith.constant 0 : i32
          %cond3A_797 = arith.cmpi ne, %convert_element_type3A_795, %cond3A_796 : i32
          scf.if %cond3A_797 {
            %dma_wait3A_798 = arith.constant 0 : i32
            %dma_wait3A_799 = arith.constant 0 : i32
            %dma_wait3A_800 = tpu.memref_slice %arg26[%dma_wait3A_798, %dma_wait3A_799] : memref<1040x128xf32, #tpu.memory_space<vmem_shared>> -> memref<1040x128xf32, #tpu.memory_space<vmem_shared>>
            tpu.wait_indirect_dma semaphore(%arg38 : memref<!tpu.dma_semaphore, #tpu.memory_space<semaphore_mem>>) src(%arg12 : memref<80x128xf32, #tpu.memory_space<vmem>>) dst(%dma_wait3A_800 : memref<1040x128xf32, #tpu.memory_space<vmem_shared>>)
            %dma_wait3A_801 = arith.constant 0 : i32
            %dma_wait3A_802 = arith.constant 0 : i32
            %dma_wait3A_803 = tpu.memref_slice %arg28[%dma_wait3A_801, %dma_wait3A_802] : memref<1040x128xf32, #tpu.memory_space<vmem_shared>> -> memref<1040x128xf32, #tpu.memory_space<vmem_shared>>
            tpu.wait_indirect_dma semaphore(%arg38 : memref<!tpu.dma_semaphore, #tpu.memory_space<semaphore_mem>>) src(%arg23 : memref<80x128xf32, #tpu.memory_space<vmem>>) dst(%dma_wait3A_803 : memref<1040x128xf32, #tpu.memory_space<vmem_shared>>)
          } else {
          }
        } else {
        }
        %mul3A_759 = arith.constant 80 : i32
        %mul3A_760 = arith.muli %add3A_559, %mul3A_759 : i32
        %add3A_761 = arith.addi %mul3A_2, %mul3A_760 : i32
        %dma_start3A_762 = tpu.memref_slice %arg5[%add3A_761] : memref<320000xi32, #tpu.memory_space<hbm>> -> memref<80xi32, #tpu.memory_space<hbm>>
        %dma_start3A_763 = tpu.memref_slice %arg5[%add3A_761] : memref<320000xi32, #tpu.memory_space<hbm>> -> memref<80xi32, #tpu.memory_space<hbm>>
        tpu.enqueue_dma source(%dma_start3A_763 : memref<80xi32, #tpu.memory_space<hbm>>) target(%arg17 : memref<80xi32, #tpu.memory_space<vmem>>) target_semaphore(%arg33 : memref<!tpu.dma_semaphore, #tpu.memory_space<semaphore_mem>>)
        %dma_start3A_764 = arith.constant 0 : i32
        %dma_start3A_765 = tpu.memref_slice %arg3[%add3A_761, %dma_start3A_764] : memref<320000x128xf32, #tpu.memory_space<hbm>> -> memref<80x128xf32, #tpu.memory_space<hbm>>
        %dma_start3A_766 = arith.constant 0 : i32
        %dma_start3A_767 = tpu.memref_slice %arg3[%add3A_761, %dma_start3A_766] : memref<320000x128xf32, #tpu.memory_space<hbm>> -> memref<80x128xf32, #tpu.memory_space<hbm>>
        tpu.enqueue_dma source(%dma_start3A_767 : memref<80x128xf32, #tpu.memory_space<hbm>>) target(%arg12 : memref<80x128xf32, #tpu.memory_space<vmem>>) target_semaphore(%arg33 : memref<!tpu.dma_semaphore, #tpu.memory_space<semaphore_mem>>)
      } else {
      }
      %mul3A_565 = arith.constant 5 : i32
      %mul3A_566 = arith.muli %mul3A_565, %scan3A_441 : i32
      %add3A_567 = arith.constant 2 : i32
      %add3A_568 = arith.addi %mul3A_566, %add3A_567 : i32
      %mul3A_569 = arith.constant 80 : i32
      %mul3A_570 = arith.muli %add3A_568, %mul3A_569 : i32
      %add3A_571 = arith.addi %mul3A_2, %mul3A_570 : i32
      %dma_wait3A_572 = tpu.memref_slice %arg5[%add3A_571] : memref<320000xi32, #tpu.memory_space<hbm>> -> memref<80xi32, #tpu.memory_space<hbm>>
      %dma_wait3A_573 = tpu.memref_slice %arg5[%add3A_571] : memref<320000xi32, #tpu.memory_space<hbm>> -> memref<80xi32, #tpu.memory_space<hbm>>
      tpu.wait_dma2 semaphore(%arg31 : memref<!tpu.dma_semaphore, #tpu.memory_space<semaphore_mem>>) src(%dma_wait3A_573 : memref<80xi32, #tpu.memory_space<hbm>>) dst(%arg15 : memref<80xi32, #tpu.memory_space<vmem>>)
      %dma_wait3A_574 = arith.constant 0 : i32
      %dma_wait3A_575 = tpu.memref_slice %arg3[%add3A_571, %dma_wait3A_574] : memref<320000x128xf32, #tpu.memory_space<hbm>> -> memref<80x128xf32, #tpu.memory_space<hbm>>
      %dma_wait3A_576 = arith.constant 0 : i32
      %dma_wait3A_577 = tpu.memref_slice %arg3[%add3A_571, %dma_wait3A_576] : memref<320000x128xf32, #tpu.memory_space<hbm>> -> memref<80x128xf32, #tpu.memory_space<hbm>>
      tpu.wait_dma2 semaphore(%arg31 : memref<!tpu.dma_semaphore, #tpu.memory_space<semaphore_mem>>) src(%dma_wait3A_577 : memref<80x128xf32, #tpu.memory_space<hbm>>) dst(%arg10 : memref<80x128xf32, #tpu.memory_space<vmem>>)
      %get3A_578 = arith.constant 0 : index
      %get3A_579 = tpu.vector_load %arg15[%get3A_578] {strides = array<i32>} : memref<80xi32, #tpu.memory_space<vmem>>, vector<16xi32>,
      %get3A_580 = vector.shape_cast %get3A_579 : vector<16xi32> to vector<16xi32>
      %eq3A_581 = arith.constant 0 : i32
      %eq3A_582 = vector.broadcast %eq3A_581 : i32 to vector<16xi32>
      %eq3A_583 = arith.cmpi eq, %iota3A, %eq3A_582 : vector<16xi32>
      %jit3A_584 = arith.constant 1024 : i32
      %broadcast_in_dim3A_585 = vector.broadcast %jit3A_584 : i32 to vector<16xi32>
      %select_n3A_586 = arith.select %eq3A_583, %get3A_580, %broadcast_in_dim3A_585 : vector<16xi1>, vector<16xi32>
      %swap3A_587 = arith.constant 0 : index
      %swap3A_588 = tpu.vector_load %arg20[%swap3A_587] {strides = array<i32>} : memref<16xi32, #tpu.memory_space<vmem>>, vector<16xi32>,
      %swap3A_589 = vector.shape_cast %swap3A_588 : vector<16xi32> to vector<16xi32>
      %swap3A_590 = vector.shape_cast %select_n3A_586 : vector<16xi32> to vector<16xi32>
      tpu.vector_store %arg20[%swap3A_587], %swap3A_590 {strides = array<i32>} : memref<16xi32, #tpu.memory_space<vmem>>, vector<16xi32>,
      %get3A_591 = arith.constant 0 : index
      %get3A_592 = tpu.vector_load %arg15[%get3A_591] {strides = array<i32>} : memref<80xi32, #tpu.memory_space<vmem>>, vector<16xi32>,
      %get3A_593 = vector.shape_cast %get3A_592 : vector<16xi32> to vector<16xi32>
      %get3A_594 = arith.constant 64 : index
      %get3A_595 = tpu.vector_load %arg15[%get3A_594] {strides = array<i32>} : memref<80xi32, #tpu.memory_space<vmem>>, vector<16xi32>,
      %get3A_596 = vector.shape_cast %get3A_595 : vector<16xi32> to vector<16xi32>
      %slice3A_597 = vector.extract_strided_slice %get3A_593 {offsets = [0], sizes = [1], strides = [1]} : vector<16xi32> to vector<1xi32>
      %squeeze3A_598 = vector.extract %slice3A_597[0] : i32 from vector<1xi32>
      %slice3A_599 = vector.extract_strided_slice %get3A_596 {offsets = [15], sizes = [1], strides = [1]} : vector<16xi32> to vector<1xi32>
      %squeeze3A_600 = vector.extract %slice3A_599[0] : i32 from vector<1xi32>
      %eq3A_601 = arith.cmpi eq, %squeeze3A_598, %squeeze3A_600 : i32
      %convert_element_type3A_602 = arith.extui %eq3A_601 : i1 to i32
      %cond3A_603 = arith.constant 0 : i32
      %cond3A_604 = arith.cmpi ne, %convert_element_type3A_602, %cond3A_603 : i32
      scf.if %cond3A_604 {
        %broadcast_in_dim3A_755 = arith.constant 0.000000e+00 : f32
        %broadcast_in_dim3A_756 = vector.broadcast %broadcast_in_dim3A_755 : f32 to vector<16xf32>
        %broadcast_in_dim3A_757 = arith.constant 0.000000e+00 : f32
        %broadcast_in_dim3A_758 = vector.broadcast %broadcast_in_dim3A_757 : f32 to vector<16xf32>
        %broadcast_in_dim3A_759 = arith.constant 0.000000e+00 : f32
        %broadcast_in_dim3A_760 = vector.broadcast %broadcast_in_dim3A_759 : f32 to vector<16xf32>
        %broadcast_in_dim3A_761 = arith.constant 0.000000e+00 : f32
        %broadcast_in_dim3A_762 = vector.broadcast %broadcast_in_dim3A_761 : f32 to vector<16xf32>
        %broadcast_in_dim3A_763 = arith.constant 0.000000e+00 : f32
        %broadcast_in_dim3A_764 = vector.broadcast %broadcast_in_dim3A_763 : f32 to vector<16xf32>
        %broadcast_in_dim3A_765 = arith.constant 0.000000e+00 : f32
        %broadcast_in_dim3A_766 = vector.broadcast %broadcast_in_dim3A_765 : f32 to vector<16xf32>
        %broadcast_in_dim3A_767 = arith.constant 0.000000e+00 : f32
        %broadcast_in_dim3A_768 = vector.broadcast %broadcast_in_dim3A_767 : f32 to vector<16xf32>
        %broadcast_in_dim3A_769 = arith.constant 0.000000e+00 : f32
        %broadcast_in_dim3A_770 = vector.broadcast %broadcast_in_dim3A_769 : f32 to vector<16xf32>
        %scan3A_771 = arith.constant 0 : i32
        %scan3A_772 = arith.constant 80 : i32
        %scan3A_773 = arith.addi %scan3A_771, %scan3A_772 : i32
        %scan3A_774 = arith.constant 1 : i32
        %scan3A_775:8 = scf.for %scan3A_834 = %scan3A_771 to %scan3A_773 step %scan3A_774 iter_args(%scan3A_835 = %broadcast_in_dim3A_756, %scan3A_836 = %broadcast_in_dim3A_758, %scan3A_837 = %broadcast_in_dim3A_760, %scan3A_838 = %broadcast_in_dim3A_762, %scan3A_839 = %broadcast_in_dim3A_764, %scan3A_840 = %broadcast_in_dim3A_766, %scan3A_841 = %broadcast_in_dim3A_768, %scan3A_842 = %broadcast_in_dim3A_770) -> (vector<16xf32>, vector<16xf32>, vector<16xf32>, vector<16xf32>, vector<16xf32>, vector<16xf32>, vector<16xf32>, vector<16xf32>)  : i32 {
          %get3A_843 = arith.index_cast %scan3A_834 : i32 to index
          %get3A_844 = arith.constant 0 : index
          %get3A_845 = tpu.vector_load %arg10[%get3A_843, %get3A_844] {strides = array<i32>} : memref<80x128xf32, #tpu.memory_space<vmem>>, vector<1x16xf32>,
          %get3A_846 = vector.shape_cast %get3A_845 : vector<1x16xf32> to vector<16xf32>
          %add3A_847 = arith.addf %scan3A_835, %get3A_846 : vector<16xf32>
          %get3A_848 = arith.index_cast %scan3A_834 : i32 to index
          %get3A_849 = arith.constant 16 : index
          %get3A_850 = tpu.vector_load %arg10[%get3A_848, %get3A_849] {strides = array<i32>} : memref<80x128xf32, #tpu.memory_space<vmem>>, vector<1x16xf32>,
          %get3A_851 = vector.shape_cast %get3A_850 : vector<1x16xf32> to vector<16xf32>
          %add3A_852 = arith.addf %scan3A_836, %get3A_851 : vector<16xf32>
          %get3A_853 = arith.index_cast %scan3A_834 : i32 to index
          %get3A_854 = arith.constant 32 : index
          %get3A_855 = tpu.vector_load %arg10[%get3A_853, %get3A_854] {strides = array<i32>} : memref<80x128xf32, #tpu.memory_space<vmem>>, vector<1x16xf32>,
          %get3A_856 = vector.shape_cast %get3A_855 : vector<1x16xf32> to vector<16xf32>
          %add3A_857 = arith.addf %scan3A_837, %get3A_856 : vector<16xf32>
          %get3A_858 = arith.index_cast %scan3A_834 : i32 to index
          %get3A_859 = arith.constant 48 : index
          %get3A_860 = tpu.vector_load %arg10[%get3A_858, %get3A_859] {strides = array<i32>} : memref<80x128xf32, #tpu.memory_space<vmem>>, vector<1x16xf32>,
          %get3A_861 = vector.shape_cast %get3A_860 : vector<1x16xf32> to vector<16xf32>
          %add3A_862 = arith.addf %scan3A_838, %get3A_861 : vector<16xf32>
          %get3A_863 = arith.index_cast %scan3A_834 : i32 to index
          %get3A_864 = arith.constant 64 : index
          %get3A_865 = tpu.vector_load %arg10[%get3A_863, %get3A_864] {strides = array<i32>} : memref<80x128xf32, #tpu.memory_space<vmem>>, vector<1x16xf32>,
          %get3A_866 = vector.shape_cast %get3A_865 : vector<1x16xf32> to vector<16xf32>
          %add3A_867 = arith.addf %scan3A_839, %get3A_866 : vector<16xf32>
          %get3A_868 = arith.index_cast %scan3A_834 : i32 to index
          %get3A_869 = arith.constant 80 : index
          %get3A_870 = tpu.vector_load %arg10[%get3A_868, %get3A_869] {strides = array<i32>} : memref<80x128xf32, #tpu.memory_space<vmem>>, vector<1x16xf32>,
          %get3A_871 = vector.shape_cast %get3A_870 : vector<1x16xf32> to vector<16xf32>
          %add3A_872 = arith.addf %scan3A_840, %get3A_871 : vector<16xf32>
          %get3A_873 = arith.index_cast %scan3A_834 : i32 to index
          %get3A_874 = arith.constant 96 : index
          %get3A_875 = tpu.vector_load %arg10[%get3A_873, %get3A_874] {strides = array<i32>} : memref<80x128xf32, #tpu.memory_space<vmem>>, vector<1x16xf32>,
          %get3A_876 = vector.shape_cast %get3A_875 : vector<1x16xf32> to vector<16xf32>
          %add3A_877 = arith.addf %scan3A_841, %get3A_876 : vector<16xf32>
          %get3A_878 = arith.index_cast %scan3A_834 : i32 to index
          %get3A_879 = arith.constant 112 : index
          %get3A_880 = tpu.vector_load %arg10[%get3A_878, %get3A_879] {strides = array<i32>} : memref<80x128xf32, #tpu.memory_space<vmem>>, vector<1x16xf32>,
          %get3A_881 = vector.shape_cast %get3A_880 : vector<1x16xf32> to vector<16xf32>
          %add3A_882 = arith.addf %scan3A_842, %get3A_881 : vector<16xf32>
          scf.yield %add3A_847, %add3A_852, %add3A_857, %add3A_862, %add3A_867, %add3A_872, %add3A_877, %add3A_882 : vector<16xf32>, vector<16xf32>, vector<16xf32>, vector<16xf32>, vector<16xf32>, vector<16xf32>, vector<16xf32>, vector<16xf32>
        }
        %scan3A_776 = arith.constant 80 : i32
        %swap3A_777 = arith.constant 0 : i32
        %swap3A_778 = arith.index_cast %swap3A_777 : i32 to index
        %swap3A_779 = arith.constant 0 : index
        %swap3A_780 = tpu.vector_load %arg10[%swap3A_778, %swap3A_779] {strides = array<i32>} : memref<80x128xf32, #tpu.memory_space<vmem>>, vector<1x16xf32>,
        %swap3A_781 = vector.shape_cast %swap3A_780 : vector<1x16xf32> to vector<16xf32>
        %swap3A_782 = vector.shape_cast %scan3A_775#0 : vector<16xf32> to vector<1x16xf32>
        tpu.vector_store %arg10[%swap3A_778, %swap3A_779], %swap3A_782 {strides = array<i32>} : memref<80x128xf32, #tpu.memory_space<vmem>>, vector<1x16xf32>,
        %swap3A_783 = arith.constant 0 : i32
        %swap3A_784 = arith.index_cast %swap3A_783 : i32 to index
        %swap3A_785 = arith.constant 16 : index
        %swap3A_786 = tpu.vector_load %arg10[%swap3A_784, %swap3A_785] {strides = array<i32>} : memref<80x128xf32, #tpu.memory_space<vmem>>, vector<1x16xf32>,
        %swap3A_787 = vector.shape_cast %swap3A_786 : vector<1x16xf32> to vector<16xf32>
        %swap3A_788 = vector.shape_cast %scan3A_775#1 : vector<16xf32> to vector<1x16xf32>
        tpu.vector_store %arg10[%swap3A_784, %swap3A_785], %swap3A_788 {strides = array<i32>} : memref<80x128xf32, #tpu.memory_space<vmem>>, vector<1x16xf32>,
        %swap3A_789 = arith.constant 0 : i32
        %swap3A_790 = arith.index_cast %swap3A_789 : i32 to index
        %swap3A_791 = arith.constant 32 : index
        %swap3A_792 = tpu.vector_load %arg10[%swap3A_790, %swap3A_791] {strides = array<i32>} : memref<80x128xf32, #tpu.memory_space<vmem>>, vector<1x16xf32>,
        %swap3A_793 = vector.shape_cast %swap3A_792 : vector<1x16xf32> to vector<16xf32>
        %swap3A_794 = vector.shape_cast %scan3A_775#2 : vector<16xf32> to vector<1x16xf32>
        tpu.vector_store %arg10[%swap3A_790, %swap3A_791], %swap3A_794 {strides = array<i32>} : memref<80x128xf32, #tpu.memory_space<vmem>>, vector<1x16xf32>,
        %swap3A_795 = arith.constant 0 : i32
        %swap3A_796 = arith.index_cast %swap3A_795 : i32 to index
        %swap3A_797 = arith.constant 48 : index
        %swap3A_798 = tpu.vector_load %arg10[%swap3A_796, %swap3A_797] {strides = array<i32>} : memref<80x128xf32, #tpu.memory_space<vmem>>, vector<1x16xf32>,
        %swap3A_799 = vector.shape_cast %swap3A_798 : vector<1x16xf32> to vector<16xf32>
        %swap3A_800 = vector.shape_cast %scan3A_775#3 : vector<16xf32> to vector<1x16xf32>
        tpu.vector_store %arg10[%swap3A_796, %swap3A_797], %swap3A_800 {strides = array<i32>} : memref<80x128xf32, #tpu.memory_space<vmem>>, vector<1x16xf32>,
        %swap3A_801 = arith.constant 0 : i32
        %swap3A_802 = arith.index_cast %swap3A_801 : i32 to index
        %swap3A_803 = arith.constant 64 : index
        %swap3A_804 = tpu.vector_load %arg10[%swap3A_802, %swap3A_803] {strides = array<i32>} : memref<80x128xf32, #tpu.memory_space<vmem>>, vector<1x16xf32>,
        %swap3A_805 = vector.shape_cast %swap3A_804 : vector<1x16xf32> to vector<16xf32>
        %swap3A_806 = vector.shape_cast %scan3A_775#4 : vector<16xf32> to vector<1x16xf32>
        tpu.vector_store %arg10[%swap3A_802, %swap3A_803], %swap3A_806 {strides = array<i32>} : memref<80x128xf32, #tpu.memory_space<vmem>>, vector<1x16xf32>,
        %swap3A_807 = arith.constant 0 : i32
        %swap3A_808 = arith.index_cast %swap3A_807 : i32 to index
        %swap3A_809 = arith.constant 80 : index
        %swap3A_810 = tpu.vector_load %arg10[%swap3A_808, %swap3A_809] {strides = array<i32>} : memref<80x128xf32, #tpu.memory_space<vmem>>, vector<1x16xf32>,
        %swap3A_811 = vector.shape_cast %swap3A_810 : vector<1x16xf32> to vector<16xf32>
        %swap3A_812 = vector.shape_cast %scan3A_775#5 : vector<16xf32> to vector<1x16xf32>
        tpu.vector_store %arg10[%swap3A_808, %swap3A_809], %swap3A_812 {strides = array<i32>} : memref<80x128xf32, #tpu.memory_space<vmem>>, vector<1x16xf32>,
        %swap3A_813 = arith.constant 0 : i32
        %swap3A_814 = arith.index_cast %swap3A_813 : i32 to index
        %swap3A_815 = arith.constant 96 : index
        %swap3A_816 = tpu.vector_load %arg10[%swap3A_814, %swap3A_815] {strides = array<i32>} : memref<80x128xf32, #tpu.memory_space<vmem>>, vector<1x16xf32>,
        %swap3A_817 = vector.shape_cast %swap3A_816 : vector<1x16xf32> to vector<16xf32>
        %swap3A_818 = vector.shape_cast %scan3A_775#6 : vector<16xf32> to vector<1x16xf32>
        tpu.vector_store %arg10[%swap3A_814, %swap3A_815], %swap3A_818 {strides = array<i32>} : memref<80x128xf32, #tpu.memory_space<vmem>>, vector<1x16xf32>,
        %swap3A_819 = arith.constant 0 : i32
        %swap3A_820 = arith.index_cast %swap3A_819 : i32 to index
        %swap3A_821 = arith.constant 112 : index
        %swap3A_822 = tpu.vector_load %arg10[%swap3A_820, %swap3A_821] {strides = array<i32>} : memref<80x128xf32, #tpu.memory_space<vmem>>, vector<1x16xf32>,
        %swap3A_823 = vector.shape_cast %swap3A_822 : vector<1x16xf32> to vector<16xf32>
        %swap3A_824 = vector.shape_cast %scan3A_775#7 : vector<16xf32> to vector<1x16xf32>
        tpu.vector_store %arg10[%swap3A_820, %swap3A_821], %swap3A_824 {strides = array<i32>} : memref<80x128xf32, #tpu.memory_space<vmem>>, vector<1x16xf32>,
        %dma_start3A_825 = arith.constant 0 : i32
        %dma_start3A_826 = arith.constant 0 : i32
        %dma_start3A_827 = tpu.memref_slice %arg10[%dma_start3A_825, %dma_start3A_826] : memref<80x128xf32, #tpu.memory_space<vmem>> -> memref<16x128xf32, #tpu.memory_space<vmem>>
        %dma_start3A_828 = arith.constant 0 : i32
        %dma_start3A_829 = arith.constant 0 : i32
        %dma_start3A_830 = tpu.memref_slice %arg26[%dma_start3A_828, %dma_start3A_829] : memref<1040x128xf32, #tpu.memory_space<vmem_shared>> -> memref<1040x128xf32, #tpu.memory_space<vmem_shared>>
        tpu.enqueue_indirect_dma source(%dma_start3A_827 : memref<16x128xf32, #tpu.memory_space<vmem>>) target(%dma_start3A_830 : memref<1040x128xf32, #tpu.memory_space<vmem_shared>>) offsets(%arg20 : memref<16xi32, #tpu.memory_space<vmem>>) semaphore(%arg36 : memref<!tpu.dma_semaphore, #tpu.memory_space<semaphore_mem>>) {add = true}
        %dma_start3A_831 = arith.constant 0 : i32
        %dma_start3A_832 = arith.constant 0 : i32
        %dma_start3A_833 = tpu.memref_slice %arg28[%dma_start3A_831, %dma_start3A_832] : memref<1040x128xf32, #tpu.memory_space<vmem_shared>> -> memref<1040x128xf32, #tpu.memory_space<vmem_shared>>
        tpu.enqueue_indirect_dma source(%arg24 : memref<16x128xf32, #tpu.memory_space<vmem>>) target(%dma_start3A_833 : memref<1040x128xf32, #tpu.memory_space<vmem_shared>>) offsets(%arg20 : memref<16xi32, #tpu.memory_space<vmem>>) semaphore(%arg36 : memref<!tpu.dma_semaphore, #tpu.memory_space<semaphore_mem>>) {add = true}
      } else {
      }
      %get3A_605 = arith.constant 0 : index
      %get3A_606 = tpu.vector_load %arg15[%get3A_605] {strides = array<i32>} : memref<80xi32, #tpu.memory_space<vmem>>, vector<16xi32>,
      %get3A_607 = vector.shape_cast %get3A_606 : vector<16xi32> to vector<16xi32>
      %get3A_608 = arith.constant 64 : index
      %get3A_609 = tpu.vector_load %arg15[%get3A_608] {strides = array<i32>} : memref<80xi32, #tpu.memory_space<vmem>>, vector<16xi32>,
      %get3A_610 = vector.shape_cast %get3A_609 : vector<16xi32> to vector<16xi32>
      %slice3A_611 = vector.extract_strided_slice %get3A_607 {offsets = [0], sizes = [1], strides = [1]} : vector<16xi32> to vector<1xi32>
      %squeeze3A_612 = vector.extract %slice3A_611[0] : i32 from vector<1xi32>
      %slice3A_613 = vector.extract_strided_slice %get3A_610 {offsets = [15], sizes = [1], strides = [1]} : vector<16xi32> to vector<1xi32>
      %squeeze3A_614 = vector.extract %slice3A_613[0] : i32 from vector<1xi32>
      %eq3A_615 = arith.cmpi eq, %squeeze3A_612, %squeeze3A_614 : i32
      %not3A_616 = arith.constant true
      %not3A_617 = arith.xori %eq3A_615, %not3A_616 : i1
      %convert_element_type3A_618 = arith.extui %not3A_617 : i1 to i32
      %cond3A_619 = arith.constant 0 : i32
      %cond3A_620 = arith.cmpi ne, %convert_element_type3A_618, %cond3A_619 : i32
      scf.if %cond3A_620 {
        %dma_start3A_755 = arith.constant 0 : i32
        %dma_start3A_756 = arith.constant 0 : i32
        %dma_start3A_757 = tpu.memref_slice %arg26[%dma_start3A_755, %dma_start3A_756] : memref<1040x128xf32, #tpu.memory_space<vmem_shared>> -> memref<1040x128xf32, #tpu.memory_space<vmem_shared>>
        tpu.enqueue_indirect_dma source(%arg10 : memref<80x128xf32, #tpu.memory_space<vmem>>) target(%dma_start3A_757 : memref<1040x128xf32, #tpu.memory_space<vmem_shared>>) offsets(%arg15 : memref<80xi32, #tpu.memory_space<vmem>>) semaphore(%arg36 : memref<!tpu.dma_semaphore, #tpu.memory_space<semaphore_mem>>) {add = true}
        %dma_start3A_758 = arith.constant 0 : i32
        %dma_start3A_759 = arith.constant 0 : i32
        %dma_start3A_760 = tpu.memref_slice %arg28[%dma_start3A_758, %dma_start3A_759] : memref<1040x128xf32, #tpu.memory_space<vmem_shared>> -> memref<1040x128xf32, #tpu.memory_space<vmem_shared>>
        tpu.enqueue_indirect_dma source(%arg23 : memref<80x128xf32, #tpu.memory_space<vmem>>) target(%dma_start3A_760 : memref<1040x128xf32, #tpu.memory_space<vmem_shared>>) offsets(%arg15 : memref<80xi32, #tpu.memory_space<vmem>>) semaphore(%arg36 : memref<!tpu.dma_semaphore, #tpu.memory_space<semaphore_mem>>) {add = true}
      } else {
      }
      %add3A_621 = arith.constant 3 : i32
      %add3A_622 = arith.addi %add3A_568, %add3A_621 : i32
      %lt3A_623 = arith.constant 125 : i32
      %lt3A_624 = arith.cmpi slt, %add3A_622, %lt3A_623 : i32
      %convert_element_type3A_625 = arith.extui %lt3A_624 : i1 to i32
      %cond3A_626 = arith.constant 0 : i32
      %cond3A_627 = arith.cmpi ne, %convert_element_type3A_625, %cond3A_626 : i32
      scf.if %cond3A_627 {
        %ge3A = arith.constant 5 : i32
        %ge3A_755 = arith.cmpi sge, %add3A_622, %ge3A : i32
        %convert_element_type3A_756 = arith.extui %ge3A_755 : i1 to i32
        %cond3A_757 = arith.constant 0 : i32
        %cond3A_758 = arith.cmpi ne, %convert_element_type3A_756, %cond3A_757 : i32
        scf.if %cond3A_758 {
          %get3A_768 = arith.constant 0 : index
          %get3A_769 = tpu.vector_load %arg13[%get3A_768] {strides = array<i32>} : memref<80xi32, #tpu.memory_space<vmem>>, vector<16xi32>,
          %get3A_770 = vector.shape_cast %get3A_769 : vector<16xi32> to vector<16xi32>
          %get3A_771 = arith.constant 64 : index
          %get3A_772 = tpu.vector_load %arg13[%get3A_771] {strides = array<i32>} : memref<80xi32, #tpu.memory_space<vmem>>, vector<16xi32>,
          %get3A_773 = vector.shape_cast %get3A_772 : vector<16xi32> to vector<16xi32>
          %slice3A_774 = vector.extract_strided_slice %get3A_770 {offsets = [0], sizes = [1], strides = [1]} : vector<16xi32> to vector<1xi32>
          %squeeze3A_775 = vector.extract %slice3A_774[0] : i32 from vector<1xi32>
          %slice3A_776 = vector.extract_strided_slice %get3A_773 {offsets = [15], sizes = [1], strides = [1]} : vector<16xi32> to vector<1xi32>
          %squeeze3A_777 = vector.extract %slice3A_776[0] : i32 from vector<1xi32>
          %eq3A_778 = arith.cmpi eq, %squeeze3A_775, %squeeze3A_777 : i32
          %convert_element_type3A_779 = arith.extui %eq3A_778 : i1 to i32
          %cond3A_780 = arith.constant 0 : i32
          %cond3A_781 = arith.cmpi ne, %convert_element_type3A_779, %cond3A_780 : i32
          scf.if %cond3A_781 {
            %dma_wait3A_798 = arith.constant 0 : i32
            %dma_wait3A_799 = arith.constant 0 : i32
            %dma_wait3A_800 = tpu.memref_slice %arg8[%dma_wait3A_798, %dma_wait3A_799] : memref<80x128xf32, #tpu.memory_space<vmem>> -> memref<16x128xf32, #tpu.memory_space<vmem>>
            %dma_wait3A_801 = arith.constant 0 : i32
            %dma_wait3A_802 = arith.constant 0 : i32
            %dma_wait3A_803 = tpu.memref_slice %arg26[%dma_wait3A_801, %dma_wait3A_802] : memref<1040x128xf32, #tpu.memory_space<vmem_shared>> -> memref<1040x128xf32, #tpu.memory_space<vmem_shared>>
            tpu.wait_indirect_dma semaphore(%arg34 : memref<!tpu.dma_semaphore, #tpu.memory_space<semaphore_mem>>) src(%dma_wait3A_800 : memref<16x128xf32, #tpu.memory_space<vmem>>) dst(%dma_wait3A_803 : memref<1040x128xf32, #tpu.memory_space<vmem_shared>>)
            %dma_wait3A_804 = arith.constant 0 : i32
            %dma_wait3A_805 = arith.constant 0 : i32
            %dma_wait3A_806 = tpu.memref_slice %arg28[%dma_wait3A_804, %dma_wait3A_805] : memref<1040x128xf32, #tpu.memory_space<vmem_shared>> -> memref<1040x128xf32, #tpu.memory_space<vmem_shared>>
            tpu.wait_indirect_dma semaphore(%arg34 : memref<!tpu.dma_semaphore, #tpu.memory_space<semaphore_mem>>) src(%arg24 : memref<16x128xf32, #tpu.memory_space<vmem>>) dst(%dma_wait3A_806 : memref<1040x128xf32, #tpu.memory_space<vmem_shared>>)
          } else {
          }
          %get3A_782 = arith.constant 0 : index
          %get3A_783 = tpu.vector_load %arg13[%get3A_782] {strides = array<i32>} : memref<80xi32, #tpu.memory_space<vmem>>, vector<16xi32>,
          %get3A_784 = vector.shape_cast %get3A_783 : vector<16xi32> to vector<16xi32>
          %get3A_785 = arith.constant 64 : index
          %get3A_786 = tpu.vector_load %arg13[%get3A_785] {strides = array<i32>} : memref<80xi32, #tpu.memory_space<vmem>>, vector<16xi32>,
          %get3A_787 = vector.shape_cast %get3A_786 : vector<16xi32> to vector<16xi32>
          %slice3A_788 = vector.extract_strided_slice %get3A_784 {offsets = [0], sizes = [1], strides = [1]} : vector<16xi32> to vector<1xi32>
          %squeeze3A_789 = vector.extract %slice3A_788[0] : i32 from vector<1xi32>
          %slice3A_790 = vector.extract_strided_slice %get3A_787 {offsets = [15], sizes = [1], strides = [1]} : vector<16xi32> to vector<1xi32>
          %squeeze3A_791 = vector.extract %slice3A_790[0] : i32 from vector<1xi32>
          %eq3A_792 = arith.cmpi eq, %squeeze3A_789, %squeeze3A_791 : i32
          %not3A_793 = arith.constant true
          %not3A_794 = arith.xori %eq3A_792, %not3A_793 : i1
          %convert_element_type3A_795 = arith.extui %not3A_794 : i1 to i32
          %cond3A_796 = arith.constant 0 : i32
          %cond3A_797 = arith.cmpi ne, %convert_element_type3A_795, %cond3A_796 : i32
          scf.if %cond3A_797 {
            %dma_wait3A_798 = arith.constant 0 : i32
            %dma_wait3A_799 = arith.constant 0 : i32
            %dma_wait3A_800 = tpu.memref_slice %arg26[%dma_wait3A_798, %dma_wait3A_799] : memref<1040x128xf32, #tpu.memory_space<vmem_shared>> -> memref<1040x128xf32, #tpu.memory_space<vmem_shared>>
            tpu.wait_indirect_dma semaphore(%arg34 : memref<!tpu.dma_semaphore, #tpu.memory_space<semaphore_mem>>) src(%arg8 : memref<80x128xf32, #tpu.memory_space<vmem>>) dst(%dma_wait3A_800 : memref<1040x128xf32, #tpu.memory_space<vmem_shared>>)
            %dma_wait3A_801 = arith.constant 0 : i32
            %dma_wait3A_802 = arith.constant 0 : i32
            %dma_wait3A_803 = tpu.memref_slice %arg28[%dma_wait3A_801, %dma_wait3A_802] : memref<1040x128xf32, #tpu.memory_space<vmem_shared>> -> memref<1040x128xf32, #tpu.memory_space<vmem_shared>>
            tpu.wait_indirect_dma semaphore(%arg34 : memref<!tpu.dma_semaphore, #tpu.memory_space<semaphore_mem>>) src(%arg23 : memref<80x128xf32, #tpu.memory_space<vmem>>) dst(%dma_wait3A_803 : memref<1040x128xf32, #tpu.memory_space<vmem_shared>>)
          } else {
          }
        } else {
        }
        %mul3A_759 = arith.constant 80 : i32
        %mul3A_760 = arith.muli %add3A_622, %mul3A_759 : i32
        %add3A_761 = arith.addi %mul3A_2, %mul3A_760 : i32
        %dma_start3A_762 = tpu.memref_slice %arg5[%add3A_761] : memref<320000xi32, #tpu.memory_space<hbm>> -> memref<80xi32, #tpu.memory_space<hbm>>
        %dma_start3A_763 = tpu.memref_slice %arg5[%add3A_761] : memref<320000xi32, #tpu.memory_space<hbm>> -> memref<80xi32, #tpu.memory_space<hbm>>
        tpu.enqueue_dma source(%dma_start3A_763 : memref<80xi32, #tpu.memory_space<hbm>>) target(%arg13 : memref<80xi32, #tpu.memory_space<vmem>>) target_semaphore(%arg29 : memref<!tpu.dma_semaphore, #tpu.memory_space<semaphore_mem>>)
        %dma_start3A_764 = arith.constant 0 : i32
        %dma_start3A_765 = tpu.memref_slice %arg3[%add3A_761, %dma_start3A_764] : memref<320000x128xf32, #tpu.memory_space<hbm>> -> memref<80x128xf32, #tpu.memory_space<hbm>>
        %dma_start3A_766 = arith.constant 0 : i32
        %dma_start3A_767 = tpu.memref_slice %arg3[%add3A_761, %dma_start3A_766] : memref<320000x128xf32, #tpu.memory_space<hbm>> -> memref<80x128xf32, #tpu.memory_space<hbm>>
        tpu.enqueue_dma source(%dma_start3A_767 : memref<80x128xf32, #tpu.memory_space<hbm>>) target(%arg8 : memref<80x128xf32, #tpu.memory_space<vmem>>) target_semaphore(%arg29 : memref<!tpu.dma_semaphore, #tpu.memory_space<semaphore_mem>>)
      } else {
      }
      %mul3A_628 = arith.constant 5 : i32
      %mul3A_629 = arith.muli %mul3A_628, %scan3A_441 : i32
      %add3A_630 = arith.constant 3 : i32
      %add3A_631 = arith.addi %mul3A_629, %add3A_630 : i32
      %mul3A_632 = arith.constant 80 : i32
      %mul3A_633 = arith.muli %add3A_631, %mul3A_632 : i32
      %add3A_634 = arith.addi %mul3A_2, %mul3A_633 : i32
      %dma_wait3A_635 = tpu.memref_slice %arg5[%add3A_634] : memref<320000xi32, #tpu.memory_space<hbm>> -> memref<80xi32, #tpu.memory_space<hbm>>
      %dma_wait3A_636 = tpu.memref_slice %arg5[%add3A_634] : memref<320000xi32, #tpu.memory_space<hbm>> -> memref<80xi32, #tpu.memory_space<hbm>>
      tpu.wait_dma2 semaphore(%arg32 : memref<!tpu.dma_semaphore, #tpu.memory_space<semaphore_mem>>) src(%dma_wait3A_636 : memref<80xi32, #tpu.memory_space<hbm>>) dst(%arg16 : memref<80xi32, #tpu.memory_space<vmem>>)
      %dma_wait3A_637 = arith.constant 0 : i32
      %dma_wait3A_638 = tpu.memref_slice %arg3[%add3A_634, %dma_wait3A_637] : memref<320000x128xf32, #tpu.memory_space<hbm>> -> memref<80x128xf32, #tpu.memory_space<hbm>>
      %dma_wait3A_639 = arith.constant 0 : i32
      %dma_wait3A_640 = tpu.memref_slice %arg3[%add3A_634, %dma_wait3A_639] : memref<320000x128xf32, #tpu.memory_space<hbm>> -> memref<80x128xf32, #tpu.memory_space<hbm>>
      tpu.wait_dma2 semaphore(%arg32 : memref<!tpu.dma_semaphore, #tpu.memory_space<semaphore_mem>>) src(%dma_wait3A_640 : memref<80x128xf32, #tpu.memory_space<hbm>>) dst(%arg11 : memref<80x128xf32, #tpu.memory_space<vmem>>)
      %get3A_641 = arith.constant 0 : index
      %get3A_642 = tpu.vector_load %arg16[%get3A_641] {strides = array<i32>} : memref<80xi32, #tpu.memory_space<vmem>>, vector<16xi32>,
      %get3A_643 = vector.shape_cast %get3A_642 : vector<16xi32> to vector<16xi32>
      %eq3A_644 = arith.constant 0 : i32
      %eq3A_645 = vector.broadcast %eq3A_644 : i32 to vector<16xi32>
      %eq3A_646 = arith.cmpi eq, %iota3A, %eq3A_645 : vector<16xi32>
      %jit3A_647 = arith.constant 1024 : i32
      %broadcast_in_dim3A_648 = vector.broadcast %jit3A_647 : i32 to vector<16xi32>
      %select_n3A_649 = arith.select %eq3A_646, %get3A_643, %broadcast_in_dim3A_648 : vector<16xi1>, vector<16xi32>
      %swap3A_650 = arith.constant 0 : index
      %swap3A_651 = tpu.vector_load %arg21[%swap3A_650] {strides = array<i32>} : memref<16xi32, #tpu.memory_space<vmem>>, vector<16xi32>,
      %swap3A_652 = vector.shape_cast %swap3A_651 : vector<16xi32> to vector<16xi32>
      %swap3A_653 = vector.shape_cast %select_n3A_649 : vector<16xi32> to vector<16xi32>
      tpu.vector_store %arg21[%swap3A_650], %swap3A_653 {strides = array<i32>} : memref<16xi32, #tpu.memory_space<vmem>>, vector<16xi32>,
      %get3A_654 = arith.constant 0 : index
      %get3A_655 = tpu.vector_load %arg16[%get3A_654] {strides = array<i32>} : memref<80xi32, #tpu.memory_space<vmem>>, vector<16xi32>,
      %get3A_656 = vector.shape_cast %get3A_655 : vector<16xi32> to vector<16xi32>
      %get3A_657 = arith.constant 64 : index
      %get3A_658 = tpu.vector_load %arg16[%get3A_657] {strides = array<i32>} : memref<80xi32, #tpu.memory_space<vmem>>, vector<16xi32>,
      %get3A_659 = vector.shape_cast %get3A_658 : vector<16xi32> to vector<16xi32>
      %slice3A_660 = vector.extract_strided_slice %get3A_656 {offsets = [0], sizes = [1], strides = [1]} : vector<16xi32> to vector<1xi32>
      %squeeze3A_661 = vector.extract %slice3A_660[0] : i32 from vector<1xi32>
      %slice3A_662 = vector.extract_strided_slice %get3A_659 {offsets = [15], sizes = [1], strides = [1]} : vector<16xi32> to vector<1xi32>
      %squeeze3A_663 = vector.extract %slice3A_662[0] : i32 from vector<1xi32>
      %eq3A_664 = arith.cmpi eq, %squeeze3A_661, %squeeze3A_663 : i32
      %convert_element_type3A_665 = arith.extui %eq3A_664 : i1 to i32
      %cond3A_666 = arith.constant 0 : i32
      %cond3A_667 = arith.cmpi ne, %convert_element_type3A_665, %cond3A_666 : i32
      scf.if %cond3A_667 {
        %broadcast_in_dim3A_755 = arith.constant 0.000000e+00 : f32
        %broadcast_in_dim3A_756 = vector.broadcast %broadcast_in_dim3A_755 : f32 to vector<16xf32>
        %broadcast_in_dim3A_757 = arith.constant 0.000000e+00 : f32
        %broadcast_in_dim3A_758 = vector.broadcast %broadcast_in_dim3A_757 : f32 to vector<16xf32>
        %broadcast_in_dim3A_759 = arith.constant 0.000000e+00 : f32
        %broadcast_in_dim3A_760 = vector.broadcast %broadcast_in_dim3A_759 : f32 to vector<16xf32>
        %broadcast_in_dim3A_761 = arith.constant 0.000000e+00 : f32
        %broadcast_in_dim3A_762 = vector.broadcast %broadcast_in_dim3A_761 : f32 to vector<16xf32>
        %broadcast_in_dim3A_763 = arith.constant 0.000000e+00 : f32
        %broadcast_in_dim3A_764 = vector.broadcast %broadcast_in_dim3A_763 : f32 to vector<16xf32>
        %broadcast_in_dim3A_765 = arith.constant 0.000000e+00 : f32
        %broadcast_in_dim3A_766 = vector.broadcast %broadcast_in_dim3A_765 : f32 to vector<16xf32>
        %broadcast_in_dim3A_767 = arith.constant 0.000000e+00 : f32
        %broadcast_in_dim3A_768 = vector.broadcast %broadcast_in_dim3A_767 : f32 to vector<16xf32>
        %broadcast_in_dim3A_769 = arith.constant 0.000000e+00 : f32
        %broadcast_in_dim3A_770 = vector.broadcast %broadcast_in_dim3A_769 : f32 to vector<16xf32>
        %scan3A_771 = arith.constant 0 : i32
        %scan3A_772 = arith.constant 80 : i32
        %scan3A_773 = arith.addi %scan3A_771, %scan3A_772 : i32
        %scan3A_774 = arith.constant 1 : i32
        %scan3A_775:8 = scf.for %scan3A_834 = %scan3A_771 to %scan3A_773 step %scan3A_774 iter_args(%scan3A_835 = %broadcast_in_dim3A_756, %scan3A_836 = %broadcast_in_dim3A_758, %scan3A_837 = %broadcast_in_dim3A_760, %scan3A_838 = %broadcast_in_dim3A_762, %scan3A_839 = %broadcast_in_dim3A_764, %scan3A_840 = %broadcast_in_dim3A_766, %scan3A_841 = %broadcast_in_dim3A_768, %scan3A_842 = %broadcast_in_dim3A_770) -> (vector<16xf32>, vector<16xf32>, vector<16xf32>, vector<16xf32>, vector<16xf32>, vector<16xf32>, vector<16xf32>, vector<16xf32>)  : i32 {
          %get3A_843 = arith.index_cast %scan3A_834 : i32 to index
          %get3A_844 = arith.constant 0 : index
          %get3A_845 = tpu.vector_load %arg11[%get3A_843, %get3A_844] {strides = array<i32>} : memref<80x128xf32, #tpu.memory_space<vmem>>, vector<1x16xf32>,
          %get3A_846 = vector.shape_cast %get3A_845 : vector<1x16xf32> to vector<16xf32>
          %add3A_847 = arith.addf %scan3A_835, %get3A_846 : vector<16xf32>
          %get3A_848 = arith.index_cast %scan3A_834 : i32 to index
          %get3A_849 = arith.constant 16 : index
          %get3A_850 = tpu.vector_load %arg11[%get3A_848, %get3A_849] {strides = array<i32>} : memref<80x128xf32, #tpu.memory_space<vmem>>, vector<1x16xf32>,
          %get3A_851 = vector.shape_cast %get3A_850 : vector<1x16xf32> to vector<16xf32>
          %add3A_852 = arith.addf %scan3A_836, %get3A_851 : vector<16xf32>
          %get3A_853 = arith.index_cast %scan3A_834 : i32 to index
          %get3A_854 = arith.constant 32 : index
          %get3A_855 = tpu.vector_load %arg11[%get3A_853, %get3A_854] {strides = array<i32>} : memref<80x128xf32, #tpu.memory_space<vmem>>, vector<1x16xf32>,
          %get3A_856 = vector.shape_cast %get3A_855 : vector<1x16xf32> to vector<16xf32>
          %add3A_857 = arith.addf %scan3A_837, %get3A_856 : vector<16xf32>
          %get3A_858 = arith.index_cast %scan3A_834 : i32 to index
          %get3A_859 = arith.constant 48 : index
          %get3A_860 = tpu.vector_load %arg11[%get3A_858, %get3A_859] {strides = array<i32>} : memref<80x128xf32, #tpu.memory_space<vmem>>, vector<1x16xf32>,
          %get3A_861 = vector.shape_cast %get3A_860 : vector<1x16xf32> to vector<16xf32>
          %add3A_862 = arith.addf %scan3A_838, %get3A_861 : vector<16xf32>
          %get3A_863 = arith.index_cast %scan3A_834 : i32 to index
          %get3A_864 = arith.constant 64 : index
          %get3A_865 = tpu.vector_load %arg11[%get3A_863, %get3A_864] {strides = array<i32>} : memref<80x128xf32, #tpu.memory_space<vmem>>, vector<1x16xf32>,
          %get3A_866 = vector.shape_cast %get3A_865 : vector<1x16xf32> to vector<16xf32>
          %add3A_867 = arith.addf %scan3A_839, %get3A_866 : vector<16xf32>
          %get3A_868 = arith.index_cast %scan3A_834 : i32 to index
          %get3A_869 = arith.constant 80 : index
          %get3A_870 = tpu.vector_load %arg11[%get3A_868, %get3A_869] {strides = array<i32>} : memref<80x128xf32, #tpu.memory_space<vmem>>, vector<1x16xf32>,
          %get3A_871 = vector.shape_cast %get3A_870 : vector<1x16xf32> to vector<16xf32>
          %add3A_872 = arith.addf %scan3A_840, %get3A_871 : vector<16xf32>
          %get3A_873 = arith.index_cast %scan3A_834 : i32 to index
          %get3A_874 = arith.constant 96 : index
          %get3A_875 = tpu.vector_load %arg11[%get3A_873, %get3A_874] {strides = array<i32>} : memref<80x128xf32, #tpu.memory_space<vmem>>, vector<1x16xf32>,
          %get3A_876 = vector.shape_cast %get3A_875 : vector<1x16xf32> to vector<16xf32>
          %add3A_877 = arith.addf %scan3A_841, %get3A_876 : vector<16xf32>
          %get3A_878 = arith.index_cast %scan3A_834 : i32 to index
          %get3A_879 = arith.constant 112 : index
          %get3A_880 = tpu.vector_load %arg11[%get3A_878, %get3A_879] {strides = array<i32>} : memref<80x128xf32, #tpu.memory_space<vmem>>, vector<1x16xf32>,
          %get3A_881 = vector.shape_cast %get3A_880 : vector<1x16xf32> to vector<16xf32>
          %add3A_882 = arith.addf %scan3A_842, %get3A_881 : vector<16xf32>
          scf.yield %add3A_847, %add3A_852, %add3A_857, %add3A_862, %add3A_867, %add3A_872, %add3A_877, %add3A_882 : vector<16xf32>, vector<16xf32>, vector<16xf32>, vector<16xf32>, vector<16xf32>, vector<16xf32>, vector<16xf32>, vector<16xf32>
        }
        %scan3A_776 = arith.constant 80 : i32
        %swap3A_777 = arith.constant 0 : i32
        %swap3A_778 = arith.index_cast %swap3A_777 : i32 to index
        %swap3A_779 = arith.constant 0 : index
        %swap3A_780 = tpu.vector_load %arg11[%swap3A_778, %swap3A_779] {strides = array<i32>} : memref<80x128xf32, #tpu.memory_space<vmem>>, vector<1x16xf32>,
        %swap3A_781 = vector.shape_cast %swap3A_780 : vector<1x16xf32> to vector<16xf32>
        %swap3A_782 = vector.shape_cast %scan3A_775#0 : vector<16xf32> to vector<1x16xf32>
        tpu.vector_store %arg11[%swap3A_778, %swap3A_779], %swap3A_782 {strides = array<i32>} : memref<80x128xf32, #tpu.memory_space<vmem>>, vector<1x16xf32>,
        %swap3A_783 = arith.constant 0 : i32
        %swap3A_784 = arith.index_cast %swap3A_783 : i32 to index
        %swap3A_785 = arith.constant 16 : index
        %swap3A_786 = tpu.vector_load %arg11[%swap3A_784, %swap3A_785] {strides = array<i32>} : memref<80x128xf32, #tpu.memory_space<vmem>>, vector<1x16xf32>,
        %swap3A_787 = vector.shape_cast %swap3A_786 : vector<1x16xf32> to vector<16xf32>
        %swap3A_788 = vector.shape_cast %scan3A_775#1 : vector<16xf32> to vector<1x16xf32>
        tpu.vector_store %arg11[%swap3A_784, %swap3A_785], %swap3A_788 {strides = array<i32>} : memref<80x128xf32, #tpu.memory_space<vmem>>, vector<1x16xf32>,
        %swap3A_789 = arith.constant 0 : i32
        %swap3A_790 = arith.index_cast %swap3A_789 : i32 to index
        %swap3A_791 = arith.constant 32 : index
        %swap3A_792 = tpu.vector_load %arg11[%swap3A_790, %swap3A_791] {strides = array<i32>} : memref<80x128xf32, #tpu.memory_space<vmem>>, vector<1x16xf32>,
        %swap3A_793 = vector.shape_cast %swap3A_792 : vector<1x16xf32> to vector<16xf32>
        %swap3A_794 = vector.shape_cast %scan3A_775#2 : vector<16xf32> to vector<1x16xf32>
        tpu.vector_store %arg11[%swap3A_790, %swap3A_791], %swap3A_794 {strides = array<i32>} : memref<80x128xf32, #tpu.memory_space<vmem>>, vector<1x16xf32>,
        %swap3A_795 = arith.constant 0 : i32
        %swap3A_796 = arith.index_cast %swap3A_795 : i32 to index
        %swap3A_797 = arith.constant 48 : index
        %swap3A_798 = tpu.vector_load %arg11[%swap3A_796, %swap3A_797] {strides = array<i32>} : memref<80x128xf32, #tpu.memory_space<vmem>>, vector<1x16xf32>,
        %swap3A_799 = vector.shape_cast %swap3A_798 : vector<1x16xf32> to vector<16xf32>
        %swap3A_800 = vector.shape_cast %scan3A_775#3 : vector<16xf32> to vector<1x16xf32>
        tpu.vector_store %arg11[%swap3A_796, %swap3A_797], %swap3A_800 {strides = array<i32>} : memref<80x128xf32, #tpu.memory_space<vmem>>, vector<1x16xf32>,
        %swap3A_801 = arith.constant 0 : i32
        %swap3A_802 = arith.index_cast %swap3A_801 : i32 to index
        %swap3A_803 = arith.constant 64 : index
        %swap3A_804 = tpu.vector_load %arg11[%swap3A_802, %swap3A_803] {strides = array<i32>} : memref<80x128xf32, #tpu.memory_space<vmem>>, vector<1x16xf32>,
        %swap3A_805 = vector.shape_cast %swap3A_804 : vector<1x16xf32> to vector<16xf32>
        %swap3A_806 = vector.shape_cast %scan3A_775#4 : vector<16xf32> to vector<1x16xf32>
        tpu.vector_store %arg11[%swap3A_802, %swap3A_803], %swap3A_806 {strides = array<i32>} : memref<80x128xf32, #tpu.memory_space<vmem>>, vector<1x16xf32>,
        %swap3A_807 = arith.constant 0 : i32
        %swap3A_808 = arith.index_cast %swap3A_807 : i32 to index
        %swap3A_809 = arith.constant 80 : index
        %swap3A_810 = tpu.vector_load %arg11[%swap3A_808, %swap3A_809] {strides = array<i32>} : memref<80x128xf32, #tpu.memory_space<vmem>>, vector<1x16xf32>,
        %swap3A_811 = vector.shape_cast %swap3A_810 : vector<1x16xf32> to vector<16xf32>
        %swap3A_812 = vector.shape_cast %scan3A_775#5 : vector<16xf32> to vector<1x16xf32>
        tpu.vector_store %arg11[%swap3A_808, %swap3A_809], %swap3A_812 {strides = array<i32>} : memref<80x128xf32, #tpu.memory_space<vmem>>, vector<1x16xf32>,
        %swap3A_813 = arith.constant 0 : i32
        %swap3A_814 = arith.index_cast %swap3A_813 : i32 to index
        %swap3A_815 = arith.constant 96 : index
        %swap3A_816 = tpu.vector_load %arg11[%swap3A_814, %swap3A_815] {strides = array<i32>} : memref<80x128xf32, #tpu.memory_space<vmem>>, vector<1x16xf32>,
        %swap3A_817 = vector.shape_cast %swap3A_816 : vector<1x16xf32> to vector<16xf32>
        %swap3A_818 = vector.shape_cast %scan3A_775#6 : vector<16xf32> to vector<1x16xf32>
        tpu.vector_store %arg11[%swap3A_814, %swap3A_815], %swap3A_818 {strides = array<i32>} : memref<80x128xf32, #tpu.memory_space<vmem>>, vector<1x16xf32>,
        %swap3A_819 = arith.constant 0 : i32
        %swap3A_820 = arith.index_cast %swap3A_819 : i32 to index
        %swap3A_821 = arith.constant 112 : index
        %swap3A_822 = tpu.vector_load %arg11[%swap3A_820, %swap3A_821] {strides = array<i32>} : memref<80x128xf32, #tpu.memory_space<vmem>>, vector<1x16xf32>,
        %swap3A_823 = vector.shape_cast %swap3A_822 : vector<1x16xf32> to vector<16xf32>
        %swap3A_824 = vector.shape_cast %scan3A_775#7 : vector<16xf32> to vector<1x16xf32>
        tpu.vector_store %arg11[%swap3A_820, %swap3A_821], %swap3A_824 {strides = array<i32>} : memref<80x128xf32, #tpu.memory_space<vmem>>, vector<1x16xf32>,
        %dma_start3A_825 = arith.constant 0 : i32
        %dma_start3A_826 = arith.constant 0 : i32
        %dma_start3A_827 = tpu.memref_slice %arg11[%dma_start3A_825, %dma_start3A_826] : memref<80x128xf32, #tpu.memory_space<vmem>> -> memref<16x128xf32, #tpu.memory_space<vmem>>
        %dma_start3A_828 = arith.constant 0 : i32
        %dma_start3A_829 = arith.constant 0 : i32
        %dma_start3A_830 = tpu.memref_slice %arg26[%dma_start3A_828, %dma_start3A_829] : memref<1040x128xf32, #tpu.memory_space<vmem_shared>> -> memref<1040x128xf32, #tpu.memory_space<vmem_shared>>
        tpu.enqueue_indirect_dma source(%dma_start3A_827 : memref<16x128xf32, #tpu.memory_space<vmem>>) target(%dma_start3A_830 : memref<1040x128xf32, #tpu.memory_space<vmem_shared>>) offsets(%arg21 : memref<16xi32, #tpu.memory_space<vmem>>) semaphore(%arg37 : memref<!tpu.dma_semaphore, #tpu.memory_space<semaphore_mem>>) {add = true}
        %dma_start3A_831 = arith.constant 0 : i32
        %dma_start3A_832 = arith.constant 0 : i32
        %dma_start3A_833 = tpu.memref_slice %arg28[%dma_start3A_831, %dma_start3A_832] : memref<1040x128xf32, #tpu.memory_space<vmem_shared>> -> memref<1040x128xf32, #tpu.memory_space<vmem_shared>>
        tpu.enqueue_indirect_dma source(%arg24 : memref<16x128xf32, #tpu.memory_space<vmem>>) target(%dma_start3A_833 : memref<1040x128xf32, #tpu.memory_space<vmem_shared>>) offsets(%arg21 : memref<16xi32, #tpu.memory_space<vmem>>) semaphore(%arg37 : memref<!tpu.dma_semaphore, #tpu.memory_space<semaphore_mem>>) {add = true}
      } else {
      }
      %get3A_668 = arith.constant 0 : index
      %get3A_669 = tpu.vector_load %arg16[%get3A_668] {strides = array<i32>} : memref<80xi32, #tpu.memory_space<vmem>>, vector<16xi32>,
      %get3A_670 = vector.shape_cast %get3A_669 : vector<16xi32> to vector<16xi32>
      %get3A_671 = arith.constant 64 : index
      %get3A_672 = tpu.vector_load %arg16[%get3A_671] {strides = array<i32>} : memref<80xi32, #tpu.memory_space<vmem>>, vector<16xi32>,
      %get3A_673 = vector.shape_cast %get3A_672 : vector<16xi32> to vector<16xi32>
      %slice3A_674 = vector.extract_strided_slice %get3A_670 {offsets = [0], sizes = [1], strides = [1]} : vector<16xi32> to vector<1xi32>
      %squeeze3A_675 = vector.extract %slice3A_674[0] : i32 from vector<1xi32>
      %slice3A_676 = vector.extract_strided_slice %get3A_673 {offsets = [15], sizes = [1], strides = [1]} : vector<16xi32> to vector<1xi32>
      %squeeze3A_677 = vector.extract %slice3A_676[0] : i32 from vector<1xi32>
      %eq3A_678 = arith.cmpi eq, %squeeze3A_675, %squeeze3A_677 : i32
      %not3A_679 = arith.constant true
      %not3A_680 = arith.xori %eq3A_678, %not3A_679 : i1
      %convert_element_type3A_681 = arith.extui %not3A_680 : i1 to i32
      %cond3A_682 = arith.constant 0 : i32
      %cond3A_683 = arith.cmpi ne, %convert_element_type3A_681, %cond3A_682 : i32
      scf.if %cond3A_683 {
        %dma_start3A_755 = arith.constant 0 : i32
        %dma_start3A_756 = arith.constant 0 : i32
        %dma_start3A_757 = tpu.memref_slice %arg26[%dma_start3A_755, %dma_start3A_756] : memref<1040x128xf32, #tpu.memory_space<vmem_shared>> -> memref<1040x128xf32, #tpu.memory_space<vmem_shared>>
        tpu.enqueue_indirect_dma source(%arg11 : memref<80x128xf32, #tpu.memory_space<vmem>>) target(%dma_start3A_757 : memref<1040x128xf32, #tpu.memory_space<vmem_shared>>) offsets(%arg16 : memref<80xi32, #tpu.memory_space<vmem>>) semaphore(%arg37 : memref<!tpu.dma_semaphore, #tpu.memory_space<semaphore_mem>>) {add = true}
        %dma_start3A_758 = arith.constant 0 : i32
        %dma_start3A_759 = arith.constant 0 : i32
        %dma_start3A_760 = tpu.memref_slice %arg28[%dma_start3A_758, %dma_start3A_759] : memref<1040x128xf32, #tpu.memory_space<vmem_shared>> -> memref<1040x128xf32, #tpu.memory_space<vmem_shared>>
        tpu.enqueue_indirect_dma source(%arg23 : memref<80x128xf32, #tpu.memory_space<vmem>>) target(%dma_start3A_760 : memref<1040x128xf32, #tpu.memory_space<vmem_shared>>) offsets(%arg16 : memref<80xi32, #tpu.memory_space<vmem>>) semaphore(%arg37 : memref<!tpu.dma_semaphore, #tpu.memory_space<semaphore_mem>>) {add = true}
      } else {
      }
      %add3A_684 = arith.constant 3 : i32
      %add3A_685 = arith.addi %add3A_631, %add3A_684 : i32
      %lt3A_686 = arith.constant 125 : i32
      %lt3A_687 = arith.cmpi slt, %add3A_685, %lt3A_686 : i32
      %convert_element_type3A_688 = arith.extui %lt3A_687 : i1 to i32
      %cond3A_689 = arith.constant 0 : i32
      %cond3A_690 = arith.cmpi ne, %convert_element_type3A_688, %cond3A_689 : i32
      scf.if %cond3A_690 {
        %ge3A = arith.constant 5 : i32
        %ge3A_755 = arith.cmpi sge, %add3A_685, %ge3A : i32
        %convert_element_type3A_756 = arith.extui %ge3A_755 : i1 to i32
        %cond3A_757 = arith.constant 0 : i32
        %cond3A_758 = arith.cmpi ne, %convert_element_type3A_756, %cond3A_757 : i32
        scf.if %cond3A_758 {
          %get3A_768 = arith.constant 0 : index
          %get3A_769 = tpu.vector_load %arg14[%get3A_768] {strides = array<i32>} : memref<80xi32, #tpu.memory_space<vmem>>, vector<16xi32>,
          %get3A_770 = vector.shape_cast %get3A_769 : vector<16xi32> to vector<16xi32>
          %get3A_771 = arith.constant 64 : index
          %get3A_772 = tpu.vector_load %arg14[%get3A_771] {strides = array<i32>} : memref<80xi32, #tpu.memory_space<vmem>>, vector<16xi32>,
          %get3A_773 = vector.shape_cast %get3A_772 : vector<16xi32> to vector<16xi32>
          %slice3A_774 = vector.extract_strided_slice %get3A_770 {offsets = [0], sizes = [1], strides = [1]} : vector<16xi32> to vector<1xi32>
          %squeeze3A_775 = vector.extract %slice3A_774[0] : i32 from vector<1xi32>
          %slice3A_776 = vector.extract_strided_slice %get3A_773 {offsets = [15], sizes = [1], strides = [1]} : vector<16xi32> to vector<1xi32>
          %squeeze3A_777 = vector.extract %slice3A_776[0] : i32 from vector<1xi32>
          %eq3A_778 = arith.cmpi eq, %squeeze3A_775, %squeeze3A_777 : i32
          %convert_element_type3A_779 = arith.extui %eq3A_778 : i1 to i32
          %cond3A_780 = arith.constant 0 : i32
          %cond3A_781 = arith.cmpi ne, %convert_element_type3A_779, %cond3A_780 : i32
          scf.if %cond3A_781 {
            %dma_wait3A_798 = arith.constant 0 : i32
            %dma_wait3A_799 = arith.constant 0 : i32
            %dma_wait3A_800 = tpu.memref_slice %arg9[%dma_wait3A_798, %dma_wait3A_799] : memref<80x128xf32, #tpu.memory_space<vmem>> -> memref<16x128xf32, #tpu.memory_space<vmem>>
            %dma_wait3A_801 = arith.constant 0 : i32
            %dma_wait3A_802 = arith.constant 0 : i32
            %dma_wait3A_803 = tpu.memref_slice %arg26[%dma_wait3A_801, %dma_wait3A_802] : memref<1040x128xf32, #tpu.memory_space<vmem_shared>> -> memref<1040x128xf32, #tpu.memory_space<vmem_shared>>
            tpu.wait_indirect_dma semaphore(%arg35 : memref<!tpu.dma_semaphore, #tpu.memory_space<semaphore_mem>>) src(%dma_wait3A_800 : memref<16x128xf32, #tpu.memory_space<vmem>>) dst(%dma_wait3A_803 : memref<1040x128xf32, #tpu.memory_space<vmem_shared>>)
            %dma_wait3A_804 = arith.constant 0 : i32
            %dma_wait3A_805 = arith.constant 0 : i32
            %dma_wait3A_806 = tpu.memref_slice %arg28[%dma_wait3A_804, %dma_wait3A_805] : memref<1040x128xf32, #tpu.memory_space<vmem_shared>> -> memref<1040x128xf32, #tpu.memory_space<vmem_shared>>
            tpu.wait_indirect_dma semaphore(%arg35 : memref<!tpu.dma_semaphore, #tpu.memory_space<semaphore_mem>>) src(%arg24 : memref<16x128xf32, #tpu.memory_space<vmem>>) dst(%dma_wait3A_806 : memref<1040x128xf32, #tpu.memory_space<vmem_shared>>)
          } else {
          }
          %get3A_782 = arith.constant 0 : index
          %get3A_783 = tpu.vector_load %arg14[%get3A_782] {strides = array<i32>} : memref<80xi32, #tpu.memory_space<vmem>>, vector<16xi32>,
          %get3A_784 = vector.shape_cast %get3A_783 : vector<16xi32> to vector<16xi32>
          %get3A_785 = arith.constant 64 : index
          %get3A_786 = tpu.vector_load %arg14[%get3A_785] {strides = array<i32>} : memref<80xi32, #tpu.memory_space<vmem>>, vector<16xi32>,
          %get3A_787 = vector.shape_cast %get3A_786 : vector<16xi32> to vector<16xi32>
          %slice3A_788 = vector.extract_strided_slice %get3A_784 {offsets = [0], sizes = [1], strides = [1]} : vector<16xi32> to vector<1xi32>
          %squeeze3A_789 = vector.extract %slice3A_788[0] : i32 from vector<1xi32>
          %slice3A_790 = vector.extract_strided_slice %get3A_787 {offsets = [15], sizes = [1], strides = [1]} : vector<16xi32> to vector<1xi32>
          %squeeze3A_791 = vector.extract %slice3A_790[0] : i32 from vector<1xi32>
          %eq3A_792 = arith.cmpi eq, %squeeze3A_789, %squeeze3A_791 : i32
          %not3A_793 = arith.constant true
          %not3A_794 = arith.xori %eq3A_792, %not3A_793 : i1
          %convert_element_type3A_795 = arith.extui %not3A_794 : i1 to i32
          %cond3A_796 = arith.constant 0 : i32
          %cond3A_797 = arith.cmpi ne, %convert_element_type3A_795, %cond3A_796 : i32
          scf.if %cond3A_797 {
            %dma_wait3A_798 = arith.constant 0 : i32
            %dma_wait3A_799 = arith.constant 0 : i32
            %dma_wait3A_800 = tpu.memref_slice %arg26[%dma_wait3A_798, %dma_wait3A_799] : memref<1040x128xf32, #tpu.memory_space<vmem_shared>> -> memref<1040x128xf32, #tpu.memory_space<vmem_shared>>
            tpu.wait_indirect_dma semaphore(%arg35 : memref<!tpu.dma_semaphore, #tpu.memory_space<semaphore_mem>>) src(%arg9 : memref<80x128xf32, #tpu.memory_space<vmem>>) dst(%dma_wait3A_800 : memref<1040x128xf32, #tpu.memory_space<vmem_shared>>)
            %dma_wait3A_801 = arith.constant 0 : i32
            %dma_wait3A_802 = arith.constant 0 : i32
            %dma_wait3A_803 = tpu.memref_slice %arg28[%dma_wait3A_801, %dma_wait3A_802] : memref<1040x128xf32, #tpu.memory_space<vmem_shared>> -> memref<1040x128xf32, #tpu.memory_space<vmem_shared>>
            tpu.wait_indirect_dma semaphore(%arg35 : memref<!tpu.dma_semaphore, #tpu.memory_space<semaphore_mem>>) src(%arg23 : memref<80x128xf32, #tpu.memory_space<vmem>>) dst(%dma_wait3A_803 : memref<1040x128xf32, #tpu.memory_space<vmem_shared>>)
          } else {
          }
        } else {
        }
        %mul3A_759 = arith.constant 80 : i32
        %mul3A_760 = arith.muli %add3A_685, %mul3A_759 : i32
        %add3A_761 = arith.addi %mul3A_2, %mul3A_760 : i32
        %dma_start3A_762 = tpu.memref_slice %arg5[%add3A_761] : memref<320000xi32, #tpu.memory_space<hbm>> -> memref<80xi32, #tpu.memory_space<hbm>>
        %dma_start3A_763 = tpu.memref_slice %arg5[%add3A_761] : memref<320000xi32, #tpu.memory_space<hbm>> -> memref<80xi32, #tpu.memory_space<hbm>>
        tpu.enqueue_dma source(%dma_start3A_763 : memref<80xi32, #tpu.memory_space<hbm>>) target(%arg14 : memref<80xi32, #tpu.memory_space<vmem>>) target_semaphore(%arg30 : memref<!tpu.dma_semaphore, #tpu.memory_space<semaphore_mem>>)
        %dma_start3A_764 = arith.constant 0 : i32
        %dma_start3A_765 = tpu.memref_slice %arg3[%add3A_761, %dma_start3A_764] : memref<320000x128xf32, #tpu.memory_space<hbm>> -> memref<80x128xf32, #tpu.memory_space<hbm>>
        %dma_start3A_766 = arith.constant 0 : i32
        %dma_start3A_767 = tpu.memref_slice %arg3[%add3A_761, %dma_start3A_766] : memref<320000x128xf32, #tpu.memory_space<hbm>> -> memref<80x128xf32, #tpu.memory_space<hbm>>
        tpu.enqueue_dma source(%dma_start3A_767 : memref<80x128xf32, #tpu.memory_space<hbm>>) target(%arg9 : memref<80x128xf32, #tpu.memory_space<vmem>>) target_semaphore(%arg30 : memref<!tpu.dma_semaphore, #tpu.memory_space<semaphore_mem>>)
      } else {
      }
      %mul3A_691 = arith.constant 5 : i32
      %mul3A_692 = arith.muli %mul3A_691, %scan3A_441 : i32
      %add3A_693 = arith.constant 4 : i32
      %add3A_694 = arith.addi %mul3A_692, %add3A_693 : i32
      %mul3A_695 = arith.constant 80 : i32
      %mul3A_696 = arith.muli %add3A_694, %mul3A_695 : i32
      %add3A_697 = arith.addi %mul3A_2, %mul3A_696 : i32
      %dma_wait3A_698 = tpu.memref_slice %arg5[%add3A_697] : memref<320000xi32, #tpu.memory_space<hbm>> -> memref<80xi32, #tpu.memory_space<hbm>>
      %dma_wait3A_699 = tpu.memref_slice %arg5[%add3A_697] : memref<320000xi32, #tpu.memory_space<hbm>> -> memref<80xi32, #tpu.memory_space<hbm>>
      tpu.wait_dma2 semaphore(%arg33 : memref<!tpu.dma_semaphore, #tpu.memory_space<semaphore_mem>>) src(%dma_wait3A_699 : memref<80xi32, #tpu.memory_space<hbm>>) dst(%arg17 : memref<80xi32, #tpu.memory_space<vmem>>)
      %dma_wait3A_700 = arith.constant 0 : i32
      %dma_wait3A_701 = tpu.memref_slice %arg3[%add3A_697, %dma_wait3A_700] : memref<320000x128xf32, #tpu.memory_space<hbm>> -> memref<80x128xf32, #tpu.memory_space<hbm>>
      %dma_wait3A_702 = arith.constant 0 : i32
      %dma_wait3A_703 = tpu.memref_slice %arg3[%add3A_697, %dma_wait3A_702] : memref<320000x128xf32, #tpu.memory_space<hbm>> -> memref<80x128xf32, #tpu.memory_space<hbm>>
      tpu.wait_dma2 semaphore(%arg33 : memref<!tpu.dma_semaphore, #tpu.memory_space<semaphore_mem>>) src(%dma_wait3A_703 : memref<80x128xf32, #tpu.memory_space<hbm>>) dst(%arg12 : memref<80x128xf32, #tpu.memory_space<vmem>>)
      %get3A_704 = arith.constant 0 : index
      %get3A_705 = tpu.vector_load %arg17[%get3A_704] {strides = array<i32>} : memref<80xi32, #tpu.memory_space<vmem>>, vector<16xi32>,
      %get3A_706 = vector.shape_cast %get3A_705 : vector<16xi32> to vector<16xi32>
      %eq3A_707 = arith.constant 0 : i32
      %eq3A_708 = vector.broadcast %eq3A_707 : i32 to vector<16xi32>
      %eq3A_709 = arith.cmpi eq, %iota3A, %eq3A_708 : vector<16xi32>
      %jit3A_710 = arith.constant 1024 : i32
      %broadcast_in_dim3A_711 = vector.broadcast %jit3A_710 : i32 to vector<16xi32>
      %select_n3A_712 = arith.select %eq3A_709, %get3A_706, %broadcast_in_dim3A_711 : vector<16xi1>, vector<16xi32>
      %swap3A_713 = arith.constant 0 : index
      %swap3A_714 = tpu.vector_load %arg22[%swap3A_713] {strides = array<i32>} : memref<16xi32, #tpu.memory_space<vmem>>, vector<16xi32>,
      %swap3A_715 = vector.shape_cast %swap3A_714 : vector<16xi32> to vector<16xi32>
      %swap3A_716 = vector.shape_cast %select_n3A_712 : vector<16xi32> to vector<16xi32>
      tpu.vector_store %arg22[%swap3A_713], %swap3A_716 {strides = array<i32>} : memref<16xi32, #tpu.memory_space<vmem>>, vector<16xi32>,
      %get3A_717 = arith.constant 0 : index
      %get3A_718 = tpu.vector_load %arg17[%get3A_717] {strides = array<i32>} : memref<80xi32, #tpu.memory_space<vmem>>, vector<16xi32>,
      %get3A_719 = vector.shape_cast %get3A_718 : vector<16xi32> to vector<16xi32>
      %get3A_720 = arith.constant 64 : index
      %get3A_721 = tpu.vector_load %arg17[%get3A_720] {strides = array<i32>} : memref<80xi32, #tpu.memory_space<vmem>>, vector<16xi32>,
      %get3A_722 = vector.shape_cast %get3A_721 : vector<16xi32> to vector<16xi32>
      %slice3A_723 = vector.extract_strided_slice %get3A_719 {offsets = [0], sizes = [1], strides = [1]} : vector<16xi32> to vector<1xi32>
      %squeeze3A_724 = vector.extract %slice3A_723[0] : i32 from vector<1xi32>
      %slice3A_725 = vector.extract_strided_slice %get3A_722 {offsets = [15], sizes = [1], strides = [1]} : vector<16xi32> to vector<1xi32>
      %squeeze3A_726 = vector.extract %slice3A_725[0] : i32 from vector<1xi32>
      %eq3A_727 = arith.cmpi eq, %squeeze3A_724, %squeeze3A_726 : i32
      %convert_element_type3A_728 = arith.extui %eq3A_727 : i1 to i32
      %cond3A_729 = arith.constant 0 : i32
      %cond3A_730 = arith.cmpi ne, %convert_element_type3A_728, %cond3A_729 : i32
      scf.if %cond3A_730 {
        %broadcast_in_dim3A_755 = arith.constant 0.000000e+00 : f32
        %broadcast_in_dim3A_756 = vector.broadcast %broadcast_in_dim3A_755 : f32 to vector<16xf32>
        %broadcast_in_dim3A_757 = arith.constant 0.000000e+00 : f32
        %broadcast_in_dim3A_758 = vector.broadcast %broadcast_in_dim3A_757 : f32 to vector<16xf32>
        %broadcast_in_dim3A_759 = arith.constant 0.000000e+00 : f32
        %broadcast_in_dim3A_760 = vector.broadcast %broadcast_in_dim3A_759 : f32 to vector<16xf32>
        %broadcast_in_dim3A_761 = arith.constant 0.000000e+00 : f32
        %broadcast_in_dim3A_762 = vector.broadcast %broadcast_in_dim3A_761 : f32 to vector<16xf32>
        %broadcast_in_dim3A_763 = arith.constant 0.000000e+00 : f32
        %broadcast_in_dim3A_764 = vector.broadcast %broadcast_in_dim3A_763 : f32 to vector<16xf32>
        %broadcast_in_dim3A_765 = arith.constant 0.000000e+00 : f32
        %broadcast_in_dim3A_766 = vector.broadcast %broadcast_in_dim3A_765 : f32 to vector<16xf32>
        %broadcast_in_dim3A_767 = arith.constant 0.000000e+00 : f32
        %broadcast_in_dim3A_768 = vector.broadcast %broadcast_in_dim3A_767 : f32 to vector<16xf32>
        %broadcast_in_dim3A_769 = arith.constant 0.000000e+00 : f32
        %broadcast_in_dim3A_770 = vector.broadcast %broadcast_in_dim3A_769 : f32 to vector<16xf32>
        %scan3A_771 = arith.constant 0 : i32
        %scan3A_772 = arith.constant 80 : i32
        %scan3A_773 = arith.addi %scan3A_771, %scan3A_772 : i32
        %scan3A_774 = arith.constant 1 : i32
        %scan3A_775:8 = scf.for %scan3A_834 = %scan3A_771 to %scan3A_773 step %scan3A_774 iter_args(%scan3A_835 = %broadcast_in_dim3A_756, %scan3A_836 = %broadcast_in_dim3A_758, %scan3A_837 = %broadcast_in_dim3A_760, %scan3A_838 = %broadcast_in_dim3A_762, %scan3A_839 = %broadcast_in_dim3A_764, %scan3A_840 = %broadcast_in_dim3A_766, %scan3A_841 = %broadcast_in_dim3A_768, %scan3A_842 = %broadcast_in_dim3A_770) -> (vector<16xf32>, vector<16xf32>, vector<16xf32>, vector<16xf32>, vector<16xf32>, vector<16xf32>, vector<16xf32>, vector<16xf32>)  : i32 {
          %get3A_843 = arith.index_cast %scan3A_834 : i32 to index
          %get3A_844 = arith.constant 0 : index
          %get3A_845 = tpu.vector_load %arg12[%get3A_843, %get3A_844] {strides = array<i32>} : memref<80x128xf32, #tpu.memory_space<vmem>>, vector<1x16xf32>,
          %get3A_846 = vector.shape_cast %get3A_845 : vector<1x16xf32> to vector<16xf32>
          %add3A_847 = arith.addf %scan3A_835, %get3A_846 : vector<16xf32>
          %get3A_848 = arith.index_cast %scan3A_834 : i32 to index
          %get3A_849 = arith.constant 16 : index
          %get3A_850 = tpu.vector_load %arg12[%get3A_848, %get3A_849] {strides = array<i32>} : memref<80x128xf32, #tpu.memory_space<vmem>>, vector<1x16xf32>,
          %get3A_851 = vector.shape_cast %get3A_850 : vector<1x16xf32> to vector<16xf32>
          %add3A_852 = arith.addf %scan3A_836, %get3A_851 : vector<16xf32>
          %get3A_853 = arith.index_cast %scan3A_834 : i32 to index
          %get3A_854 = arith.constant 32 : index
          %get3A_855 = tpu.vector_load %arg12[%get3A_853, %get3A_854] {strides = array<i32>} : memref<80x128xf32, #tpu.memory_space<vmem>>, vector<1x16xf32>,
          %get3A_856 = vector.shape_cast %get3A_855 : vector<1x16xf32> to vector<16xf32>
          %add3A_857 = arith.addf %scan3A_837, %get3A_856 : vector<16xf32>
          %get3A_858 = arith.index_cast %scan3A_834 : i32 to index
          %get3A_859 = arith.constant 48 : index
          %get3A_860 = tpu.vector_load %arg12[%get3A_858, %get3A_859] {strides = array<i32>} : memref<80x128xf32, #tpu.memory_space<vmem>>, vector<1x16xf32>,
          %get3A_861 = vector.shape_cast %get3A_860 : vector<1x16xf32> to vector<16xf32>
          %add3A_862 = arith.addf %scan3A_838, %get3A_861 : vector<16xf32>
          %get3A_863 = arith.index_cast %scan3A_834 : i32 to index
          %get3A_864 = arith.constant 64 : index
          %get3A_865 = tpu.vector_load %arg12[%get3A_863, %get3A_864] {strides = array<i32>} : memref<80x128xf32, #tpu.memory_space<vmem>>, vector<1x16xf32>,
          %get3A_866 = vector.shape_cast %get3A_865 : vector<1x16xf32> to vector<16xf32>
          %add3A_867 = arith.addf %scan3A_839, %get3A_866 : vector<16xf32>
          %get3A_868 = arith.index_cast %scan3A_834 : i32 to index
          %get3A_869 = arith.constant 80 : index
          %get3A_870 = tpu.vector_load %arg12[%get3A_868, %get3A_869] {strides = array<i32>} : memref<80x128xf32, #tpu.memory_space<vmem>>, vector<1x16xf32>,
          %get3A_871 = vector.shape_cast %get3A_870 : vector<1x16xf32> to vector<16xf32>
          %add3A_872 = arith.addf %scan3A_840, %get3A_871 : vector<16xf32>
          %get3A_873 = arith.index_cast %scan3A_834 : i32 to index
          %get3A_874 = arith.constant 96 : index
          %get3A_875 = tpu.vector_load %arg12[%get3A_873, %get3A_874] {strides = array<i32>} : memref<80x128xf32, #tpu.memory_space<vmem>>, vector<1x16xf32>,
          %get3A_876 = vector.shape_cast %get3A_875 : vector<1x16xf32> to vector<16xf32>
          %add3A_877 = arith.addf %scan3A_841, %get3A_876 : vector<16xf32>
          %get3A_878 = arith.index_cast %scan3A_834 : i32 to index
          %get3A_879 = arith.constant 112 : index
          %get3A_880 = tpu.vector_load %arg12[%get3A_878, %get3A_879] {strides = array<i32>} : memref<80x128xf32, #tpu.memory_space<vmem>>, vector<1x16xf32>,
          %get3A_881 = vector.shape_cast %get3A_880 : vector<1x16xf32> to vector<16xf32>
          %add3A_882 = arith.addf %scan3A_842, %get3A_881 : vector<16xf32>
          scf.yield %add3A_847, %add3A_852, %add3A_857, %add3A_862, %add3A_867, %add3A_872, %add3A_877, %add3A_882 : vector<16xf32>, vector<16xf32>, vector<16xf32>, vector<16xf32>, vector<16xf32>, vector<16xf32>, vector<16xf32>, vector<16xf32>
        }
        %scan3A_776 = arith.constant 80 : i32
        %swap3A_777 = arith.constant 0 : i32
        %swap3A_778 = arith.index_cast %swap3A_777 : i32 to index
        %swap3A_779 = arith.constant 0 : index
        %swap3A_780 = tpu.vector_load %arg12[%swap3A_778, %swap3A_779] {strides = array<i32>} : memref<80x128xf32, #tpu.memory_space<vmem>>, vector<1x16xf32>,
        %swap3A_781 = vector.shape_cast %swap3A_780 : vector<1x16xf32> to vector<16xf32>
        %swap3A_782 = vector.shape_cast %scan3A_775#0 : vector<16xf32> to vector<1x16xf32>
        tpu.vector_store %arg12[%swap3A_778, %swap3A_779], %swap3A_782 {strides = array<i32>} : memref<80x128xf32, #tpu.memory_space<vmem>>, vector<1x16xf32>,
        %swap3A_783 = arith.constant 0 : i32
        %swap3A_784 = arith.index_cast %swap3A_783 : i32 to index
        %swap3A_785 = arith.constant 16 : index
        %swap3A_786 = tpu.vector_load %arg12[%swap3A_784, %swap3A_785] {strides = array<i32>} : memref<80x128xf32, #tpu.memory_space<vmem>>, vector<1x16xf32>,
        %swap3A_787 = vector.shape_cast %swap3A_786 : vector<1x16xf32> to vector<16xf32>
        %swap3A_788 = vector.shape_cast %scan3A_775#1 : vector<16xf32> to vector<1x16xf32>
        tpu.vector_store %arg12[%swap3A_784, %swap3A_785], %swap3A_788 {strides = array<i32>} : memref<80x128xf32, #tpu.memory_space<vmem>>, vector<1x16xf32>,
        %swap3A_789 = arith.constant 0 : i32
        %swap3A_790 = arith.index_cast %swap3A_789 : i32 to index
        %swap3A_791 = arith.constant 32 : index
        %swap3A_792 = tpu.vector_load %arg12[%swap3A_790, %swap3A_791] {strides = array<i32>} : memref<80x128xf32, #tpu.memory_space<vmem>>, vector<1x16xf32>,
        %swap3A_793 = vector.shape_cast %swap3A_792 : vector<1x16xf32> to vector<16xf32>
        %swap3A_794 = vector.shape_cast %scan3A_775#2 : vector<16xf32> to vector<1x16xf32>
        tpu.vector_store %arg12[%swap3A_790, %swap3A_791], %swap3A_794 {strides = array<i32>} : memref<80x128xf32, #tpu.memory_space<vmem>>, vector<1x16xf32>,
        %swap3A_795 = arith.constant 0 : i32
        %swap3A_796 = arith.index_cast %swap3A_795 : i32 to index
        %swap3A_797 = arith.constant 48 : index
        %swap3A_798 = tpu.vector_load %arg12[%swap3A_796, %swap3A_797] {strides = array<i32>} : memref<80x128xf32, #tpu.memory_space<vmem>>, vector<1x16xf32>,
        %swap3A_799 = vector.shape_cast %swap3A_798 : vector<1x16xf32> to vector<16xf32>
        %swap3A_800 = vector.shape_cast %scan3A_775#3 : vector<16xf32> to vector<1x16xf32>
        tpu.vector_store %arg12[%swap3A_796, %swap3A_797], %swap3A_800 {strides = array<i32>} : memref<80x128xf32, #tpu.memory_space<vmem>>, vector<1x16xf32>,
        %swap3A_801 = arith.constant 0 : i32
        %swap3A_802 = arith.index_cast %swap3A_801 : i32 to index
        %swap3A_803 = arith.constant 64 : index
        %swap3A_804 = tpu.vector_load %arg12[%swap3A_802, %swap3A_803] {strides = array<i32>} : memref<80x128xf32, #tpu.memory_space<vmem>>, vector<1x16xf32>,
        %swap3A_805 = vector.shape_cast %swap3A_804 : vector<1x16xf32> to vector<16xf32>
        %swap3A_806 = vector.shape_cast %scan3A_775#4 : vector<16xf32> to vector<1x16xf32>
        tpu.vector_store %arg12[%swap3A_802, %swap3A_803], %swap3A_806 {strides = array<i32>} : memref<80x128xf32, #tpu.memory_space<vmem>>, vector<1x16xf32>,
        %swap3A_807 = arith.constant 0 : i32
        %swap3A_808 = arith.index_cast %swap3A_807 : i32 to index
        %swap3A_809 = arith.constant 80 : index
        %swap3A_810 = tpu.vector_load %arg12[%swap3A_808, %swap3A_809] {strides = array<i32>} : memref<80x128xf32, #tpu.memory_space<vmem>>, vector<1x16xf32>,
        %swap3A_811 = vector.shape_cast %swap3A_810 : vector<1x16xf32> to vector<16xf32>
        %swap3A_812 = vector.shape_cast %scan3A_775#5 : vector<16xf32> to vector<1x16xf32>
        tpu.vector_store %arg12[%swap3A_808, %swap3A_809], %swap3A_812 {strides = array<i32>} : memref<80x128xf32, #tpu.memory_space<vmem>>, vector<1x16xf32>,
        %swap3A_813 = arith.constant 0 : i32
        %swap3A_814 = arith.index_cast %swap3A_813 : i32 to index
        %swap3A_815 = arith.constant 96 : index
        %swap3A_816 = tpu.vector_load %arg12[%swap3A_814, %swap3A_815] {strides = array<i32>} : memref<80x128xf32, #tpu.memory_space<vmem>>, vector<1x16xf32>,
        %swap3A_817 = vector.shape_cast %swap3A_816 : vector<1x16xf32> to vector<16xf32>
        %swap3A_818 = vector.shape_cast %scan3A_775#6 : vector<16xf32> to vector<1x16xf32>
        tpu.vector_store %arg12[%swap3A_814, %swap3A_815], %swap3A_818 {strides = array<i32>} : memref<80x128xf32, #tpu.memory_space<vmem>>, vector<1x16xf32>,
        %swap3A_819 = arith.constant 0 : i32
        %swap3A_820 = arith.index_cast %swap3A_819 : i32 to index
        %swap3A_821 = arith.constant 112 : index
        %swap3A_822 = tpu.vector_load %arg12[%swap3A_820, %swap3A_821] {strides = array<i32>} : memref<80x128xf32, #tpu.memory_space<vmem>>, vector<1x16xf32>,
        %swap3A_823 = vector.shape_cast %swap3A_822 : vector<1x16xf32> to vector<16xf32>
        %swap3A_824 = vector.shape_cast %scan3A_775#7 : vector<16xf32> to vector<1x16xf32>
        tpu.vector_store %arg12[%swap3A_820, %swap3A_821], %swap3A_824 {strides = array<i32>} : memref<80x128xf32, #tpu.memory_space<vmem>>, vector<1x16xf32>,
        %dma_start3A_825 = arith.constant 0 : i32
        %dma_start3A_826 = arith.constant 0 : i32
        %dma_start3A_827 = tpu.memref_slice %arg12[%dma_start3A_825, %dma_start3A_826] : memref<80x128xf32, #tpu.memory_space<vmem>> -> memref<16x128xf32, #tpu.memory_space<vmem>>
        %dma_start3A_828 = arith.constant 0 : i32
        %dma_start3A_829 = arith.constant 0 : i32
        %dma_start3A_830 = tpu.memref_slice %arg26[%dma_start3A_828, %dma_start3A_829] : memref<1040x128xf32, #tpu.memory_space<vmem_shared>> -> memref<1040x128xf32, #tpu.memory_space<vmem_shared>>
        tpu.enqueue_indirect_dma source(%dma_start3A_827 : memref<16x128xf32, #tpu.memory_space<vmem>>) target(%dma_start3A_830 : memref<1040x128xf32, #tpu.memory_space<vmem_shared>>) offsets(%arg22 : memref<16xi32, #tpu.memory_space<vmem>>) semaphore(%arg38 : memref<!tpu.dma_semaphore, #tpu.memory_space<semaphore_mem>>) {add = true}
        %dma_start3A_831 = arith.constant 0 : i32
        %dma_start3A_832 = arith.constant 0 : i32
        %dma_start3A_833 = tpu.memref_slice %arg28[%dma_start3A_831, %dma_start3A_832] : memref<1040x128xf32, #tpu.memory_space<vmem_shared>> -> memref<1040x128xf32, #tpu.memory_space<vmem_shared>>
        tpu.enqueue_indirect_dma source(%arg24 : memref<16x128xf32, #tpu.memory_space<vmem>>) target(%dma_start3A_833 : memref<1040x128xf32, #tpu.memory_space<vmem_shared>>) offsets(%arg22 : memref<16xi32, #tpu.memory_space<vmem>>) semaphore(%arg38 : memref<!tpu.dma_semaphore, #tpu.memory_space<semaphore_mem>>) {add = true}
      } else {
      }
      %get3A_731 = arith.constant 0 : index
      %get3A_732 = tpu.vector_load %arg17[%get3A_731] {strides = array<i32>} : memref<80xi32, #tpu.memory_space<vmem>>, vector<16xi32>,
      %get3A_733 = vector.shape_cast %get3A_732 : vector<16xi32> to vector<16xi32>
      %get3A_734 = arith.constant 64 : index
      %get3A_735 = tpu.vector_load %arg17[%get3A_734] {strides = array<i32>} : memref<80xi32, #tpu.memory_space<vmem>>, vector<16xi32>,
      %get3A_736 = vector.shape_cast %get3A_735 : vector<16xi32> to vector<16xi32>
      %slice3A_737 = vector.extract_strided_slice %get3A_733 {offsets = [0], sizes = [1], strides = [1]} : vector<16xi32> to vector<1xi32>
      %squeeze3A_738 = vector.extract %slice3A_737[0] : i32 from vector<1xi32>
      %slice3A_739 = vector.extract_strided_slice %get3A_736 {offsets = [15], sizes = [1], strides = [1]} : vector<16xi32> to vector<1xi32>
      %squeeze3A_740 = vector.extract %slice3A_739[0] : i32 from vector<1xi32>
      %eq3A_741 = arith.cmpi eq, %squeeze3A_738, %squeeze3A_740 : i32
      %not3A_742 = arith.constant true
      %not3A_743 = arith.xori %eq3A_741, %not3A_742 : i1
      %convert_element_type3A_744 = arith.extui %not3A_743 : i1 to i32
      %cond3A_745 = arith.constant 0 : i32
      %cond3A_746 = arith.cmpi ne, %convert_element_type3A_744, %cond3A_745 : i32
      scf.if %cond3A_746 {
        %dma_start3A_755 = arith.constant 0 : i32
        %dma_start3A_756 = arith.constant 0 : i32
        %dma_start3A_757 = tpu.memref_slice %arg26[%dma_start3A_755, %dma_start3A_756] : memref<1040x128xf32, #tpu.memory_space<vmem_shared>> -> memref<1040x128xf32, #tpu.memory_space<vmem_shared>>
        tpu.enqueue_indirect_dma source(%arg12 : memref<80x128xf32, #tpu.memory_space<vmem>>) target(%dma_start3A_757 : memref<1040x128xf32, #tpu.memory_space<vmem_shared>>) offsets(%arg17 : memref<80xi32, #tpu.memory_space<vmem>>) semaphore(%arg38 : memref<!tpu.dma_semaphore, #tpu.memory_space<semaphore_mem>>) {add = true}
        %dma_start3A_758 = arith.constant 0 : i32
        %dma_start3A_759 = arith.constant 0 : i32
        %dma_start3A_760 = tpu.memref_slice %arg28[%dma_start3A_758, %dma_start3A_759] : memref<1040x128xf32, #tpu.memory_space<vmem_shared>> -> memref<1040x128xf32, #tpu.memory_space<vmem_shared>>
        tpu.enqueue_indirect_dma source(%arg23 : memref<80x128xf32, #tpu.memory_space<vmem>>) target(%dma_start3A_760 : memref<1040x128xf32, #tpu.memory_space<vmem_shared>>) offsets(%arg17 : memref<80xi32, #tpu.memory_space<vmem>>) semaphore(%arg38 : memref<!tpu.dma_semaphore, #tpu.memory_space<semaphore_mem>>) {add = true}
      } else {
      }
      %add3A_747 = arith.constant 3 : i32
      %add3A_748 = arith.addi %add3A_694, %add3A_747 : i32
      %lt3A_749 = arith.constant 125 : i32
      %lt3A_750 = arith.cmpi slt, %add3A_748, %lt3A_749 : i32
      %convert_element_type3A_751 = arith.extui %lt3A_750 : i1 to i32
      %cond3A_752 = arith.constant 0 : i32
      %cond3A_753 = arith.cmpi ne, %convert_element_type3A_751, %cond3A_752 : i32
      scf.if %cond3A_753 {
        %ge3A = arith.constant 5 : i32
        %ge3A_755 = arith.cmpi sge, %add3A_748, %ge3A : i32
        %convert_element_type3A_756 = arith.extui %ge3A_755 : i1 to i32
        %cond3A_757 = arith.constant 0 : i32
        %cond3A_758 = arith.cmpi ne, %convert_element_type3A_756, %cond3A_757 : i32
        scf.if %cond3A_758 {
          %get3A_768 = arith.constant 0 : index
          %get3A_769 = tpu.vector_load %arg15[%get3A_768] {strides = array<i32>} : memref<80xi32, #tpu.memory_space<vmem>>, vector<16xi32>,
          %get3A_770 = vector.shape_cast %get3A_769 : vector<16xi32> to vector<16xi32>
          %get3A_771 = arith.constant 64 : index
          %get3A_772 = tpu.vector_load %arg15[%get3A_771] {strides = array<i32>} : memref<80xi32, #tpu.memory_space<vmem>>, vector<16xi32>,
          %get3A_773 = vector.shape_cast %get3A_772 : vector<16xi32> to vector<16xi32>
          %slice3A_774 = vector.extract_strided_slice %get3A_770 {offsets = [0], sizes = [1], strides = [1]} : vector<16xi32> to vector<1xi32>
          %squeeze3A_775 = vector.extract %slice3A_774[0] : i32 from vector<1xi32>
          %slice3A_776 = vector.extract_strided_slice %get3A_773 {offsets = [15], sizes = [1], strides = [1]} : vector<16xi32> to vector<1xi32>
          %squeeze3A_777 = vector.extract %slice3A_776[0] : i32 from vector<1xi32>
          %eq3A_778 = arith.cmpi eq, %squeeze3A_775, %squeeze3A_777 : i32
          %convert_element_type3A_779 = arith.extui %eq3A_778 : i1 to i32
          %cond3A_780 = arith.constant 0 : i32
          %cond3A_781 = arith.cmpi ne, %convert_element_type3A_779, %cond3A_780 : i32
          scf.if %cond3A_781 {
            %dma_wait3A_798 = arith.constant 0 : i32
            %dma_wait3A_799 = arith.constant 0 : i32
            %dma_wait3A_800 = tpu.memref_slice %arg10[%dma_wait3A_798, %dma_wait3A_799] : memref<80x128xf32, #tpu.memory_space<vmem>> -> memref<16x128xf32, #tpu.memory_space<vmem>>
            %dma_wait3A_801 = arith.constant 0 : i32
            %dma_wait3A_802 = arith.constant 0 : i32
            %dma_wait3A_803 = tpu.memref_slice %arg26[%dma_wait3A_801, %dma_wait3A_802] : memref<1040x128xf32, #tpu.memory_space<vmem_shared>> -> memref<1040x128xf32, #tpu.memory_space<vmem_shared>>
            tpu.wait_indirect_dma semaphore(%arg36 : memref<!tpu.dma_semaphore, #tpu.memory_space<semaphore_mem>>) src(%dma_wait3A_800 : memref<16x128xf32, #tpu.memory_space<vmem>>) dst(%dma_wait3A_803 : memref<1040x128xf32, #tpu.memory_space<vmem_shared>>)
            %dma_wait3A_804 = arith.constant 0 : i32
            %dma_wait3A_805 = arith.constant 0 : i32
            %dma_wait3A_806 = tpu.memref_slice %arg28[%dma_wait3A_804, %dma_wait3A_805] : memref<1040x128xf32, #tpu.memory_space<vmem_shared>> -> memref<1040x128xf32, #tpu.memory_space<vmem_shared>>
            tpu.wait_indirect_dma semaphore(%arg36 : memref<!tpu.dma_semaphore, #tpu.memory_space<semaphore_mem>>) src(%arg24 : memref<16x128xf32, #tpu.memory_space<vmem>>) dst(%dma_wait3A_806 : memref<1040x128xf32, #tpu.memory_space<vmem_shared>>)
          } else {
          }
          %get3A_782 = arith.constant 0 : index
          %get3A_783 = tpu.vector_load %arg15[%get3A_782] {strides = array<i32>} : memref<80xi32, #tpu.memory_space<vmem>>, vector<16xi32>,
          %get3A_784 = vector.shape_cast %get3A_783 : vector<16xi32> to vector<16xi32>
          %get3A_785 = arith.constant 64 : index
          %get3A_786 = tpu.vector_load %arg15[%get3A_785] {strides = array<i32>} : memref<80xi32, #tpu.memory_space<vmem>>, vector<16xi32>,
          %get3A_787 = vector.shape_cast %get3A_786 : vector<16xi32> to vector<16xi32>
          %slice3A_788 = vector.extract_strided_slice %get3A_784 {offsets = [0], sizes = [1], strides = [1]} : vector<16xi32> to vector<1xi32>
          %squeeze3A_789 = vector.extract %slice3A_788[0] : i32 from vector<1xi32>
          %slice3A_790 = vector.extract_strided_slice %get3A_787 {offsets = [15], sizes = [1], strides = [1]} : vector<16xi32> to vector<1xi32>
          %squeeze3A_791 = vector.extract %slice3A_790[0] : i32 from vector<1xi32>
          %eq3A_792 = arith.cmpi eq, %squeeze3A_789, %squeeze3A_791 : i32
          %not3A_793 = arith.constant true
          %not3A_794 = arith.xori %eq3A_792, %not3A_793 : i1
          %convert_element_type3A_795 = arith.extui %not3A_794 : i1 to i32
          %cond3A_796 = arith.constant 0 : i32
          %cond3A_797 = arith.cmpi ne, %convert_element_type3A_795, %cond3A_796 : i32
          scf.if %cond3A_797 {
            %dma_wait3A_798 = arith.constant 0 : i32
            %dma_wait3A_799 = arith.constant 0 : i32
            %dma_wait3A_800 = tpu.memref_slice %arg26[%dma_wait3A_798, %dma_wait3A_799] : memref<1040x128xf32, #tpu.memory_space<vmem_shared>> -> memref<1040x128xf32, #tpu.memory_space<vmem_shared>>
            tpu.wait_indirect_dma semaphore(%arg36 : memref<!tpu.dma_semaphore, #tpu.memory_space<semaphore_mem>>) src(%arg10 : memref<80x128xf32, #tpu.memory_space<vmem>>) dst(%dma_wait3A_800 : memref<1040x128xf32, #tpu.memory_space<vmem_shared>>)
            %dma_wait3A_801 = arith.constant 0 : i32
            %dma_wait3A_802 = arith.constant 0 : i32
            %dma_wait3A_803 = tpu.memref_slice %arg28[%dma_wait3A_801, %dma_wait3A_802] : memref<1040x128xf32, #tpu.memory_space<vmem_shared>> -> memref<1040x128xf32, #tpu.memory_space<vmem_shared>>
            tpu.wait_indirect_dma semaphore(%arg36 : memref<!tpu.dma_semaphore, #tpu.memory_space<semaphore_mem>>) src(%arg23 : memref<80x128xf32, #tpu.memory_space<vmem>>) dst(%dma_wait3A_803 : memref<1040x128xf32, #tpu.memory_space<vmem_shared>>)
          } else {
          }
        } else {
        }
        %mul3A_759 = arith.constant 80 : i32
        %mul3A_760 = arith.muli %add3A_748, %mul3A_759 : i32
        %add3A_761 = arith.addi %mul3A_2, %mul3A_760 : i32
        %dma_start3A_762 = tpu.memref_slice %arg5[%add3A_761] : memref<320000xi32, #tpu.memory_space<hbm>> -> memref<80xi32, #tpu.memory_space<hbm>>
        %dma_start3A_763 = tpu.memref_slice %arg5[%add3A_761] : memref<320000xi32, #tpu.memory_space<hbm>> -> memref<80xi32, #tpu.memory_space<hbm>>
        tpu.enqueue_dma source(%dma_start3A_763 : memref<80xi32, #tpu.memory_space<hbm>>) target(%arg15 : memref<80xi32, #tpu.memory_space<vmem>>) target_semaphore(%arg31 : memref<!tpu.dma_semaphore, #tpu.memory_space<semaphore_mem>>)
        %dma_start3A_764 = arith.constant 0 : i32
        %dma_start3A_765 = tpu.memref_slice %arg3[%add3A_761, %dma_start3A_764] : memref<320000x128xf32, #tpu.memory_space<hbm>> -> memref<80x128xf32, #tpu.memory_space<hbm>>
        %dma_start3A_766 = arith.constant 0 : i32
        %dma_start3A_767 = tpu.memref_slice %arg3[%add3A_761, %dma_start3A_766] : memref<320000x128xf32, #tpu.memory_space<hbm>> -> memref<80x128xf32, #tpu.memory_space<hbm>>
        tpu.enqueue_dma source(%dma_start3A_767 : memref<80x128xf32, #tpu.memory_space<hbm>>) target(%arg10 : memref<80x128xf32, #tpu.memory_space<vmem>>) target_semaphore(%arg31 : memref<!tpu.dma_semaphore, #tpu.memory_space<semaphore_mem>>)
      } else {
      }
      %scan3A_754 = arith.constant 0 : i32
      scf.yield %scan3A_754 : i32
    }
    %scan3A_280 = arith.constant 25 : i32
    %get3A_281 = arith.constant 0 : index
    %get3A_282 = tpu.vector_load %arg13[%get3A_281] {strides = array<i32>} : memref<80xi32, #tpu.memory_space<vmem>>, vector<16xi32>,
    %get3A_283 = vector.shape_cast %get3A_282 : vector<16xi32> to vector<16xi32>
    %get3A_284 = arith.constant 64 : index
    %get3A_285 = tpu.vector_load %arg13[%get3A_284] {strides = array<i32>} : memref<80xi32, #tpu.memory_space<vmem>>, vector<16xi32>,
    %get3A_286 = vector.shape_cast %get3A_285 : vector<16xi32> to vector<16xi32>
    %slice3A_287 = vector.extract_strided_slice %get3A_283 {offsets = [0], sizes = [1], strides = [1]} : vector<16xi32> to vector<1xi32>
    %squeeze3A_288 = vector.extract %slice3A_287[0] : i32 from vector<1xi32>
    %slice3A_289 = vector.extract_strided_slice %get3A_286 {offsets = [15], sizes = [1], strides = [1]} : vector<16xi32> to vector<1xi32>
    %squeeze3A_290 = vector.extract %slice3A_289[0] : i32 from vector<1xi32>
    %eq3A_291 = arith.cmpi eq, %squeeze3A_288, %squeeze3A_290 : i32
    %convert_element_type3A_292 = arith.extui %eq3A_291 : i1 to i32
    %cond3A_293 = arith.constant 0 : i32
    %cond3A_294 = arith.cmpi ne, %convert_element_type3A_292, %cond3A_293 : i32
    scf.if %cond3A_294 {
      %dma_wait3A = arith.constant 0 : i32
      %dma_wait3A_441 = arith.constant 0 : i32
      %dma_wait3A_442 = tpu.memref_slice %arg8[%dma_wait3A, %dma_wait3A_441] : memref<80x128xf32, #tpu.memory_space<vmem>> -> memref<16x128xf32, #tpu.memory_space<vmem>>
      %dma_wait3A_443 = arith.constant 0 : i32
      %dma_wait3A_444 = arith.constant 0 : i32
      %dma_wait3A_445 = tpu.memref_slice %arg26[%dma_wait3A_443, %dma_wait3A_444] : memref<1040x128xf32, #tpu.memory_space<vmem_shared>> -> memref<1040x128xf32, #tpu.memory_space<vmem_shared>>
      tpu.wait_indirect_dma semaphore(%arg34 : memref<!tpu.dma_semaphore, #tpu.memory_space<semaphore_mem>>) src(%dma_wait3A_442 : memref<16x128xf32, #tpu.memory_space<vmem>>) dst(%dma_wait3A_445 : memref<1040x128xf32, #tpu.memory_space<vmem_shared>>)
      %dma_wait3A_446 = arith.constant 0 : i32
      %dma_wait3A_447 = arith.constant 0 : i32
      %dma_wait3A_448 = tpu.memref_slice %arg28[%dma_wait3A_446, %dma_wait3A_447] : memref<1040x128xf32, #tpu.memory_space<vmem_shared>> -> memref<1040x128xf32, #tpu.memory_space<vmem_shared>>
      tpu.wait_indirect_dma semaphore(%arg34 : memref<!tpu.dma_semaphore, #tpu.memory_space<semaphore_mem>>) src(%arg24 : memref<16x128xf32, #tpu.memory_space<vmem>>) dst(%dma_wait3A_448 : memref<1040x128xf32, #tpu.memory_space<vmem_shared>>)
    } else {
    }
    %get3A_295 = arith.constant 0 : index
    %get3A_296 = tpu.vector_load %arg13[%get3A_295] {strides = array<i32>} : memref<80xi32, #tpu.memory_space<vmem>>, vector<16xi32>,
    %get3A_297 = vector.shape_cast %get3A_296 : vector<16xi32> to vector<16xi32>
    %get3A_298 = arith.constant 64 : index
    %get3A_299 = tpu.vector_load %arg13[%get3A_298] {strides = array<i32>} : memref<80xi32, #tpu.memory_space<vmem>>, vector<16xi32>,
    %get3A_300 = vector.shape_cast %get3A_299 : vector<16xi32> to vector<16xi32>
    %slice3A_301 = vector.extract_strided_slice %get3A_297 {offsets = [0], sizes = [1], strides = [1]} : vector<16xi32> to vector<1xi32>
    %squeeze3A_302 = vector.extract %slice3A_301[0] : i32 from vector<1xi32>
    %slice3A_303 = vector.extract_strided_slice %get3A_300 {offsets = [15], sizes = [1], strides = [1]} : vector<16xi32> to vector<1xi32>
    %squeeze3A_304 = vector.extract %slice3A_303[0] : i32 from vector<1xi32>
    %eq3A_305 = arith.cmpi eq, %squeeze3A_302, %squeeze3A_304 : i32
    %not3A_306 = arith.constant true
    %not3A_307 = arith.xori %eq3A_305, %not3A_306 : i1
    %convert_element_type3A_308 = arith.extui %not3A_307 : i1 to i32
    %cond3A_309 = arith.constant 0 : i32
    %cond3A_310 = arith.cmpi ne, %convert_element_type3A_308, %cond3A_309 : i32
    scf.if %cond3A_310 {
      %dma_wait3A = arith.constant 0 : i32
      %dma_wait3A_441 = arith.constant 0 : i32
      %dma_wait3A_442 = tpu.memref_slice %arg26[%dma_wait3A, %dma_wait3A_441] : memref<1040x128xf32, #tpu.memory_space<vmem_shared>> -> memref<1040x128xf32, #tpu.memory_space<vmem_shared>>
      tpu.wait_indirect_dma semaphore(%arg34 : memref<!tpu.dma_semaphore, #tpu.memory_space<semaphore_mem>>) src(%arg8 : memref<80x128xf32, #tpu.memory_space<vmem>>) dst(%dma_wait3A_442 : memref<1040x128xf32, #tpu.memory_space<vmem_shared>>)
      %dma_wait3A_443 = arith.constant 0 : i32
      %dma_wait3A_444 = arith.constant 0 : i32
      %dma_wait3A_445 = tpu.memref_slice %arg28[%dma_wait3A_443, %dma_wait3A_444] : memref<1040x128xf32, #tpu.memory_space<vmem_shared>> -> memref<1040x128xf32, #tpu.memory_space<vmem_shared>>
      tpu.wait_indirect_dma semaphore(%arg34 : memref<!tpu.dma_semaphore, #tpu.memory_space<semaphore_mem>>) src(%arg23 : memref<80x128xf32, #tpu.memory_space<vmem>>) dst(%dma_wait3A_445 : memref<1040x128xf32, #tpu.memory_space<vmem_shared>>)
    } else {
    }
    %get3A_311 = arith.constant 0 : index
    %get3A_312 = tpu.vector_load %arg14[%get3A_311] {strides = array<i32>} : memref<80xi32, #tpu.memory_space<vmem>>, vector<16xi32>,
    %get3A_313 = vector.shape_cast %get3A_312 : vector<16xi32> to vector<16xi32>
    %get3A_314 = arith.constant 64 : index
    %get3A_315 = tpu.vector_load %arg14[%get3A_314] {strides = array<i32>} : memref<80xi32, #tpu.memory_space<vmem>>, vector<16xi32>,
    %get3A_316 = vector.shape_cast %get3A_315 : vector<16xi32> to vector<16xi32>
    %slice3A_317 = vector.extract_strided_slice %get3A_313 {offsets = [0], sizes = [1], strides = [1]} : vector<16xi32> to vector<1xi32>
    %squeeze3A_318 = vector.extract %slice3A_317[0] : i32 from vector<1xi32>
    %slice3A_319 = vector.extract_strided_slice %get3A_316 {offsets = [15], sizes = [1], strides = [1]} : vector<16xi32> to vector<1xi32>
    %squeeze3A_320 = vector.extract %slice3A_319[0] : i32 from vector<1xi32>
    %eq3A_321 = arith.cmpi eq, %squeeze3A_318, %squeeze3A_320 : i32
    %convert_element_type3A_322 = arith.extui %eq3A_321 : i1 to i32
    %cond3A_323 = arith.constant 0 : i32
    %cond3A_324 = arith.cmpi ne, %convert_element_type3A_322, %cond3A_323 : i32
    scf.if %cond3A_324 {
      %dma_wait3A = arith.constant 0 : i32
      %dma_wait3A_441 = arith.constant 0 : i32
      %dma_wait3A_442 = tpu.memref_slice %arg9[%dma_wait3A, %dma_wait3A_441] : memref<80x128xf32, #tpu.memory_space<vmem>> -> memref<16x128xf32, #tpu.memory_space<vmem>>
      %dma_wait3A_443 = arith.constant 0 : i32
      %dma_wait3A_444 = arith.constant 0 : i32
      %dma_wait3A_445 = tpu.memref_slice %arg26[%dma_wait3A_443, %dma_wait3A_444] : memref<1040x128xf32, #tpu.memory_space<vmem_shared>> -> memref<1040x128xf32, #tpu.memory_space<vmem_shared>>
      tpu.wait_indirect_dma semaphore(%arg35 : memref<!tpu.dma_semaphore, #tpu.memory_space<semaphore_mem>>) src(%dma_wait3A_442 : memref<16x128xf32, #tpu.memory_space<vmem>>) dst(%dma_wait3A_445 : memref<1040x128xf32, #tpu.memory_space<vmem_shared>>)
      %dma_wait3A_446 = arith.constant 0 : i32
      %dma_wait3A_447 = arith.constant 0 : i32
      %dma_wait3A_448 = tpu.memref_slice %arg28[%dma_wait3A_446, %dma_wait3A_447] : memref<1040x128xf32, #tpu.memory_space<vmem_shared>> -> memref<1040x128xf32, #tpu.memory_space<vmem_shared>>
      tpu.wait_indirect_dma semaphore(%arg35 : memref<!tpu.dma_semaphore, #tpu.memory_space<semaphore_mem>>) src(%arg24 : memref<16x128xf32, #tpu.memory_space<vmem>>) dst(%dma_wait3A_448 : memref<1040x128xf32, #tpu.memory_space<vmem_shared>>)
    } else {
    }
    %get3A_325 = arith.constant 0 : index
    %get3A_326 = tpu.vector_load %arg14[%get3A_325] {strides = array<i32>} : memref<80xi32, #tpu.memory_space<vmem>>, vector<16xi32>,
    %get3A_327 = vector.shape_cast %get3A_326 : vector<16xi32> to vector<16xi32>
    %get3A_328 = arith.constant 64 : index
    %get3A_329 = tpu.vector_load %arg14[%get3A_328] {strides = array<i32>} : memref<80xi32, #tpu.memory_space<vmem>>, vector<16xi32>,
    %get3A_330 = vector.shape_cast %get3A_329 : vector<16xi32> to vector<16xi32>
    %slice3A_331 = vector.extract_strided_slice %get3A_327 {offsets = [0], sizes = [1], strides = [1]} : vector<16xi32> to vector<1xi32>
    %squeeze3A_332 = vector.extract %slice3A_331[0] : i32 from vector<1xi32>
    %slice3A_333 = vector.extract_strided_slice %get3A_330 {offsets = [15], sizes = [1], strides = [1]} : vector<16xi32> to vector<1xi32>
    %squeeze3A_334 = vector.extract %slice3A_333[0] : i32 from vector<1xi32>
    %eq3A_335 = arith.cmpi eq, %squeeze3A_332, %squeeze3A_334 : i32
    %not3A_336 = arith.constant true
    %not3A_337 = arith.xori %eq3A_335, %not3A_336 : i1
    %convert_element_type3A_338 = arith.extui %not3A_337 : i1 to i32
    %cond3A_339 = arith.constant 0 : i32
    %cond3A_340 = arith.cmpi ne, %convert_element_type3A_338, %cond3A_339 : i32
    scf.if %cond3A_340 {
      %dma_wait3A = arith.constant 0 : i32
      %dma_wait3A_441 = arith.constant 0 : i32
      %dma_wait3A_442 = tpu.memref_slice %arg26[%dma_wait3A, %dma_wait3A_441] : memref<1040x128xf32, #tpu.memory_space<vmem_shared>> -> memref<1040x128xf32, #tpu.memory_space<vmem_shared>>
      tpu.wait_indirect_dma semaphore(%arg35 : memref<!tpu.dma_semaphore, #tpu.memory_space<semaphore_mem>>) src(%arg9 : memref<80x128xf32, #tpu.memory_space<vmem>>) dst(%dma_wait3A_442 : memref<1040x128xf32, #tpu.memory_space<vmem_shared>>)
      %dma_wait3A_443 = arith.constant 0 : i32
      %dma_wait3A_444 = arith.constant 0 : i32
      %dma_wait3A_445 = tpu.memref_slice %arg28[%dma_wait3A_443, %dma_wait3A_444] : memref<1040x128xf32, #tpu.memory_space<vmem_shared>> -> memref<1040x128xf32, #tpu.memory_space<vmem_shared>>
      tpu.wait_indirect_dma semaphore(%arg35 : memref<!tpu.dma_semaphore, #tpu.memory_space<semaphore_mem>>) src(%arg23 : memref<80x128xf32, #tpu.memory_space<vmem>>) dst(%dma_wait3A_445 : memref<1040x128xf32, #tpu.memory_space<vmem_shared>>)
    } else {
    }
    %get3A_341 = arith.constant 0 : index
    %get3A_342 = tpu.vector_load %arg15[%get3A_341] {strides = array<i32>} : memref<80xi32, #tpu.memory_space<vmem>>, vector<16xi32>,
    %get3A_343 = vector.shape_cast %get3A_342 : vector<16xi32> to vector<16xi32>
    %get3A_344 = arith.constant 64 : index
    %get3A_345 = tpu.vector_load %arg15[%get3A_344] {strides = array<i32>} : memref<80xi32, #tpu.memory_space<vmem>>, vector<16xi32>,
    %get3A_346 = vector.shape_cast %get3A_345 : vector<16xi32> to vector<16xi32>
    %slice3A_347 = vector.extract_strided_slice %get3A_343 {offsets = [0], sizes = [1], strides = [1]} : vector<16xi32> to vector<1xi32>
    %squeeze3A_348 = vector.extract %slice3A_347[0] : i32 from vector<1xi32>
    %slice3A_349 = vector.extract_strided_slice %get3A_346 {offsets = [15], sizes = [1], strides = [1]} : vector<16xi32> to vector<1xi32>
    %squeeze3A_350 = vector.extract %slice3A_349[0] : i32 from vector<1xi32>
    %eq3A_351 = arith.cmpi eq, %squeeze3A_348, %squeeze3A_350 : i32
    %convert_element_type3A_352 = arith.extui %eq3A_351 : i1 to i32
    %cond3A_353 = arith.constant 0 : i32
    %cond3A_354 = arith.cmpi ne, %convert_element_type3A_352, %cond3A_353 : i32
    scf.if %cond3A_354 {
      %dma_wait3A = arith.constant 0 : i32
      %dma_wait3A_441 = arith.constant 0 : i32
      %dma_wait3A_442 = tpu.memref_slice %arg10[%dma_wait3A, %dma_wait3A_441] : memref<80x128xf32, #tpu.memory_space<vmem>> -> memref<16x128xf32, #tpu.memory_space<vmem>>
      %dma_wait3A_443 = arith.constant 0 : i32
      %dma_wait3A_444 = arith.constant 0 : i32
      %dma_wait3A_445 = tpu.memref_slice %arg26[%dma_wait3A_443, %dma_wait3A_444] : memref<1040x128xf32, #tpu.memory_space<vmem_shared>> -> memref<1040x128xf32, #tpu.memory_space<vmem_shared>>
      tpu.wait_indirect_dma semaphore(%arg36 : memref<!tpu.dma_semaphore, #tpu.memory_space<semaphore_mem>>) src(%dma_wait3A_442 : memref<16x128xf32, #tpu.memory_space<vmem>>) dst(%dma_wait3A_445 : memref<1040x128xf32, #tpu.memory_space<vmem_shared>>)
      %dma_wait3A_446 = arith.constant 0 : i32
      %dma_wait3A_447 = arith.constant 0 : i32
      %dma_wait3A_448 = tpu.memref_slice %arg28[%dma_wait3A_446, %dma_wait3A_447] : memref<1040x128xf32, #tpu.memory_space<vmem_shared>> -> memref<1040x128xf32, #tpu.memory_space<vmem_shared>>
      tpu.wait_indirect_dma semaphore(%arg36 : memref<!tpu.dma_semaphore, #tpu.memory_space<semaphore_mem>>) src(%arg24 : memref<16x128xf32, #tpu.memory_space<vmem>>) dst(%dma_wait3A_448 : memref<1040x128xf32, #tpu.memory_space<vmem_shared>>)
    } else {
    }
    %get3A_355 = arith.constant 0 : index
    %get3A_356 = tpu.vector_load %arg15[%get3A_355] {strides = array<i32>} : memref<80xi32, #tpu.memory_space<vmem>>, vector<16xi32>,
    %get3A_357 = vector.shape_cast %get3A_356 : vector<16xi32> to vector<16xi32>
    %get3A_358 = arith.constant 64 : index
    %get3A_359 = tpu.vector_load %arg15[%get3A_358] {strides = array<i32>} : memref<80xi32, #tpu.memory_space<vmem>>, vector<16xi32>,
    %get3A_360 = vector.shape_cast %get3A_359 : vector<16xi32> to vector<16xi32>
    %slice3A_361 = vector.extract_strided_slice %get3A_357 {offsets = [0], sizes = [1], strides = [1]} : vector<16xi32> to vector<1xi32>
    %squeeze3A_362 = vector.extract %slice3A_361[0] : i32 from vector<1xi32>
    %slice3A_363 = vector.extract_strided_slice %get3A_360 {offsets = [15], sizes = [1], strides = [1]} : vector<16xi32> to vector<1xi32>
    %squeeze3A_364 = vector.extract %slice3A_363[0] : i32 from vector<1xi32>
    %eq3A_365 = arith.cmpi eq, %squeeze3A_362, %squeeze3A_364 : i32
    %not3A_366 = arith.constant true
    %not3A_367 = arith.xori %eq3A_365, %not3A_366 : i1
    %convert_element_type3A_368 = arith.extui %not3A_367 : i1 to i32
    %cond3A_369 = arith.constant 0 : i32
    %cond3A_370 = arith.cmpi ne, %convert_element_type3A_368, %cond3A_369 : i32
    scf.if %cond3A_370 {
      %dma_wait3A = arith.constant 0 : i32
      %dma_wait3A_441 = arith.constant 0 : i32
      %dma_wait3A_442 = tpu.memref_slice %arg26[%dma_wait3A, %dma_wait3A_441] : memref<1040x128xf32, #tpu.memory_space<vmem_shared>> -> memref<1040x128xf32, #tpu.memory_space<vmem_shared>>
      tpu.wait_indirect_dma semaphore(%arg36 : memref<!tpu.dma_semaphore, #tpu.memory_space<semaphore_mem>>) src(%arg10 : memref<80x128xf32, #tpu.memory_space<vmem>>) dst(%dma_wait3A_442 : memref<1040x128xf32, #tpu.memory_space<vmem_shared>>)
      %dma_wait3A_443 = arith.constant 0 : i32
      %dma_wait3A_444 = arith.constant 0 : i32
      %dma_wait3A_445 = tpu.memref_slice %arg28[%dma_wait3A_443, %dma_wait3A_444] : memref<1040x128xf32, #tpu.memory_space<vmem_shared>> -> memref<1040x128xf32, #tpu.memory_space<vmem_shared>>
      tpu.wait_indirect_dma semaphore(%arg36 : memref<!tpu.dma_semaphore, #tpu.memory_space<semaphore_mem>>) src(%arg23 : memref<80x128xf32, #tpu.memory_space<vmem>>) dst(%dma_wait3A_445 : memref<1040x128xf32, #tpu.memory_space<vmem_shared>>)
    } else {
    }
    %get3A_371 = arith.constant 0 : index
    %get3A_372 = tpu.vector_load %arg16[%get3A_371] {strides = array<i32>} : memref<80xi32, #tpu.memory_space<vmem>>, vector<16xi32>,
    %get3A_373 = vector.shape_cast %get3A_372 : vector<16xi32> to vector<16xi32>
    %get3A_374 = arith.constant 64 : index
    %get3A_375 = tpu.vector_load %arg16[%get3A_374] {strides = array<i32>} : memref<80xi32, #tpu.memory_space<vmem>>, vector<16xi32>,
    %get3A_376 = vector.shape_cast %get3A_375 : vector<16xi32> to vector<16xi32>
    %slice3A_377 = vector.extract_strided_slice %get3A_373 {offsets = [0], sizes = [1], strides = [1]} : vector<16xi32> to vector<1xi32>
    %squeeze3A_378 = vector.extract %slice3A_377[0] : i32 from vector<1xi32>
    %slice3A_379 = vector.extract_strided_slice %get3A_376 {offsets = [15], sizes = [1], strides = [1]} : vector<16xi32> to vector<1xi32>
    %squeeze3A_380 = vector.extract %slice3A_379[0] : i32 from vector<1xi32>
    %eq3A_381 = arith.cmpi eq, %squeeze3A_378, %squeeze3A_380 : i32
    %convert_element_type3A_382 = arith.extui %eq3A_381 : i1 to i32
    %cond3A_383 = arith.constant 0 : i32
    %cond3A_384 = arith.cmpi ne, %convert_element_type3A_382, %cond3A_383 : i32
    scf.if %cond3A_384 {
      %dma_wait3A = arith.constant 0 : i32
      %dma_wait3A_441 = arith.constant 0 : i32
      %dma_wait3A_442 = tpu.memref_slice %arg11[%dma_wait3A, %dma_wait3A_441] : memref<80x128xf32, #tpu.memory_space<vmem>> -> memref<16x128xf32, #tpu.memory_space<vmem>>
      %dma_wait3A_443 = arith.constant 0 : i32
      %dma_wait3A_444 = arith.constant 0 : i32
      %dma_wait3A_445 = tpu.memref_slice %arg26[%dma_wait3A_443, %dma_wait3A_444] : memref<1040x128xf32, #tpu.memory_space<vmem_shared>> -> memref<1040x128xf32, #tpu.memory_space<vmem_shared>>
      tpu.wait_indirect_dma semaphore(%arg37 : memref<!tpu.dma_semaphore, #tpu.memory_space<semaphore_mem>>) src(%dma_wait3A_442 : memref<16x128xf32, #tpu.memory_space<vmem>>) dst(%dma_wait3A_445 : memref<1040x128xf32, #tpu.memory_space<vmem_shared>>)
      %dma_wait3A_446 = arith.constant 0 : i32
      %dma_wait3A_447 = arith.constant 0 : i32
      %dma_wait3A_448 = tpu.memref_slice %arg28[%dma_wait3A_446, %dma_wait3A_447] : memref<1040x128xf32, #tpu.memory_space<vmem_shared>> -> memref<1040x128xf32, #tpu.memory_space<vmem_shared>>
      tpu.wait_indirect_dma semaphore(%arg37 : memref<!tpu.dma_semaphore, #tpu.memory_space<semaphore_mem>>) src(%arg24 : memref<16x128xf32, #tpu.memory_space<vmem>>) dst(%dma_wait3A_448 : memref<1040x128xf32, #tpu.memory_space<vmem_shared>>)
    } else {
    }
    %get3A_385 = arith.constant 0 : index
    %get3A_386 = tpu.vector_load %arg16[%get3A_385] {strides = array<i32>} : memref<80xi32, #tpu.memory_space<vmem>>, vector<16xi32>,
    %get3A_387 = vector.shape_cast %get3A_386 : vector<16xi32> to vector<16xi32>
    %get3A_388 = arith.constant 64 : index
    %get3A_389 = tpu.vector_load %arg16[%get3A_388] {strides = array<i32>} : memref<80xi32, #tpu.memory_space<vmem>>, vector<16xi32>,
    %get3A_390 = vector.shape_cast %get3A_389 : vector<16xi32> to vector<16xi32>
    %slice3A_391 = vector.extract_strided_slice %get3A_387 {offsets = [0], sizes = [1], strides = [1]} : vector<16xi32> to vector<1xi32>
    %squeeze3A_392 = vector.extract %slice3A_391[0] : i32 from vector<1xi32>
    %slice3A_393 = vector.extract_strided_slice %get3A_390 {offsets = [15], sizes = [1], strides = [1]} : vector<16xi32> to vector<1xi32>
    %squeeze3A_394 = vector.extract %slice3A_393[0] : i32 from vector<1xi32>
    %eq3A_395 = arith.cmpi eq, %squeeze3A_392, %squeeze3A_394 : i32
    %not3A_396 = arith.constant true
    %not3A_397 = arith.xori %eq3A_395, %not3A_396 : i1
    %convert_element_type3A_398 = arith.extui %not3A_397 : i1 to i32
    %cond3A_399 = arith.constant 0 : i32
    %cond3A_400 = arith.cmpi ne, %convert_element_type3A_398, %cond3A_399 : i32
    scf.if %cond3A_400 {
      %dma_wait3A = arith.constant 0 : i32
      %dma_wait3A_441 = arith.constant 0 : i32
      %dma_wait3A_442 = tpu.memref_slice %arg26[%dma_wait3A, %dma_wait3A_441] : memref<1040x128xf32, #tpu.memory_space<vmem_shared>> -> memref<1040x128xf32, #tpu.memory_space<vmem_shared>>
      tpu.wait_indirect_dma semaphore(%arg37 : memref<!tpu.dma_semaphore, #tpu.memory_space<semaphore_mem>>) src(%arg11 : memref<80x128xf32, #tpu.memory_space<vmem>>) dst(%dma_wait3A_442 : memref<1040x128xf32, #tpu.memory_space<vmem_shared>>)
      %dma_wait3A_443 = arith.constant 0 : i32
      %dma_wait3A_444 = arith.constant 0 : i32
      %dma_wait3A_445 = tpu.memref_slice %arg28[%dma_wait3A_443, %dma_wait3A_444] : memref<1040x128xf32, #tpu.memory_space<vmem_shared>> -> memref<1040x128xf32, #tpu.memory_space<vmem_shared>>
      tpu.wait_indirect_dma semaphore(%arg37 : memref<!tpu.dma_semaphore, #tpu.memory_space<semaphore_mem>>) src(%arg23 : memref<80x128xf32, #tpu.memory_space<vmem>>) dst(%dma_wait3A_445 : memref<1040x128xf32, #tpu.memory_space<vmem_shared>>)
    } else {
    }
    %get3A_401 = arith.constant 0 : index
    %get3A_402 = tpu.vector_load %arg17[%get3A_401] {strides = array<i32>} : memref<80xi32, #tpu.memory_space<vmem>>, vector<16xi32>,
    %get3A_403 = vector.shape_cast %get3A_402 : vector<16xi32> to vector<16xi32>
    %get3A_404 = arith.constant 64 : index
    %get3A_405 = tpu.vector_load %arg17[%get3A_404] {strides = array<i32>} : memref<80xi32, #tpu.memory_space<vmem>>, vector<16xi32>,
    %get3A_406 = vector.shape_cast %get3A_405 : vector<16xi32> to vector<16xi32>
    %slice3A_407 = vector.extract_strided_slice %get3A_403 {offsets = [0], sizes = [1], strides = [1]} : vector<16xi32> to vector<1xi32>
    %squeeze3A_408 = vector.extract %slice3A_407[0] : i32 from vector<1xi32>
    %slice3A_409 = vector.extract_strided_slice %get3A_406 {offsets = [15], sizes = [1], strides = [1]} : vector<16xi32> to vector<1xi32>
    %squeeze3A_410 = vector.extract %slice3A_409[0] : i32 from vector<1xi32>
    %eq3A_411 = arith.cmpi eq, %squeeze3A_408, %squeeze3A_410 : i32
    %convert_element_type3A_412 = arith.extui %eq3A_411 : i1 to i32
    %cond3A_413 = arith.constant 0 : i32
    %cond3A_414 = arith.cmpi ne, %convert_element_type3A_412, %cond3A_413 : i32
    scf.if %cond3A_414 {
      %dma_wait3A = arith.constant 0 : i32
      %dma_wait3A_441 = arith.constant 0 : i32
      %dma_wait3A_442 = tpu.memref_slice %arg12[%dma_wait3A, %dma_wait3A_441] : memref<80x128xf32, #tpu.memory_space<vmem>> -> memref<16x128xf32, #tpu.memory_space<vmem>>
      %dma_wait3A_443 = arith.constant 0 : i32
      %dma_wait3A_444 = arith.constant 0 : i32
      %dma_wait3A_445 = tpu.memref_slice %arg26[%dma_wait3A_443, %dma_wait3A_444] : memref<1040x128xf32, #tpu.memory_space<vmem_shared>> -> memref<1040x128xf32, #tpu.memory_space<vmem_shared>>
      tpu.wait_indirect_dma semaphore(%arg38 : memref<!tpu.dma_semaphore, #tpu.memory_space<semaphore_mem>>) src(%dma_wait3A_442 : memref<16x128xf32, #tpu.memory_space<vmem>>) dst(%dma_wait3A_445 : memref<1040x128xf32, #tpu.memory_space<vmem_shared>>)
      %dma_wait3A_446 = arith.constant 0 : i32
      %dma_wait3A_447 = arith.constant 0 : i32
      %dma_wait3A_448 = tpu.memref_slice %arg28[%dma_wait3A_446, %dma_wait3A_447] : memref<1040x128xf32, #tpu.memory_space<vmem_shared>> -> memref<1040x128xf32, #tpu.memory_space<vmem_shared>>
      tpu.wait_indirect_dma semaphore(%arg38 : memref<!tpu.dma_semaphore, #tpu.memory_space<semaphore_mem>>) src(%arg24 : memref<16x128xf32, #tpu.memory_space<vmem>>) dst(%dma_wait3A_448 : memref<1040x128xf32, #tpu.memory_space<vmem_shared>>)
    } else {
    }
    %get3A_415 = arith.constant 0 : index
    %get3A_416 = tpu.vector_load %arg17[%get3A_415] {strides = array<i32>} : memref<80xi32, #tpu.memory_space<vmem>>, vector<16xi32>,
    %get3A_417 = vector.shape_cast %get3A_416 : vector<16xi32> to vector<16xi32>
    %get3A_418 = arith.constant 64 : index
    %get3A_419 = tpu.vector_load %arg17[%get3A_418] {strides = array<i32>} : memref<80xi32, #tpu.memory_space<vmem>>, vector<16xi32>,
    %get3A_420 = vector.shape_cast %get3A_419 : vector<16xi32> to vector<16xi32>
    %slice3A_421 = vector.extract_strided_slice %get3A_417 {offsets = [0], sizes = [1], strides = [1]} : vector<16xi32> to vector<1xi32>
    %squeeze3A_422 = vector.extract %slice3A_421[0] : i32 from vector<1xi32>
    %slice3A_423 = vector.extract_strided_slice %get3A_420 {offsets = [15], sizes = [1], strides = [1]} : vector<16xi32> to vector<1xi32>
    %squeeze3A_424 = vector.extract %slice3A_423[0] : i32 from vector<1xi32>
    %eq3A_425 = arith.cmpi eq, %squeeze3A_422, %squeeze3A_424 : i32
    %not3A_426 = arith.constant true
    %not3A_427 = arith.xori %eq3A_425, %not3A_426 : i1
    %convert_element_type3A_428 = arith.extui %not3A_427 : i1 to i32
    %cond3A_429 = arith.constant 0 : i32
    %cond3A_430 = arith.cmpi ne, %convert_element_type3A_428, %cond3A_429 : i32
    scf.if %cond3A_430 {
      %dma_wait3A = arith.constant 0 : i32
      %dma_wait3A_441 = arith.constant 0 : i32
      %dma_wait3A_442 = tpu.memref_slice %arg26[%dma_wait3A, %dma_wait3A_441] : memref<1040x128xf32, #tpu.memory_space<vmem_shared>> -> memref<1040x128xf32, #tpu.memory_space<vmem_shared>>
      tpu.wait_indirect_dma semaphore(%arg38 : memref<!tpu.dma_semaphore, #tpu.memory_space<semaphore_mem>>) src(%arg12 : memref<80x128xf32, #tpu.memory_space<vmem>>) dst(%dma_wait3A_442 : memref<1040x128xf32, #tpu.memory_space<vmem_shared>>)
      %dma_wait3A_443 = arith.constant 0 : i32
      %dma_wait3A_444 = arith.constant 0 : i32
      %dma_wait3A_445 = tpu.memref_slice %arg28[%dma_wait3A_443, %dma_wait3A_444] : memref<1040x128xf32, #tpu.memory_space<vmem_shared>> -> memref<1040x128xf32, #tpu.memory_space<vmem_shared>>
      tpu.wait_indirect_dma semaphore(%arg38 : memref<!tpu.dma_semaphore, #tpu.memory_space<semaphore_mem>>) src(%arg23 : memref<80x128xf32, #tpu.memory_space<vmem>>) dst(%dma_wait3A_445 : memref<1040x128xf32, #tpu.memory_space<vmem_shared>>)
    } else {
    }
    %barrier3A_431 = arith.constant 0 : index
    tpu.barrier barrier_id(%barrier3A_431)
    %mul3A_432 = arith.constant 2048 : i32
    %mul3A_433 = arith.muli %arg0, %mul3A_432 : i32
    %mul3A_434 = arith.constant 64 : i32
    %mul3A_435 = arith.muli %arg1, %mul3A_434 : i32
    %add3A_436 = arith.addi %mul3A_433, %mul3A_435 : i32
    "tpu.region"() ({
      %run_scoped3A = tpu.sem_alloc : memref<!tpu.dma_semaphore, #tpu.memory_space<semaphore_mem>>
      %dma_start3A_441 = arith.constant 0 : i32
      %dma_start3A_442 = tpu.memref_slice %arg6[%add3A_436, %dma_start3A_441] : memref<4096x128xf32, #tpu.memory_space<hbm>> -> memref<64x128xf32, #tpu.memory_space<hbm>>
      %dma_start3A_443 = arith.constant 0 : i32
      %dma_start3A_444 = tpu.memref_slice %arg25[%mul3A_76, %dma_start3A_443] : memref<1040x128xf32, #tpu.memory_space<vmem_shared>> -> memref<64x128xf32, #tpu.memory_space<vmem_shared>>
      tpu.enqueue_dma source(%dma_start3A_444 : memref<64x128xf32, #tpu.memory_space<vmem_shared>>) target(%dma_start3A_442 : memref<64x128xf32, #tpu.memory_space<hbm>>) target_semaphore(%run_scoped3A : memref<!tpu.dma_semaphore, #tpu.memory_space<semaphore_mem>>)
      %dma_wait3A = arith.constant 0 : i32
      %dma_wait3A_445 = tpu.memref_slice %arg6[%add3A_436, %dma_wait3A] : memref<4096x128xf32, #tpu.memory_space<hbm>> -> memref<64x128xf32, #tpu.memory_space<hbm>>
      %dma_wait3A_446 = arith.constant 0 : i32
      %dma_wait3A_447 = tpu.memref_slice %arg25[%mul3A_76, %dma_wait3A_446] : memref<1040x128xf32, #tpu.memory_space<vmem_shared>> -> memref<64x128xf32, #tpu.memory_space<vmem_shared>>
      tpu.wait_dma2 semaphore(%run_scoped3A : memref<!tpu.dma_semaphore, #tpu.memory_space<semaphore_mem>>) src(%dma_wait3A_447 : memref<64x128xf32, #tpu.memory_space<vmem_shared>>) dst(%dma_wait3A_445 : memref<64x128xf32, #tpu.memory_space<hbm>>)
      tpu.yield
    }) : () -> ()
    %add3A_437 = arith.constant 1024 : i32
    %add3A_438 = arith.addi %add3A_436, %add3A_437 : i32
    "tpu.region"() ({
      %run_scoped3A = tpu.sem_alloc : memref<!tpu.dma_semaphore, #tpu.memory_space<semaphore_mem>>
      %dma_start3A_441 = arith.constant 0 : i32
      %dma_start3A_442 = tpu.memref_slice %arg6[%add3A_438, %dma_start3A_441] : memref<4096x128xf32, #tpu.memory_space<hbm>> -> memref<64x128xf32, #tpu.memory_space<hbm>>
      %dma_start3A_443 = arith.constant 0 : i32
      %dma_start3A_444 = tpu.memref_slice %arg26[%mul3A_76, %dma_start3A_443] : memref<1040x128xf32, #tpu.memory_space<vmem_shared>> -> memref<64x128xf32, #tpu.memory_space<vmem_shared>>
      tpu.enqueue_dma source(%dma_start3A_444 : memref<64x128xf32, #tpu.memory_space<vmem_shared>>) target(%dma_start3A_442 : memref<64x128xf32, #tpu.memory_space<hbm>>) target_semaphore(%run_scoped3A : memref<!tpu.dma_semaphore, #tpu.memory_space<semaphore_mem>>)
      %dma_wait3A = arith.constant 0 : i32
      %dma_wait3A_445 = tpu.memref_slice %arg6[%add3A_438, %dma_wait3A] : memref<4096x128xf32, #tpu.memory_space<hbm>> -> memref<64x128xf32, #tpu.memory_space<hbm>>
      %dma_wait3A_446 = arith.constant 0 : i32
      %dma_wait3A_447 = tpu.memref_slice %arg26[%mul3A_76, %dma_wait3A_446] : memref<1040x128xf32, #tpu.memory_space<vmem_shared>> -> memref<64x128xf32, #tpu.memory_space<vmem_shared>>
      tpu.wait_dma2 semaphore(%run_scoped3A : memref<!tpu.dma_semaphore, #tpu.memory_space<semaphore_mem>>) src(%dma_wait3A_447 : memref<64x128xf32, #tpu.memory_space<vmem_shared>>) dst(%dma_wait3A_445 : memref<64x128xf32, #tpu.memory_space<hbm>>)
      tpu.yield
    }) : () -> ()
    "tpu.region"() ({
      %run_scoped3A = tpu.sem_alloc : memref<!tpu.dma_semaphore, #tpu.memory_space<semaphore_mem>>
      %dma_start3A_441 = arith.constant 0 : i32
      %dma_start3A_442 = tpu.memref_slice %arg7[%add3A_436, %dma_start3A_441] : memref<4096x128xf32, #tpu.memory_space<hbm>> -> memref<64x128xf32, #tpu.memory_space<hbm>>
      %dma_start3A_443 = arith.constant 0 : i32
      %dma_start3A_444 = tpu.memref_slice %arg27[%mul3A_76, %dma_start3A_443] : memref<1040x128xf32, #tpu.memory_space<vmem_shared>> -> memref<64x128xf32, #tpu.memory_space<vmem_shared>>
      tpu.enqueue_dma source(%dma_start3A_444 : memref<64x128xf32, #tpu.memory_space<vmem_shared>>) target(%dma_start3A_442 : memref<64x128xf32, #tpu.memory_space<hbm>>) target_semaphore(%run_scoped3A : memref<!tpu.dma_semaphore, #tpu.memory_space<semaphore_mem>>)
      %dma_wait3A = arith.constant 0 : i32
      %dma_wait3A_445 = tpu.memref_slice %arg7[%add3A_436, %dma_wait3A] : memref<4096x128xf32, #tpu.memory_space<hbm>> -> memref<64x128xf32, #tpu.memory_space<hbm>>
      %dma_wait3A_446 = arith.constant 0 : i32
      %dma_wait3A_447 = tpu.memref_slice %arg27[%mul3A_76, %dma_wait3A_446] : memref<1040x128xf32, #tpu.memory_space<vmem_shared>> -> memref<64x128xf32, #tpu.memory_space<vmem_shared>>
      tpu.wait_dma2 semaphore(%run_scoped3A : memref<!tpu.dma_semaphore, #tpu.memory_space<semaphore_mem>>) src(%dma_wait3A_447 : memref<64x128xf32, #tpu.memory_space<vmem_shared>>) dst(%dma_wait3A_445 : memref<64x128xf32, #tpu.memory_space<hbm>>)
      tpu.yield
    }) : () -> ()
    %add3A_439 = arith.constant 1024 : i32
    %add3A_440 = arith.addi %add3A_436, %add3A_439 : i32
    "tpu.region"() ({
      %run_scoped3A = tpu.sem_alloc : memref<!tpu.dma_semaphore, #tpu.memory_space<semaphore_mem>>
      %dma_start3A_441 = arith.constant 0 : i32
      %dma_start3A_442 = tpu.memref_slice %arg7[%add3A_440, %dma_start3A_441] : memref<4096x128xf32, #tpu.memory_space<hbm>> -> memref<64x128xf32, #tpu.memory_space<hbm>>
      %dma_start3A_443 = arith.constant 0 : i32
      %dma_start3A_444 = tpu.memref_slice %arg28[%mul3A_76, %dma_start3A_443] : memref<1040x128xf32, #tpu.memory_space<vmem_shared>> -> memref<64x128xf32, #tpu.memory_space<vmem_shared>>
      tpu.enqueue_dma source(%dma_start3A_444 : memref<64x128xf32, #tpu.memory_space<vmem_shared>>) target(%dma_start3A_442 : memref<64x128xf32, #tpu.memory_space<hbm>>) target_semaphore(%run_scoped3A : memref<!tpu.dma_semaphore, #tpu.memory_space<semaphore_mem>>)
      %dma_wait3A = arith.constant 0 : i32
      %dma_wait3A_445 = tpu.memref_slice %arg7[%add3A_440, %dma_wait3A] : memref<4096x128xf32, #tpu.memory_space<hbm>> -> memref<64x128xf32, #tpu.memory_space<hbm>>
      %dma_wait3A_446 = arith.constant 0 : i32
      %dma_wait3A_447 = tpu.memref_slice %arg28[%mul3A_76, %dma_wait3A_446] : memref<1040x128xf32, #tpu.memory_space<vmem_shared>> -> memref<64x128xf32, #tpu.memory_space<vmem_shared>>
      tpu.wait_dma2 semaphore(%run_scoped3A : memref<!tpu.dma_semaphore, #tpu.memory_space<semaphore_mem>>) src(%dma_wait3A_447 : memref<64x128xf32, #tpu.memory_space<vmem_shared>>) dst(%dma_wait3A_445 : memref<64x128xf32, #tpu.memory_space<hbm>>)
      tpu.yield
    }) : () -> ()
    return
  }
}

module attributes {stable_mosaic.version = 14 : i64} {
  func.func @_finalize_body(%arg0: memref<4096x128xf32, #tpu.memory_space<vmem>>, %arg1: memref<4096x128xf32, #tpu.memory_space<vmem>>, %arg2: memref<1024x128xf32, #tpu.memory_space<vmem>>) attributes {dimension_semantics = [], scalar_prefetch = 0 : i64, scratch_operands = 0 : i64, tpu.core_type = #tpu.core_type<tc>} {
    %get3A = arith.constant 0 : index
    %get3A_0 = arith.constant 0 : index
    %get3A_1 = vector.load %arg0[%get3A, %get3A_0] : memref<4096x128xf32, #tpu.memory_space<vmem>>, vector<1024x128xf32>
    %get3A_2 = arith.constant 2048 : index
    %get3A_3 = arith.constant 0 : index
    %get3A_4 = vector.load %arg0[%get3A_2, %get3A_3] : memref<4096x128xf32, #tpu.memory_space<vmem>>, vector<1024x128xf32>
    %add3A = arith.addf %get3A_1, %get3A_4 : vector<1024x128xf32>
    %get3A_5 = arith.constant 1024 : index
    %get3A_6 = arith.constant 0 : index
    %get3A_7 = vector.load %arg0[%get3A_5, %get3A_6] : memref<4096x128xf32, #tpu.memory_space<vmem>>, vector<1024x128xf32>
    %get3A_8 = arith.constant 3072 : index
    %get3A_9 = arith.constant 0 : index
    %get3A_10 = vector.load %arg0[%get3A_8, %get3A_9] : memref<4096x128xf32, #tpu.memory_space<vmem>>, vector<1024x128xf32>
    %add3A_11 = arith.addf %get3A_7, %get3A_10 : vector<1024x128xf32>
    %get3A_12 = arith.constant 0 : index
    %get3A_13 = arith.constant 0 : index
    %get3A_14 = vector.load %arg1[%get3A_12, %get3A_13] : memref<4096x128xf32, #tpu.memory_space<vmem>>, vector<1024x1xf32>
    %get3A_15 = arith.constant 2048 : index
    %get3A_16 = arith.constant 0 : index
    %get3A_17 = vector.load %arg1[%get3A_15, %get3A_16] : memref<4096x128xf32, #tpu.memory_space<vmem>>, vector<1024x1xf32>
    %add3A_18 = arith.addf %get3A_14, %get3A_17 : vector<1024x1xf32>
    %get3A_19 = arith.constant 1024 : index
    %get3A_20 = arith.constant 0 : index
    %get3A_21 = vector.load %arg1[%get3A_19, %get3A_20] : memref<4096x128xf32, #tpu.memory_space<vmem>>, vector<1024x1xf32>
    %get3A_22 = arith.constant 3072 : index
    %get3A_23 = arith.constant 0 : index
    %get3A_24 = vector.load %arg1[%get3A_22, %get3A_23] : memref<4096x128xf32, #tpu.memory_space<vmem>>, vector<1024x1xf32>
    %add3A_25 = arith.addf %get3A_21, %get3A_24 : vector<1024x1xf32>
    %max3A = arith.constant 1.000000e+00 : f32
    %max3A_26 = vector.broadcast %max3A : f32 to vector<1024x1xf32>
    %max3A_27 = arith.maximumf %add3A_18, %max3A_26 : vector<1024x1xf32>
    %div3A = vector.broadcast %max3A_27 : vector<1024x1xf32> to vector<1024x128xf32>
    %div3A_28 = arith.divf %add3A, %div3A : vector<1024x128xf32>
    %max3A_29 = arith.constant 1.000000e+00 : f32
    %max3A_30 = vector.broadcast %max3A_29 : f32 to vector<1024x1xf32>
    %max3A_31 = arith.maximumf %add3A_25, %max3A_30 : vector<1024x1xf32>
    %div3A_32 = vector.broadcast %max3A_31 : vector<1024x1xf32> to vector<1024x128xf32>
    %div3A_33 = arith.divf %add3A_11, %div3A_32 : vector<1024x128xf32>
    %add3A_34 = arith.addf %div3A_28, %div3A_33 : vector<1024x128xf32>
    %swap3A = arith.constant 0 : index
    %swap3A_35 = arith.constant 0 : index
    %swap3A_36 = vector.load %arg2[%swap3A, %swap3A_35] : memref<1024x128xf32, #tpu.memory_space<vmem>>, vector<1024x128xf32>
    tpu.vector_store %arg2[%swap3A, %swap3A_35], %add3A_34 {strides = array<i32>} : memref<1024x128xf32, #tpu.memory_space<vmem>>, vector<1024x128xf32>,
    return
  }
}

</mosaic_0001>

<sc_bundles>
// kernel: kernel.4.cloned.1.call-start
scs
__scs_entry_jumppad:
0x0: {  	(pc) =	sbr.rel $0x88, $3  }
0x1: {  	(tag) =	ssettag $0x0;
	lr =	simm.s32 $0x1  }
0x2: {  	[smem:$0x3F9D] =	sst lr;
	_ =	strace $0xD0000000  }
0x3: {  	_ = 	snop  }
0x4: {  	_ = 	snop  }
0x5: {  	_ = 	snop  }
0x6: {  	_ = 	snop  }
0x7: {  	_ = 	snop  }
__scs_overlays_trampoline_lowered:
0x8: {  	[smem:$0x3FAC] =	sst s0  }
0x9: {  	[smem:$0x3FAD] =	sst s1  }
0xa: {  	[smem:$0x3FAE] =	sst s2  }
0xb: {  	[smem:$0x3FAF] =	sst s3  }
0xc: {  	[smem:$0x3FB0] =	sst s4  }
0xd: {  	[smem:$0x3FB1] =	sst s5  }
0xe: {  	[smem:$0x3FB2] =	sst s6  }
0xf: {  	[smem:$0x3FB3] =	sst s7  }
0x10: {  	[smem:$0x3FB4] =	sst s8  }
0x11: {  	[smem:$0x3FB5] =	sst s9;
	s0 =	simm.s32 @!p0 $0x0  }
0x12: {  	s1 =	sld [smem:$0x3F9B];
	s0 =	simm.s32 @p0 $0x1  }
0x13: {  	[smem:$0x3FB6] =	sst s0;
	s0 =	simm.s32 @!p1 $0x0  }
0x14: {  	s2 =	sld [smem:$0x3F9A];
	s0 =	simm.s32 @p1 $0x1  }
0x15: {  	[smem:$0x3FB7] =	sst s0;
	s0 =	simm.s32 @!p2 $0x0  }
0x16: {  	s3 =	sld [smem:$0x3FDB];
	s0 =	simm.s32 @p2 $0x1  }
0x17: {  	s4 =	simm.s32 $0x1BF5;
	[smem:$0x3FB9] =	sst s0  }
0x18: {  	s0 =	sld [smem:$0x3F9C];
	_ =	swait.ge [sflag:s4], $0x0  }
0x19: {  	s7 =	sld [smem:$0x3F9D]  }
0x1a: {  	s8 =	sadd.s32 $0xFFFFE003, lr  }
0x1b: {  	s9 =	sadd.s32 $0xFFFFFEF7, lr;
	s5 =	simm.s32 $0xFFFFFFFF;
	p2 =	slt.u32 s8, $0xFFFFF086  }
0x1c: {  	p1 =	slt.u32 s9, $0xF7A;
	s5 =	simm.s32 @!p2 $0x0  }
0x1d: {  	s5 =	simm.s32 @p1 $0x1;
	p0 =	seq.s32 s7, s2  }
0x1e: {  	s7 =	smul.u32 @!p0 $0xF7A, s2;
	p2 =	seq.s32 @!p0 s5, $0x0  }
0x1f: {  	s9 =	smul.u32 $0xF7A, s1;
	s8 =	simm.s32 @!p0 $0x1BF5;
	p2 =	por !p2, p0  }
0x20: {  	[sflag:s8] =	ssyncset.s32 @!p0 $0xFFFFF086;
	s6 =	sadd.s32 @!p0 s3, s7;
	s7 =	simm.s32 @!p0 $0x108  }
0x21: {  	s3 =	sadd.s32 s3, s9;
	s6 =	sadd.s32 @!p0 $0x88, s6;
	s7 =	simm.s32 @p2 $0x1082  }
0x22: {  	[simem:s7], [sflag:s8] =	dma.local @!p0 [hbm:s6], $0xF7A  }
0x23: {  	s9 =	sor.u32 $0xD0000000, s2;
	s6 =	simm.s32 $0x108;
	_ =	swait.ge @!p0 [sflag:s8], $0x0  }
0x24: {  	s3 =	sadd.s32 $0x88, s3;
	s6 =	simm.s32 @!p1 $0x1082;
	[sflag:s4] =	ssyncset.s32 $0xFFFFF086  }
0x25: {  	[simem:s6], [sflag:s4] =	dma.local [hbm:s3], $0xF7A  }
0x26: {  	[smem:$0x3F9D] =	sst s1;
	(tag) =	ssettag s2;
	_ =	strace s9  }
0x27: {  	s1 =	sld [smem:$0x3FAD]  }
0x28: {  	s2 =	sld [smem:$0x3FAE]  }
0x29: {  	s4 =	sld [smem:$0x3FB0]  }
0x2a: {  	p0 =	seq.s32 s5, $0x0;
	s5 =	sld [smem:$0x3FB1]  }
0x2b: {  	s6 =	sld [smem:$0x3FB2]  }
0x2c: {  	s7 =	sld [smem:$0x3FB3]  }
0x2d: {  	s3 =	simm.s32 $0x108;
	s8 =	sld [smem:$0x3FB4]  }
0x2e: {  	s3 =	simm.s32 @!p0 $0x1082;
	s9 =	sld [smem:$0x3FB5]  }
0x2f: {  	lr =	sadd.s32 s0, s3;
	s0 =	sld [smem:$0x3FAC]  }
0x30: {  	s3 =	sld [smem:$0x3FAF]  }
0x31: {  	[smem:$0x3FB8] =	sst s10  }
0x32: {  	s10 =	sld [smem:$0x3FB6];
	_ =	sdelay $0x3  }
0x33: {  	p0 =	seq.s32 s10, $0x1;
	s10 =	sld [smem:$0x3FB8];
	_ =	sdelay $0x3  }
0x34: {  	[smem:$0x3FB8] =	sst s10  }
0x35: {  	s10 =	sld [smem:$0x3FB7];
	_ =	sdelay $0x3  }
0x36: {  	p1 =	seq.s32 s10, $0x1;
	s10 =	sld [smem:$0x3FB8];
	_ =	sdelay $0x3  }
0x37: {  	[smem:$0x3FB8] =	sst s10  }
0x38: {  	s10 =	sld [smem:$0x3FB9]  }
0x39: {  	_ = 	snop;
	(pc) =	sbr.ind lr, $3  }
0x3a: {  	_ = 	snop  }
0x3b: {  	_ = 	snop  }
0x3c: {  	p2 =	seq.s32 s10, $0x1;
	s10 =	sld [smem:$0x3FB8]  }
0x3d: {  	_ =	shalt  }
0x3e: {  	_ =	shalt  }
0x3f: {  	_ =	shalt  }
0x40: {  	_ =	shalt  }
0x41: {  	_ =	shalt  }
0x42: {  	_ =	shalt  }
0x43: {  	_ =	shalt  }
0x44: {  	_ =	shalt  }
0x45: {  	_ =	shalt  }
0x46: {  	_ =	shalt  }
0x47: {  	_ =	shalt  }
0x48: {  	_ =	shalt  }
0x49: {  	_ =	shalt  }
0x4a: {  	_ =	shalt  }
0x4b: {  	_ =	shalt  }
0x4c: {  	_ =	shalt  }
0x4d: {  	_ =	shalt  }
0x4e: {  	_ =	shalt  }
0x4f: {  	_ =	shalt  }
0x50: {  	_ =	shalt  }
0x51: {  	_ =	shalt  }
0x52: {  	_ =	shalt  }
0x53: {  	_ =	shalt  }
0x54: {  	_ =	shalt  }
0x55: {  	_ =	shalt  }
0x56: {  	_ =	shalt  }
0x57: {  	_ =	shalt  }
0x58: {  	_ =	shalt  }
0x59: {  	_ =	shalt  }
0x5a: {  	_ =	shalt  }
0x5b: {  	_ =	shalt  }
0x5c: {  	_ =	shalt  }
0x5d: {  	_ =	shalt  }
0x5e: {  	_ =	shalt  }
0x5f: {  	_ =	shalt  }
0x60: {  	_ =	shalt  }
0x61: {  	_ =	shalt  }
0x62: {  	_ =	shalt  }
0x63: {  	_ =	shalt  }
0x64: {  	_ =	shalt  }
0x65: {  	_ =	shalt  }
0x66: {  	_ =	shalt  }
0x67: {  	_ =	shalt  }
0x68: {  	_ =	shalt  }
0x69: {  	_ =	shalt  }
0x6a: {  	_ =	shalt  }
0x6b: {  	_ =	shalt  }
0x6c: {  	_ =	shalt  }
0x6d: {  	_ =	shalt  }
0x6e: {  	_ =	shalt  }
0x6f: {  	_ =	shalt  }
0x70: {  	_ =	shalt  }
0x71: {  	_ =	shalt  }
0x72: {  	_ =	shalt  }
0x73: {  	_ =	shalt  }
0x74: {  	_ =	shalt  }
0x75: {  	_ =	shalt  }
0x76: {  	_ =	shalt  }
0x77: {  	_ =	shalt  }
0x78: {  	_ =	shalt  }
0x79: {  	_ =	shalt  }
0x7a: {  	_ =	shalt  }
0x7b: {  	_ =	shalt  }
0x7c: {  	_ =	shalt  }
0x7d: {  	_ =	shalt  }
0x7e: {  	_ =	shalt  }
0x7f: {  	_ =	shalt  }
0x80: {  	_ =	shalt  }
0x81: {  	_ =	shalt  }
0x82: {  	_ =	shalt  }
0x83: {  	_ =	shalt  }
0x84: {  	_ =	shalt  }
0x85: {  	_ =	shalt  }
0x86: {  	_ =	shalt  }
0x87: {  	_ =	shalt  }
.Lfunc_end0:
.L_simem_size_0:
called_computation_lowered:
.L_overlay_start_0:
0x88: {  	s2 =	sld [smem:$0x3FD9]  }
0x89: {  	s3 =	sld [smem:$0x3FFE];
	_ =	sdelay $0x1  }
0x8a: {  	s1 =	srdreg.scid  }
0x8b: {  	s0 =	sand.u32 $0x1, s1  }
0x8c: {  	s17 =	sshll.u32 s0, $0xA;
	s2 =	sadd.s32 s3, s2  }
0x8d: {  	s2 =	sadd.s32 s2, s17  }
0x8e: {  	[smem:$0x3FC4] =	sst s2  }
0x8f: {  	_ = 	snop  }
0x90: {  	s2 =	sld [smem:$0x3FC9]  }
0x91: {  	s18 =	sld [smem:$0x3FC8]  }
0x92: {  	s4 =	sld [smem:$0x3FC7]  }
0x93: {  	s5 =	sld [smem:$0x3FC6];
	(tm) =	ssettm $0x1  }
0x94: {  	s6 =	sld [smem:$0x3FFB];
	_ =	sdelay $0x3  }
0x95: {  	_ =	strace s6  }
0x96: {  	s6 =	sld [smem:$0x3FFC];
	_ =	sdelay $0x3  }
0x97: {  	_ =	strace s6  }
0x98: {  	s6 =	sld [smem:$0x3FFD];
	_ =	sdelay $0x3  }
0x99: {  	_ =	strace s6  }
0x9a: {  	_ =	strace $0x8FFFFFFF  }
0x9b: {  	s19 =	sld [smem:$0x3FDB];
	_ =	sdelay $0x1  }
0x9c: {  	s7 =	simm.s32 $_scs_section_size  }
0x9d: {  	s8 =	simm.s32 $_size__tile_overlayer_lowered;
	s9 =	simm.s32 $_tile_overlayer_lowered  }
0x9e: {  	s22 =	simm.s32 $0x1BFF;
	s21 =	sshll.u32 s9, $0x1;
	s6 =	sadd.s32 s7, s19  }
0x9f: {  	s10 =	simm.s32 $0x0;
	s20 =	sshll.u32 s8, $0x1;
	s8 =	sadd.s32 s21, s6  }
0xa0: {  	[timem:s10], [sflag:s22] =	dma.local [hbm:s8], s20  }
0xa1: {  	_ =	swait.ge [sflag:s22], s20  }
0xa2: {  	s7 =	ssub.s32 $0x0, s20;
	[sflag:s22] =	ssyncset.done $0x0  }
0xa3: {  	[sflag:s22] =	ssyncadd.s32 s7;
	_ =	sdelay $0x1  }
0xa4: {  	s23 =	simm.s32 $0x1B8B  }
0xa5: {  	_ =	swait.ge [sflag:s23], $0x1  }
0xa6: {  	[sflag:s23] =	ssyncset.done $0x0  }
0xa7: {  	s25 =	simm.s32 $0x1B8E;
	s24 =	sld [smem:$0x3FFE];
	[sflag:s23] =	ssyncadd.s32 $0xFFFFFFFF  }
0xa8: {  	s26 =	simm.s32 $execute0_lowered;
	[smem:$0x3FD2] =	sst s25  }
0xa9: {  	s8 =	sshll.u32 s26, $0x1;
	_ =	strace $0x80000046;
	[dreg:$0x1] =	wrdreg $0xFFFFFFFF  }
0xaa: {  	s28 =	simm.s32 $_size_execute0_lowered;
	s6 =	sadd.s32 s6, s8;
	[dreg:$0x0] =	wrdreg $0x0  }
0xab: {  	s8 =	sshll.u32 s28, $0x1;
	[dreg:$0x2] =	wrdreg s6  }
0xac: {  	[dreg:$0x3] =	wrdreg s8  }
0xad: {  	[dreg:$0x4] =	wrdreg $0xC0  }
0xae: {  	_ =	task [dreg:s10], $0x5FFFF  }
0xaf: {  	[dreg:$0x1] =	wrdreg $0xFFFFFFFF  }
0xb0: {  	[dreg:$0x0] =	wrdreg $0x60  }
0xb1: {  	[dreg:$0x2] =	wrdreg s2  }
0xb2: {  	[dreg:$0x3] =	wrdreg s18  }
0xb3: {  	[dreg:$0x4] =	wrdreg s4  }
0xb4: {  	[dreg:$0x5] =	wrdreg s5  }
0xb5: {  	[dreg:$0x6] =	wrdreg s24  }
0xb6: {  	[dreg:$0x7] =	wrdreg $0xFD000  }
0xb7: {  	[dreg:$0x8] =	wrdreg $0x11D800  }
0xb8: {  	[dreg:$0x9] =	wrdreg $0x13E000  }
0xb9: {  	[dreg:$0xa] =	wrdreg $0x15E800  }
0xba: {  	[dreg:$0xb] =	wrdreg $0x9  }
0xbb: {  	_ =	task.clear_ibuf [dreg:s10], $0xCFFFF;
	_ =	strace $0x90000046  }
0xbc: {  	s29 =	simm.s32 $0x9;
	_ =	strace $0x80000048  }
0xbd: {  	_ =	swait.ge [sflag:s29], $0x1  }
0xbe: {  	[sflag:s29] =	ssyncadd.s32 $0xFFFFFFFF  }
0xbf: {  	_ =	strace $0x90000048  }
0xc0: {  	_ =	sfence  }
0xc1: {  	s30 =	sld [smem:$0x0];
	_ =	sdelay $0x2  }
0xc2: {  	s31 =	sshll.u32 s1, $0xD;
	s1 =	sshrl.u32 s1, $0x2  }
0xc3: {  	s3 =	sand.u32 $0x4000, s31;
	s1 =	sadd.s32 s1, s30  }
0xc4: {  	s0 =	sor.u32 s3, s0;
	s1 =	sshll.u32 s1, $0x11  }
0xc5: {  	s0 =	sor.u32 s1, s0  }
0xc6: {  	s0 =	sadd.s32 $0x8F2B, s0  }
0xc7: {  	[sflag:s0] =	ssyncadd.remote.s32 $0x1  }
0xc8: {  	_ =	sfence.sel $0xFFFF  }
0xc9: {  	[dreg:$0x0] =	wrdreg $0xFFFFFFFF;
	(pc) =	sbr.abs _section_cstart, $3  }
0xca: {  	[dreg:$0x1] =	wrdreg $0xFFFFFFFF  }
0xcb: {  	_ =	task.clear_ibuf [dreg:s10], $0x2FFFF;
	_ =	strace $0x9FFFFFFF  }
0xcc: {  	(tm) =	ssettm $0x7FFFFFFF  }
0xcd: {  	_ =	shalt  }
tec
execute0_lowered:
.L_overlay_start_1:
0x0: {  	(tag) =	ssettag $0x1  }
0x1: {  	s0 =	rddreg [dreg:$0x0]  }
0x2: {  	s1 =	rddreg [dreg:$0x1]  }
0x3: {  	s2 =	rddreg [dreg:$0x2]  }
0x4: {  	s4 =	rddreg [dreg:$0x3]  }
0x5: {  	s3 =	rddreg [dreg:$0x4]  }
0x6: {  	s5 =	rddreg [dreg:$0x5]  }
0x7: {  	s6 =	rddreg [dreg:$0x6]  }
0x8: {  	s7 =	rddreg [dreg:$0x7]  }
0x9: {  	s8 =	rddreg [dreg:$0x8]  }
0xa: {  	s9 =	simm.s32 $0x0;
	s10 =	srdreg.scid;
	s16 =	stileid.u32  }
0xb: {  	s28 =	simm.s32 $0x5000;
	s29 =	simm.s32 $0x1;
	s30 =	simm.s32 $0x10  }
0xc: {  	[smem:$0x7FF] =	sst s9;
	s10 =	sand.u32 $0x1, s10;
	s11 =	sadd.s32 $0xC00, s3  }
0xd: {  	s3 =	sadd.s32 $0x10C00, s3;
	s15 =	sshll.u32 s16, $0xA;
	s14 =	sshll.u32 s10, $0x4  }
0xe: {  	_ =	strace $0x80000047;
	s20 =	sor.u32 s16, s14;
	s16 =	sshll.u32 s16, $0xD  }
0xf: {  	s12 =	ssub.s32 $0x2, s10;
	s10 =	sshll.u32 s10, $0xF;
	s17 =	sadd.s32 s16, s5  }
0x10: {  	s13 =	sshrl.u32 s12, $0x1;
	s21 =	sadd.s32 s16, s6;
	[dreg:$0xa] =	wrdreg s17  }
0x11: {  	s10 =	sor.u32 s15, s10;
	s22 =	sadd.s32 s16, s7;
	[dreg:$0xb] =	wrdreg s21  }
0x12: {  	s12 =	ssub.s32 s12, s13;
	s16 =	sadd.s32 s16, s8;
	[dreg:$0xc] =	wrdreg s22  }
0x13: {  	s14 =	smul.u32 $0x2710, s20;
	s19 =	sadd.s32 s11, s10;
	[dreg:$0xd] =	wrdreg s16  }
0x14: {  	s18 =	sor.u32 $0x4000, s10;
	s10 =	sadd.s32 s3, s10;
	[dreg:$0xe] =	wrdreg s19  }
0x15: {  	s13 =	smul.u32 $0x27100, s20;
	s11 =	sadd.s32 s11, s18;
	[dreg:$0x10] =	wrdreg s10  }
0x16: {  	s3 =	sadd.s32 s3, s18;
	s23 =	sadd.s32 $0x50, s14;
	[dreg:$0xf] =	wrdreg s11  }
0x17: {  	s24 =	sadd.s32 $0xA0, s14;
	[dreg:$0x11] =	wrdreg s3;
	s25 =	sshrl.u32 s14, $0x3  }
0x18: {  	s19 =	sadd.s32 $0xF0, s14;
	s20 =	sadd.s32 $0x140, s14;
	s31 =	sadd.s32 s0, s13  }
0x19: {  	s21 =	sadd.s32 $0x190, s14;
	s13 =	sadd.s32 s1, s13;
	[dreg:$0x14] =	wrdreg s31  }
0x1a: {  	s22 =	sadd.s32 $0x1E0, s14;
	s26 =	sadd.s32 s2, s25;
	[dreg:$0x15] =	wrdreg s13  }
0x1b: {  	s17 =	sshrl.u32 s23, $0x3;
	s11 =	sadd.s32 s4, s25;
	[dreg:$0x12] =	wrdreg s26  }
0x1c: {  	s15 =	sshll.u32 s23, $0x4;
	s31 =	smax.u32 s12, $0x1;
	[dreg:$0x13] =	wrdreg s11  }
0x1d: {  	s23 =	sadd.s32 $0x230, s14;
	s14 =	sadd.s32 s2, s17;
	[dreg:$0x1e] =	wrdreg s31  }
0x1e: {  	s3 =	sshrl.u32 s24, $0x3;
	s16 =	sadd.s32 s4, s17;
	[dreg:$0x16] =	wrdreg s14  }
0x1f: {  	s10 =	sshll.u32 s24, $0x4;
	s17 =	sadd.s32 s0, s15;
	[dreg:$0x17] =	wrdreg s16  }
0x20: {  	s12 =	simm.s32 $0x3;
	s18 =	sadd.s32 s1, s15;
	[dreg:$0x18] =	wrdreg s17  }
0x21: {  	s13 =	simm.s32 $0x0;
	s24 =	sadd.s32 s2, s3;
	[dreg:$0x19] =	wrdreg s18  }
.Ltmp0:
0x22: {  	s3 =	sadd.s32 s4, s3;
	[dreg:$0x1a] =	wrdreg s24;
	(pc) =	sbr.rel .LBB2_1-.Ltmp0, $4  }
0x23: {  	s25 =	sadd.s32 s0, s10;
	s26 =	sadd.s32 s1, s10;
	[dreg:$0x1b] =	wrdreg s3  }
0x24: {  	s15 =	simm.s32 $0x7800;
	s11 =	simm.s32 $0xA000;
	[dreg:$0x1c] =	wrdreg s25  }
0x25: {  	v0 =	vimm.f32 $0.0e+00;
	[dreg:$0x1d] =	wrdreg s26;
	s18 =	simm.s32 $0xB;
	s3 =	simm.s32 $0xF500  }
0x26: {  	v1 =	vimm.f32 $1.000000000e+00;
	v2 =	vimm.f32 $8.000000000e+01;
	vm0 =	vmmov $0x1;
	s16 =	simm.s32 $0x2;
	s14 =	simm.s32 $0x4;
	s25 =	simm.s32 $0x5  }
.LBB2_53:
0x27: {  	v3 =	vld [tilespmem:$0xC800]  }
0x28: {  	v4 =	vld [tilespmem:$0xC840];
	_ =	sdelay $0x3  }
0x29: {  	(v2sf) =	vpush v3, $0x0  }
0x2a: {  	(v2sf) =	vpush v4, $0xF;
	_ =	sdelay $0xd  }
0x2b: {  	s10 =	spop (v2sf)  }
0x2c: {  	s13 =	spop (v2sf)  }
0x2d: {  	p0 =	sne.s32 s10, s13  }
0x2e: {  	s10 =	simm.s32 @p0 $0x6  }
0x2f: {  	_ =	swait.ge @p0 [sflag:s10], $0x2800  }
0x30: {  	[sflag:s10] =	ssyncset.done @p0 $0x0  }
0x31: {  	[sflag:s10] =	ssyncadd.s32 @p0 $0xFFFFD800  }
0x32: {  	_ =	swait.ge @p0 [sflag:s10], $0x2800  }
0x33: {  	[sflag:s10] =	ssyncset.done @p0 $0x0  }
0x34: {  	[sflag:s10] =	ssyncadd.s32 @p0 $0xFFFFD800;
	s10 =	simm.s32 @!p0 $0x6  }
0x35: {  	_ =	swait.ge @!p0 [sflag:s10], $0x800  }
0x36: {  	[sflag:s10] =	ssyncset.done @!p0 $0x0  }
0x37: {  	[sflag:s10] =	ssyncadd.s32 @!p0 $0xFFFFF800  }
0x38: {  	_ =	swait.ge @!p0 [sflag:s10], $0x800  }
0x39: {  	[sflag:s10] =	ssyncset.done @!p0 $0x0  }
0x3a: {  	[sflag:s10] =	ssyncadd.s32 @!p0 $0xFFFFF800  }
0x3b: {  	v3 =	vld [tilespmem:$0xC880]  }
0x3c: {  	v60 =	vld [tilespmem:$0xC8C0];
	_ =	sdelay $0x3  }
0x3d: {  	(v2sf) =	vpush v3, $0x0  }
0x3e: {  	(v2sf) =	vpush v60, $0xF;
	_ =	sdelay $0xd  }
0x3f: {  	s18 =	spop (v2sf)  }
0x40: {  	s24 =	spop (v2sf)  }
0x41: {  	p0 =	sne.s32 s18, s24  }
0x42: {  	s10 =	simm.s32 @p0 $0x7  }
0x43: {  	_ =	swait.ge @p0 [sflag:s10], $0x2800  }
0x44: {  	[sflag:s10] =	ssyncset.done @p0 $0x0  }
0x45: {  	[sflag:s10] =	ssyncadd.s32 @p0 $0xFFFFD800  }
0x46: {  	_ =	swait.ge @p0 [sflag:s10], $0x2800  }
0x47: {  	[sflag:s10] =	ssyncset.done @p0 $0x0  }
0x48: {  	[sflag:s10] =	ssyncadd.s32 @p0 $0xFFFFD800;
	s10 =	simm.s32 @!p0 $0x7  }
0x49: {  	_ =	swait.ge @!p0 [sflag:s10], $0x800  }
0x4a: {  	[sflag:s10] =	ssyncset.done @!p0 $0x0  }
0x4b: {  	[sflag:s10] =	ssyncadd.s32 @!p0 $0xFFFFF800  }
0x4c: {  	_ =	swait.ge @!p0 [sflag:s10], $0x800  }
0x4d: {  	[sflag:s10] =	ssyncset.done @!p0 $0x0  }
0x4e: {  	[sflag:s10] =	ssyncadd.s32 @!p0 $0xFFFFF800  }
0x4f: {  	v3 =	vld [tilespmem:$0xC900]  }
0x50: {  	v61 =	vld [tilespmem:$0xC940];
	_ =	sdelay $0x3  }
0x51: {  	(v2sf) =	vpush v3, $0x0  }
0x52: {  	(v2sf) =	vpush v61, $0xF;
	_ =	sdelay $0xd  }
0x53: {  	s26 =	spop (v2sf)  }
0x54: {  	s31 =	spop (v2sf)  }
0x55: {  	p0 =	sne.s32 s26, s31  }
0x56: {  	s10 =	simm.s32 @p0 $0x8  }
0x57: {  	_ =	swait.ge @p0 [sflag:s10], $0x2800  }
0x58: {  	[sflag:s10] =	ssyncset.done @p0 $0x0  }
0x59: {  	[sflag:s10] =	ssyncadd.s32 @p0 $0xFFFFD800  }
0x5a: {  	_ =	swait.ge @p0 [sflag:s10], $0x2800  }
0x5b: {  	[sflag:s10] =	ssyncset.done @p0 $0x0  }
0x5c: {  	[sflag:s10] =	ssyncadd.s32 @p0 $0xFFFFD800;
	s10 =	simm.s32 @!p0 $0x8  }
0x5d: {  	_ =	swait.ge @!p0 [sflag:s10], $0x800  }
0x5e: {  	[sflag:s10] =	ssyncset.done @!p0 $0x0  }
0x5f: {  	[sflag:s10] =	ssyncadd.s32 @!p0 $0xFFFFF800  }
0x60: {  	_ =	swait.ge @!p0 [sflag:s10], $0x800  }
0x61: {  	[sflag:s10] =	ssyncset.done @!p0 $0x0  }
0x62: {  	[sflag:s10] =	ssyncadd.s32 @!p0 $0xFFFFF800  }
0x63: {  	v3 =	vld [tilespmem:$0xC980]  }
0x64: {  	v62 =	vld [tilespmem:$0xC9C0];
	_ =	sdelay $0x3  }
0x65: {  	(v2sf) =	vpush v3, $0x0  }
0x66: {  	(v2sf) =	vpush v62, $0xF;
	_ =	sdelay $0xd  }
0x67: {  	s13 =	spop (v2sf)  }
0x68: {  	s17 =	spop (v2sf)  }
0x69: {  	p0 =	sne.s32 s13, s17  }
0x6a: {  	s10 =	simm.s32 @p0 $0x9  }
0x6b: {  	_ =	swait.ge @p0 [sflag:s10], $0x2800  }
0x6c: {  	[sflag:s10] =	ssyncset.done @p0 $0x0  }
0x6d: {  	[sflag:s10] =	ssyncadd.s32 @p0 $0xFFFFD800  }
0x6e: {  	_ =	swait.ge @p0 [sflag:s10], $0x2800  }
0x6f: {  	[sflag:s10] =	ssyncset.done @p0 $0x0  }
0x70: {  	[sflag:s10] =	ssyncadd.s32 @p0 $0xFFFFD800;
	s10 =	simm.s32 @!p0 $0x9  }
0x71: {  	_ =	swait.ge @!p0 [sflag:s10], $0x800  }
0x72: {  	[sflag:s10] =	ssyncset.done @!p0 $0x0  }
0x73: {  	[sflag:s10] =	ssyncadd.s32 @!p0 $0xFFFFF800  }
0x74: {  	_ =	swait.ge @!p0 [sflag:s10], $0x800  }
0x75: {  	[sflag:s10] =	ssyncset.done @!p0 $0x0  }
0x76: {  	[sflag:s10] =	ssyncadd.s32 @!p0 $0xFFFFF800  }
0x77: {  	v3 =	vld [tilespmem:$0xCA00]  }
0x78: {  	v63 =	vld [tilespmem:$0xCA40];
	_ =	sdelay $0x3  }
0x79: {  	(v2sf) =	vpush v3, $0x0  }
0x7a: {  	(v2sf) =	vpush v63, $0xF;
	_ =	sdelay $0xd  }
0x7b: {  	s18 =	spop (v2sf)  }
0x7c: {  	s24 =	spop (v2sf)  }
0x7d: {  	p0 =	sne.s32 s18, s24  }
0x7e: {  	s10 =	simm.s32 @p0 $0xA  }
0x7f: {  	_ =	swait.ge @p0 [sflag:s10], $0x2800  }
0x80: {  	[sflag:s10] =	ssyncset.done @p0 $0x0  }
0x81: {  	[sflag:s10] =	ssyncadd.s32 @p0 $0xFFFFD800  }
0x82: {  	_ =	swait.ge @p0 [sflag:s10], $0x2800  }
0x83: {  	[sflag:s10] =	ssyncset.done @p0 $0x0  }
0x84: {  	[sflag:s10] =	ssyncadd.s32 @p0 $0xFFFFD800;
	s10 =	simm.s32 @!p0 $0xA  }
0x85: {  	_ =	swait.ge @!p0 [sflag:s10], $0x800  }
0x86: {  	[sflag:s10] =	ssyncset.done @!p0 $0x0  }
0x87: {  	[sflag:s10] =	ssyncadd.s32 @!p0 $0xFFFFF800  }
0x88: {  	_ =	swait.ge @!p0 [sflag:s10], $0x800  }
0x89: {  	[sflag:s10] =	ssyncset.done @!p0 $0x0  }
0x8a: {  	[sflag:s10] =	ssyncadd.s32 @!p0 $0xFFFFF800  }
0x8b: {  	s26 =	stileid.u32;
	[bflag:$0x0] =	sbarrier.arrive $0xFFFF  }
0x8c: {  	s18 =	simm.s32 $0xB;
	s10 =	sshll.u32 s26, $0x6;
	s31 =	rddreg [dreg:$0xa]  }
0x8d: {  	s10 =	sor.u32 $0x1C0B, s10;
	s17 =	rddreg [dreg:$0xe];
	s13 =	sshrl.u32 s31, $0x3  }
0x8e: {  	[hbm:s17], [sflag:s10] =	dma.local [spmem:s13], $0x400  }
0x8f: {  	_ =	swait.ge [sflag:s18], $0x400  }
0x90: {  	[sflag:s18] =	ssyncset.done $0x0;
	s17 =	rddreg [dreg:$0xb]  }
0x91: {  	s24 =	rddreg [dreg:$0xf];
	[sflag:s18] =	ssyncadd.s32 $0xFFFFFC00;
	s13 =	sshrl.u32 s17, $0x3  }
0x92: {  	[hbm:s24], [sflag:s10] =	dma.local [spmem:s13], $0x400  }
0x93: {  	_ =	swait.ge [sflag:s18], $0x400  }
0x94: {  	[sflag:s18] =	ssyncset.done $0x0;
	s26 =	rddreg [dreg:$0xc]  }
0x95: {  	s31 =	rddreg [dreg:$0x10];
	[sflag:s18] =	ssyncadd.s32 $0xFFFFFC00;
	s13 =	sshrl.u32 s26, $0x3  }
0x96: {  	[hbm:s31], [sflag:s10] =	dma.local [spmem:s13], $0x400  }
0x97: {  	_ =	swait.ge [sflag:s18], $0x400  }
0x98: {  	[sflag:s18] =	ssyncset.done $0x0;
	s17 =	rddreg [dreg:$0xd]  }
0x99: {  	s24 =	rddreg [dreg:$0x11];
	[sflag:s18] =	ssyncadd.s32 $0xFFFFFC00;
	s13 =	sshrl.u32 s17, $0x3  }
0x9a: {  	[hbm:s24], [sflag:s10] =	dma.local [spmem:s13], $0x400  }
0x9b: {  	_ =	swait.ge [sflag:s18], $0x400  }
0x9c: {  	s26 =	rddreg [dreg:$0x1f]  }
0x9d: {  	s31 =	rddreg [dreg:$0x1e];
	s13 =	sadd.s32 $0x1, s26  }
0x9e: {  	p0 =	sne.s32 s13, s31  }
.Ltmp1:
0x9f: {  	_ = 	snop;
	(pc) =	sbr.rel @!p0 .LBB2_54-.Ltmp1, $3  }
0xa0: {  	_ =	sdelay $0x1  }
0xa1: {  	[sflag:s18] =	ssyncset.done $0x0  }
0xa2: {  	[sflag:s18] =	ssyncadd.s32 $0xFFFFFC00  }
.LBB2_1:
0xa3: {  	[dreg:$0x1f] =	wrdreg s13;
	s10 =	simm.s32 $0x0;
	s13 =	simm.s32 $0x200  }
.LBB2_2:
0xa4: {  	p0 =	sne.s32 s13, $0x7E00;
	[tilespmem:s10+$0x70] =	vst v0  }
0xa5: {  	[tilespmem:s10+$0x0] =	vst v0  }
0xa6: {  	[tilespmem:s10+$0x10] =	vst v0  }
.Ltmp2:
0xa7: {  	[tilespmem:s10+$0x20] =	vst v0;
	(pc) =	sbr.rel @p0 .LBB2_2-.Ltmp2, $4  }
0xa8: {  	[tilespmem:s10+$0x30] =	vst v0  }
0xa9: {  	[tilespmem:s10+$0x40] =	vst v0  }
0xaa: {  	[tilespmem:s10+$0x50] =	vst v0  }
0xab: {  	[tilespmem:s10+$0x60] =	vst v0;
	s10 =	sshra.s32 s13, $0x2;
	s13 =	sadd.s32 $0x200, s13  }
0xac: {  	[tilespmem:s10+$0x70] =	vst v0  }
0xad: {  	[tilespmem:s10+$0x0] =	vst v0  }
0xae: {  	[tilespmem:s10+$0x10] =	vst v0  }
0xaf: {  	[tilespmem:s10+$0x20] =	vst v0  }
0xb0: {  	[tilespmem:s10+$0x30] =	vst v0  }
0xb1: {  	[tilespmem:s10+$0x40] =	vst v0  }
0xb2: {  	[tilespmem:s10+$0x50] =	vst v0  }
0xb3: {  	[tilespmem:s10+$0x60] =	vst v0;
	s10 =	simm.s32 $0x0;
	s13 =	simm.s32 $0x200  }
.LBB2_4:
0xb4: {  	p0 =	sne.s32 s13, $0x9E00;
	[tilespmem:s10+$0xCD70] =	vst v1  }
0xb5: {  	[tilespmem:s10+$0xCD00] =	vst v1  }
0xb6: {  	[tilespmem:s10+$0xCD10] =	vst v1  }
.Ltmp3:
0xb7: {  	[tilespmem:s10+$0xCD20] =	vst v1;
	(pc) =	sbr.rel @p0 .LBB2_4-.Ltmp3, $4  }
0xb8: {  	[tilespmem:s10+$0xCD30] =	vst v1  }
0xb9: {  	[tilespmem:s10+$0xCD40] =	vst v1  }
0xba: {  	[tilespmem:s10+$0xCD50] =	vst v1  }
0xbb: {  	[tilespmem:s10+$0xCD60] =	vst v1;
	s10 =	sshra.s32 s13, $0x2;
	s13 =	sadd.s32 $0x200, s13  }
0xbc: {  	[tilespmem:s10+$0xCD70] =	vst v1  }
0xbd: {  	[tilespmem:s10+$0xCD00] =	vst v1  }
0xbe: {  	[tilespmem:s10+$0xCD10] =	vst v1  }
0xbf: {  	[tilespmem:s10+$0xCD20] =	vst v1  }
0xc0: {  	[tilespmem:s10+$0xCD30] =	vst v1  }
0xc1: {  	[tilespmem:s10+$0xCD40] =	vst v1  }
0xc2: {  	[tilespmem:s10+$0xCD50] =	vst v1  }
0xc3: {  	[tilespmem:s10+$0xCD60] =	vst v1  }
0xc4: {  	[tilespmem:$0xF500] =	vst v2  }
0xc5: {  	[tilespmem:$0xF510] =	vst v2  }
0xc6: {  	[tilespmem:$0xF520] =	vst v2  }
0xc7: {  	[tilespmem:$0xF530] =	vst v2  }
0xc8: {  	[tilespmem:$0xF540] =	vst v2  }
0xc9: {  	[tilespmem:$0xF550] =	vst v2  }
0xca: {  	[tilespmem:$0xF560] =	vst v2  }
0xcb: {  	s10 =	simm.s32 $0x0;
	s13 =	simm.s32 $0x200;
	[tilespmem:$0xF570] =	vst v2  }
.LBB2_6:
0xcc: {  	p0 =	sne.s32 s13, $0x1C00;
	[tilespmem:s10+$0xF5F0] =	vst v0  }
0xcd: {  	[tilespmem:s10+$0xF580] =	vst v0  }
0xce: {  	[tilespmem:s10+$0xF590] =	vst v0  }
.Ltmp4:
0xcf: {  	[tilespmem:s10+$0xF5A0] =	vst v0;
	(pc) =	sbr.rel @p0 .LBB2_6-.Ltmp4, $4  }
0xd0: {  	[tilespmem:s10+$0xF5B0] =	vst v0  }
0xd1: {  	[tilespmem:s10+$0xF5C0] =	vst v0  }
0xd2: {  	[tilespmem:s10+$0xF5D0] =	vst v0  }
0xd3: {  	[tilespmem:s10+$0xF5E0] =	vst v0;
	s10 =	sshra.s32 s13, $0x2;
	s13 =	sadd.s32 $0x200, s13  }
0xd4: {  	[tilespmem:s10+$0xF5F0] =	vst v0  }
0xd5: {  	[tilespmem:s10+$0xF580] =	vst v0  }
0xd6: {  	[tilespmem:s10+$0xF590] =	vst v0  }
0xd7: {  	[tilespmem:s10+$0xF5A0] =	vst v0  }
0xd8: {  	[tilespmem:s10+$0xF5B0] =	vst v0  }
0xd9: {  	[tilespmem:s10+$0xF5C0] =	vst v0  }
0xda: {  	[tilespmem:s10+$0xF5D0] =	vst v0  }
0xdb: {  	[tilespmem:s10+$0xF5E0] =	vst v0;
	s31 =	simm.s32 $0x0;
	s17 =	rddreg [dreg:$0xa]  }
0xdc: {  	[spmem:s17] =	stream.linear.scatter [tilespmem:s31], [sflag:$0xB], $0x2000, $0x38;
	[tilespmem:$0x17F00] =	vst v63  }
0xdd: {  	_ =	swait.ge [sflag:s18], $0x2000  }
0xde: {  	[sflag:s18] =	ssyncset.done $0x0  }
0xdf: {  	s24 =	rddreg [dreg:$0xb];
	[sflag:s18] =	ssyncadd.s32 $0xFFFFE000  }
0xe0: {  	[spmem:s24] =	stream.linear.scatter [tilespmem:s31], [sflag:$0xB], $0x2000, $0x38;
	[tilespmem:$0x17F00] =	vst v63  }
0xe1: {  	_ =	swait.ge [sflag:s18], $0x2000  }
0xe2: {  	[sflag:s18] =	ssyncset.done $0x0  }
0xe3: {  	s26 =	rddreg [dreg:$0xc];
	[sflag:s18] =	ssyncadd.s32 $0xFFFFE000  }
0xe4: {  	[spmem:s26] =	stream.linear.scatter [tilespmem:s31], [sflag:$0xB], $0x2000, $0x38;
	[tilespmem:$0x17F00] =	vst v63  }
0xe5: {  	_ =	swait.ge [sflag:s18], $0x2000  }
0xe6: {  	[sflag:s18] =	ssyncset.done $0x0  }
0xe7: {  	s13 =	rddreg [dreg:$0xd];
	[sflag:s18] =	ssyncadd.s32 $0xFFFFE000  }
0xe8: {  	[spmem:s13] =	stream.linear.scatter [tilespmem:s31], [sflag:$0xB], $0x2000, $0x38;
	[tilespmem:$0x17F00] =	vst v63  }
0xe9: {  	_ =	swait.ge [sflag:s18], $0x2000  }
0xea: {  	[sflag:s18] =	ssyncset.done $0x0  }
0xeb: {  	[sflag:s18] =	ssyncadd.s32 $0xFFFFE000  }
0xec: {  	[bflag:$0x0] =	sbarrier.arrive $0xFFFF  }
0xed: {  	s13 =	simm.s32 $0xC800;
	s17 =	rddreg [dreg:$0x12]  }
0xee: {  	[tilespmem:s13], [sflag:$0x1] =	stream.linear.gather [hbm4b:s17+s31], $0x50, $0x38;
	[tilespmem:$0x17F00] =	vst v63  }
0xef: {  	s18 =	rddreg [dreg:$0x14]  }
0xf0: {  	[tilespmem:s31], [sflag:$0x1] =	stream.linear.gather [hbm4b:s18+s31], $0x2800, $0x38;
	[tilespmem:$0x17F00] =	vst v63  }
0xf1: {  	s26 =	simm.s32 $0xC880;
	s24 =	rddreg [dreg:$0x16]  }
0xf2: {  	[tilespmem:s26], [sflag:$0x2] =	stream.linear.gather [hbm4b:s24+s31], $0x50, $0x38;
	[tilespmem:$0x17F00] =	vst v63  }
0xf3: {  	s13 =	rddreg [dreg:$0x18];
	s17 =	simm.s32 $0x2800  }
0xf4: {  	[tilespmem:s17], [sflag:$0x2] =	stream.linear.gather [hbm4b:s13+s31], $0x2800, $0x38;
	[tilespmem:$0x17F00] =	vst v63  }
0xf5: {  	s18 =	rddreg [dreg:$0x1a];
	s24 =	simm.s32 $0xC900  }
0xf6: {  	[tilespmem:s24], [sflag:$0x3] =	stream.linear.gather [hbm4b:s18+s31], $0x50, $0x38;
	[tilespmem:$0x17F00] =	vst v63  }
0xf7: {  	s10 =	simm.s32 $0x0;
	s26 =	rddreg [dreg:$0x1c]  }
0xf8: {  	[tilespmem:s28], [sflag:$0x3] =	stream.linear.gather [hbm4b:s26+s31], $0x2800, $0x38;
	[tilespmem:$0x17F00] =	vst v63  }
.LBB2_8:
0xf9: {  	_ =	swait.ge [sflag:s29], $0x50  }
0xfa: {  	[sflag:s29] =	ssyncset.done $0x0  }
0xfb: {  	[sflag:s29] =	ssyncadd.s32 $0xFFFFFFB0  }
0xfc: {  	_ =	swait.ge [sflag:s29], $0x2800  }
0xfd: {  	[sflag:s29] =	ssyncset.done $0x0  }
0xfe: {  	[sflag:s29] =	ssyncadd.s32 $0xFFFFD800  }
0xff: {  	v3 =	vld [tilespmem:$0xC800]  }
0x100: {  	v4 =	vld [tilespmem:$0xC840];
	_ =	sdelay $0x3  }
0x101: {  	(v2sf) =	vpush v3, $0x0  }
0x102: {  	(v2sf) =	vpush v4, $0xF;
	_ =	sdelay $0xd  }
0x103: {  	s13 =	spop (v2sf)  }
0x104: {  	v3 =	vld [tilespmem:$0xC800];
	s17 =	spop (v2sf)  }
0x105: {  	p0 =	sne.s32 s13, s17  }
.Ltmp5:
0x106: {  	_ = 	snop;
	(pc) =	sbr.rel @p0 .LBB2_12-.Ltmp5, $3  }
0x107: {  	_ =	sdelay $0x1  }
0x108: {  	v3 =	vnsel vm0, $0x400, v3  }
0x109: {  	v4 =	vimm.f32 $0.0e+00;
	[tilespmem:$0xCA80] =	vst v3  }
0x10a: {  	s18 =	sshra.s32 s31, $0x2  }
0x10b: {  	v3 =	vld [tilespmem:s18+$0x70]  }
0x10c: {  	v5 =	vld [tilespmem:s18+$0x0]  }
0x10d: {  	v6 =	vld [tilespmem:s18+$0x10]  }
0x10e: {  	v14 =	vld [tilespmem:s18+$0x20]  }
0x10f: {  	v11 =	vld [tilespmem:s18+$0x30]  }
0x110: {  	v10 =	vimm.f32 $0.0e+00;
	v7 =	vld [tilespmem:s18+$0x40]  }
0x111: {  	s13 =	sadd.s32 $0x200, s31;
	v12 =	vimm.f32 $0.0e+00;
	v8 =	vimm.f32 $0.0e+00;
	v13 =	vld [tilespmem:s18+$0x50];
	v3 =	vadd.f32 v3, v4  }
0x112: {  	s17 =	sshra.s32 s13, $0x2;
	s13 =	sadd.s32 $0x200, s13;
	v15 =	vld [tilespmem:s18+$0x60];
	v9 =	vadd.f32 v5, v4;
	v6 =	vadd.f32 v6, v4;
	v5 =	vimm.f32 $0.0e+00  }
.LBB2_10:
0x113: {  	p0 =	sne.s32 s13, $0x9E00;
	v16 =	vld [tilespmem:s17+$0x70];
	v4 =	vadd.f32 v14, v4  }
0x114: {  	v17 =	vld [tilespmem:s17+$0x0];
	v10 =	vadd.f32 v11, v10  }
0x115: {  	v18 =	vld [tilespmem:s17+$0x10];
	v12 =	vadd.f32 v7, v12  }
.Ltmp6:
0x116: {  	v14 =	vld [tilespmem:s17+$0x20];
	v8 =	vadd.f32 v13, v8;
	(pc) =	sbr.rel @p0 .LBB2_10-.Ltmp6, $4  }
0x117: {  	v11 =	vld [tilespmem:s17+$0x30];
	v5 =	vadd.f32 v15, v5  }
0x118: {  	v7 =	vld [tilespmem:s17+$0x40];
	v3 =	vadd.f32 v16, v3  }
0x119: {  	v9 =	vadd.f32 v17, v9;
	v13 =	vld [tilespmem:s17+$0x50]  }
0x11a: {  	v6 =	vadd.f32 v18, v6;
	v15 =	vld [tilespmem:s17+$0x60];
	s17 =	sshra.s32 s13, $0x2;
	s13 =	sadd.s32 $0x200, s13  }
0x11b: {  	v17 =	vld [tilespmem:s17+$0x0]  }
0x11c: {  	v18 =	vld [tilespmem:s17+$0x10]  }
0x11d: {  	v19 =	vld [tilespmem:s17+$0x20]  }
0x11e: {  	v20 =	vld [tilespmem:s17+$0x30]  }
0x11f: {  	v21 =	vld [tilespmem:s17+$0x40]  }
0x120: {  	v4 =	vadd.f32 v14, v4;
	v59 =	vld [tilespmem:s17+$0x50];
	v9 =	vadd.f32 v17, v9  }
0x121: {  	v16 =	vld [tilespmem:s17+$0x70];
	v10 =	vadd.f32 v11, v10;
	v6 =	vadd.f32 v18, v6  }
0x122: {  	v60 =	vld [tilespmem:s17+$0x60];
	v7 =	vadd.f32 v7, v12;
	v4 =	vadd.f32 v19, v4;
	[tilespmem:$0x0] =	vst v9  }
0x123: {  	v8 =	vadd.f32 v13, v8;
	v61 =	vadd.f32 v20, v10;
	[tilespmem:$0x10] =	vst v6  }
0x124: {  	v62 =	vadd.f32 v21, v7;
	[tilespmem:$0x20] =	vst v4  }
0x125: {  	v5 =	vadd.f32 v15, v5;
	v63 =	vadd.f32 v59, v8;
	[tilespmem:$0x30] =	vst v61  }
0x126: {  	v3 =	vadd.f32 v16, v3;
	[tilespmem:$0x40] =	vst v62  }
0x127: {  	v5 =	vadd.f32 v60, v5;
	[tilespmem:$0x50] =	vst v63  }
0x128: {  	[tilespmem:$0x70] =	vst v3  }
0x129: {  	s13 =	simm.s32 $0xCA80;
	[tilespmem:$0x60] =	vst v5  }
0x12a: {  	[spmem:s5] =	stream.indirect.scatter.add.f32 [tilespmem:s9], [sflag:$0x6], $0x80, s13, s30, $0xb8;
	[tilespmem:$0x17F00] =	vst v63  }
0x12b: {  	_ = 	snop  }
0x12c: {  	[spmem:s7] =	stream.indirect.scatter.add.f32 [tilespmem:s3], [sflag:$0x6], $0x80, s13, s30, $0xb8;
	[tilespmem:$0x17F00] =	vst v63  }
.LBB2_12:
0x12d: {  	v3 =	vld [tilespmem:$0xC800]  }
0x12e: {  	v4 =	vld [tilespmem:$0xC840];
	_ =	sdelay $0x3  }
0x12f: {  	(v2sf) =	vpush v3, $0x0  }
0x130: {  	(v2sf) =	vpush v4, $0xF;
	_ =	sdelay $0xd  }
0x131: {  	s13 =	spop (v2sf)  }
0x132: {  	s17 =	spop (v2sf)  }
0x133: {  	p0 =	seq.s32 s13, s17  }
0x134: {  	s13 =	simm.s32 @!p0 $0x50;
	s17 =	simm.s32 @!p0 $0xC800;
	s18 =	simm.s32 @!p0 $0x0  }
0x135: {  	[spmem:s5] =	stream.indirect.scatter.add.f32 @!p0 [tilespmem:s18], [sflag:$0x6], $0x80, s17, s13, $0xb8;
	[tilespmem:$0x17F00] =	vst v63  }
0x136: {  	s18 =	simm.s32 @!p0 $0xCD00  }
0x137: {  	[spmem:s7] =	stream.indirect.scatter.add.f32 @!p0 [tilespmem:s18], [sflag:$0x6], $0x80, s17, s13, $0xb8;
	[tilespmem:$0x17F00] =	vst v63  }
0x138: {  	p0 =	seq.s32 s10, $0x0  }
0x139: {  	v3 =	vld @!p0 [tilespmem:$0xC980]  }
0x13a: {  	v4 =	vld @!p0 [tilespmem:$0xC9C0];
	_ =	sdelay $0x3  }
0x13b: {  	(v2sf) =	vpush @!p0 v3, $0x0  }
0x13c: {  	(v2sf) =	vpush @!p0 v4, $0xF;
	_ =	sdelay $0xd  }
0x13d: {  	s13 =	spop @!p0 (v2sf)  }
0x13e: {  	s17 =	spop @!p0 (v2sf)  }
0x13f: {  	p1 =	sne.s32 @!p0 s13, s17  }
0x140: {  	p2 =	por !p1, p0  }
0x141: {  	s13 =	simm.s32 @!p2 $0x9  }
0x142: {  	_ =	swait.ge @!p2 [sflag:s13], $0x2800  }
0x143: {  	[sflag:s13] =	ssyncset.done @!p2 $0x0  }
0x144: {  	[sflag:s13] =	ssyncadd.s32 @!p2 $0xFFFFD800  }
0x145: {  	_ =	swait.ge @!p2 [sflag:s13], $0x2800  }
0x146: {  	p1 =	por p1, p0;
	[sflag:s13] =	ssyncset.done @!p2 $0x0  }
0x147: {  	[sflag:s13] =	ssyncadd.s32 @!p2 $0xFFFFD800;
	s13 =	simm.s32 @!p1 $0x9  }
0x148: {  	_ =	swait.ge @!p1 [sflag:s13], $0x800  }
0x149: {  	s17 =	smul.u32 $0x190, s10;
	[sflag:s13] =	ssyncset.done @!p1 $0x0  }
0x14a: {  	[sflag:s13] =	ssyncadd.s32 @!p1 $0xFFFFF800  }
0x14b: {  	s26 =	simm.s32 $0xC980;
	s18 =	sadd.s32 s17, s19;
	_ =	swait.ge @!p1 [sflag:s13], $0x800  }
0x14c: {  	s24 =	sshrl.u32 s18, $0x3;
	s18 =	sshll.u32 s18, $0x4;
	[sflag:s13] =	ssyncset.done @!p1 $0x0  }
0x14d: {  	s24 =	sadd.s32 s2, s24;
	[sflag:s13] =	ssyncadd.s32 @!p1 $0xFFFFF800;
	s13 =	simm.s32 $0x0  }
0x14e: {  	[tilespmem:s26], [sflag:$0x4] =	stream.linear.gather [hbm4b:s24+s13], $0x50, $0x38;
	[tilespmem:$0x17F00] =	vst v63  }
0x14f: {  	s18 =	sadd.s32 s0, s18  }
0x150: {  	[tilespmem:s15], [sflag:$0x4] =	stream.linear.gather [hbm4b:s18+s13], $0x2800, $0x38;
	[tilespmem:$0x17F00] =	vst v63  }
0x151: {  	_ =	swait.ge [sflag:s16], $0x50  }
0x152: {  	[sflag:s16] =	ssyncset.done $0x0  }
0x153: {  	[sflag:s16] =	ssyncadd.s32 $0xFFFFFFB0  }
0x154: {  	_ =	swait.ge [sflag:s16], $0x2800  }
0x155: {  	[sflag:s16] =	ssyncset.done $0x0  }
0x156: {  	[sflag:s16] =	ssyncadd.s32 $0xFFFFD800  }
0x157: {  	v3 =	vld [tilespmem:$0xC880]  }
0x158: {  	v4 =	vld [tilespmem:$0xC8C0];
	_ =	sdelay $0x3  }
0x159: {  	(v2sf) =	vpush v3, $0x0  }
0x15a: {  	(v2sf) =	vpush v4, $0xF;
	_ =	sdelay $0xd  }
0x15b: {  	s24 =	spop (v2sf)  }
0x15c: {  	v3 =	vld [tilespmem:$0xC880];
	s26 =	spop (v2sf)  }
0x15d: {  	p1 =	sne.s32 s24, s26  }
.Ltmp7:
0x15e: {  	_ = 	snop;
	(pc) =	sbr.rel @p1 .LBB2_16-.Ltmp7, $3  }
0x15f: {  	_ =	sdelay $0x1  }
0x160: {  	v3 =	vnsel vm0, $0x400, v3  }
0x161: {  	v4 =	vimm.f32 $0.0e+00;
	[tilespmem:$0xCB00] =	vst v3  }
0x162: {  	s24 =	sshra.s32 s13, $0x2  }
0x163: {  	v3 =	vld [tilespmem:s24+$0x2870]  }
0x164: {  	v5 =	vld [tilespmem:s24+$0x2800]  }
0x165: {  	v6 =	vld [tilespmem:s24+$0x2810]  }
0x166: {  	v14 =	vld [tilespmem:s24+$0x2820]  }
0x167: {  	v11 =	vld [tilespmem:s24+$0x2830]  }
0x168: {  	v10 =	vimm.f32 $0.0e+00;
	v7 =	vld [tilespmem:s24+$0x2840]  }
0x169: {  	s26 =	sadd.s32 $0x200, s13;
	v12 =	vimm.f32 $0.0e+00;
	v8 =	vimm.f32 $0.0e+00;
	v13 =	vld [tilespmem:s24+$0x2850];
	v3 =	vadd.f32 v3, v4  }
0x16a: {  	s18 =	sshra.s32 s26, $0x2;
	s13 =	sadd.s32 $0x200, s26;
	v15 =	vld [tilespmem:s24+$0x2860];
	v9 =	vadd.f32 v5, v4;
	v6 =	vadd.f32 v6, v4;
	v5 =	vimm.f32 $0.0e+00  }
.LBB2_14:
0x16b: {  	p1 =	sne.s32 s13, $0x9E00;
	v16 =	vld [tilespmem:s18+$0x2870];
	v4 =	vadd.f32 v14, v4  }
0x16c: {  	v17 =	vld [tilespmem:s18+$0x2800];
	v10 =	vadd.f32 v11, v10  }
0x16d: {  	v18 =	vld [tilespmem:s18+$0x2810];
	v12 =	vadd.f32 v7, v12  }
.Ltmp8:
0x16e: {  	v14 =	vld [tilespmem:s18+$0x2820];
	v8 =	vadd.f32 v13, v8;
	(pc) =	sbr.rel @p1 .LBB2_14-.Ltmp8, $4  }
0x16f: {  	v11 =	vld [tilespmem:s18+$0x2830];
	v5 =	vadd.f32 v15, v5  }
0x170: {  	v7 =	vld [tilespmem:s18+$0x2840];
	v3 =	vadd.f32 v16, v3  }
0x171: {  	v9 =	vadd.f32 v17, v9;
	v13 =	vld [tilespmem:s18+$0x2850]  }
0x172: {  	v6 =	vadd.f32 v18, v6;
	v15 =	vld [tilespmem:s18+$0x2860];
	s18 =	sshra.s32 s13, $0x2;
	s13 =	sadd.s32 $0x200, s13  }
0x173: {  	v17 =	vld [tilespmem:s18+$0x2800]  }
0x174: {  	v18 =	vld [tilespmem:s18+$0x2810]  }
0x175: {  	v19 =	vld [tilespmem:s18+$0x2820]  }
0x176: {  	v20 =	vld [tilespmem:s18+$0x2830]  }
0x177: {  	v21 =	vld [tilespmem:s18+$0x2840]  }
0x178: {  	v4 =	vadd.f32 v14, v4;
	v59 =	vld [tilespmem:s18+$0x2850];
	v9 =	vadd.f32 v17, v9  }
0x179: {  	v16 =	vld [tilespmem:s18+$0x2870];
	v10 =	vadd.f32 v11, v10;
	v6 =	vadd.f32 v18, v6  }
0x17a: {  	v60 =	vld [tilespmem:s18+$0x2860];
	v7 =	vadd.f32 v7, v12;
	v4 =	vadd.f32 v19, v4;
	[tilespmem:$0x2800] =	vst v9  }
0x17b: {  	v8 =	vadd.f32 v13, v8;
	v61 =	vadd.f32 v20, v10;
	[tilespmem:$0x2810] =	vst v6  }
0x17c: {  	v62 =	vadd.f32 v21, v7;
	[tilespmem:$0x2820] =	vst v4  }
0x17d: {  	v5 =	vadd.f32 v15, v5;
	v63 =	vadd.f32 v59, v8;
	[tilespmem:$0x2830] =	vst v61  }
0x17e: {  	v3 =	vadd.f32 v16, v3;
	[tilespmem:$0x2840] =	vst v62  }
0x17f: {  	v5 =	vadd.f32 v60, v5;
	[tilespmem:$0x2850] =	vst v63  }
0x180: {  	[tilespmem:$0x2870] =	vst v3  }
0x181: {  	s13 =	simm.s32 $0x2800;
	s26 =	simm.s32 $0xCB00;
	[tilespmem:$0x2860] =	vst v5  }
0x182: {  	[spmem:s5] =	stream.indirect.scatter.add.f32 [tilespmem:s13], [sflag:$0x7], $0x80, s26, s30, $0xb8;
	[tilespmem:$0x17F00] =	vst v63  }
0x183: {  	_ = 	snop  }
0x184: {  	[spmem:s7] =	stream.indirect.scatter.add.f32 [tilespmem:s3], [sflag:$0x7], $0x80, s26, s30, $0xb8;
	[tilespmem:$0x17F00] =	vst v63  }
.LBB2_16:
0x185: {  	v3 =	vld [tilespmem:$0xC880]  }
0x186: {  	v4 =	vld [tilespmem:$0xC8C0];
	_ =	sdelay $0x3  }
0x187: {  	(v2sf) =	vpush v3, $0x0  }
0x188: {  	(v2sf) =	vpush v4, $0xF;
	_ =	sdelay $0xd  }
0x189: {  	s13 =	spop (v2sf)  }
0x18a: {  	s18 =	spop (v2sf)  }
0x18b: {  	p1 =	seq.s32 s13, s18  }
0x18c: {  	s13 =	simm.s32 @!p1 $0x50;
	s18 =	simm.s32 @!p1 $0xC880;
	s24 =	simm.s32 @!p1 $0x2800  }
0x18d: {  	[spmem:s5] =	stream.indirect.scatter.add.f32 @!p1 [tilespmem:s24], [sflag:$0x7], $0x80, s18, s13, $0xb8;
	[tilespmem:$0x17F00] =	vst v63  }
0x18e: {  	s24 =	simm.s32 @!p1 $0xCD00  }
0x18f: {  	[spmem:s7] =	stream.indirect.scatter.add.f32 @!p1 [tilespmem:s24], [sflag:$0x7], $0x80, s18, s13, $0xb8;
	[tilespmem:$0x17F00] =	vst v63  }
0x190: {  	v3 =	vld @!p0 [tilespmem:$0xCA00]  }
0x191: {  	v4 =	vld @!p0 [tilespmem:$0xCA40];
	_ =	sdelay $0x3  }
0x192: {  	(v2sf) =	vpush @!p0 v3, $0x0  }
0x193: {  	(v2sf) =	vpush @!p0 v4, $0xF;
	_ =	sdelay $0xd  }
0x194: {  	s13 =	spop @!p0 (v2sf)  }
0x195: {  	s18 =	spop @!p0 (v2sf)  }
0x196: {  	p1 =	sne.s32 @!p0 s13, s18  }
0x197: {  	p2 =	por !p1, p0  }
0x198: {  	s13 =	simm.s32 @!p2 $0xA  }
0x199: {  	_ =	swait.ge @!p2 [sflag:s13], $0x2800  }
0x19a: {  	[sflag:s13] =	ssyncset.done @!p2 $0x0  }
0x19b: {  	[sflag:s13] =	ssyncadd.s32 @!p2 $0xFFFFD800  }
0x19c: {  	_ =	swait.ge @!p2 [sflag:s13], $0x2800  }
0x19d: {  	p0 =	por p1, p0;
	[sflag:s13] =	ssyncset.done @!p2 $0x0  }
0x19e: {  	[sflag:s13] =	ssyncadd.s32 @!p2 $0xFFFFD800;
	s13 =	simm.s32 @!p0 $0xA  }
0x19f: {  	_ =	swait.ge @!p0 [sflag:s13], $0x800  }
0x1a0: {  	[sflag:s13] =	ssyncset.done @!p0 $0x0  }
0x1a1: {  	s18 =	sadd.s32 s17, s20;
	[sflag:s13] =	ssyncadd.s32 @!p0 $0xFFFFF800  }
0x1a2: {  	s26 =	sshrl.u32 s18, $0x3;
	_ =	swait.ge @!p0 [sflag:s13], $0x800  }
0x1a3: {  	s18 =	sshll.u32 s18, $0x4;
	s24 =	sadd.s32 s2, s26;
	[sflag:s13] =	ssyncset.done @!p0 $0x0  }
0x1a4: {  	s26 =	simm.s32 $0xCA00;
	[sflag:s13] =	ssyncadd.s32 @!p0 $0xFFFFF800;
	s13 =	simm.s32 $0x0  }
0x1a5: {  	[tilespmem:s26], [sflag:$0x5] =	stream.linear.gather [hbm4b:s24+s13], $0x50, $0x38;
	[tilespmem:$0x17F00] =	vst v63  }
0x1a6: {  	s18 =	sadd.s32 s0, s18  }
0x1a7: {  	[tilespmem:s11], [sflag:$0x5] =	stream.linear.gather [hbm4b:s18+s13], $0x2800, $0x38;
	[tilespmem:$0x17F00] =	vst v63  }
0x1a8: {  	_ =	swait.ge [sflag:s12], $0x50  }
0x1a9: {  	[sflag:s12] =	ssyncset.done $0x0  }
0x1aa: {  	[sflag:s12] =	ssyncadd.s32 $0xFFFFFFB0  }
0x1ab: {  	_ =	swait.ge [sflag:s12], $0x2800  }
0x1ac: {  	[sflag:s12] =	ssyncset.done $0x0  }
0x1ad: {  	[sflag:s12] =	ssyncadd.s32 $0xFFFFD800  }
0x1ae: {  	v3 =	vld [tilespmem:$0xC900]  }
0x1af: {  	v4 =	vld [tilespmem:$0xC940];
	_ =	sdelay $0x3  }
0x1b0: {  	(v2sf) =	vpush v3, $0x0  }
0x1b1: {  	(v2sf) =	vpush v4, $0xF;
	_ =	sdelay $0xd  }
0x1b2: {  	s24 =	spop (v2sf)  }
0x1b3: {  	v3 =	vld [tilespmem:$0xC900];
	s26 =	spop (v2sf)  }
0x1b4: {  	p0 =	sne.s32 s24, s26  }
.Ltmp9:
0x1b5: {  	_ = 	snop;
	(pc) =	sbr.rel @p0 .LBB2_20-.Ltmp9, $3  }
0x1b6: {  	_ =	sdelay $0x1  }
0x1b7: {  	v3 =	vnsel vm0, $0x400, v3  }
0x1b8: {  	v4 =	vimm.f32 $0.0e+00;
	[tilespmem:$0xCB80] =	vst v3  }
0x1b9: {  	s24 =	sshra.s32 s13, $0x2  }
0x1ba: {  	v3 =	vld [tilespmem:s24+$0x5070]  }
0x1bb: {  	v5 =	vld [tilespmem:s24+$0x5000]  }
0x1bc: {  	v6 =	vld [tilespmem:s24+$0x5010]  }
0x1bd: {  	v14 =	vld [tilespmem:s24+$0x5020]  }
0x1be: {  	v11 =	vld [tilespmem:s24+$0x5030]  }
0x1bf: {  	v10 =	vimm.f32 $0.0e+00;
	v7 =	vld [tilespmem:s24+$0x5040]  }
0x1c0: {  	s26 =	sadd.s32 $0x200, s13;
	v12 =	vimm.f32 $0.0e+00;
	v8 =	vimm.f32 $0.0e+00;
	v13 =	vld [tilespmem:s24+$0x5050];
	v3 =	vadd.f32 v3, v4  }
0x1c1: {  	s18 =	sshra.s32 s26, $0x2;
	s13 =	sadd.s32 $0x200, s26;
	v15 =	vld [tilespmem:s24+$0x5060];
	v9 =	vadd.f32 v5, v4;
	v6 =	vadd.f32 v6, v4;
	v5 =	vimm.f32 $0.0e+00  }
.LBB2_18:
0x1c2: {  	p0 =	sne.s32 s13, $0x9E00;
	v16 =	vld [tilespmem:s18+$0x5070];
	v4 =	vadd.f32 v14, v4  }
0x1c3: {  	v17 =	vld [tilespmem:s18+$0x5000];
	v10 =	vadd.f32 v11, v10  }
0x1c4: {  	v18 =	vld [tilespmem:s18+$0x5010];
	v12 =	vadd.f32 v7, v12  }
.Ltmp10:
0x1c5: {  	v14 =	vld [tilespmem:s18+$0x5020];
	v8 =	vadd.f32 v13, v8;
	(pc) =	sbr.rel @p0 .LBB2_18-.Ltmp10, $4  }
0x1c6: {  	v11 =	vld [tilespmem:s18+$0x5030];
	v5 =	vadd.f32 v15, v5  }
0x1c7: {  	v7 =	vld [tilespmem:s18+$0x5040];
	v3 =	vadd.f32 v16, v3  }
0x1c8: {  	v9 =	vadd.f32 v17, v9;
	v13 =	vld [tilespmem:s18+$0x5050]  }
0x1c9: {  	v6 =	vadd.f32 v18, v6;
	v15 =	vld [tilespmem:s18+$0x5060];
	s18 =	sshra.s32 s13, $0x2;
	s13 =	sadd.s32 $0x200, s13  }
0x1ca: {  	v17 =	vld [tilespmem:s18+$0x5000]  }
0x1cb: {  	v18 =	vld [tilespmem:s18+$0x5010]  }
0x1cc: {  	v19 =	vld [tilespmem:s18+$0x5020]  }
0x1cd: {  	v20 =	vld [tilespmem:s18+$0x5030]  }
0x1ce: {  	v21 =	vld [tilespmem:s18+$0x5040]  }
0x1cf: {  	v4 =	vadd.f32 v14, v4;
	v59 =	vld [tilespmem:s18+$0x5050];
	v9 =	vadd.f32 v17, v9  }
0x1d0: {  	v16 =	vld [tilespmem:s18+$0x5070];
	v10 =	vadd.f32 v11, v10;
	v6 =	vadd.f32 v18, v6  }
0x1d1: {  	v60 =	vld [tilespmem:s18+$0x5060];
	v7 =	vadd.f32 v7, v12;
	v4 =	vadd.f32 v19, v4;
	[tilespmem:$0x5000] =	vst v9  }
0x1d2: {  	v8 =	vadd.f32 v13, v8;
	v61 =	vadd.f32 v20, v10;
	[tilespmem:$0x5010] =	vst v6  }
0x1d3: {  	v62 =	vadd.f32 v21, v7;
	[tilespmem:$0x5020] =	vst v4  }
0x1d4: {  	v5 =	vadd.f32 v15, v5;
	v63 =	vadd.f32 v59, v8;
	[tilespmem:$0x5030] =	vst v61  }
0x1d5: {  	v3 =	vadd.f32 v16, v3;
	[tilespmem:$0x5040] =	vst v62  }
0x1d6: {  	v5 =	vadd.f32 v60, v5;
	[tilespmem:$0x5050] =	vst v63  }
0x1d7: {  	[tilespmem:$0x5070] =	vst v3  }
0x1d8: {  	s13 =	simm.s32 $0xCB80;
	[tilespmem:$0x5060] =	vst v5  }
0x1d9: {  	[spmem:s5] =	stream.indirect.scatter.add.f32 [tilespmem:s28], [sflag:$0x8], $0x80, s13, s30, $0xb8;
	[tilespmem:$0x17F00] =	vst v63  }
0x1da: {  	_ = 	snop  }
0x1db: {  	[spmem:s7] =	stream.indirect.scatter.add.f32 [tilespmem:s3], [sflag:$0x8], $0x80, s13, s30, $0xb8;
	[tilespmem:$0x17F00] =	vst v63  }
.LBB2_20:
0x1dc: {  	v3 =	vld [tilespmem:$0xC900]  }
0x1dd: {  	v4 =	vld [tilespmem:$0xC940];
	_ =	sdelay $0x3  }
0x1de: {  	(v2sf) =	vpush v3, $0x0  }
0x1df: {  	(v2sf) =	vpush v4, $0xF;
	_ =	sdelay $0xd  }
0x1e0: {  	s13 =	spop (v2sf)  }
0x1e1: {  	s18 =	spop (v2sf)  }
0x1e2: {  	p0 =	seq.s32 s13, s18  }
0x1e3: {  	s13 =	simm.s32 @!p0 $0x50;
	s18 =	simm.s32 @!p0 $0xC900;
	s24 =	simm.s32 @!p0 $0x5000  }
0x1e4: {  	[spmem:s5] =	stream.indirect.scatter.add.f32 @!p0 [tilespmem:s24], [sflag:$0x8], $0x80, s18, s13, $0xb8;
	[tilespmem:$0x17F00] =	vst v63  }
0x1e5: {  	s24 =	simm.s32 @!p0 $0xCD00  }
0x1e6: {  	[spmem:s7] =	stream.indirect.scatter.add.f32 @!p0 [tilespmem:s24], [sflag:$0x8], $0x80, s18, s13, $0xb8;
	[tilespmem:$0x17F00] =	vst v63  }
0x1e7: {  	p0 =	seq.s32 s10, $0x18  }
0x1e8: {  	v3 =	vld @!p0 [tilespmem:$0xC800]  }
0x1e9: {  	v4 =	vld @!p0 [tilespmem:$0xC840];
	_ =	sdelay $0x3  }
0x1ea: {  	(v2sf) =	vpush @!p0 v3, $0x0  }
0x1eb: {  	(v2sf) =	vpush @!p0 v4, $0xF;
	_ =	sdelay $0xd  }
0x1ec: {  	s13 =	spop @!p0 (v2sf)  }
0x1ed: {  	s18 =	spop @!p0 (v2sf)  }
0x1ee: {  	p1 =	sne.s32 @!p0 s13, s18  }
0x1ef: {  	p2 =	por !p1, p0  }
0x1f0: {  	s13 =	simm.s32 @!p2 $0x6  }
0x1f1: {  	_ =	swait.ge @!p2 [sflag:s13], $0x2800  }
0x1f2: {  	[sflag:s13] =	ssyncset.done @!p2 $0x0  }
0x1f3: {  	[sflag:s13] =	ssyncadd.s32 @!p2 $0xFFFFD800  }
0x1f4: {  	_ =	swait.ge @!p2 [sflag:s13], $0x2800  }
0x1f5: {  	p1 =	por p1, p0;
	[sflag:s13] =	ssyncset.done @!p2 $0x0  }
0x1f6: {  	[sflag:s13] =	ssyncadd.s32 @!p2 $0xFFFFD800;
	s13 =	simm.s32 @!p1 $0x6  }
0x1f7: {  	_ =	swait.ge @!p1 [sflag:s13], $0x800  }
0x1f8: {  	[sflag:s13] =	ssyncset.done @!p1 $0x0  }
0x1f9: {  	[sflag:s13] =	ssyncadd.s32 @!p1 $0xFFFFF800  }
0x1fa: {  	_ =	swait.ge @!p1 [sflag:s13], $0x800  }
0x1fb: {  	s24 =	sadd.s32 @!p0 s17, s21;
	[sflag:s13] =	ssyncset.done @!p1 $0x0  }
0x1fc: {  	[sflag:s13] =	ssyncadd.s32 @!p1 $0xFFFFF800;
	s13 =	sshrl.u32 @!p0 s24, $0x3  }
0x1fd: {  	s26 =	simm.s32 @!p0 $0xC800;
	s18 =	simm.s32 @!p0 $0x0;
	s13 =	sadd.s32 @!p0 s2, s13  }
0x1fe: {  	[tilespmem:s26], [sflag:$0x1] =	stream.linear.gather @!p0 [hbm4b:s13+s18], $0x50, $0x38;
	[tilespmem:$0x17F00] =	vst v63  }
0x1ff: {  	s13 =	sshll.u32 @!p0 s24, $0x4  }
0x200: {  	s13 =	sadd.s32 @!p0 s0, s13  }
0x201: {  	[tilespmem:s18], [sflag:$0x1] =	stream.linear.gather @!p0 [hbm4b:s13+s18], $0x2800, $0x38;
	[tilespmem:$0x17F00] =	vst v63  }
0x202: {  	_ =	swait.ge [sflag:s14], $0x50  }
0x203: {  	[sflag:s14] =	ssyncset.done $0x0  }
0x204: {  	[sflag:s14] =	ssyncadd.s32 $0xFFFFFFB0  }
0x205: {  	_ =	swait.ge [sflag:s14], $0x2800  }
0x206: {  	[sflag:s14] =	ssyncset.done $0x0  }
0x207: {  	[sflag:s14] =	ssyncadd.s32 $0xFFFFD800  }
0x208: {  	v3 =	vld [tilespmem:$0xC980]  }
0x209: {  	v63 =	vld [tilespmem:$0xC9C0];
	_ =	sdelay $0x3  }
0x20a: {  	(v2sf) =	vpush v3, $0x0  }
0x20b: {  	(v2sf) =	vpush v63, $0xF;
	_ =	sdelay $0xd  }
0x20c: {  	s24 =	spop (v2sf)  }
0x20d: {  	v3 =	vld [tilespmem:$0xC980];
	s26 =	spop (v2sf)  }
0x20e: {  	p1 =	sne.s32 s24, s26  }
.Ltmp11:
0x20f: {  	_ = 	snop;
	(pc) =	sbr.rel @p1 .LBB2_24-.Ltmp11, $3  }
0x210: {  	_ =	sdelay $0x1  }
0x211: {  	v3 =	vnsel vm0, $0x400, v3  }
0x212: {  	[tilespmem:$0xCC00] =	vst v3  }
0x213: {  	s26 =	simm.s32 $0x0  }
0x214: {  	v3 =	vld [tilespmem:s26+$0x7870]  }
0x215: {  	v5 =	vld [tilespmem:s26+$0x7800]  }
0x216: {  	v6 =	vld [tilespmem:s26+$0x7810]  }
0x217: {  	v14 =	vld [tilespmem:s26+$0x7820]  }
0x218: {  	v13 =	vld [tilespmem:s26+$0x7830]  }
0x219: {  	v4 =	vimm.f32 $0.0e+00;
	v9 =	vimm.f32 $0.0e+00;
	v10 =	vld [tilespmem:s26+$0x7840]  }
0x21a: {  	v11 =	vimm.f32 $0.0e+00;
	v7 =	vimm.f32 $0.0e+00;
	v12 =	vld [tilespmem:s26+$0x7850];
	v3 =	vadd.f32 v3, v4  }
0x21b: {  	s13 =	simm.s32 $0x80;
	s24 =	simm.s32 $0x400;
	v15 =	vld [tilespmem:s26+$0x7860];
	v8 =	vadd.f32 v5, v4;
	v6 =	vadd.f32 v6, v4;
	v5 =	vimm.f32 $0.0e+00  }
.LBB2_22:
0x21c: {  	p1 =	sne.s32 s24, $0x9E00;
	v16 =	vld [tilespmem:s13+$0x7870];
	v4 =	vadd.f32 v14, v4  }
0x21d: {  	v17 =	vld [tilespmem:s13+$0x7800];
	v9 =	vadd.f32 v13, v9  }
0x21e: {  	v18 =	vld [tilespmem:s13+$0x7810];
	v11 =	vadd.f32 v10, v11  }
.Ltmp12:
0x21f: {  	v14 =	vld [tilespmem:s13+$0x7820];
	v7 =	vadd.f32 v12, v7;
	(pc) =	sbr.rel @p1 .LBB2_22-.Ltmp12, $4  }
0x220: {  	v13 =	vld [tilespmem:s13+$0x7830];
	v5 =	vadd.f32 v15, v5  }
0x221: {  	v10 =	vld [tilespmem:s13+$0x7840];
	v3 =	vadd.f32 v16, v3  }
0x222: {  	v8 =	vadd.f32 v17, v8;
	v12 =	vld [tilespmem:s13+$0x7850]  }
0x223: {  	v6 =	vadd.f32 v18, v6;
	v15 =	vld [tilespmem:s13+$0x7860];
	s13 =	sshra.s32 s24, $0x2;
	s24 =	sadd.s32 $0x200, s24  }
0x224: {  	v17 =	vld [tilespmem:s13+$0x7800]  }
0x225: {  	v18 =	vld [tilespmem:s13+$0x7810]  }
0x226: {  	v19 =	vld [tilespmem:s13+$0x7820]  }
0x227: {  	v20 =	vld [tilespmem:s13+$0x7830]  }
0x228: {  	v21 =	vld [tilespmem:s13+$0x7840]  }
0x229: {  	v4 =	vadd.f32 v14, v4;
	v59 =	vld [tilespmem:s13+$0x7850];
	v8 =	vadd.f32 v17, v8  }
0x22a: {  	v16 =	vld [tilespmem:s13+$0x7870];
	v9 =	vadd.f32 v13, v9;
	v6 =	vadd.f32 v18, v6  }
0x22b: {  	v60 =	vld [tilespmem:s13+$0x7860];
	v10 =	vadd.f32 v10, v11;
	v4 =	vadd.f32 v19, v4;
	[tilespmem:$0x7800] =	vst v8  }
0x22c: {  	v7 =	vadd.f32 v12, v7;
	v61 =	vadd.f32 v20, v9;
	[tilespmem:$0x7810] =	vst v6  }
0x22d: {  	v62 =	vadd.f32 v21, v10;
	[tilespmem:$0x7820] =	vst v4  }
0x22e: {  	v5 =	vadd.f32 v15, v5;
	v63 =	vadd.f32 v59, v7;
	[tilespmem:$0x7830] =	vst v61  }
0x22f: {  	v3 =	vadd.f32 v16, v3;
	[tilespmem:$0x7840] =	vst v62  }
0x230: {  	v5 =	vadd.f32 v60, v5;
	[tilespmem:$0x7850] =	vst v63  }
0x231: {  	[tilespmem:$0x7870] =	vst v3  }
0x232: {  	s26 =	simm.s32 $0xCC00;
	[tilespmem:$0x7860] =	vst v5  }
0x233: {  	[spmem:s5] =	stream.indirect.scatter.add.f32 [tilespmem:s15], [sflag:$0x9], $0x80, s26, s30, $0xb8;
	[tilespmem:$0x17F00] =	vst v63  }
0x234: {  	_ = 	snop  }
0x235: {  	[spmem:s7] =	stream.indirect.scatter.add.f32 [tilespmem:s3], [sflag:$0x9], $0x80, s26, s30, $0xb8;
	[tilespmem:$0x17F00] =	vst v63  }
.LBB2_24:
0x236: {  	v3 =	vld [tilespmem:$0xC980]  }
0x237: {  	v4 =	vld [tilespmem:$0xC9C0];
	_ =	sdelay $0x3  }
0x238: {  	(v2sf) =	vpush v3, $0x0  }
0x239: {  	(v2sf) =	vpush v4, $0xF;
	_ =	sdelay $0xd  }
0x23a: {  	s13 =	spop (v2sf)  }
0x23b: {  	s24 =	spop (v2sf)  }
0x23c: {  	p1 =	seq.s32 s13, s24  }
0x23d: {  	s13 =	simm.s32 @!p1 $0x50;
	s24 =	simm.s32 @!p1 $0xC980;
	s26 =	simm.s32 @!p1 $0x7800  }
0x23e: {  	[spmem:s5] =	stream.indirect.scatter.add.f32 @!p1 [tilespmem:s26], [sflag:$0x9], $0x80, s24, s13, $0xb8;
	[tilespmem:$0x17F00] =	vst v63  }
0x23f: {  	s26 =	simm.s32 @!p1 $0xCD00  }
0x240: {  	[spmem:s7] =	stream.indirect.scatter.add.f32 @!p1 [tilespmem:s26], [sflag:$0x9], $0x80, s24, s13, $0xb8;
	[tilespmem:$0x17F00] =	vst v63  }
0x241: {  	v3 =	vld @!p0 [tilespmem:$0xC880]  }
0x242: {  	v4 =	vld @!p0 [tilespmem:$0xC8C0];
	_ =	sdelay $0x3  }
0x243: {  	(v2sf) =	vpush @!p0 v3, $0x0  }
0x244: {  	(v2sf) =	vpush @!p0 v4, $0xF;
	_ =	sdelay $0xd  }
0x245: {  	s13 =	spop @!p0 (v2sf)  }
0x246: {  	s24 =	spop @!p0 (v2sf)  }
0x247: {  	p1 =	sne.s32 @!p0 s13, s24  }
0x248: {  	p2 =	por !p1, p0  }
0x249: {  	s13 =	simm.s32 @!p2 $0x7  }
0x24a: {  	_ =	swait.ge @!p2 [sflag:s13], $0x2800  }
0x24b: {  	[sflag:s13] =	ssyncset.done @!p2 $0x0  }
0x24c: {  	[sflag:s13] =	ssyncadd.s32 @!p2 $0xFFFFD800  }
0x24d: {  	_ =	swait.ge @!p2 [sflag:s13], $0x2800  }
0x24e: {  	p1 =	por p1, p0;
	[sflag:s13] =	ssyncset.done @!p2 $0x0  }
0x24f: {  	[sflag:s13] =	ssyncadd.s32 @!p2 $0xFFFFD800;
	s13 =	simm.s32 @!p1 $0x7  }
0x250: {  	_ =	swait.ge @!p1 [sflag:s13], $0x800  }
0x251: {  	[sflag:s13] =	ssyncset.done @!p1 $0x0  }
0x252: {  	[sflag:s13] =	ssyncadd.s32 @!p1 $0xFFFFF800  }
0x253: {  	s24 =	sadd.s32 @!p0 s17, s22;
	_ =	swait.ge @!p1 [sflag:s13], $0x800  }
0x254: {  	s26 =	sshrl.u32 @!p0 s24, $0x3;
	[sflag:s13] =	ssyncset.done @!p1 $0x0  }
0x255: {  	[sflag:s13] =	ssyncadd.s32 @!p1 $0xFFFFF800;
	s13 =	sadd.s32 @!p0 s2, s26;
	s26 =	simm.s32 @!p0 $0xC880  }
0x256: {  	[tilespmem:s26], [sflag:$0x2] =	stream.linear.gather @!p0 [hbm4b:s13+s18], $0x50, $0x38;
	[tilespmem:$0x17F00] =	vst v63  }
0x257: {  	s13 =	sshll.u32 @!p0 s24, $0x4  }
0x258: {  	s24 =	simm.s32 @!p0 $0x2800;
	s13 =	sadd.s32 @!p0 s0, s13  }
0x259: {  	[tilespmem:s24], [sflag:$0x2] =	stream.linear.gather @!p0 [hbm4b:s13+s18], $0x2800, $0x38;
	[tilespmem:$0x17F00] =	vst v63  }
0x25a: {  	_ =	swait.ge [sflag:s25], $0x50  }
0x25b: {  	[sflag:s25] =	ssyncset.done $0x0  }
0x25c: {  	[sflag:s25] =	ssyncadd.s32 $0xFFFFFFB0  }
0x25d: {  	_ =	swait.ge [sflag:s25], $0x2800  }
0x25e: {  	[sflag:s25] =	ssyncset.done $0x0  }
0x25f: {  	[sflag:s25] =	ssyncadd.s32 $0xFFFFD800  }
0x260: {  	v3 =	vld [tilespmem:$0xCA00]  }
0x261: {  	v63 =	vld [tilespmem:$0xCA40];
	_ =	sdelay $0x3  }
0x262: {  	(v2sf) =	vpush v3, $0x0  }
0x263: {  	(v2sf) =	vpush v63, $0xF;
	_ =	sdelay $0xd  }
0x264: {  	s24 =	spop (v2sf)  }
0x265: {  	v3 =	vld [tilespmem:$0xCA00];
	s26 =	spop (v2sf)  }
0x266: {  	p1 =	sne.s32 s24, s26  }
.Ltmp13:
0x267: {  	_ = 	snop;
	(pc) =	sbr.rel @p1 .LBB2_28-.Ltmp13, $3  }
0x268: {  	_ =	sdelay $0x1  }
0x269: {  	v3 =	vnsel vm0, $0x400, v3  }
0x26a: {  	[tilespmem:$0xCC80] =	vst v3  }
0x26b: {  	s24 =	simm.s32 $0x0  }
0x26c: {  	v3 =	vld [tilespmem:s24+$0xA070]  }
0x26d: {  	v5 =	vld [tilespmem:s24+$0xA000]  }
0x26e: {  	v6 =	vld [tilespmem:s24+$0xA010]  }
0x26f: {  	v14 =	vld [tilespmem:s24+$0xA020]  }
0x270: {  	v13 =	vld [tilespmem:s24+$0xA030]  }
0x271: {  	v4 =	vimm.f32 $0.0e+00;
	v9 =	vimm.f32 $0.0e+00;
	v10 =	vld [tilespmem:s24+$0xA040]  }
0x272: {  	v11 =	vimm.f32 $0.0e+00;
	v7 =	vimm.f32 $0.0e+00;
	v12 =	vld [tilespmem:s24+$0xA050];
	v3 =	vadd.f32 v3, v4  }
0x273: {  	s13 =	simm.s32 $0x80;
	s18 =	simm.s32 $0x400;
	v15 =	vld [tilespmem:s24+$0xA060];
	v8 =	vadd.f32 v5, v4;
	v6 =	vadd.f32 v6, v4;
	v5 =	vimm.f32 $0.0e+00  }
.LBB2_26:
0x274: {  	p1 =	sne.s32 s18, $0x9E00;
	v16 =	vld [tilespmem:s13+$0xA070];
	v4 =	vadd.f32 v14, v4  }
0x275: {  	v17 =	vld [tilespmem:s13+$0xA000];
	v9 =	vadd.f32 v13, v9  }
0x276: {  	v18 =	vld [tilespmem:s13+$0xA010];
	v11 =	vadd.f32 v10, v11  }
.Ltmp14:
0x277: {  	v14 =	vld [tilespmem:s13+$0xA020];
	v7 =	vadd.f32 v12, v7;
	(pc) =	sbr.rel @p1 .LBB2_26-.Ltmp14, $4  }
0x278: {  	v13 =	vld [tilespmem:s13+$0xA030];
	v5 =	vadd.f32 v15, v5  }
0x279: {  	v10 =	vld [tilespmem:s13+$0xA040];
	v3 =	vadd.f32 v16, v3  }
0x27a: {  	v8 =	vadd.f32 v17, v8;
	v12 =	vld [tilespmem:s13+$0xA050]  }
0x27b: {  	v6 =	vadd.f32 v18, v6;
	v15 =	vld [tilespmem:s13+$0xA060];
	s13 =	sshra.s32 s18, $0x2;
	s18 =	sadd.s32 $0x200, s18  }
0x27c: {  	v17 =	vld [tilespmem:s13+$0xA000]  }
0x27d: {  	v18 =	vld [tilespmem:s13+$0xA010]  }
0x27e: {  	v19 =	vld [tilespmem:s13+$0xA020]  }
0x27f: {  	v20 =	vld [tilespmem:s13+$0xA030]  }
0x280: {  	v21 =	vld [tilespmem:s13+$0xA040]  }
0x281: {  	v4 =	vadd.f32 v14, v4;
	v59 =	vld [tilespmem:s13+$0xA050];
	v8 =	vadd.f32 v17, v8  }
0x282: {  	v16 =	vld [tilespmem:s13+$0xA070];
	v9 =	vadd.f32 v13, v9;
	v6 =	vadd.f32 v18, v6  }
0x283: {  	v60 =	vld [tilespmem:s13+$0xA060];
	v10 =	vadd.f32 v10, v11;
	v4 =	vadd.f32 v19, v4;
	[tilespmem:$0xA000] =	vst v8  }
0x284: {  	v7 =	vadd.f32 v12, v7;
	v61 =	vadd.f32 v20, v9;
	[tilespmem:$0xA010] =	vst v6  }
0x285: {  	v62 =	vadd.f32 v21, v10;
	[tilespmem:$0xA020] =	vst v4  }
0x286: {  	v5 =	vadd.f32 v15, v5;
	v63 =	vadd.f32 v59, v7;
	[tilespmem:$0xA030] =	vst v61  }
0x287: {  	v3 =	vadd.f32 v16, v3;
	[tilespmem:$0xA040] =	vst v62  }
0x288: {  	v5 =	vadd.f32 v60, v5;
	[tilespmem:$0xA050] =	vst v63  }
0x289: {  	[tilespmem:$0xA070] =	vst v3  }
0x28a: {  	s26 =	simm.s32 $0xCC80;
	[tilespmem:$0xA060] =	vst v5  }
0x28b: {  	[spmem:s5] =	stream.indirect.scatter.add.f32 [tilespmem:s11], [sflag:$0xA], $0x80, s26, s30, $0xb8;
	[tilespmem:$0x17F00] =	vst v63  }
0x28c: {  	_ = 	snop  }
0x28d: {  	[spmem:s7] =	stream.indirect.scatter.add.f32 [tilespmem:s3], [sflag:$0xA], $0x80, s26, s30, $0xb8;
	[tilespmem:$0x17F00] =	vst v63  }
.LBB2_28:
0x28e: {  	v3 =	vld [tilespmem:$0xCA00]  }
0x28f: {  	v4 =	vld [tilespmem:$0xCA40];
	_ =	sdelay $0x3  }
0x290: {  	(v2sf) =	vpush v3, $0x0  }
0x291: {  	(v2sf) =	vpush v4, $0xF;
	_ =	sdelay $0xd  }
0x292: {  	s13 =	spop (v2sf)  }
0x293: {  	s18 =	spop (v2sf)  }
.Ltmp15:
0x294: {  	p1 =	seq.s32 s13, s18;
	(pc) =	sbr.rel @p0 .LBB2_30-.Ltmp15, $4  }
0x295: {  	s13 =	simm.s32 @!p1 $0x50;
	s18 =	simm.s32 @!p1 $0xCA00;
	s24 =	simm.s32 @!p1 $0xA000  }
0x296: {  	[spmem:s5] =	stream.indirect.scatter.add.f32 @!p1 [tilespmem:s24], [sflag:$0xA], $0x80, s18, s13, $0xb8;
	[tilespmem:$0x17F00] =	vst v63  }
0x297: {  	s24 =	simm.s32 @!p1 $0xCD00  }
0x298: {  	[spmem:s7] =	stream.indirect.scatter.add.f32 @!p1 [tilespmem:s24], [sflag:$0xA], $0x80, s18, s13, $0xb8;
	[tilespmem:$0x17F00] =	vst v63  }
0x299: {  	v3 =	vld [tilespmem:$0xC900]  }
0x29a: {  	v4 =	vld [tilespmem:$0xC940];
	_ =	sdelay $0x3  }
0x29b: {  	(v2sf) =	vpush v3, $0x0  }
0x29c: {  	(v2sf) =	vpush v4, $0xF;
	_ =	sdelay $0xd  }
0x29d: {  	s13 =	spop (v2sf)  }
0x29e: {  	s18 =	spop (v2sf)  }
0x29f: {  	p0 =	sne.s32 s13, s18  }
0x2a0: {  	s13 =	simm.s32 @p0 $0x8  }
0x2a1: {  	_ =	swait.ge @p0 [sflag:s13], $0x2800  }
0x2a2: {  	[sflag:s13] =	ssyncset.done @p0 $0x0  }
0x2a3: {  	[sflag:s13] =	ssyncadd.s32 @p0 $0xFFFFD800  }
0x2a4: {  	_ =	swait.ge @p0 [sflag:s13], $0x2800  }
0x2a5: {  	[sflag:s13] =	ssyncset.done @p0 $0x0  }
0x2a6: {  	[sflag:s13] =	ssyncadd.s32 @p0 $0xFFFFD800;
	s13 =	simm.s32 @!p0 $0x8  }
0x2a7: {  	_ =	swait.ge @!p0 [sflag:s13], $0x800  }
0x2a8: {  	[sflag:s13] =	ssyncset.done @!p0 $0x0  }
0x2a9: {  	[sflag:s13] =	ssyncadd.s32 @!p0 $0xFFFFF800  }
0x2aa: {  	s17 =	sadd.s32 s17, s23;
	s24 =	simm.s32 $0xC900;
	_ =	swait.ge @!p0 [sflag:s13], $0x800  }
.Ltmp16:
0x2ab: {  	s26 =	sshrl.u32 s17, $0x3;
	[sflag:s13] =	ssyncset.done @!p0 $0x0;
	(pc) =	sbr.rel .LBB2_8-.Ltmp16, $4  }
0x2ac: {  	s18 =	sadd.s32 s2, s26;
	s26 =	sshll.u32 s17, $0x4;
	[sflag:s13] =	ssyncadd.s32 @!p0 $0xFFFFF800  }
0x2ad: {  	[tilespmem:s24], [sflag:$0x3] =	stream.linear.gather [hbm4b:s18+s9], $0x50, $0x38;
	[tilespmem:$0x17F00] =	vst v63  }
0x2ae: {  	s10 =	sadd.s32 $0x1, s10;
	s13 =	sadd.s32 s0, s26  }
0x2af: {  	[tilespmem:s28], [sflag:$0x3] =	stream.linear.gather [hbm4b:s13+s9], $0x2800, $0x38;
	[tilespmem:$0x17F00] =	vst v63  }
.LBB2_30:
0x2b0: {  	v3 =	vld [tilespmem:$0xC800]  }
0x2b1: {  	v4 =	vld [tilespmem:$0xC840];
	_ =	sdelay $0x3  }
0x2b2: {  	(v2sf) =	vpush v3, $0x0  }
0x2b3: {  	(v2sf) =	vpush v4, $0xF;
	_ =	sdelay $0xd  }
0x2b4: {  	s10 =	spop (v2sf)  }
0x2b5: {  	s13 =	spop (v2sf)  }
0x2b6: {  	p0 =	sne.s32 s10, s13  }
0x2b7: {  	s10 =	simm.s32 @p0 $0x6  }
0x2b8: {  	_ =	swait.ge @p0 [sflag:s10], $0x2800  }
0x2b9: {  	[sflag:s10] =	ssyncset.done @p0 $0x0  }
0x2ba: {  	[sflag:s10] =	ssyncadd.s32 @p0 $0xFFFFD800  }
0x2bb: {  	_ =	swait.ge @p0 [sflag:s10], $0x2800  }
0x2bc: {  	[sflag:s10] =	ssyncset.done @p0 $0x0  }
0x2bd: {  	[sflag:s10] =	ssyncadd.s32 @p0 $0xFFFFD800;
	s10 =	simm.s32 @!p0 $0x6  }
0x2be: {  	_ =	swait.ge @!p0 [sflag:s10], $0x800  }
0x2bf: {  	[sflag:s10] =	ssyncset.done @!p0 $0x0  }
0x2c0: {  	[sflag:s10] =	ssyncadd.s32 @!p0 $0xFFFFF800  }
0x2c1: {  	_ =	swait.ge @!p0 [sflag:s10], $0x800  }
0x2c2: {  	[sflag:s10] =	ssyncset.done @!p0 $0x0  }
0x2c3: {  	[sflag:s10] =	ssyncadd.s32 @!p0 $0xFFFFF800  }
0x2c4: {  	v3 =	vld [tilespmem:$0xC880]  }
0x2c5: {  	v60 =	vld [tilespmem:$0xC8C0];
	_ =	sdelay $0x3  }
0x2c6: {  	(v2sf) =	vpush v3, $0x0  }
0x2c7: {  	(v2sf) =	vpush v60, $0xF;
	_ =	sdelay $0xd  }
0x2c8: {  	s17 =	spop (v2sf)  }
0x2c9: {  	s18 =	spop (v2sf)  }
0x2ca: {  	p0 =	sne.s32 s17, s18  }
0x2cb: {  	s10 =	simm.s32 @p0 $0x7  }
0x2cc: {  	_ =	swait.ge @p0 [sflag:s10], $0x2800  }
0x2cd: {  	[sflag:s10] =	ssyncset.done @p0 $0x0  }
0x2ce: {  	[sflag:s10] =	ssyncadd.s32 @p0 $0xFFFFD800  }
0x2cf: {  	_ =	swait.ge @p0 [sflag:s10], $0x2800  }
0x2d0: {  	[sflag:s10] =	ssyncset.done @p0 $0x0  }
0x2d1: {  	[sflag:s10] =	ssyncadd.s32 @p0 $0xFFFFD800;
	s10 =	simm.s32 @!p0 $0x7  }
0x2d2: {  	_ =	swait.ge @!p0 [sflag:s10], $0x800  }
0x2d3: {  	[sflag:s10] =	ssyncset.done @!p0 $0x0  }
0x2d4: {  	[sflag:s10] =	ssyncadd.s32 @!p0 $0xFFFFF800  }
0x2d5: {  	_ =	swait.ge @!p0 [sflag:s10], $0x800  }
0x2d6: {  	[sflag:s10] =	ssyncset.done @!p0 $0x0  }
0x2d7: {  	[sflag:s10] =	ssyncadd.s32 @!p0 $0xFFFFF800  }
0x2d8: {  	v3 =	vld [tilespmem:$0xC900]  }
0x2d9: {  	v61 =	vld [tilespmem:$0xC940];
	_ =	sdelay $0x3  }
0x2da: {  	(v2sf) =	vpush v3, $0x0  }
0x2db: {  	(v2sf) =	vpush v61, $0xF;
	_ =	sdelay $0xd  }
0x2dc: {  	s24 =	spop (v2sf)  }
0x2dd: {  	s26 =	spop (v2sf)  }
0x2de: {  	p0 =	sne.s32 s24, s26  }
0x2df: {  	s10 =	simm.s32 @p0 $0x8  }
0x2e0: {  	_ =	swait.ge @p0 [sflag:s10], $0x2800  }
0x2e1: {  	[sflag:s10] =	ssyncset.done @p0 $0x0  }
0x2e2: {  	[sflag:s10] =	ssyncadd.s32 @p0 $0xFFFFD800  }
0x2e3: {  	_ =	swait.ge @p0 [sflag:s10], $0x2800  }
0x2e4: {  	[sflag:s10] =	ssyncset.done @p0 $0x0  }
0x2e5: {  	[sflag:s10] =	ssyncadd.s32 @p0 $0xFFFFD800;
	s10 =	simm.s32 @!p0 $0x8  }
0x2e6: {  	_ =	swait.ge @!p0 [sflag:s10], $0x800  }
0x2e7: {  	[sflag:s10] =	ssyncset.done @!p0 $0x0  }
0x2e8: {  	[sflag:s10] =	ssyncadd.s32 @!p0 $0xFFFFF800  }
0x2e9: {  	_ =	swait.ge @!p0 [sflag:s10], $0x800  }
0x2ea: {  	[sflag:s10] =	ssyncset.done @!p0 $0x0  }
0x2eb: {  	[sflag:s10] =	ssyncadd.s32 @!p0 $0xFFFFF800  }
0x2ec: {  	v3 =	vld [tilespmem:$0xC980]  }
0x2ed: {  	v62 =	vld [tilespmem:$0xC9C0];
	_ =	sdelay $0x3  }
0x2ee: {  	(v2sf) =	vpush v3, $0x0  }
0x2ef: {  	(v2sf) =	vpush v62, $0xF;
	_ =	sdelay $0xd  }
0x2f0: {  	s17 =	spop (v2sf)  }
0x2f1: {  	s18 =	spop (v2sf)  }
0x2f2: {  	p0 =	sne.s32 s17, s18  }
0x2f3: {  	s10 =	simm.s32 @p0 $0x9  }
0x2f4: {  	_ =	swait.ge @p0 [sflag:s10], $0x2800  }
0x2f5: {  	[sflag:s10] =	ssyncset.done @p0 $0x0  }
0x2f6: {  	[sflag:s10] =	ssyncadd.s32 @p0 $0xFFFFD800  }
0x2f7: {  	_ =	swait.ge @p0 [sflag:s10], $0x2800  }
0x2f8: {  	[sflag:s10] =	ssyncset.done @p0 $0x0  }
0x2f9: {  	[sflag:s10] =	ssyncadd.s32 @p0 $0xFFFFD800;
	s10 =	simm.s32 @!p0 $0x9  }
0x2fa: {  	_ =	swait.ge @!p0 [sflag:s10], $0x800  }
0x2fb: {  	[sflag:s10] =	ssyncset.done @!p0 $0x0  }
0x2fc: {  	[sflag:s10] =	ssyncadd.s32 @!p0 $0xFFFFF800  }
0x2fd: {  	_ =	swait.ge @!p0 [sflag:s10], $0x800  }
0x2fe: {  	[sflag:s10] =	ssyncset.done @!p0 $0x0  }
0x2ff: {  	[sflag:s10] =	ssyncadd.s32 @!p0 $0xFFFFF800  }
0x300: {  	v3 =	vld [tilespmem:$0xCA00]  }
0x301: {  	v63 =	vld [tilespmem:$0xCA40];
	_ =	sdelay $0x3  }
0x302: {  	(v2sf) =	vpush v3, $0x0  }
0x303: {  	(v2sf) =	vpush v63, $0xF;
	_ =	sdelay $0xd  }
0x304: {  	s24 =	spop (v2sf)  }
0x305: {  	s26 =	spop (v2sf)  }
0x306: {  	p0 =	sne.s32 s24, s26  }
0x307: {  	s10 =	simm.s32 @p0 $0xA  }
0x308: {  	_ =	swait.ge @p0 [sflag:s10], $0x2800  }
0x309: {  	[sflag:s10] =	ssyncset.done @p0 $0x0  }
0x30a: {  	[sflag:s10] =	ssyncadd.s32 @p0 $0xFFFFD800  }
0x30b: {  	_ =	swait.ge @p0 [sflag:s10], $0x2800  }
0x30c: {  	[sflag:s10] =	ssyncset.done @p0 $0x0  }
0x30d: {  	[sflag:s10] =	ssyncadd.s32 @p0 $0xFFFFD800;
	s10 =	simm.s32 @!p0 $0xA  }
0x30e: {  	_ =	swait.ge @!p0 [sflag:s10], $0x800  }
0x30f: {  	[sflag:s10] =	ssyncset.done @!p0 $0x0  }
0x310: {  	[sflag:s10] =	ssyncadd.s32 @!p0 $0xFFFFF800  }
0x311: {  	_ =	swait.ge @!p0 [sflag:s10], $0x800  }
0x312: {  	s31 =	simm.s32 $0x0;
	[sflag:s10] =	ssyncset.done @!p0 $0x0  }
0x313: {  	s17 =	simm.s32 $0xC800;
	s13 =	rddreg [dreg:$0x13];
	[sflag:s10] =	ssyncadd.s32 @!p0 $0xFFFFF800  }
0x314: {  	[tilespmem:s17], [sflag:$0x1] =	stream.linear.gather [hbm4b:s13+s31], $0x50, $0x38;
	[tilespmem:$0x17F00] =	vst v63  }
0x315: {  	s18 =	rddreg [dreg:$0x15]  }
0x316: {  	[tilespmem:s31], [sflag:$0x1] =	stream.linear.gather [hbm4b:s18+s31], $0x2800, $0x38;
	[tilespmem:$0x17F00] =	vst v63  }
0x317: {  	s26 =	simm.s32 $0xC880;
	s24 =	rddreg [dreg:$0x17]  }
0x318: {  	[tilespmem:s26], [sflag:$0x2] =	stream.linear.gather [hbm4b:s24+s31], $0x50, $0x38;
	[tilespmem:$0x17F00] =	vst v63  }
0x319: {  	s13 =	rddreg [dreg:$0x19];
	s17 =	simm.s32 $0x2800  }
0x31a: {  	[tilespmem:s17], [sflag:$0x2] =	stream.linear.gather [hbm4b:s13+s31], $0x2800, $0x38;
	[tilespmem:$0x17F00] =	vst v63  }
0x31b: {  	s18 =	rddreg [dreg:$0x1b];
	s24 =	simm.s32 $0xC900  }
0x31c: {  	[tilespmem:s24], [sflag:$0x3] =	stream.linear.gather [hbm4b:s18+s31], $0x50, $0x38;
	[tilespmem:$0x17F00] =	vst v63  }
0x31d: {  	s10 =	simm.s32 $0x0;
	s26 =	rddreg [dreg:$0x1d]  }
0x31e: {  	[tilespmem:s28], [sflag:$0x3] =	stream.linear.gather [hbm4b:s26+s31], $0x2800, $0x38;
	[tilespmem:$0x17F00] =	vst v63  }
.LBB2_31:
0x31f: {  	_ =	swait.ge [sflag:s29], $0x50  }
0x320: {  	[sflag:s29] =	ssyncset.done $0x0  }
0x321: {  	[sflag:s29] =	ssyncadd.s32 $0xFFFFFFB0  }
0x322: {  	_ =	swait.ge [sflag:s29], $0x2800  }
0x323: {  	[sflag:s29] =	ssyncset.done $0x0  }
0x324: {  	[sflag:s29] =	ssyncadd.s32 $0xFFFFD800  }
0x325: {  	v3 =	vld [tilespmem:$0xC800]  }
0x326: {  	v4 =	vld [tilespmem:$0xC840];
	_ =	sdelay $0x3  }
0x327: {  	(v2sf) =	vpush v3, $0x0  }
0x328: {  	(v2sf) =	vpush v4, $0xF;
	_ =	sdelay $0xd  }
0x329: {  	s13 =	spop (v2sf)  }
0x32a: {  	v3 =	vld [tilespmem:$0xC800];
	s17 =	spop (v2sf)  }
0x32b: {  	p0 =	sne.s32 s13, s17  }
.Ltmp17:
0x32c: {  	_ = 	snop;
	(pc) =	sbr.rel @p0 .LBB2_35-.Ltmp17, $3  }
0x32d: {  	_ =	sdelay $0x1  }
0x32e: {  	v3 =	vnsel vm0, $0x400, v3  }
0x32f: {  	v4 =	vimm.f32 $0.0e+00;
	[tilespmem:$0xCA80] =	vst v3  }
0x330: {  	s18 =	sshra.s32 s31, $0x2  }
0x331: {  	v3 =	vld [tilespmem:s18+$0x70]  }
0x332: {  	v5 =	vld [tilespmem:s18+$0x0]  }
0x333: {  	v6 =	vld [tilespmem:s18+$0x10]  }
0x334: {  	v14 =	vld [tilespmem:s18+$0x20]  }
0x335: {  	v11 =	vld [tilespmem:s18+$0x30]  }
0x336: {  	v10 =	vimm.f32 $0.0e+00;
	v7 =	vld [tilespmem:s18+$0x40]  }
0x337: {  	s17 =	sadd.s32 $0x200, s31;
	v12 =	vimm.f32 $0.0e+00;
	v8 =	vimm.f32 $0.0e+00;
	v13 =	vld [tilespmem:s18+$0x50];
	v3 =	vadd.f32 v3, v4  }
0x338: {  	s13 =	sshra.s32 s17, $0x2;
	s17 =	sadd.s32 $0x200, s17;
	v15 =	vld [tilespmem:s18+$0x60];
	v9 =	vadd.f32 v5, v4;
	v6 =	vadd.f32 v6, v4;
	v5 =	vimm.f32 $0.0e+00  }
.LBB2_33:
0x339: {  	p0 =	sne.s32 s17, $0x9E00;
	v16 =	vld [tilespmem:s13+$0x70];
	v4 =	vadd.f32 v14, v4  }
0x33a: {  	v17 =	vld [tilespmem:s13+$0x0];
	v10 =	vadd.f32 v11, v10  }
0x33b: {  	v18 =	vld [tilespmem:s13+$0x10];
	v12 =	vadd.f32 v7, v12  }
.Ltmp18:
0x33c: {  	v14 =	vld [tilespmem:s13+$0x20];
	v8 =	vadd.f32 v13, v8;
	(pc) =	sbr.rel @p0 .LBB2_33-.Ltmp18, $4  }
0x33d: {  	v11 =	vld [tilespmem:s13+$0x30];
	v5 =	vadd.f32 v15, v5  }
0x33e: {  	v7 =	vld [tilespmem:s13+$0x40];
	v3 =	vadd.f32 v16, v3  }
0x33f: {  	v9 =	vadd.f32 v17, v9;
	v13 =	vld [tilespmem:s13+$0x50]  }
0x340: {  	v6 =	vadd.f32 v18, v6;
	v15 =	vld [tilespmem:s13+$0x60];
	s13 =	sshra.s32 s17, $0x2;
	s17 =	sadd.s32 $0x200, s17  }
0x341: {  	v17 =	vld [tilespmem:s13+$0x0]  }
0x342: {  	v18 =	vld [tilespmem:s13+$0x10]  }
0x343: {  	v19 =	vld [tilespmem:s13+$0x20]  }
0x344: {  	v20 =	vld [tilespmem:s13+$0x30]  }
0x345: {  	v21 =	vld [tilespmem:s13+$0x40]  }
0x346: {  	v4 =	vadd.f32 v14, v4;
	v59 =	vld [tilespmem:s13+$0x50];
	v9 =	vadd.f32 v17, v9  }
0x347: {  	v16 =	vld [tilespmem:s13+$0x70];
	v10 =	vadd.f32 v11, v10;
	v6 =	vadd.f32 v18, v6  }
0x348: {  	v60 =	vld [tilespmem:s13+$0x60];
	v7 =	vadd.f32 v7, v12;
	v4 =	vadd.f32 v19, v4;
	[tilespmem:$0x0] =	vst v9  }
0x349: {  	v8 =	vadd.f32 v13, v8;
	v61 =	vadd.f32 v20, v10;
	[tilespmem:$0x10] =	vst v6  }
0x34a: {  	v62 =	vadd.f32 v21, v7;
	[tilespmem:$0x20] =	vst v4  }
0x34b: {  	v5 =	vadd.f32 v15, v5;
	v63 =	vadd.f32 v59, v8;
	[tilespmem:$0x30] =	vst v61  }
0x34c: {  	v3 =	vadd.f32 v16, v3;
	[tilespmem:$0x40] =	vst v62  }
0x34d: {  	v5 =	vadd.f32 v60, v5;
	[tilespmem:$0x50] =	vst v63  }
0x34e: {  	[tilespmem:$0x70] =	vst v3  }
0x34f: {  	s26 =	simm.s32 $0xCA80;
	[tilespmem:$0x60] =	vst v5  }
0x350: {  	[spmem:s6] =	stream.indirect.scatter.add.f32 [tilespmem:s9], [sflag:$0x6], $0x80, s26, s30, $0xb8;
	[tilespmem:$0x17F00] =	vst v63  }
0x351: {  	_ = 	snop  }
0x352: {  	[spmem:s8] =	stream.indirect.scatter.add.f32 [tilespmem:s3], [sflag:$0x6], $0x80, s26, s30, $0xb8;
	[tilespmem:$0x17F00] =	vst v63  }
.LBB2_35:
0x353: {  	v3 =	vld [tilespmem:$0xC800]  }
0x354: {  	v4 =	vld [tilespmem:$0xC840];
	_ =	sdelay $0x3  }
0x355: {  	(v2sf) =	vpush v3, $0x0  }
0x356: {  	(v2sf) =	vpush v4, $0xF;
	_ =	sdelay $0xd  }
0x357: {  	s13 =	spop (v2sf)  }
0x358: {  	s17 =	spop (v2sf)  }
0x359: {  	p0 =	seq.s32 s13, s17  }
0x35a: {  	s13 =	simm.s32 @!p0 $0x50;
	s17 =	simm.s32 @!p0 $0xC800;
	s18 =	simm.s32 @!p0 $0x0  }
0x35b: {  	[spmem:s6] =	stream.indirect.scatter.add.f32 @!p0 [tilespmem:s18], [sflag:$0x6], $0x80, s17, s13, $0xb8;
	[tilespmem:$0x17F00] =	vst v63  }
0x35c: {  	s18 =	simm.s32 @!p0 $0xCD00  }
0x35d: {  	[spmem:s8] =	stream.indirect.scatter.add.f32 @!p0 [tilespmem:s18], [sflag:$0x6], $0x80, s17, s13, $0xb8;
	[tilespmem:$0x17F00] =	vst v63  }
0x35e: {  	p0 =	seq.s32 s10, $0x0  }
0x35f: {  	v3 =	vld @!p0 [tilespmem:$0xC980]  }
0x360: {  	v4 =	vld @!p0 [tilespmem:$0xC9C0];
	_ =	sdelay $0x3  }
0x361: {  	(v2sf) =	vpush @!p0 v3, $0x0  }
0x362: {  	(v2sf) =	vpush @!p0 v4, $0xF;
	_ =	sdelay $0xd  }
0x363: {  	s13 =	spop @!p0 (v2sf)  }
0x364: {  	s17 =	spop @!p0 (v2sf)  }
0x365: {  	p1 =	sne.s32 @!p0 s13, s17  }
0x366: {  	p2 =	por !p1, p0  }
0x367: {  	s13 =	simm.s32 @!p2 $0x9  }
0x368: {  	_ =	swait.ge @!p2 [sflag:s13], $0x2800  }
0x369: {  	[sflag:s13] =	ssyncset.done @!p2 $0x0  }
0x36a: {  	[sflag:s13] =	ssyncadd.s32 @!p2 $0xFFFFD800  }
0x36b: {  	_ =	swait.ge @!p2 [sflag:s13], $0x2800  }
0x36c: {  	p1 =	por p1, p0;
	[sflag:s13] =	ssyncset.done @!p2 $0x0  }
0x36d: {  	[sflag:s13] =	ssyncadd.s32 @!p2 $0xFFFFD800;
	s13 =	simm.s32 @!p1 $0x9  }
0x36e: {  	_ =	swait.ge @!p1 [sflag:s13], $0x800  }
0x36f: {  	s17 =	smul.u32 $0x190, s10;
	[sflag:s13] =	ssyncset.done @!p1 $0x0  }
0x370: {  	[sflag:s13] =	ssyncadd.s32 @!p1 $0xFFFFF800  }
0x371: {  	s26 =	simm.s32 $0xC980;
	s18 =	sadd.s32 s17, s19;
	_ =	swait.ge @!p1 [sflag:s13], $0x800  }
0x372: {  	s24 =	sshrl.u32 s18, $0x3;
	s18 =	sshll.u32 s18, $0x4;
	[sflag:s13] =	ssyncset.done @!p1 $0x0  }
0x373: {  	s24 =	sadd.s32 s4, s24;
	[sflag:s13] =	ssyncadd.s32 @!p1 $0xFFFFF800;
	s13 =	simm.s32 $0x0  }
0x374: {  	[tilespmem:s26], [sflag:$0x4] =	stream.linear.gather [hbm4b:s24+s13], $0x50, $0x38;
	[tilespmem:$0x17F00] =	vst v63  }
0x375: {  	s18 =	sadd.s32 s1, s18  }
0x376: {  	[tilespmem:s15], [sflag:$0x4] =	stream.linear.gather [hbm4b:s18+s13], $0x2800, $0x38;
	[tilespmem:$0x17F00] =	vst v63  }
0x377: {  	_ =	swait.ge [sflag:s16], $0x50  }
0x378: {  	[sflag:s16] =	ssyncset.done $0x0  }
0x379: {  	[sflag:s16] =	ssyncadd.s32 $0xFFFFFFB0  }
0x37a: {  	_ =	swait.ge [sflag:s16], $0x2800  }
0x37b: {  	[sflag:s16] =	ssyncset.done $0x0  }
0x37c: {  	[sflag:s16] =	ssyncadd.s32 $0xFFFFD800  }
0x37d: {  	v3 =	vld [tilespmem:$0xC880]  }
0x37e: {  	v4 =	vld [tilespmem:$0xC8C0];
	_ =	sdelay $0x3  }
0x37f: {  	(v2sf) =	vpush v3, $0x0  }
0x380: {  	(v2sf) =	vpush v4, $0xF;
	_ =	sdelay $0xd  }
0x381: {  	s24 =	spop (v2sf)  }
0x382: {  	v3 =	vld [tilespmem:$0xC880];
	s26 =	spop (v2sf)  }
0x383: {  	p1 =	sne.s32 s24, s26  }
.Ltmp19:
0x384: {  	_ = 	snop;
	(pc) =	sbr.rel @p1 .LBB2_39-.Ltmp19, $3  }
0x385: {  	_ =	sdelay $0x1  }
0x386: {  	v3 =	vnsel vm0, $0x400, v3  }
0x387: {  	v4 =	vimm.f32 $0.0e+00;
	[tilespmem:$0xCB00] =	vst v3  }
0x388: {  	s24 =	sshra.s32 s13, $0x2  }
0x389: {  	v3 =	vld [tilespmem:s24+$0x2870]  }
0x38a: {  	v5 =	vld [tilespmem:s24+$0x2800]  }
0x38b: {  	v6 =	vld [tilespmem:s24+$0x2810]  }
0x38c: {  	v14 =	vld [tilespmem:s24+$0x2820]  }
0x38d: {  	v11 =	vld [tilespmem:s24+$0x2830]  }
0x38e: {  	v10 =	vimm.f32 $0.0e+00;
	v7 =	vld [tilespmem:s24+$0x2840]  }
0x38f: {  	s18 =	sadd.s32 $0x200, s13;
	v12 =	vimm.f32 $0.0e+00;
	v8 =	vimm.f32 $0.0e+00;
	v13 =	vld [tilespmem:s24+$0x2850];
	v3 =	vadd.f32 v3, v4  }
0x390: {  	s13 =	sshra.s32 s18, $0x2;
	s18 =	sadd.s32 $0x200, s18;
	v15 =	vld [tilespmem:s24+$0x2860];
	v9 =	vadd.f32 v5, v4;
	v6 =	vadd.f32 v6, v4;
	v5 =	vimm.f32 $0.0e+00  }
.LBB2_37:
0x391: {  	p1 =	sne.s32 s18, $0x9E00;
	v16 =	vld [tilespmem:s13+$0x2870];
	v4 =	vadd.f32 v14, v4  }
0x392: {  	v17 =	vld [tilespmem:s13+$0x2800];
	v10 =	vadd.f32 v11, v10  }
0x393: {  	v18 =	vld [tilespmem:s13+$0x2810];
	v12 =	vadd.f32 v7, v12  }
.Ltmp20:
0x394: {  	v14 =	vld [tilespmem:s13+$0x2820];
	v8 =	vadd.f32 v13, v8;
	(pc) =	sbr.rel @p1 .LBB2_37-.Ltmp20, $4  }
0x395: {  	v11 =	vld [tilespmem:s13+$0x2830];
	v5 =	vadd.f32 v15, v5  }
0x396: {  	v7 =	vld [tilespmem:s13+$0x2840];
	v3 =	vadd.f32 v16, v3  }
0x397: {  	v9 =	vadd.f32 v17, v9;
	v13 =	vld [tilespmem:s13+$0x2850]  }
0x398: {  	v6 =	vadd.f32 v18, v6;
	v15 =	vld [tilespmem:s13+$0x2860];
	s13 =	sshra.s32 s18, $0x2;
	s18 =	sadd.s32 $0x200, s18  }
0x399: {  	v17 =	vld [tilespmem:s13+$0x2800]  }
0x39a: {  	v18 =	vld [tilespmem:s13+$0x2810]  }
0x39b: {  	v19 =	vld [tilespmem:s13+$0x2820]  }
0x39c: {  	v20 =	vld [tilespmem:s13+$0x2830]  }
0x39d: {  	v21 =	vld [tilespmem:s13+$0x2840]  }
0x39e: {  	v4 =	vadd.f32 v14, v4;
	v59 =	vld [tilespmem:s13+$0x2850];
	v9 =	vadd.f32 v17, v9  }
0x39f: {  	v16 =	vld [tilespmem:s13+$0x2870];
	v10 =	vadd.f32 v11, v10;
	v6 =	vadd.f32 v18, v6  }
0x3a0: {  	v60 =	vld [tilespmem:s13+$0x2860];
	v7 =	vadd.f32 v7, v12;
	v4 =	vadd.f32 v19, v4;
	[tilespmem:$0x2800] =	vst v9  }
0x3a1: {  	v8 =	vadd.f32 v13, v8;
	v61 =	vadd.f32 v20, v10;
	[tilespmem:$0x2810] =	vst v6  }
0x3a2: {  	v62 =	vadd.f32 v21, v7;
	[tilespmem:$0x2820] =	vst v4  }
0x3a3: {  	v5 =	vadd.f32 v15, v5;
	v63 =	vadd.f32 v59, v8;
	[tilespmem:$0x2830] =	vst v61  }
0x3a4: {  	v3 =	vadd.f32 v16, v3;
	[tilespmem:$0x2840] =	vst v62  }
0x3a5: {  	v5 =	vadd.f32 v60, v5;
	[tilespmem:$0x2850] =	vst v63  }
0x3a6: {  	[tilespmem:$0x2870] =	vst v3  }
0x3a7: {  	s26 =	simm.s32 $0x2800;
	s18 =	simm.s32 $0xCB00;
	[tilespmem:$0x2860] =	vst v5  }
0x3a8: {  	[spmem:s6] =	stream.indirect.scatter.add.f32 [tilespmem:s26], [sflag:$0x7], $0x80, s18, s30, $0xb8;
	[tilespmem:$0x17F00] =	vst v63  }
0x3a9: {  	_ = 	snop  }
0x3aa: {  	[spmem:s8] =	stream.indirect.scatter.add.f32 [tilespmem:s3], [sflag:$0x7], $0x80, s18, s30, $0xb8;
	[tilespmem:$0x17F00] =	vst v63  }
.LBB2_39:
0x3ab: {  	v3 =	vld [tilespmem:$0xC880]  }
0x3ac: {  	v4 =	vld [tilespmem:$0xC8C0];
	_ =	sdelay $0x3  }
0x3ad: {  	(v2sf) =	vpush v3, $0x0  }
0x3ae: {  	(v2sf) =	vpush v4, $0xF;
	_ =	sdelay $0xd  }
0x3af: {  	s13 =	spop (v2sf)  }
0x3b0: {  	s18 =	spop (v2sf)  }
0x3b1: {  	p1 =	seq.s32 s13, s18  }
0x3b2: {  	s13 =	simm.s32 @!p1 $0x50;
	s18 =	simm.s32 @!p1 $0xC880;
	s24 =	simm.s32 @!p1 $0x2800  }
0x3b3: {  	[spmem:s6] =	stream.indirect.scatter.add.f32 @!p1 [tilespmem:s24], [sflag:$0x7], $0x80, s18, s13, $0xb8;
	[tilespmem:$0x17F00] =	vst v63  }
0x3b4: {  	s24 =	simm.s32 @!p1 $0xCD00  }
0x3b5: {  	[spmem:s8] =	stream.indirect.scatter.add.f32 @!p1 [tilespmem:s24], [sflag:$0x7], $0x80, s18, s13, $0xb8;
	[tilespmem:$0x17F00] =	vst v63  }
0x3b6: {  	v3 =	vld @!p0 [tilespmem:$0xCA00]  }
0x3b7: {  	v4 =	vld @!p0 [tilespmem:$0xCA40];
	_ =	sdelay $0x3  }
0x3b8: {  	(v2sf) =	vpush @!p0 v3, $0x0  }
0x3b9: {  	(v2sf) =	vpush @!p0 v4, $0xF;
	_ =	sdelay $0xd  }
0x3ba: {  	s13 =	spop @!p0 (v2sf)  }
0x3bb: {  	s18 =	spop @!p0 (v2sf)  }
0x3bc: {  	p1 =	sne.s32 @!p0 s13, s18  }
0x3bd: {  	p2 =	por !p1, p0  }
0x3be: {  	s13 =	simm.s32 @!p2 $0xA  }
0x3bf: {  	_ =	swait.ge @!p2 [sflag:s13], $0x2800  }
0x3c0: {  	[sflag:s13] =	ssyncset.done @!p2 $0x0  }
0x3c1: {  	[sflag:s13] =	ssyncadd.s32 @!p2 $0xFFFFD800  }
0x3c2: {  	_ =	swait.ge @!p2 [sflag:s13], $0x2800  }
0x3c3: {  	p0 =	por p1, p0;
	[sflag:s13] =	ssyncset.done @!p2 $0x0  }
0x3c4: {  	[sflag:s13] =	ssyncadd.s32 @!p2 $0xFFFFD800;
	s13 =	simm.s32 @!p0 $0xA  }
0x3c5: {  	_ =	swait.ge @!p0 [sflag:s13], $0x800  }
0x3c6: {  	[sflag:s13] =	ssyncset.done @!p0 $0x0  }
0x3c7: {  	s18 =	sadd.s32 s17, s20;
	[sflag:s13] =	ssyncadd.s32 @!p0 $0xFFFFF800  }
0x3c8: {  	s26 =	sshrl.u32 s18, $0x3;
	_ =	swait.ge @!p0 [sflag:s13], $0x800  }
0x3c9: {  	s18 =	sshll.u32 s18, $0x4;
	s24 =	sadd.s32 s4, s26;
	[sflag:s13] =	ssyncset.done @!p0 $0x0  }
0x3ca: {  	s26 =	simm.s32 $0xCA00;
	[sflag:s13] =	ssyncadd.s32 @!p0 $0xFFFFF800;
	s13 =	simm.s32 $0x0  }
0x3cb: {  	[tilespmem:s26], [sflag:$0x5] =	stream.linear.gather [hbm4b:s24+s13], $0x50, $0x38;
	[tilespmem:$0x17F00] =	vst v63  }
0x3cc: {  	s18 =	sadd.s32 s1, s18  }
0x3cd: {  	[tilespmem:s11], [sflag:$0x5] =	stream.linear.gather [hbm4b:s18+s13], $0x2800, $0x38;
	[tilespmem:$0x17F00] =	vst v63  }
0x3ce: {  	_ =	swait.ge [sflag:s12], $0x50  }
0x3cf: {  	[sflag:s12] =	ssyncset.done $0x0  }
0x3d0: {  	[sflag:s12] =	ssyncadd.s32 $0xFFFFFFB0  }
0x3d1: {  	_ =	swait.ge [sflag:s12], $0x2800  }
0x3d2: {  	[sflag:s12] =	ssyncset.done $0x0  }
0x3d3: {  	[sflag:s12] =	ssyncadd.s32 $0xFFFFD800  }
0x3d4: {  	v3 =	vld [tilespmem:$0xC900]  }
0x3d5: {  	v4 =	vld [tilespmem:$0xC940];
	_ =	sdelay $0x3  }
0x3d6: {  	(v2sf) =	vpush v3, $0x0  }
0x3d7: {  	(v2sf) =	vpush v4, $0xF;
	_ =	sdelay $0xd  }
0x3d8: {  	s24 =	spop (v2sf)  }
0x3d9: {  	v3 =	vld [tilespmem:$0xC900];
	s26 =	spop (v2sf)  }
0x3da: {  	p0 =	sne.s32 s24, s26  }
.Ltmp21:
0x3db: {  	_ = 	snop;
	(pc) =	sbr.rel @p0 .LBB2_43-.Ltmp21, $3  }
0x3dc: {  	_ =	sdelay $0x1  }
0x3dd: {  	v3 =	vnsel vm0, $0x400, v3  }
0x3de: {  	v4 =	vimm.f32 $0.0e+00;
	[tilespmem:$0xCB80] =	vst v3  }
0x3df: {  	s24 =	sshra.s32 s13, $0x2  }
0x3e0: {  	v3 =	vld [tilespmem:s24+$0x5070]  }
0x3e1: {  	v5 =	vld [tilespmem:s24+$0x5000]  }
0x3e2: {  	v6 =	vld [tilespmem:s24+$0x5010]  }
0x3e3: {  	v14 =	vld [tilespmem:s24+$0x5020]  }
0x3e4: {  	v11 =	vld [tilespmem:s24+$0x5030]  }
0x3e5: {  	v10 =	vimm.f32 $0.0e+00;
	v7 =	vld [tilespmem:s24+$0x5040]  }
0x3e6: {  	s18 =	sadd.s32 $0x200, s13;
	v12 =	vimm.f32 $0.0e+00;
	v8 =	vimm.f32 $0.0e+00;
	v13 =	vld [tilespmem:s24+$0x5050];
	v3 =	vadd.f32 v3, v4  }
0x3e7: {  	s13 =	sshra.s32 s18, $0x2;
	s18 =	sadd.s32 $0x200, s18;
	v15 =	vld [tilespmem:s24+$0x5060];
	v9 =	vadd.f32 v5, v4;
	v6 =	vadd.f32 v6, v4;
	v5 =	vimm.f32 $0.0e+00  }
.LBB2_41:
0x3e8: {  	p0 =	sne.s32 s18, $0x9E00;
	v16 =	vld [tilespmem:s13+$0x5070];
	v4 =	vadd.f32 v14, v4  }
0x3e9: {  	v17 =	vld [tilespmem:s13+$0x5000];
	v10 =	vadd.f32 v11, v10  }
0x3ea: {  	v18 =	vld [tilespmem:s13+$0x5010];
	v12 =	vadd.f32 v7, v12  }
.Ltmp22:
0x3eb: {  	v14 =	vld [tilespmem:s13+$0x5020];
	v8 =	vadd.f32 v13, v8;
	(pc) =	sbr.rel @p0 .LBB2_41-.Ltmp22, $4  }
0x3ec: {  	v11 =	vld [tilespmem:s13+$0x5030];
	v5 =	vadd.f32 v15, v5  }
0x3ed: {  	v7 =	vld [tilespmem:s13+$0x5040];
	v3 =	vadd.f32 v16, v3  }
0x3ee: {  	v9 =	vadd.f32 v17, v9;
	v13 =	vld [tilespmem:s13+$0x5050]  }
0x3ef: {  	v6 =	vadd.f32 v18, v6;
	v15 =	vld [tilespmem:s13+$0x5060];
	s13 =	sshra.s32 s18, $0x2;
	s18 =	sadd.s32 $0x200, s18  }
0x3f0: {  	v17 =	vld [tilespmem:s13+$0x5000]  }
0x3f1: {  	v18 =	vld [tilespmem:s13+$0x5010]  }
0x3f2: {  	v19 =	vld [tilespmem:s13+$0x5020]  }
0x3f3: {  	v20 =	vld [tilespmem:s13+$0x5030]  }
0x3f4: {  	v21 =	vld [tilespmem:s13+$0x5040]  }
0x3f5: {  	v4 =	vadd.f32 v14, v4;
	v59 =	vld [tilespmem:s13+$0x5050];
	v9 =	vadd.f32 v17, v9  }
0x3f6: {  	v16 =	vld [tilespmem:s13+$0x5070];
	v10 =	vadd.f32 v11, v10;
	v6 =	vadd.f32 v18, v6  }
0x3f7: {  	v60 =	vld [tilespmem:s13+$0x5060];
	v7 =	vadd.f32 v7, v12;
	v4 =	vadd.f32 v19, v4;
	[tilespmem:$0x5000] =	vst v9  }
0x3f8: {  	v8 =	vadd.f32 v13, v8;
	v61 =	vadd.f32 v20, v10;
	[tilespmem:$0x5010] =	vst v6  }
0x3f9: {  	v62 =	vadd.f32 v21, v7;
	[tilespmem:$0x5020] =	vst v4  }
0x3fa: {  	v5 =	vadd.f32 v15, v5;
	v63 =	vadd.f32 v59, v8;
	[tilespmem:$0x5030] =	vst v61  }
0x3fb: {  	v3 =	vadd.f32 v16, v3;
	[tilespmem:$0x5040] =	vst v62  }
0x3fc: {  	v5 =	vadd.f32 v60, v5;
	[tilespmem:$0x5050] =	vst v63  }
0x3fd: {  	[tilespmem:$0x5070] =	vst v3  }
0x3fe: {  	s26 =	simm.s32 $0xCB80;
	[tilespmem:$0x5060] =	vst v5  }
0x3ff: {  	[spmem:s6] =	stream.indirect.scatter.add.f32 [tilespmem:s28], [sflag:$0x8], $0x80, s26, s30, $0xb8;
	[tilespmem:$0x17F00] =	vst v63  }
0x400: {  	_ = 	snop  }
0x401: {  	[spmem:s8] =	stream.indirect.scatter.add.f32 [tilespmem:s3], [sflag:$0x8], $0x80, s26, s30, $0xb8;
	[tilespmem:$0x17F00] =	vst v63  }
.LBB2_43:
0x402: {  	v3 =	vld [tilespmem:$0xC900]  }
0x403: {  	v4 =	vld [tilespmem:$0xC940];
	_ =	sdelay $0x3  }
0x404: {  	(v2sf) =	vpush v3, $0x0  }
0x405: {  	(v2sf) =	vpush v4, $0xF;
	_ =	sdelay $0xd  }
0x406: {  	s13 =	spop (v2sf)  }
0x407: {  	s18 =	spop (v2sf)  }
0x408: {  	p0 =	seq.s32 s13, s18  }
0x409: {  	s13 =	simm.s32 @!p0 $0x50;
	s18 =	simm.s32 @!p0 $0xC900;
	s24 =	simm.s32 @!p0 $0x5000  }
0x40a: {  	[spmem:s6] =	stream.indirect.scatter.add.f32 @!p0 [tilespmem:s24], [sflag:$0x8], $0x80, s18, s13, $0xb8;
	[tilespmem:$0x17F00] =	vst v63  }
0x40b: {  	s24 =	simm.s32 @!p0 $0xCD00  }
0x40c: {  	[spmem:s8] =	stream.indirect.scatter.add.f32 @!p0 [tilespmem:s24], [sflag:$0x8], $0x80, s18, s13, $0xb8;
	[tilespmem:$0x17F00] =	vst v63  }
0x40d: {  	p0 =	seq.s32 s10, $0x18  }
0x40e: {  	v3 =	vld @!p0 [tilespmem:$0xC800]  }
0x40f: {  	v4 =	vld @!p0 [tilespmem:$0xC840];
	_ =	sdelay $0x3  }
0x410: {  	(v2sf) =	vpush @!p0 v3, $0x0  }
0x411: {  	(v2sf) =	vpush @!p0 v4, $0xF;
	_ =	sdelay $0xd  }
0x412: {  	s13 =	spop @!p0 (v2sf)  }
0x413: {  	s18 =	spop @!p0 (v2sf)  }
0x414: {  	p1 =	sne.s32 @!p0 s13, s18  }
0x415: {  	p2 =	por !p1, p0  }
0x416: {  	s13 =	simm.s32 @!p2 $0x6  }
0x417: {  	_ =	swait.ge @!p2 [sflag:s13], $0x2800  }
0x418: {  	[sflag:s13] =	ssyncset.done @!p2 $0x0  }
0x419: {  	[sflag:s13] =	ssyncadd.s32 @!p2 $0xFFFFD800  }
0x41a: {  	_ =	swait.ge @!p2 [sflag:s13], $0x2800  }
0x41b: {  	p1 =	por p1, p0;
	[sflag:s13] =	ssyncset.done @!p2 $0x0  }
0x41c: {  	[sflag:s13] =	ssyncadd.s32 @!p2 $0xFFFFD800;
	s13 =	simm.s32 @!p1 $0x6  }
0x41d: {  	_ =	swait.ge @!p1 [sflag:s13], $0x800  }
0x41e: {  	[sflag:s13] =	ssyncset.done @!p1 $0x0  }
0x41f: {  	[sflag:s13] =	ssyncadd.s32 @!p1 $0xFFFFF800  }
0x420: {  	_ =	swait.ge @!p1 [sflag:s13], $0x800  }
0x421: {  	s24 =	sadd.s32 @!p0 s17, s21;
	[sflag:s13] =	ssyncset.done @!p1 $0x0  }
0x422: {  	[sflag:s13] =	ssyncadd.s32 @!p1 $0xFFFFF800;
	s13 =	sshrl.u32 @!p0 s24, $0x3  }
0x423: {  	s26 =	simm.s32 @!p0 $0xC800;
	s18 =	simm.s32 @!p0 $0x0;
	s13 =	sadd.s32 @!p0 s4, s13  }
0x424: {  	[tilespmem:s26], [sflag:$0x1] =	stream.linear.gather @!p0 [hbm4b:s13+s18], $0x50, $0x38;
	[tilespmem:$0x17F00] =	vst v63  }
0x425: {  	s13 =	sshll.u32 @!p0 s24, $0x4  }
0x426: {  	s13 =	sadd.s32 @!p0 s1, s13  }
0x427: {  	[tilespmem:s18], [sflag:$0x1] =	stream.linear.gather @!p0 [hbm4b:s13+s18], $0x2800, $0x38;
	[tilespmem:$0x17F00] =	vst v63  }
0x428: {  	_ =	swait.ge [sflag:s14], $0x50  }
0x429: {  	[sflag:s14] =	ssyncset.done $0x0  }
0x42a: {  	[sflag:s14] =	ssyncadd.s32 $0xFFFFFFB0  }
0x42b: {  	_ =	swait.ge [sflag:s14], $0x2800  }
0x42c: {  	[sflag:s14] =	ssyncset.done $0x0  }
0x42d: {  	[sflag:s14] =	ssyncadd.s32 $0xFFFFD800  }
0x42e: {  	v3 =	vld [tilespmem:$0xC980]  }
0x42f: {  	v63 =	vld [tilespmem:$0xC9C0];
	_ =	sdelay $0x3  }
0x430: {  	(v2sf) =	vpush v3, $0x0  }
0x431: {  	(v2sf) =	vpush v63, $0xF;
	_ =	sdelay $0xd  }
0x432: {  	s24 =	spop (v2sf)  }
0x433: {  	v3 =	vld [tilespmem:$0xC980];
	s26 =	spop (v2sf)  }
0x434: {  	p1 =	sne.s32 s24, s26  }
.Ltmp23:
0x435: {  	_ = 	snop;
	(pc) =	sbr.rel @p1 .LBB2_47-.Ltmp23, $3  }
0x436: {  	_ =	sdelay $0x1  }
0x437: {  	v3 =	vnsel vm0, $0x400, v3  }
0x438: {  	[tilespmem:$0xCC00] =	vst v3  }
0x439: {  	s26 =	simm.s32 $0x0  }
0x43a: {  	v3 =	vld [tilespmem:s26+$0x7870]  }
0x43b: {  	v5 =	vld [tilespmem:s26+$0x7800]  }
0x43c: {  	v6 =	vld [tilespmem:s26+$0x7810]  }
0x43d: {  	v14 =	vld [tilespmem:s26+$0x7820]  }
0x43e: {  	v13 =	vld [tilespmem:s26+$0x7830]  }
0x43f: {  	v4 =	vimm.f32 $0.0e+00;
	v9 =	vimm.f32 $0.0e+00;
	v10 =	vld [tilespmem:s26+$0x7840]  }
0x440: {  	v11 =	vimm.f32 $0.0e+00;
	v7 =	vimm.f32 $0.0e+00;
	v12 =	vld [tilespmem:s26+$0x7850];
	v3 =	vadd.f32 v3, v4  }
0x441: {  	s13 =	simm.s32 $0x80;
	s24 =	simm.s32 $0x400;
	v15 =	vld [tilespmem:s26+$0x7860];
	v8 =	vadd.f32 v5, v4;
	v6 =	vadd.f32 v6, v4;
	v5 =	vimm.f32 $0.0e+00  }
.LBB2_45:
0x442: {  	p1 =	sne.s32 s24, $0x9E00;
	v16 =	vld [tilespmem:s13+$0x7870];
	v4 =	vadd.f32 v14, v4  }
0x443: {  	v17 =	vld [tilespmem:s13+$0x7800];
	v9 =	vadd.f32 v13, v9  }
0x444: {  	v18 =	vld [tilespmem:s13+$0x7810];
	v11 =	vadd.f32 v10, v11  }
.Ltmp24:
0x445: {  	v14 =	vld [tilespmem:s13+$0x7820];
	v7 =	vadd.f32 v12, v7;
	(pc) =	sbr.rel @p1 .LBB2_45-.Ltmp24, $4  }
0x446: {  	v13 =	vld [tilespmem:s13+$0x7830];
	v5 =	vadd.f32 v15, v5  }
0x447: {  	v10 =	vld [tilespmem:s13+$0x7840];
	v3 =	vadd.f32 v16, v3  }
0x448: {  	v8 =	vadd.f32 v17, v8;
	v12 =	vld [tilespmem:s13+$0x7850]  }
0x449: {  	v6 =	vadd.f32 v18, v6;
	v15 =	vld [tilespmem:s13+$0x7860];
	s13 =	sshra.s32 s24, $0x2;
	s24 =	sadd.s32 $0x200, s24  }
0x44a: {  	v17 =	vld [tilespmem:s13+$0x7800]  }
0x44b: {  	v18 =	vld [tilespmem:s13+$0x7810]  }
0x44c: {  	v19 =	vld [tilespmem:s13+$0x7820]  }
0x44d: {  	v20 =	vld [tilespmem:s13+$0x7830]  }
0x44e: {  	v21 =	vld [tilespmem:s13+$0x7840]  }
0x44f: {  	v4 =	vadd.f32 v14, v4;
	v59 =	vld [tilespmem:s13+$0x7850];
	v8 =	vadd.f32 v17, v8  }
0x450: {  	v16 =	vld [tilespmem:s13+$0x7870];
	v9 =	vadd.f32 v13, v9;
	v6 =	vadd.f32 v18, v6  }
0x451: {  	v60 =	vld [tilespmem:s13+$0x7860];
	v10 =	vadd.f32 v10, v11;
	v4 =	vadd.f32 v19, v4;
	[tilespmem:$0x7800] =	vst v8  }
0x452: {  	v7 =	vadd.f32 v12, v7;
	v61 =	vadd.f32 v20, v9;
	[tilespmem:$0x7810] =	vst v6  }
0x453: {  	v62 =	vadd.f32 v21, v10;
	[tilespmem:$0x7820] =	vst v4  }
0x454: {  	v5 =	vadd.f32 v15, v5;
	v63 =	vadd.f32 v59, v7;
	[tilespmem:$0x7830] =	vst v61  }
0x455: {  	v3 =	vadd.f32 v16, v3;
	[tilespmem:$0x7840] =	vst v62  }
0x456: {  	v5 =	vadd.f32 v60, v5;
	[tilespmem:$0x7850] =	vst v63  }
0x457: {  	[tilespmem:$0x7870] =	vst v3  }
0x458: {  	s26 =	simm.s32 $0xCC00;
	[tilespmem:$0x7860] =	vst v5  }
0x459: {  	[spmem:s6] =	stream.indirect.scatter.add.f32 [tilespmem:s15], [sflag:$0x9], $0x80, s26, s30, $0xb8;
	[tilespmem:$0x17F00] =	vst v63  }
0x45a: {  	_ = 	snop  }
0x45b: {  	[spmem:s8] =	stream.indirect.scatter.add.f32 [tilespmem:s3], [sflag:$0x9], $0x80, s26, s30, $0xb8;
	[tilespmem:$0x17F00] =	vst v63  }
.LBB2_47:
0x45c: {  	v3 =	vld [tilespmem:$0xC980]  }
0x45d: {  	v4 =	vld [tilespmem:$0xC9C0];
	_ =	sdelay $0x3  }
0x45e: {  	(v2sf) =	vpush v3, $0x0  }
0x45f: {  	(v2sf) =	vpush v4, $0xF;
	_ =	sdelay $0xd  }
0x460: {  	s13 =	spop (v2sf)  }
0x461: {  	s24 =	spop (v2sf)  }
0x462: {  	p1 =	seq.s32 s13, s24  }
0x463: {  	s13 =	simm.s32 @!p1 $0x50;
	s24 =	simm.s32 @!p1 $0xC980;
	s26 =	simm.s32 @!p1 $0x7800  }
0x464: {  	[spmem:s6] =	stream.indirect.scatter.add.f32 @!p1 [tilespmem:s26], [sflag:$0x9], $0x80, s24, s13, $0xb8;
	[tilespmem:$0x17F00] =	vst v63  }
0x465: {  	s26 =	simm.s32 @!p1 $0xCD00  }
0x466: {  	[spmem:s8] =	stream.indirect.scatter.add.f32 @!p1 [tilespmem:s26], [sflag:$0x9], $0x80, s24, s13, $0xb8;
	[tilespmem:$0x17F00] =	vst v63  }
0x467: {  	v3 =	vld @!p0 [tilespmem:$0xC880]  }
0x468: {  	v4 =	vld @!p0 [tilespmem:$0xC8C0];
	_ =	sdelay $0x3  }
0x469: {  	(v2sf) =	vpush @!p0 v3, $0x0  }
0x46a: {  	(v2sf) =	vpush @!p0 v4, $0xF;
	_ =	sdelay $0xd  }
0x46b: {  	s13 =	spop @!p0 (v2sf)  }
0x46c: {  	s24 =	spop @!p0 (v2sf)  }
0x46d: {  	p1 =	sne.s32 @!p0 s13, s24  }
0x46e: {  	p2 =	por !p1, p0  }
0x46f: {  	s13 =	simm.s32 @!p2 $0x7  }
0x470: {  	_ =	swait.ge @!p2 [sflag:s13], $0x2800  }
0x471: {  	[sflag:s13] =	ssyncset.done @!p2 $0x0  }
0x472: {  	[sflag:s13] =	ssyncadd.s32 @!p2 $0xFFFFD800  }
0x473: {  	_ =	swait.ge @!p2 [sflag:s13], $0x2800  }
0x474: {  	p1 =	por p1, p0;
	[sflag:s13] =	ssyncset.done @!p2 $0x0  }
0x475: {  	[sflag:s13] =	ssyncadd.s32 @!p2 $0xFFFFD800;
	s13 =	simm.s32 @!p1 $0x7  }
0x476: {  	_ =	swait.ge @!p1 [sflag:s13], $0x800  }
0x477: {  	[sflag:s13] =	ssyncset.done @!p1 $0x0  }
0x478: {  	[sflag:s13] =	ssyncadd.s32 @!p1 $0xFFFFF800  }
0x479: {  	s24 =	sadd.s32 @!p0 s17, s22;
	_ =	swait.ge @!p1 [sflag:s13], $0x800  }
0x47a: {  	s26 =	sshrl.u32 @!p0 s24, $0x3;
	[sflag:s13] =	ssyncset.done @!p1 $0x0  }
0x47b: {  	[sflag:s13] =	ssyncadd.s32 @!p1 $0xFFFFF800;
	s13 =	sadd.s32 @!p0 s4, s26;
	s26 =	simm.s32 @!p0 $0xC880  }
0x47c: {  	[tilespmem:s26], [sflag:$0x2] =	stream.linear.gather @!p0 [hbm4b:s13+s18], $0x50, $0x38;
	[tilespmem:$0x17F00] =	vst v63  }
0x47d: {  	s13 =	sshll.u32 @!p0 s24, $0x4  }
0x47e: {  	s24 =	simm.s32 @!p0 $0x2800;
	s13 =	sadd.s32 @!p0 s1, s13  }
0x47f: {  	[tilespmem:s24], [sflag:$0x2] =	stream.linear.gather @!p0 [hbm4b:s13+s18], $0x2800, $0x38;
	[tilespmem:$0x17F00] =	vst v63  }
0x480: {  	_ =	swait.ge [sflag:s25], $0x50  }
0x481: {  	[sflag:s25] =	ssyncset.done $0x0  }
0x482: {  	[sflag:s25] =	ssyncadd.s32 $0xFFFFFFB0  }
0x483: {  	_ =	swait.ge [sflag:s25], $0x2800  }
0x484: {  	[sflag:s25] =	ssyncset.done $0x0  }
0x485: {  	[sflag:s25] =	ssyncadd.s32 $0xFFFFD800  }
0x486: {  	v3 =	vld [tilespmem:$0xCA00]  }
0x487: {  	v63 =	vld [tilespmem:$0xCA40];
	_ =	sdelay $0x3  }
0x488: {  	(v2sf) =	vpush v3, $0x0  }
0x489: {  	(v2sf) =	vpush v63, $0xF;
	_ =	sdelay $0xd  }
0x48a: {  	s24 =	spop (v2sf)  }
0x48b: {  	v3 =	vld [tilespmem:$0xCA00];
	s26 =	spop (v2sf)  }
0x48c: {  	p1 =	sne.s32 s24, s26  }
.Ltmp25:
0x48d: {  	_ = 	snop;
	(pc) =	sbr.rel @p1 .LBB2_51-.Ltmp25, $3  }
0x48e: {  	_ =	sdelay $0x1  }
0x48f: {  	v3 =	vnsel vm0, $0x400, v3  }
0x490: {  	[tilespmem:$0xCC80] =	vst v3  }
0x491: {  	s24 =	simm.s32 $0x0  }
0x492: {  	v3 =	vld [tilespmem:s24+$0xA070]  }
0x493: {  	v5 =	vld [tilespmem:s24+$0xA000]  }
0x494: {  	v6 =	vld [tilespmem:s24+$0xA010]  }
0x495: {  	v14 =	vld [tilespmem:s24+$0xA020]  }
0x496: {  	v13 =	vld [tilespmem:s24+$0xA030]  }
0x497: {  	v4 =	vimm.f32 $0.0e+00;
	v9 =	vimm.f32 $0.0e+00;
	v10 =	vld [tilespmem:s24+$0xA040]  }
0x498: {  	v11 =	vimm.f32 $0.0e+00;
	v7 =	vimm.f32 $0.0e+00;
	v12 =	vld [tilespmem:s24+$0xA050];
	v3 =	vadd.f32 v3, v4  }
0x499: {  	s13 =	simm.s32 $0x80;
	s18 =	simm.s32 $0x400;
	v15 =	vld [tilespmem:s24+$0xA060];
	v8 =	vadd.f32 v5, v4;
	v6 =	vadd.f32 v6, v4;
	v5 =	vimm.f32 $0.0e+00  }
.LBB2_49:
0x49a: {  	p1 =	sne.s32 s18, $0x9E00;
	v16 =	vld [tilespmem:s13+$0xA070];
	v4 =	vadd.f32 v14, v4  }
0x49b: {  	v17 =	vld [tilespmem:s13+$0xA000];
	v9 =	vadd.f32 v13, v9  }
0x49c: {  	v18 =	vld [tilespmem:s13+$0xA010];
	v11 =	vadd.f32 v10, v11  }
.Ltmp26:
0x49d: {  	v14 =	vld [tilespmem:s13+$0xA020];
	v7 =	vadd.f32 v12, v7;
	(pc) =	sbr.rel @p1 .LBB2_49-.Ltmp26, $4  }
0x49e: {  	v13 =	vld [tilespmem:s13+$0xA030];
	v5 =	vadd.f32 v15, v5  }
0x49f: {  	v10 =	vld [tilespmem:s13+$0xA040];
	v3 =	vadd.f32 v16, v3  }
0x4a0: {  	v8 =	vadd.f32 v17, v8;
	v12 =	vld [tilespmem:s13+$0xA050]  }
0x4a1: {  	v6 =	vadd.f32 v18, v6;
	v15 =	vld [tilespmem:s13+$0xA060];
	s13 =	sshra.s32 s18, $0x2;
	s18 =	sadd.s32 $0x200, s18  }
0x4a2: {  	v17 =	vld [tilespmem:s13+$0xA000]  }
0x4a3: {  	v18 =	vld [tilespmem:s13+$0xA010]  }
0x4a4: {  	v19 =	vld [tilespmem:s13+$0xA020]  }
0x4a5: {  	v20 =	vld [tilespmem:s13+$0xA030]  }
0x4a6: {  	v21 =	vld [tilespmem:s13+$0xA040]  }
0x4a7: {  	v4 =	vadd.f32 v14, v4;
	v59 =	vld [tilespmem:s13+$0xA050];
	v8 =	vadd.f32 v17, v8  }
0x4a8: {  	v16 =	vld [tilespmem:s13+$0xA070];
	v9 =	vadd.f32 v13, v9;
	v6 =	vadd.f32 v18, v6  }
0x4a9: {  	v60 =	vld [tilespmem:s13+$0xA060];
	v10 =	vadd.f32 v10, v11;
	v4 =	vadd.f32 v19, v4;
	[tilespmem:$0xA000] =	vst v8  }
0x4aa: {  	v7 =	vadd.f32 v12, v7;
	v61 =	vadd.f32 v20, v9;
	[tilespmem:$0xA010] =	vst v6  }
0x4ab: {  	v62 =	vadd.f32 v21, v10;
	[tilespmem:$0xA020] =	vst v4  }
0x4ac: {  	v5 =	vadd.f32 v15, v5;
	v63 =	vadd.f32 v59, v7;
	[tilespmem:$0xA030] =	vst v61  }
0x4ad: {  	v3 =	vadd.f32 v16, v3;
	[tilespmem:$0xA040] =	vst v62  }
0x4ae: {  	v5 =	vadd.f32 v60, v5;
	[tilespmem:$0xA050] =	vst v63  }
0x4af: {  	[tilespmem:$0xA070] =	vst v3  }
0x4b0: {  	s26 =	simm.s32 $0xCC80;
	[tilespmem:$0xA060] =	vst v5  }
0x4b1: {  	[spmem:s6] =	stream.indirect.scatter.add.f32 [tilespmem:s11], [sflag:$0xA], $0x80, s26, s30, $0xb8;
	[tilespmem:$0x17F00] =	vst v63  }
0x4b2: {  	_ = 	snop  }
0x4b3: {  	[spmem:s8] =	stream.indirect.scatter.add.f32 [tilespmem:s3], [sflag:$0xA], $0x80, s26, s30, $0xb8;
	[tilespmem:$0x17F00] =	vst v63  }
.LBB2_51:
0x4b4: {  	v3 =	vld [tilespmem:$0xCA00]  }
0x4b5: {  	v4 =	vld [tilespmem:$0xCA40];
	_ =	sdelay $0x3  }
0x4b6: {  	(v2sf) =	vpush v3, $0x0  }
0x4b7: {  	(v2sf) =	vpush v4, $0xF;
	_ =	sdelay $0xd  }
0x4b8: {  	s13 =	spop (v2sf)  }
0x4b9: {  	s18 =	spop (v2sf)  }
.Ltmp27:
0x4ba: {  	p1 =	seq.s32 s13, s18;
	(pc) =	sbr.rel @p0 .LBB2_53-.Ltmp27, $4  }
0x4bb: {  	s13 =	simm.s32 @!p1 $0x50;
	s18 =	simm.s32 @!p1 $0xCA00;
	s24 =	simm.s32 @!p1 $0xA000  }
0x4bc: {  	[spmem:s6] =	stream.indirect.scatter.add.f32 @!p1 [tilespmem:s24], [sflag:$0xA], $0x80, s18, s13, $0xb8;
	[tilespmem:$0x17F00] =	vst v63  }
0x4bd: {  	s24 =	simm.s32 @!p1 $0xCD00  }
0x4be: {  	[spmem:s8] =	stream.indirect.scatter.add.f32 @!p1 [tilespmem:s24], [sflag:$0xA], $0x80, s18, s13, $0xb8;
	[tilespmem:$0x17F00] =	vst v63  }
0x4bf: {  	v3 =	vld [tilespmem:$0xC900]  }
0x4c0: {  	v4 =	vld [tilespmem:$0xC940];
	_ =	sdelay $0x3  }
0x4c1: {  	(v2sf) =	vpush v3, $0x0  }
0x4c2: {  	(v2sf) =	vpush v4, $0xF;
	_ =	sdelay $0xd  }
0x4c3: {  	s13 =	spop (v2sf)  }
0x4c4: {  	s18 =	spop (v2sf)  }
0x4c5: {  	p0 =	sne.s32 s13, s18  }
0x4c6: {  	s13 =	simm.s32 @p0 $0x8  }
0x4c7: {  	_ =	swait.ge @p0 [sflag:s13], $0x2800  }
0x4c8: {  	[sflag:s13] =	ssyncset.done @p0 $0x0  }
0x4c9: {  	[sflag:s13] =	ssyncadd.s32 @p0 $0xFFFFD800  }
0x4ca: {  	_ =	swait.ge @p0 [sflag:s13], $0x2800  }
0x4cb: {  	[sflag:s13] =	ssyncset.done @p0 $0x0  }
0x4cc: {  	[sflag:s13] =	ssyncadd.s32 @p0 $0xFFFFD800;
	s13 =	simm.s32 @!p0 $0x8  }
0x4cd: {  	_ =	swait.ge @!p0 [sflag:s13], $0x800  }
0x4ce: {  	[sflag:s13] =	ssyncset.done @!p0 $0x0  }
0x4cf: {  	[sflag:s13] =	ssyncadd.s32 @!p0 $0xFFFFF800  }
0x4d0: {  	s17 =	sadd.s32 s17, s23;
	s24 =	simm.s32 $0xC900;
	_ =	swait.ge @!p0 [sflag:s13], $0x800  }
.Ltmp28:
0x4d1: {  	s26 =	sshrl.u32 s17, $0x3;
	[sflag:s13] =	ssyncset.done @!p0 $0x0;
	(pc) =	sbr.rel .LBB2_31-.Ltmp28, $4  }
0x4d2: {  	s18 =	sadd.s32 s4, s26;
	s26 =	sshll.u32 s17, $0x4;
	[sflag:s13] =	ssyncadd.s32 @!p0 $0xFFFFF800  }
0x4d3: {  	[tilespmem:s24], [sflag:$0x3] =	stream.linear.gather [hbm4b:s18+s9], $0x50, $0x38;
	[tilespmem:$0x17F00] =	vst v63  }
0x4d4: {  	s10 =	sadd.s32 $0x1, s10;
	s13 =	sadd.s32 s1, s26  }
0x4d5: {  	[tilespmem:s28], [sflag:$0x3] =	stream.linear.gather [hbm4b:s13+s9], $0x2800, $0x38;
	[tilespmem:$0x17F00] =	vst v63  }
.LBB2_54:
0x4d6: {  	_ =	sfence.sel $0x180000  }
0x4d7: {  	[bflag:$0x0] =	sbarrier.arrive $0xFFFF  }
0x4d8: {  	_ =	strace $0x90000047  }
0x4d9: {  	s0 =	stileid.u32;
	[bflag:$0x2] =	sbarrier.arrive $0xFFFF  }
0x4da: {  	p0 =	sne.s32 s0, $0x0;
	s0 =	rddreg [dreg:$0x9]  }
0x4db: {  	s0 =	sadd.s32 @!p0 $0x100000, s0  }
0x4dc: {  	[sflag:s0] =	ssyncadd.tile.s32 @!p0 $0x1;
	_ =	shalt  }
.Lfunc_end2:
_tile_overlayer_lowered:
.L_overlay_start_2:
0x4dd: {  	(tag) =	ssettag $0x2  }
0x4de: {  	s0 =	rddreg [dreg:$0x0];
	s2 =	stileid.u32  }
0x4df: {  	s1 =	rddreg [dreg:$0x1];
	p0 =	sne.s32 s2, $0x0  }
0x4e0: {  	s3 =	rddreg [dreg:$0x2];
	[bflag:$0x3] =	sbarrier.arrive $0xFFFF;
	s2 =	simm.s32 @!p0 $0x1C0B  }
0x4e1: {  	[timem:s3], [sflag:s2] =	dma.local @!p0 [hbm:s0], s1  }
0x4e2: {  	s0 =	simm.s32 @!p0 $0xB  }
0x4e3: {  	_ =	swait.ge @!p0 [sflag:s0], s1  }
0x4e4: {  	s1 =	ssub.s32 @!p0 $0x0, s1;
	[sflag:s0] =	ssyncset.done @!p0 $0x0  }
0x4e5: {  	[sflag:s0] =	ssyncadd.s32 @!p0 s1  }
0x4e6: {  	[bflag:$0x3] =	sbarrier.arrive $0xFFFF  }
0x4e7: {  	_ =	shalt  }

</sc_bundles>
